<compile_context>
chip_gen: v7x
topology: tpu7x:2x2x1
jax: 0.10.2.dev20260603
libtpu: 0.0.44.dev20260713+nightly
codegen_flags: <defaults>
</compile_context>

<pallas_src>
import functools

import jax
import jax.numpy as jnp
from jax import lax
from jax.experimental import pallas as pl
from jax.experimental.pallas import tpu as pltpu
from jax.experimental.pallas import tpu_sc as plsc

N = 10000
H = 128
E = 320000
NP = 10240
NC = 2
NS = 16
NW = NC * NS
C = 128
FAST_C = 0
GF = 29
GS = 11
CPW = 4 * max(GF, GS)
N_CHUNKS = 16 * 4 * (GF + GS)
E_PAD = N_CHUNKS * C
ROWS_PER_SUB = NP // NS
GATHER_CHUNK = 64
GPW = NP // (NW * GATHER_CHUNK)



def _emb_gather_body(table, idx2d, out, idx_v, rows_v, sem):
    c = lax.axis_index("c")
    s = lax.axis_index("s")
    wid = s * NC + c
    for j in range(GPW):
        row = wid * GPW + j
        pltpu.sync_copy(idx2d.at[row], idx_v)
        pltpu.async_copy(table.at[idx_v], rows_v, sem).wait()
        pltpu.sync_copy(rows_v, out.at[pl.ds(row * GATHER_CHUNK, GATHER_CHUNK)])


_emb_gather = functools.partial(
    pl.kernel,
    mesh=plsc.VectorSubcoreMesh(core_axis_name="c", subcore_axis_name="s"),
    out_type=jax.ShapeDtypeStruct((NP, H), jnp.float32),
    scratch_types=[
        pltpu.VMEM((GATHER_CHUNK,), jnp.int32),
        pltpu.VMEM((GATHER_CHUNK, H), jnp.float32),
        pltpu.SemaphoreType.DMA,
    ],
)(_emb_gather_body)


def _seg_sum_body(m, idxc, out, ij, rows, acc,
                  gsem0, gsem1, ssem0, ssem1, isem0, isem1, isem2, isem3):
    c = lax.axis_index("c")
    s = lax.axis_index("s")
    wid = s * NC + c

    def zrow(row, carry):
        for g in range(H // 16):
            rows[0, row, pl.ds(g * 16, 16)] = jnp.zeros((16,), jnp.float32)
        return carry

    lax.fori_loop(0, C, zrow, 0)
    for t in range(ROWS_PER_SUB // C):
        pltpu.sync_copy(rows.at[0],
                        acc.at[pl.ds(s * ROWS_PER_SUB + t * C, C)])

    gsems = (gsem0, gsem1)
    ssems = (ssem0, ssem1)
    isems = (isem0, isem1, isem2, isem3)

    def i_start(j, i):
        pltpu.async_copy(idxc.at[wid, j], ij.at[i], isems[i])

    def i_wait(j, i):
        pltpu.make_async_copy(idxc.at[wid, j], ij.at[i], isems[i]).wait()

    def g_start(j, r, i):
        pltpu.async_copy(m.at[ij.at[i, 0]], rows.at[r], gsems[r])

    def g_wait(j, r, i):
        pltpu.make_async_copy(m.at[ij.at[i, 0]], rows.at[r], gsems[r]).wait()

    def s_start(j, r, i):
        pltpu.async_copy(rows.at[r], acc.at[ij.at[i, 1]], ssems[r], add=True)

    def s_wait(j, r, i):
        pltpu.make_async_copy(rows.at[r], acc.at[ij.at[i, 1]], ssems[r]).wait()

    plsc.subcore_barrier()

    niter = jnp.where(c == FAST_C, GF, GS)

    @pl.when(niter > 0)
    def _():
        i_start(0, 0)
        i_start(1, 1)
        i_start(2, 2)
        i_wait(0, 0)
        g_start(0, 0, 0)

    def body(q, carry):
        for k in range(4):
            j = q * 4 + k
            r = k & 1
            i = k

            if k == 0:
                @pl.when(q > 0)
                def _():
                    s_wait(j - 1, 1 - r, (i - 1) & 3)
            else:
                s_wait(j - 1, 1 - r, (i - 1) & 3)

            if k == 0:
                i_start(j + 3, (i + 3) & 3)
            else:
                @pl.when(q < niter - 1)
                def _():
                    i_start(j + 3, (i + 3) & 3)

            if k == 3:
                @pl.when(q < niter - 1)
                def _():
                    i_wait(j + 1, (i + 1) & 3)
                    g_start(j + 1, 1 - r, (i + 1) & 3)
            else:
                i_wait(j + 1, (i + 1) & 3)
                g_start(j + 1, 1 - r, (i + 1) & 3)

            g_wait(j, r, i)
            s_start(j, r, i)
        return carry

    lax.fori_loop(0, niter, body, 0)

    @pl.when(niter > 0)
    def _():
        s_wait(0, 1, 3)

    plsc.subcore_barrier()
    pltpu.sync_copy(acc.at[pl.ds(s * ROWS_PER_SUB, ROWS_PER_SUB)],
                    out.at[c, pl.ds(s * ROWS_PER_SUB, ROWS_PER_SUB)])


_seg_sum = functools.partial(
    pl.kernel,
    mesh=plsc.VectorSubcoreMesh(core_axis_name="c", subcore_axis_name="s"),
    out_type=jax.ShapeDtypeStruct((NC, NP, H), jnp.float32),
    scratch_types=[
        pltpu.VMEM((4, 2, C), jnp.int32),
        pltpu.VMEM((2, C, H), jnp.float32),
        pltpu.VMEM_SHARED((NP, H), jnp.float32),
        pltpu.SemaphoreType.DMA,
        pltpu.SemaphoreType.DMA,
        pltpu.SemaphoreType.DMA,
        pltpu.SemaphoreType.DMA,
        pltpu.SemaphoreType.DMA,
        pltpu.SemaphoreType.DMA,
        pltpu.SemaphoreType.DMA,
        pltpu.SemaphoreType.DMA,
    ],
)(_seg_sum_body)



_BLK = 1280
_GRID = NP // _BLK


def _mm_body(x_ref, w_ref, o_ref):
    o_ref[...] = jnp.dot(x_ref[...], w_ref[...], preferred_element_type=jnp.float32)


def _matmul(x, w):
    return pl.pallas_call(
        _mm_body,
        grid=(_GRID,),
        in_specs=[
            pl.BlockSpec((_BLK, H), lambda i: (i, 0)),
            pl.BlockSpec((H, H), lambda i: (0, 0)),
        ],
        out_specs=pl.BlockSpec((_BLK, H), lambda i: (i, 0)),
        out_shape=jax.ShapeDtypeStruct((NP, H), jnp.float32),
    )(x, w)


def _gru_math(p_ref, x_ref, wih_ref, whh_ref, bih_ref, bhh_ref):
    agg = p_ref[0] + p_ref[1]
    x = x_ref[...]
    gi = jnp.dot(agg, wih_ref[...], preferred_element_type=jnp.float32) + bih_ref[...]
    gh = jnp.dot(x, whh_ref[...], preferred_element_type=jnp.float32) + bhh_ref[...]
    r = jax.nn.sigmoid(gi[:, :H] + gh[:, :H])
    z = jax.nn.sigmoid(gi[:, H:2 * H] + gh[:, H:2 * H])
    n = jnp.tanh(gi[:, 2 * H:] + r * gh[:, 2 * H:])
    return (1.0 - z) * n + z * x


def _gru_m_body(p_ref, x_ref, wih_ref, whh_ref, bih_ref, bhh_ref, wn_ref,
                o_ref, m_ref):
    xn = _gru_math(p_ref, x_ref, wih_ref, whh_ref, bih_ref, bhh_ref)
    o_ref[...] = xn
    m_ref[...] = jnp.dot(xn, wn_ref[...], preferred_element_type=jnp.float32)


def _gru_body(p_ref, x_ref, wih_ref, whh_ref, bih_ref, bhh_ref, o_ref):
    o_ref[...] = _gru_math(p_ref, x_ref, wih_ref, whh_ref, bih_ref, bhh_ref)


_P_SPEC = pl.BlockSpec((NC, _BLK, H), lambda i: (0, i, 0))
_X_SPEC = pl.BlockSpec((_BLK, H), lambda i: (i, 0))
_W3_SPEC = pl.BlockSpec((H, 3 * H), lambda i: (0, 0))
_B_SPEC = pl.BlockSpec((1, 3 * H), lambda i: (0, 0))
_W_SPEC = pl.BlockSpec((H, H), lambda i: (0, 0))


def _gru_and_matmul(p, x, wih_t, whh_t, bih, bhh, wn):
    return pl.pallas_call(
        _gru_m_body,
        grid=(_GRID,),
        in_specs=[_P_SPEC, _X_SPEC, _W3_SPEC, _W3_SPEC, _B_SPEC, _B_SPEC, _W_SPEC],
        out_specs=(_X_SPEC, _X_SPEC),
        out_shape=(jax.ShapeDtypeStruct((NP, H), jnp.float32),
                   jax.ShapeDtypeStruct((NP, H), jnp.float32)),
    )(p, x, wih_t, whh_t, bih, bhh, wn)


def _gru(p, x, wih_t, whh_t, bih, bhh):
    return pl.pallas_call(
        _gru_body,
        grid=(_GRID,),
        in_specs=[_P_SPEC, _X_SPEC, _W3_SPEC, _W3_SPEC, _B_SPEC, _B_SPEC],
        out_specs=_X_SPEC,
        out_shape=jax.ShapeDtypeStruct((NP, H), jnp.float32),
    )(p, x, wih_t, whh_t, bih, bhh)



def kernel(inputs, A, emb, ggnn_weight, w_ih, w_hh, b_ih, b_hh):
    inputs_p = jnp.pad(inputs.astype(jnp.int32), (0, NP - N)).reshape(
        NW * GPW, GATHER_CHUNK)
    src_flat = jnp.pad(A[0].astype(jnp.int32), (0, E_PAD - E)).reshape(N_CHUNKS, C)
    dst_flat = jnp.pad(A[1].astype(jnp.int32), (0, E_PAD - E),
                       constant_values=N).reshape(N_CHUNKS, C)
    flat = jnp.stack([src_flat, dst_flat], axis=1)
    fill = jnp.stack([jnp.zeros((C,), jnp.int32),
                      jnp.full((C,), N, jnp.int32)])
    pieces = []
    start = 0
    for wid in range(NW):
        cnt = 4 * (GF if wid % NC == FAST_C else GS)
        block = flat[start:start + cnt]
        start += cnt
        if cnt < CPW:
            block = jnp.concatenate(
                [block, jnp.broadcast_to(fill, (CPW - cnt, 2, C))], axis=0)
        pieces.append(block)
    idx_pack = jnp.stack(pieces)
    wih_t = w_ih.T.reshape(H, 3 * H)
    whh_t = w_hh.T.reshape(H, 3 * H)
    bih = b_ih.reshape(1, 3 * H)
    bhh = b_hh.reshape(1, 3 * H)

    x = _emb_gather(emb, inputs_p)
    m = _matmul(x, ggnn_weight[0])
    p = _seg_sum(m, idx_pack)
    x, m = _gru_and_matmul(p, x, wih_t, whh_t, bih, bhh, ggnn_weight[1])
    p = _seg_sum(m, idx_pack)
    x = _gru(p, x, wih_t, whh_t, bih, bhh)
    return x[:N]

# --- scband reference (transcript-rebuilt; emitter-appended) ---
"""Pipeline reference for scband-poigraph-88545045775037 (READ-ONLY COPY).

The authoritative reference and input builder live on the scoring server;
editing this copy changes nothing except your own understanding.
"""

import jax, jax.numpy as jnp
import numpy as np

N_NODES = 10000
HID = 128
N_EDGES = 320000
NUM_LAYERS = 2


def setup_inputs(seed: int = 0) -> dict:
    key = jax.random.key(seed)
    k = jax.random.split(key, 8)
    inputs = jax.random.randint(k[0], (N_NODES,), 0, N_NODES)
    A = jax.random.randint(k[1], (2, N_EDGES), 0, N_NODES)
    stdv = 1.0 / np.sqrt(HID)
    u = lambda kk, shape: jax.random.uniform(kk, shape, minval=-stdv, maxval=stdv, dtype=jnp.float32)
    return {
        "inputs": inputs,
        "A": A,
        "emb": u(k[2], (N_NODES, HID)),
        "ggnn_weight": u(k[3], (NUM_LAYERS, HID, HID)),
        "w_ih": u(k[4], (3 * HID, HID)),
        "w_hh": u(k[5], (3 * HID, HID)),
        "b_ih": u(k[6], (3 * HID,)),
        "b_hh": u(k[7], (3 * HID,)),
    }


def _gru_cell(m, h, w_ih, w_hh, b_ih, b_hh):
    gi = m @ w_ih.T + b_ih
    gh = h @ w_hh.T + b_hh
    i_r, i_z, i_n = jnp.split(gi, 3, axis=-1)
    h_r, h_z, h_n = jnp.split(gh, 3, axis=-1)
    r = jax.nn.sigmoid(i_r + h_r)
    z = jax.nn.sigmoid(i_z + h_z)
    n = jnp.tanh(i_n + r * h_n)
    return (1.0 - z) * n + z * h


def reference(inputs, A, emb, ggnn_weight, w_ih, w_hh, b_ih, b_hh):
    # hidden = embedding(inputs)
    x = jnp.take(emb, inputs, axis=0)
    src = A[0]
    dst = A[1]
    # GatedGraphConv with num_layers=2: m_i = sum_{j->i} (x_j @ W_l); x = GRUCell(m, x)
    for l in range(NUM_LAYERS):
        m = x @ ggnn_weight[l]
        msgs = jnp.take(m, src, axis=0)
        agg = jax.ops.segment_sum(msgs, dst, num_segments=N_NODES)
        x = _gru_cell(agg, x, w_ih, w_hh, b_ih, b_hh)
    return x

if __name__ == "__main__":
    import jax
    _d = setup_inputs()
    print(jax.jit(kernel)(*tuple(_d.values())))

</pallas_src>

<mosaic_0001>
#map = affine_map<(d0, d1) -> (0, 0)>
#map1 = affine_map<(d0, d1) -> (0, 0, 0, 0)>
#map2 = affine_map<(d0, d1) -> (0, 0, 0)>
module attributes {stable_mosaic.version = 14 : i64} {
  func.func @_seg_sum_body(%arg0: i32, %arg1: i32, %arg2: memref<10240x128xf32, #tpu.memory_space<hbm>>, %arg3: memref<32x116x2x128xi32, #tpu.memory_space<hbm>>, %arg4: memref<2x10240x128xf32, #tpu.memory_space<hbm>>, %arg5: memref<4x2x128xi32, #tpu.memory_space<vmem>>, %arg6: memref<2x128x128xf32, #tpu.memory_space<vmem>>, %arg7: memref<10240x128xf32, #tpu.memory_space<vmem_shared>>, %arg8: memref<!tpu.dma_semaphore, #tpu.memory_space<semaphore_mem>>, %arg9: memref<!tpu.dma_semaphore, #tpu.memory_space<semaphore_mem>>, %arg10: memref<!tpu.dma_semaphore, #tpu.memory_space<semaphore_mem>>, %arg11: memref<!tpu.dma_semaphore, #tpu.memory_space<semaphore_mem>>, %arg12: memref<!tpu.dma_semaphore, #tpu.memory_space<semaphore_mem>>, %arg13: memref<!tpu.dma_semaphore, #tpu.memory_space<semaphore_mem>>, %arg14: memref<!tpu.dma_semaphore, #tpu.memory_space<semaphore_mem>>, %arg15: memref<!tpu.dma_semaphore, #tpu.memory_space<semaphore_mem>>) attributes {dimension_semantics = [#tpu.dimension_semantics<core_parallel>, #tpu.dimension_semantics<subcore_parallel>], iteration_bounds = array<i64: 2, 16>, scalar_prefetch = 0 : i64, scratch_operands = 11 : i64, tpu.core_type = #tpu.core_type<sc_vector_subcore>, window_params = [{transform_indices = #map}, {transform_indices = #map1}, {transform_indices = #map2}]} {
    %mul3A = arith.constant 2 : i32
    %mul3A_0 = arith.muli %arg1, %mul3A : i32
    %add3A = arith.addi %mul3A_0, %arg0 : i32
    %scan3A = arith.constant 0 : i32
    %scan3A_1 = arith.constant 0 : i32
    %scan3A_2 = arith.constant 128 : i32
    %scan3A_3 = arith.addi %scan3A_1, %scan3A_2 : i32
    %scan3A_4 = arith.constant 1 : i32
    scf.for %scan3A_53 = %scan3A_1 to %scan3A_3 step %scan3A_4  : i32 {
      %broadcast_in_dim3A = arith.constant 0.000000e+00 : f32
      %broadcast_in_dim3A_54 = vector.broadcast %broadcast_in_dim3A : f32 to vector<16xf32>
      %swap3A = arith.constant 0 : i32
      %swap3A_55 = arith.index_cast %swap3A : i32 to index
      %swap3A_56 = arith.index_cast %scan3A_53 : i32 to index
      %swap3A_57 = arith.constant 0 : index
      %swap3A_58 = tpu.vector_load %arg6[%swap3A_55, %swap3A_56, %swap3A_57] {strides = array<i32>} : memref<2x128x128xf32, #tpu.memory_space<vmem>>, vector<1x1x16xf32>,
      %swap3A_59 = vector.shape_cast %swap3A_58 : vector<1x1x16xf32> to vector<16xf32>
      %swap3A_60 = vector.shape_cast %broadcast_in_dim3A_54 : vector<16xf32> to vector<1x1x16xf32>
      tpu.vector_store %arg6[%swap3A_55, %swap3A_56, %swap3A_57], %swap3A_60 {strides = array<i32>} : memref<2x128x128xf32, #tpu.memory_space<vmem>>, vector<1x1x16xf32>,
      %broadcast_in_dim3A_61 = arith.constant 0.000000e+00 : f32
      %broadcast_in_dim3A_62 = vector.broadcast %broadcast_in_dim3A_61 : f32 to vector<16xf32>
      %swap3A_63 = arith.constant 0 : i32
      %swap3A_64 = arith.index_cast %swap3A_63 : i32 to index
      %swap3A_65 = arith.index_cast %scan3A_53 : i32 to index
      %swap3A_66 = arith.constant 16 : index
      %swap3A_67 = tpu.vector_load %arg6[%swap3A_64, %swap3A_65, %swap3A_66] {strides = array<i32>} : memref<2x128x128xf32, #tpu.memory_space<vmem>>, vector<1x1x16xf32>,
      %swap3A_68 = vector.shape_cast %swap3A_67 : vector<1x1x16xf32> to vector<16xf32>
      %swap3A_69 = vector.shape_cast %broadcast_in_dim3A_62 : vector<16xf32> to vector<1x1x16xf32>
      tpu.vector_store %arg6[%swap3A_64, %swap3A_65, %swap3A_66], %swap3A_69 {strides = array<i32>} : memref<2x128x128xf32, #tpu.memory_space<vmem>>, vector<1x1x16xf32>,
      %broadcast_in_dim3A_70 = arith.constant 0.000000e+00 : f32
      %broadcast_in_dim3A_71 = vector.broadcast %broadcast_in_dim3A_70 : f32 to vector<16xf32>
      %swap3A_72 = arith.constant 0 : i32
      %swap3A_73 = arith.index_cast %swap3A_72 : i32 to index
      %swap3A_74 = arith.index_cast %scan3A_53 : i32 to index
      %swap3A_75 = arith.constant 32 : index
      %swap3A_76 = tpu.vector_load %arg6[%swap3A_73, %swap3A_74, %swap3A_75] {strides = array<i32>} : memref<2x128x128xf32, #tpu.memory_space<vmem>>, vector<1x1x16xf32>,
      %swap3A_77 = vector.shape_cast %swap3A_76 : vector<1x1x16xf32> to vector<16xf32>
      %swap3A_78 = vector.shape_cast %broadcast_in_dim3A_71 : vector<16xf32> to vector<1x1x16xf32>
      tpu.vector_store %arg6[%swap3A_73, %swap3A_74, %swap3A_75], %swap3A_78 {strides = array<i32>} : memref<2x128x128xf32, #tpu.memory_space<vmem>>, vector<1x1x16xf32>,
      %broadcast_in_dim3A_79 = arith.constant 0.000000e+00 : f32
      %broadcast_in_dim3A_80 = vector.broadcast %broadcast_in_dim3A_79 : f32 to vector<16xf32>
      %swap3A_81 = arith.constant 0 : i32
      %swap3A_82 = arith.index_cast %swap3A_81 : i32 to index
      %swap3A_83 = arith.index_cast %scan3A_53 : i32 to index
      %swap3A_84 = arith.constant 48 : index
      %swap3A_85 = tpu.vector_load %arg6[%swap3A_82, %swap3A_83, %swap3A_84] {strides = array<i32>} : memref<2x128x128xf32, #tpu.memory_space<vmem>>, vector<1x1x16xf32>,
      %swap3A_86 = vector.shape_cast %swap3A_85 : vector<1x1x16xf32> to vector<16xf32>
      %swap3A_87 = vector.shape_cast %broadcast_in_dim3A_80 : vector<16xf32> to vector<1x1x16xf32>
      tpu.vector_store %arg6[%swap3A_82, %swap3A_83, %swap3A_84], %swap3A_87 {strides = array<i32>} : memref<2x128x128xf32, #tpu.memory_space<vmem>>, vector<1x1x16xf32>,
      %broadcast_in_dim3A_88 = arith.constant 0.000000e+00 : f32
      %broadcast_in_dim3A_89 = vector.broadcast %broadcast_in_dim3A_88 : f32 to vector<16xf32>
      %swap3A_90 = arith.constant 0 : i32
      %swap3A_91 = arith.index_cast %swap3A_90 : i32 to index
      %swap3A_92 = arith.index_cast %scan3A_53 : i32 to index
      %swap3A_93 = arith.constant 64 : index
      %swap3A_94 = tpu.vector_load %arg6[%swap3A_91, %swap3A_92, %swap3A_93] {strides = array<i32>} : memref<2x128x128xf32, #tpu.memory_space<vmem>>, vector<1x1x16xf32>,
      %swap3A_95 = vector.shape_cast %swap3A_94 : vector<1x1x16xf32> to vector<16xf32>
      %swap3A_96 = vector.shape_cast %broadcast_in_dim3A_89 : vector<16xf32> to vector<1x1x16xf32>
      tpu.vector_store %arg6[%swap3A_91, %swap3A_92, %swap3A_93], %swap3A_96 {strides = array<i32>} : memref<2x128x128xf32, #tpu.memory_space<vmem>>, vector<1x1x16xf32>,
      %broadcast_in_dim3A_97 = arith.constant 0.000000e+00 : f32
      %broadcast_in_dim3A_98 = vector.broadcast %broadcast_in_dim3A_97 : f32 to vector<16xf32>
      %swap3A_99 = arith.constant 0 : i32
      %swap3A_100 = arith.index_cast %swap3A_99 : i32 to index
      %swap3A_101 = arith.index_cast %scan3A_53 : i32 to index
      %swap3A_102 = arith.constant 80 : index
      %swap3A_103 = tpu.vector_load %arg6[%swap3A_100, %swap3A_101, %swap3A_102] {strides = array<i32>} : memref<2x128x128xf32, #tpu.memory_space<vmem>>, vector<1x1x16xf32>,
      %swap3A_104 = vector.shape_cast %swap3A_103 : vector<1x1x16xf32> to vector<16xf32>
      %swap3A_105 = vector.shape_cast %broadcast_in_dim3A_98 : vector<16xf32> to vector<1x1x16xf32>
      tpu.vector_store %arg6[%swap3A_100, %swap3A_101, %swap3A_102], %swap3A_105 {strides = array<i32>} : memref<2x128x128xf32, #tpu.memory_space<vmem>>, vector<1x1x16xf32>,
      %broadcast_in_dim3A_106 = arith.constant 0.000000e+00 : f32
      %broadcast_in_dim3A_107 = vector.broadcast %broadcast_in_dim3A_106 : f32 to vector<16xf32>
      %swap3A_108 = arith.constant 0 : i32
      %swap3A_109 = arith.index_cast %swap3A_108 : i32 to index
      %swap3A_110 = arith.index_cast %scan3A_53 : i32 to index
      %swap3A_111 = arith.constant 96 : index
      %swap3A_112 = tpu.vector_load %arg6[%swap3A_109, %swap3A_110, %swap3A_111] {strides = array<i32>} : memref<2x128x128xf32, #tpu.memory_space<vmem>>, vector<1x1x16xf32>,
      %swap3A_113 = vector.shape_cast %swap3A_112 : vector<1x1x16xf32> to vector<16xf32>
      %swap3A_114 = vector.shape_cast %broadcast_in_dim3A_107 : vector<16xf32> to vector<1x1x16xf32>
      tpu.vector_store %arg6[%swap3A_109, %swap3A_110, %swap3A_111], %swap3A_114 {strides = array<i32>} : memref<2x128x128xf32, #tpu.memory_space<vmem>>, vector<1x1x16xf32>,
      %broadcast_in_dim3A_115 = arith.constant 0.000000e+00 : f32
      %broadcast_in_dim3A_116 = vector.broadcast %broadcast_in_dim3A_115 : f32 to vector<16xf32>
      %swap3A_117 = arith.constant 0 : i32
      %swap3A_118 = arith.index_cast %swap3A_117 : i32 to index
      %swap3A_119 = arith.index_cast %scan3A_53 : i32 to index
      %swap3A_120 = arith.constant 112 : index
      %swap3A_121 = tpu.vector_load %arg6[%swap3A_118, %swap3A_119, %swap3A_120] {strides = array<i32>} : memref<2x128x128xf32, #tpu.memory_space<vmem>>, vector<1x1x16xf32>,
      %swap3A_122 = vector.shape_cast %swap3A_121 : vector<1x1x16xf32> to vector<16xf32>
      %swap3A_123 = vector.shape_cast %broadcast_in_dim3A_116 : vector<16xf32> to vector<1x1x16xf32>
      tpu.vector_store %arg6[%swap3A_118, %swap3A_119, %swap3A_120], %swap3A_123 {strides = array<i32>} : memref<2x128x128xf32, #tpu.memory_space<vmem>>, vector<1x1x16xf32>,
    }
    %scan3A_5 = arith.constant 128 : i32
    %mul3A_6 = arith.constant 640 : i32
    %mul3A_7 = arith.muli %arg1, %mul3A_6 : i32
    %add3A_8 = arith.constant 0 : i32
    %add3A_9 = arith.addi %mul3A_7, %add3A_8 : i32
    %run_scoped3A = arith.constant 0 : i32
    "tpu.region"() ({
      %run_scoped3A_53 = tpu.sem_alloc : memref<!tpu.dma_semaphore, #tpu.memory_space<semaphore_mem>>
      %dma_start3A = arith.constant 0 : i32
      %dma_start3A_54 = arith.constant 0 : i32
      %dma_start3A_55 = tpu.memref_slice %arg6[%run_scoped3A, %dma_start3A, %dma_start3A_54] : memref<2x128x128xf32, #tpu.memory_space<vmem>> -> memref<1x128x128xf32, #tpu.memory_space<vmem>>
      %dma_start3A_56 = tpu.memref_squeeze %dma_start3A_55 : memref<1x128x128xf32, #tpu.memory_space<vmem>> -> memref<128x128xf32, #tpu.memory_space<vmem>>
      %dma_start3A_57 = arith.constant 0 : i32
      %dma_start3A_58 = tpu.memref_slice %arg7[%add3A_9, %dma_start3A_57] : memref<10240x128xf32, #tpu.memory_space<vmem_shared>> -> memref<128x128xf32, #tpu.memory_space<vmem_shared>>
      %dma_start3A_59 = arith.constant 0 : i32
      %dma_start3A_60 = tpu.memref_slice %arg7[%add3A_9, %dma_start3A_59] : memref<10240x128xf32, #tpu.memory_space<vmem_shared>> -> memref<128x128xf32, #tpu.memory_space<vmem_shared>>
      %dma_start3A_61 = arith.constant 0 : i32
      %dma_start3A_62 = arith.constant 0 : i32
      %dma_start3A_63 = tpu.memref_slice %arg6[%run_scoped3A, %dma_start3A_61, %dma_start3A_62] : memref<2x128x128xf32, #tpu.memory_space<vmem>> -> memref<1x128x128xf32, #tpu.memory_space<vmem>>
      %dma_start3A_64 = tpu.memref_squeeze %dma_start3A_63 : memref<1x128x128xf32, #tpu.memory_space<vmem>> -> memref<128x128xf32, #tpu.memory_space<vmem>>
      tpu.enqueue_dma source(%dma_start3A_64 : memref<128x128xf32, #tpu.memory_space<vmem>>) target(%dma_start3A_60 : memref<128x128xf32, #tpu.memory_space<vmem_shared>>) target_semaphore(%run_scoped3A_53 : memref<!tpu.dma_semaphore, #tpu.memory_space<semaphore_mem>>)
      %dma_wait3A = arith.constant 0 : i32
      %dma_wait3A_65 = arith.constant 0 : i32
      %dma_wait3A_66 = tpu.memref_slice %arg6[%run_scoped3A, %dma_wait3A, %dma_wait3A_65] : memref<2x128x128xf32, #tpu.memory_space<vmem>> -> memref<1x128x128xf32, #tpu.memory_space<vmem>>
      %dma_wait3A_67 = tpu.memref_squeeze %dma_wait3A_66 : memref<1x128x128xf32, #tpu.memory_space<vmem>> -> memref<128x128xf32, #tpu.memory_space<vmem>>
      %dma_wait3A_68 = arith.constant 0 : i32
      %dma_wait3A_69 = tpu.memref_slice %arg7[%add3A_9, %dma_wait3A_68] : memref<10240x128xf32, #tpu.memory_space<vmem_shared>> -> memref<128x128xf32, #tpu.memory_space<vmem_shared>>
      %dma_wait3A_70 = arith.constant 0 : i32
      %dma_wait3A_71 = tpu.memref_slice %arg7[%add3A_9, %dma_wait3A_70] : memref<10240x128xf32, #tpu.memory_space<vmem_shared>> -> memref<128x128xf32, #tpu.memory_space<vmem_shared>>
      %dma_wait3A_72 = arith.constant 0 : i32
      %dma_wait3A_73 = arith.constant 0 : i32
      %dma_wait3A_74 = tpu.memref_slice %arg6[%run_scoped3A, %dma_wait3A_72, %dma_wait3A_73] : memref<2x128x128xf32, #tpu.memory_space<vmem>> -> memref<1x128x128xf32, #tpu.memory_space<vmem>>
      %dma_wait3A_75 = tpu.memref_squeeze %dma_wait3A_74 : memref<1x128x128xf32, #tpu.memory_space<vmem>> -> memref<128x128xf32, #tpu.memory_space<vmem>>
      tpu.wait_dma2 semaphore(%run_scoped3A_53 : memref<!tpu.dma_semaphore, #tpu.memory_space<semaphore_mem>>) src(%dma_wait3A_75 : memref<128x128xf32, #tpu.memory_space<vmem>>) dst(%dma_wait3A_71 : memref<128x128xf32, #tpu.memory_space<vmem_shared>>)
      tpu.yield
    }) : () -> ()
    %mul3A_10 = arith.constant 640 : i32
    %mul3A_11 = arith.muli %arg1, %mul3A_10 : i32
    %add3A_12 = arith.constant 128 : i32
    %add3A_13 = arith.addi %mul3A_11, %add3A_12 : i32
    %run_scoped3A_14 = arith.constant 0 : i32
    "tpu.region"() ({
      %run_scoped3A_53 = tpu.sem_alloc : memref<!tpu.dma_semaphore, #tpu.memory_space<semaphore_mem>>
      %dma_start3A = arith.constant 0 : i32
      %dma_start3A_54 = arith.constant 0 : i32
      %dma_start3A_55 = tpu.memref_slice %arg6[%run_scoped3A_14, %dma_start3A, %dma_start3A_54] : memref<2x128x128xf32, #tpu.memory_space<vmem>> -> memref<1x128x128xf32, #tpu.memory_space<vmem>>
      %dma_start3A_56 = tpu.memref_squeeze %dma_start3A_55 : memref<1x128x128xf32, #tpu.memory_space<vmem>> -> memref<128x128xf32, #tpu.memory_space<vmem>>
      %dma_start3A_57 = arith.constant 0 : i32
      %dma_start3A_58 = tpu.memref_slice %arg7[%add3A_13, %dma_start3A_57] : memref<10240x128xf32, #tpu.memory_space<vmem_shared>> -> memref<128x128xf32, #tpu.memory_space<vmem_shared>>
      %dma_start3A_59 = arith.constant 0 : i32
      %dma_start3A_60 = tpu.memref_slice %arg7[%add3A_13, %dma_start3A_59] : memref<10240x128xf32, #tpu.memory_space<vmem_shared>> -> memref<128x128xf32, #tpu.memory_space<vmem_shared>>
      %dma_start3A_61 = arith.constant 0 : i32
      %dma_start3A_62 = arith.constant 0 : i32
      %dma_start3A_63 = tpu.memref_slice %arg6[%run_scoped3A_14, %dma_start3A_61, %dma_start3A_62] : memref<2x128x128xf32, #tpu.memory_space<vmem>> -> memref<1x128x128xf32, #tpu.memory_space<vmem>>
      %dma_start3A_64 = tpu.memref_squeeze %dma_start3A_63 : memref<1x128x128xf32, #tpu.memory_space<vmem>> -> memref<128x128xf32, #tpu.memory_space<vmem>>
      tpu.enqueue_dma source(%dma_start3A_64 : memref<128x128xf32, #tpu.memory_space<vmem>>) target(%dma_start3A_60 : memref<128x128xf32, #tpu.memory_space<vmem_shared>>) target_semaphore(%run_scoped3A_53 : memref<!tpu.dma_semaphore, #tpu.memory_space<semaphore_mem>>)
      %dma_wait3A = arith.constant 0 : i32
      %dma_wait3A_65 = arith.constant 0 : i32
      %dma_wait3A_66 = tpu.memref_slice %arg6[%run_scoped3A_14, %dma_wait3A, %dma_wait3A_65] : memref<2x128x128xf32, #tpu.memory_space<vmem>> -> memref<1x128x128xf32, #tpu.memory_space<vmem>>
      %dma_wait3A_67 = tpu.memref_squeeze %dma_wait3A_66 : memref<1x128x128xf32, #tpu.memory_space<vmem>> -> memref<128x128xf32, #tpu.memory_space<vmem>>
      %dma_wait3A_68 = arith.constant 0 : i32
      %dma_wait3A_69 = tpu.memref_slice %arg7[%add3A_13, %dma_wait3A_68] : memref<10240x128xf32, #tpu.memory_space<vmem_shared>> -> memref<128x128xf32, #tpu.memory_space<vmem_shared>>
      %dma_wait3A_70 = arith.constant 0 : i32
      %dma_wait3A_71 = tpu.memref_slice %arg7[%add3A_13, %dma_wait3A_70] : memref<10240x128xf32, #tpu.memory_space<vmem_shared>> -> memref<128x128xf32, #tpu.memory_space<vmem_shared>>
      %dma_wait3A_72 = arith.constant 0 : i32
      %dma_wait3A_73 = arith.constant 0 : i32
      %dma_wait3A_74 = tpu.memref_slice %arg6[%run_scoped3A_14, %dma_wait3A_72, %dma_wait3A_73] : memref<2x128x128xf32, #tpu.memory_space<vmem>> -> memref<1x128x128xf32, #tpu.memory_space<vmem>>
      %dma_wait3A_75 = tpu.memref_squeeze %dma_wait3A_74 : memref<1x128x128xf32, #tpu.memory_space<vmem>> -> memref<128x128xf32, #tpu.memory_space<vmem>>
      tpu.wait_dma2 semaphore(%run_scoped3A_53 : memref<!tpu.dma_semaphore, #tpu.memory_space<semaphore_mem>>) src(%dma_wait3A_75 : memref<128x128xf32, #tpu.memory_space<vmem>>) dst(%dma_wait3A_71 : memref<128x128xf32, #tpu.memory_space<vmem_shared>>)
      tpu.yield
    }) : () -> ()
    %mul3A_15 = arith.constant 640 : i32
    %mul3A_16 = arith.muli %arg1, %mul3A_15 : i32
    %add3A_17 = arith.constant 256 : i32
    %add3A_18 = arith.addi %mul3A_16, %add3A_17 : i32
    %run_scoped3A_19 = arith.constant 0 : i32
    "tpu.region"() ({
      %run_scoped3A_53 = tpu.sem_alloc : memref<!tpu.dma_semaphore, #tpu.memory_space<semaphore_mem>>
      %dma_start3A = arith.constant 0 : i32
      %dma_start3A_54 = arith.constant 0 : i32
      %dma_start3A_55 = tpu.memref_slice %arg6[%run_scoped3A_19, %dma_start3A, %dma_start3A_54] : memref<2x128x128xf32, #tpu.memory_space<vmem>> -> memref<1x128x128xf32, #tpu.memory_space<vmem>>
      %dma_start3A_56 = tpu.memref_squeeze %dma_start3A_55 : memref<1x128x128xf32, #tpu.memory_space<vmem>> -> memref<128x128xf32, #tpu.memory_space<vmem>>
      %dma_start3A_57 = arith.constant 0 : i32
      %dma_start3A_58 = tpu.memref_slice %arg7[%add3A_18, %dma_start3A_57] : memref<10240x128xf32, #tpu.memory_space<vmem_shared>> -> memref<128x128xf32, #tpu.memory_space<vmem_shared>>
      %dma_start3A_59 = arith.constant 0 : i32
      %dma_start3A_60 = tpu.memref_slice %arg7[%add3A_18, %dma_start3A_59] : memref<10240x128xf32, #tpu.memory_space<vmem_shared>> -> memref<128x128xf32, #tpu.memory_space<vmem_shared>>
      %dma_start3A_61 = arith.constant 0 : i32
      %dma_start3A_62 = arith.constant 0 : i32
      %dma_start3A_63 = tpu.memref_slice %arg6[%run_scoped3A_19, %dma_start3A_61, %dma_start3A_62] : memref<2x128x128xf32, #tpu.memory_space<vmem>> -> memref<1x128x128xf32, #tpu.memory_space<vmem>>
      %dma_start3A_64 = tpu.memref_squeeze %dma_start3A_63 : memref<1x128x128xf32, #tpu.memory_space<vmem>> -> memref<128x128xf32, #tpu.memory_space<vmem>>
      tpu.enqueue_dma source(%dma_start3A_64 : memref<128x128xf32, #tpu.memory_space<vmem>>) target(%dma_start3A_60 : memref<128x128xf32, #tpu.memory_space<vmem_shared>>) target_semaphore(%run_scoped3A_53 : memref<!tpu.dma_semaphore, #tpu.memory_space<semaphore_mem>>)
      %dma_wait3A = arith.constant 0 : i32
      %dma_wait3A_65 = arith.constant 0 : i32
      %dma_wait3A_66 = tpu.memref_slice %arg6[%run_scoped3A_19, %dma_wait3A, %dma_wait3A_65] : memref<2x128x128xf32, #tpu.memory_space<vmem>> -> memref<1x128x128xf32, #tpu.memory_space<vmem>>
      %dma_wait3A_67 = tpu.memref_squeeze %dma_wait3A_66 : memref<1x128x128xf32, #tpu.memory_space<vmem>> -> memref<128x128xf32, #tpu.memory_space<vmem>>
      %dma_wait3A_68 = arith.constant 0 : i32
      %dma_wait3A_69 = tpu.memref_slice %arg7[%add3A_18, %dma_wait3A_68] : memref<10240x128xf32, #tpu.memory_space<vmem_shared>> -> memref<128x128xf32, #tpu.memory_space<vmem_shared>>
      %dma_wait3A_70 = arith.constant 0 : i32
      %dma_wait3A_71 = tpu.memref_slice %arg7[%add3A_18, %dma_wait3A_70] : memref<10240x128xf32, #tpu.memory_space<vmem_shared>> -> memref<128x128xf32, #tpu.memory_space<vmem_shared>>
      %dma_wait3A_72 = arith.constant 0 : i32
      %dma_wait3A_73 = arith.constant 0 : i32
      %dma_wait3A_74 = tpu.memref_slice %arg6[%run_scoped3A_19, %dma_wait3A_72, %dma_wait3A_73] : memref<2x128x128xf32, #tpu.memory_space<vmem>> -> memref<1x128x128xf32, #tpu.memory_space<vmem>>
      %dma_wait3A_75 = tpu.memref_squeeze %dma_wait3A_74 : memref<1x128x128xf32, #tpu.memory_space<vmem>> -> memref<128x128xf32, #tpu.memory_space<vmem>>
      tpu.wait_dma2 semaphore(%run_scoped3A_53 : memref<!tpu.dma_semaphore, #tpu.memory_space<semaphore_mem>>) src(%dma_wait3A_75 : memref<128x128xf32, #tpu.memory_space<vmem>>) dst(%dma_wait3A_71 : memref<128x128xf32, #tpu.memory_space<vmem_shared>>)
      tpu.yield
    }) : () -> ()
    %mul3A_20 = arith.constant 640 : i32
    %mul3A_21 = arith.muli %arg1, %mul3A_20 : i32
    %add3A_22 = arith.constant 384 : i32
    %add3A_23 = arith.addi %mul3A_21, %add3A_22 : i32
    %run_scoped3A_24 = arith.constant 0 : i32
    "tpu.region"() ({
      %run_scoped3A_53 = tpu.sem_alloc : memref<!tpu.dma_semaphore, #tpu.memory_space<semaphore_mem>>
      %dma_start3A = arith.constant 0 : i32
      %dma_start3A_54 = arith.constant 0 : i32
      %dma_start3A_55 = tpu.memref_slice %arg6[%run_scoped3A_24, %dma_start3A, %dma_start3A_54] : memref<2x128x128xf32, #tpu.memory_space<vmem>> -> memref<1x128x128xf32, #tpu.memory_space<vmem>>
      %dma_start3A_56 = tpu.memref_squeeze %dma_start3A_55 : memref<1x128x128xf32, #tpu.memory_space<vmem>> -> memref<128x128xf32, #tpu.memory_space<vmem>>
      %dma_start3A_57 = arith.constant 0 : i32
      %dma_start3A_58 = tpu.memref_slice %arg7[%add3A_23, %dma_start3A_57] : memref<10240x128xf32, #tpu.memory_space<vmem_shared>> -> memref<128x128xf32, #tpu.memory_space<vmem_shared>>
      %dma_start3A_59 = arith.constant 0 : i32
      %dma_start3A_60 = tpu.memref_slice %arg7[%add3A_23, %dma_start3A_59] : memref<10240x128xf32, #tpu.memory_space<vmem_shared>> -> memref<128x128xf32, #tpu.memory_space<vmem_shared>>
      %dma_start3A_61 = arith.constant 0 : i32
      %dma_start3A_62 = arith.constant 0 : i32
      %dma_start3A_63 = tpu.memref_slice %arg6[%run_scoped3A_24, %dma_start3A_61, %dma_start3A_62] : memref<2x128x128xf32, #tpu.memory_space<vmem>> -> memref<1x128x128xf32, #tpu.memory_space<vmem>>
      %dma_start3A_64 = tpu.memref_squeeze %dma_start3A_63 : memref<1x128x128xf32, #tpu.memory_space<vmem>> -> memref<128x128xf32, #tpu.memory_space<vmem>>
      tpu.enqueue_dma source(%dma_start3A_64 : memref<128x128xf32, #tpu.memory_space<vmem>>) target(%dma_start3A_60 : memref<128x128xf32, #tpu.memory_space<vmem_shared>>) target_semaphore(%run_scoped3A_53 : memref<!tpu.dma_semaphore, #tpu.memory_space<semaphore_mem>>)
      %dma_wait3A = arith.constant 0 : i32
      %dma_wait3A_65 = arith.constant 0 : i32
      %dma_wait3A_66 = tpu.memref_slice %arg6[%run_scoped3A_24, %dma_wait3A, %dma_wait3A_65] : memref<2x128x128xf32, #tpu.memory_space<vmem>> -> memref<1x128x128xf32, #tpu.memory_space<vmem>>
      %dma_wait3A_67 = tpu.memref_squeeze %dma_wait3A_66 : memref<1x128x128xf32, #tpu.memory_space<vmem>> -> memref<128x128xf32, #tpu.memory_space<vmem>>
      %dma_wait3A_68 = arith.constant 0 : i32
      %dma_wait3A_69 = tpu.memref_slice %arg7[%add3A_23, %dma_wait3A_68] : memref<10240x128xf32, #tpu.memory_space<vmem_shared>> -> memref<128x128xf32, #tpu.memory_space<vmem_shared>>
      %dma_wait3A_70 = arith.constant 0 : i32
      %dma_wait3A_71 = tpu.memref_slice %arg7[%add3A_23, %dma_wait3A_70] : memref<10240x128xf32, #tpu.memory_space<vmem_shared>> -> memref<128x128xf32, #tpu.memory_space<vmem_shared>>
      %dma_wait3A_72 = arith.constant 0 : i32
      %dma_wait3A_73 = arith.constant 0 : i32
      %dma_wait3A_74 = tpu.memref_slice %arg6[%run_scoped3A_24, %dma_wait3A_72, %dma_wait3A_73] : memref<2x128x128xf32, #tpu.memory_space<vmem>> -> memref<1x128x128xf32, #tpu.memory_space<vmem>>
      %dma_wait3A_75 = tpu.memref_squeeze %dma_wait3A_74 : memref<1x128x128xf32, #tpu.memory_space<vmem>> -> memref<128x128xf32, #tpu.memory_space<vmem>>
      tpu.wait_dma2 semaphore(%run_scoped3A_53 : memref<!tpu.dma_semaphore, #tpu.memory_space<semaphore_mem>>) src(%dma_wait3A_75 : memref<128x128xf32, #tpu.memory_space<vmem>>) dst(%dma_wait3A_71 : memref<128x128xf32, #tpu.memory_space<vmem_shared>>)
      tpu.yield
    }) : () -> ()
    %mul3A_25 = arith.constant 640 : i32
    %mul3A_26 = arith.muli %arg1, %mul3A_25 : i32
    %add3A_27 = arith.constant 512 : i32
    %add3A_28 = arith.addi %mul3A_26, %add3A_27 : i32
    %run_scoped3A_29 = arith.constant 0 : i32
    "tpu.region"() ({
      %run_scoped3A_53 = tpu.sem_alloc : memref<!tpu.dma_semaphore, #tpu.memory_space<semaphore_mem>>
      %dma_start3A = arith.constant 0 : i32
      %dma_start3A_54 = arith.constant 0 : i32
      %dma_start3A_55 = tpu.memref_slice %arg6[%run_scoped3A_29, %dma_start3A, %dma_start3A_54] : memref<2x128x128xf32, #tpu.memory_space<vmem>> -> memref<1x128x128xf32, #tpu.memory_space<vmem>>
      %dma_start3A_56 = tpu.memref_squeeze %dma_start3A_55 : memref<1x128x128xf32, #tpu.memory_space<vmem>> -> memref<128x128xf32, #tpu.memory_space<vmem>>
      %dma_start3A_57 = arith.constant 0 : i32
      %dma_start3A_58 = tpu.memref_slice %arg7[%add3A_28, %dma_start3A_57] : memref<10240x128xf32, #tpu.memory_space<vmem_shared>> -> memref<128x128xf32, #tpu.memory_space<vmem_shared>>
      %dma_start3A_59 = arith.constant 0 : i32
      %dma_start3A_60 = tpu.memref_slice %arg7[%add3A_28, %dma_start3A_59] : memref<10240x128xf32, #tpu.memory_space<vmem_shared>> -> memref<128x128xf32, #tpu.memory_space<vmem_shared>>
      %dma_start3A_61 = arith.constant 0 : i32
      %dma_start3A_62 = arith.constant 0 : i32
      %dma_start3A_63 = tpu.memref_slice %arg6[%run_scoped3A_29, %dma_start3A_61, %dma_start3A_62] : memref<2x128x128xf32, #tpu.memory_space<vmem>> -> memref<1x128x128xf32, #tpu.memory_space<vmem>>
      %dma_start3A_64 = tpu.memref_squeeze %dma_start3A_63 : memref<1x128x128xf32, #tpu.memory_space<vmem>> -> memref<128x128xf32, #tpu.memory_space<vmem>>
      tpu.enqueue_dma source(%dma_start3A_64 : memref<128x128xf32, #tpu.memory_space<vmem>>) target(%dma_start3A_60 : memref<128x128xf32, #tpu.memory_space<vmem_shared>>) target_semaphore(%run_scoped3A_53 : memref<!tpu.dma_semaphore, #tpu.memory_space<semaphore_mem>>)
      %dma_wait3A = arith.constant 0 : i32
      %dma_wait3A_65 = arith.constant 0 : i32
      %dma_wait3A_66 = tpu.memref_slice %arg6[%run_scoped3A_29, %dma_wait3A, %dma_wait3A_65] : memref<2x128x128xf32, #tpu.memory_space<vmem>> -> memref<1x128x128xf32, #tpu.memory_space<vmem>>
      %dma_wait3A_67 = tpu.memref_squeeze %dma_wait3A_66 : memref<1x128x128xf32, #tpu.memory_space<vmem>> -> memref<128x128xf32, #tpu.memory_space<vmem>>
      %dma_wait3A_68 = arith.constant 0 : i32
      %dma_wait3A_69 = tpu.memref_slice %arg7[%add3A_28, %dma_wait3A_68] : memref<10240x128xf32, #tpu.memory_space<vmem_shared>> -> memref<128x128xf32, #tpu.memory_space<vmem_shared>>
      %dma_wait3A_70 = arith.constant 0 : i32
      %dma_wait3A_71 = tpu.memref_slice %arg7[%add3A_28, %dma_wait3A_70] : memref<10240x128xf32, #tpu.memory_space<vmem_shared>> -> memref<128x128xf32, #tpu.memory_space<vmem_shared>>
      %dma_wait3A_72 = arith.constant 0 : i32
      %dma_wait3A_73 = arith.constant 0 : i32
      %dma_wait3A_74 = tpu.memref_slice %arg6[%run_scoped3A_29, %dma_wait3A_72, %dma_wait3A_73] : memref<2x128x128xf32, #tpu.memory_space<vmem>> -> memref<1x128x128xf32, #tpu.memory_space<vmem>>
      %dma_wait3A_75 = tpu.memref_squeeze %dma_wait3A_74 : memref<1x128x128xf32, #tpu.memory_space<vmem>> -> memref<128x128xf32, #tpu.memory_space<vmem>>
      tpu.wait_dma2 semaphore(%run_scoped3A_53 : memref<!tpu.dma_semaphore, #tpu.memory_space<semaphore_mem>>) src(%dma_wait3A_75 : memref<128x128xf32, #tpu.memory_space<vmem>>) dst(%dma_wait3A_71 : memref<128x128xf32, #tpu.memory_space<vmem_shared>>)
      tpu.yield
    }) : () -> ()
    %barrier3A = arith.constant 0 : index
    tpu.barrier barrier_id(%barrier3A)
    %eq3A = arith.constant 0 : i32
    %eq3A_30 = arith.cmpi eq, %arg0, %eq3A : i32
    %jit3A = arith.constant 29 : i32
    %jit3A_31 = arith.constant 11 : i32
    %select_n3A = arith.select %eq3A_30, %jit3A, %jit3A_31 : i32
    %gt3A = arith.constant 0 : i32
    %gt3A_32 = arith.cmpi sgt, %select_n3A, %gt3A : i32
    %convert_element_type3A = arith.extui %gt3A_32 : i1 to i32
    %cond3A = arith.constant 0 : i32
    %cond3A_33 = arith.cmpi ne, %convert_element_type3A, %cond3A : i32
    scf.if %cond3A_33 {
      %dma_start3A = arith.constant 0 : i32
      %dma_start3A_53 = arith.constant 0 : i32
      %dma_start3A_54 = arith.constant 0 : i32
      %dma_start3A_55 = arith.constant 0 : i32
      %dma_start3A_56 = tpu.memref_slice %arg5[%dma_start3A_53, %dma_start3A_54, %dma_start3A_55] : memref<4x2x128xi32, #tpu.memory_space<vmem>> -> memref<1x2x128xi32, #tpu.memory_space<vmem>>
      %dma_start3A_57 = tpu.memref_squeeze %dma_start3A_56 : memref<1x2x128xi32, #tpu.memory_space<vmem>> -> memref<2x128xi32, #tpu.memory_space<vmem>>
      %dma_start3A_58 = arith.constant 0 : i32
      %dma_start3A_59 = arith.constant 0 : i32
      %dma_start3A_60 = tpu.memref_slice %arg3[%add3A, %dma_start3A, %dma_start3A_58, %dma_start3A_59] : memref<32x116x2x128xi32, #tpu.memory_space<hbm>> -> memref<1x1x2x128xi32, #tpu.memory_space<hbm>>
      %dma_start3A_61 = tpu.memref_squeeze %dma_start3A_60 : memref<1x1x2x128xi32, #tpu.memory_space<hbm>> -> memref<2x128xi32, #tpu.memory_space<hbm>>
      %dma_start3A_62 = arith.constant 0 : i32
      %dma_start3A_63 = arith.constant 0 : i32
      %dma_start3A_64 = tpu.memref_slice %arg5[%dma_start3A_53, %dma_start3A_62, %dma_start3A_63] : memref<4x2x128xi32, #tpu.memory_space<vmem>> -> memref<1x2x128xi32, #tpu.memory_space<vmem>>
      %dma_start3A_65 = tpu.memref_squeeze %dma_start3A_64 : memref<1x2x128xi32, #tpu.memory_space<vmem>> -> memref<2x128xi32, #tpu.memory_space<vmem>>
      %dma_start3A_66 = arith.constant 0 : i32
      %dma_start3A_67 = arith.constant 0 : i32
      %dma_start3A_68 = tpu.memref_slice %arg3[%add3A, %dma_start3A, %dma_start3A_66, %dma_start3A_67] : memref<32x116x2x128xi32, #tpu.memory_space<hbm>> -> memref<1x1x2x128xi32, #tpu.memory_space<hbm>>
      %dma_start3A_69 = tpu.memref_squeeze %dma_start3A_68 : memref<1x1x2x128xi32, #tpu.memory_space<hbm>> -> memref<2x128xi32, #tpu.memory_space<hbm>>
      tpu.enqueue_dma source(%dma_start3A_69 : memref<2x128xi32, #tpu.memory_space<hbm>>) target(%dma_start3A_65 : memref<2x128xi32, #tpu.memory_space<vmem>>) target_semaphore(%arg12 : memref<!tpu.dma_semaphore, #tpu.memory_space<semaphore_mem>>)
      %dma_start3A_70 = arith.constant 1 : i32
      %dma_start3A_71 = arith.constant 1 : i32
      %dma_start3A_72 = arith.constant 0 : i32
      %dma_start3A_73 = arith.constant 0 : i32
      %dma_start3A_74 = tpu.memref_slice %arg5[%dma_start3A_71, %dma_start3A_72, %dma_start3A_73] : memref<4x2x128xi32, #tpu.memory_space<vmem>> -> memref<1x2x128xi32, #tpu.memory_space<vmem>>
      %dma_start3A_75 = tpu.memref_squeeze %dma_start3A_74 : memref<1x2x128xi32, #tpu.memory_space<vmem>> -> memref<2x128xi32, #tpu.memory_space<vmem>>
      %dma_start3A_76 = arith.constant 0 : i32
      %dma_start3A_77 = arith.constant 0 : i32
      %dma_start3A_78 = tpu.memref_slice %arg3[%add3A, %dma_start3A_70, %dma_start3A_76, %dma_start3A_77] : memref<32x116x2x128xi32, #tpu.memory_space<hbm>> -> memref<1x1x2x128xi32, #tpu.memory_space<hbm>>
      %dma_start3A_79 = tpu.memref_squeeze %dma_start3A_78 : memref<1x1x2x128xi32, #tpu.memory_space<hbm>> -> memref<2x128xi32, #tpu.memory_space<hbm>>
      %dma_start3A_80 = arith.constant 0 : i32
      %dma_start3A_81 = arith.constant 0 : i32
      %dma_start3A_82 = tpu.memref_slice %arg5[%dma_start3A_71, %dma_start3A_80, %dma_start3A_81] : memref<4x2x128xi32, #tpu.memory_space<vmem>> -> memref<1x2x128xi32, #tpu.memory_space<vmem>>
      %dma_start3A_83 = tpu.memref_squeeze %dma_start3A_82 : memref<1x2x128xi32, #tpu.memory_space<vmem>> -> memref<2x128xi32, #tpu.memory_space<vmem>>
      %dma_start3A_84 = arith.constant 0 : i32
      %dma_start3A_85 = arith.constant 0 : i32
      %dma_start3A_86 = tpu.memref_slice %arg3[%add3A, %dma_start3A_70, %dma_start3A_84, %dma_start3A_85] : memref<32x116x2x128xi32, #tpu.memory_space<hbm>> -> memref<1x1x2x128xi32, #tpu.memory_space<hbm>>
      %dma_start3A_87 = tpu.memref_squeeze %dma_start3A_86 : memref<1x1x2x128xi32, #tpu.memory_space<hbm>> -> memref<2x128xi32, #tpu.memory_space<hbm>>
      tpu.enqueue_dma source(%dma_start3A_87 : memref<2x128xi32, #tpu.memory_space<hbm>>) target(%dma_start3A_83 : memref<2x128xi32, #tpu.memory_space<vmem>>) target_semaphore(%arg13 : memref<!tpu.dma_semaphore, #tpu.memory_space<semaphore_mem>>)
      %dma_start3A_88 = arith.constant 2 : i32
      %dma_start3A_89 = arith.constant 2 : i32
      %dma_start3A_90 = arith.constant 0 : i32
      %dma_start3A_91 = arith.constant 0 : i32
      %dma_start3A_92 = tpu.memref_slice %arg5[%dma_start3A_89, %dma_start3A_90, %dma_start3A_91] : memref<4x2x128xi32, #tpu.memory_space<vmem>> -> memref<1x2x128xi32, #tpu.memory_space<vmem>>
      %dma_start3A_93 = tpu.memref_squeeze %dma_start3A_92 : memref<1x2x128xi32, #tpu.memory_space<vmem>> -> memref<2x128xi32, #tpu.memory_space<vmem>>
      %dma_start3A_94 = arith.constant 0 : i32
      %dma_start3A_95 = arith.constant 0 : i32
      %dma_start3A_96 = tpu.memref_slice %arg3[%add3A, %dma_start3A_88, %dma_start3A_94, %dma_start3A_95] : memref<32x116x2x128xi32, #tpu.memory_space<hbm>> -> memref<1x1x2x128xi32, #tpu.memory_space<hbm>>
      %dma_start3A_97 = tpu.memref_squeeze %dma_start3A_96 : memref<1x1x2x128xi32, #tpu.memory_space<hbm>> -> memref<2x128xi32, #tpu.memory_space<hbm>>
      %dma_start3A_98 = arith.constant 0 : i32
      %dma_start3A_99 = arith.constant 0 : i32
      %dma_start3A_100 = tpu.memref_slice %arg5[%dma_start3A_89, %dma_start3A_98, %dma_start3A_99] : memref<4x2x128xi32, #tpu.memory_space<vmem>> -> memref<1x2x128xi32, #tpu.memory_space<vmem>>
      %dma_start3A_101 = tpu.memref_squeeze %dma_start3A_100 : memref<1x2x128xi32, #tpu.memory_space<vmem>> -> memref<2x128xi32, #tpu.memory_space<vmem>>
      %dma_start3A_102 = arith.constant 0 : i32
      %dma_start3A_103 = arith.constant 0 : i32
      %dma_start3A_104 = tpu.memref_slice %arg3[%add3A, %dma_start3A_88, %dma_start3A_102, %dma_start3A_103] : memref<32x116x2x128xi32, #tpu.memory_space<hbm>> -> memref<1x1x2x128xi32, #tpu.memory_space<hbm>>
      %dma_start3A_105 = tpu.memref_squeeze %dma_start3A_104 : memref<1x1x2x128xi32, #tpu.memory_space<hbm>> -> memref<2x128xi32, #tpu.memory_space<hbm>>
      tpu.enqueue_dma source(%dma_start3A_105 : memref<2x128xi32, #tpu.memory_space<hbm>>) target(%dma_start3A_101 : memref<2x128xi32, #tpu.memory_space<vmem>>) target_semaphore(%arg14 : memref<!tpu.dma_semaphore, #tpu.memory_space<semaphore_mem>>)
      %dma_wait3A = arith.constant 0 : i32
      %dma_wait3A_106 = arith.constant 0 : i32
      %dma_wait3A_107 = arith.constant 0 : i32
      %dma_wait3A_108 = arith.constant 0 : i32
      %dma_wait3A_109 = tpu.memref_slice %arg5[%dma_wait3A_106, %dma_wait3A_107, %dma_wait3A_108] : memref<4x2x128xi32, #tpu.memory_space<vmem>> -> memref<1x2x128xi32, #tpu.memory_space<vmem>>
      %dma_wait3A_110 = tpu.memref_squeeze %dma_wait3A_109 : memref<1x2x128xi32, #tpu.memory_space<vmem>> -> memref<2x128xi32, #tpu.memory_space<vmem>>
      %dma_wait3A_111 = arith.constant 0 : i32
      %dma_wait3A_112 = arith.constant 0 : i32
      %dma_wait3A_113 = tpu.memref_slice %arg3[%add3A, %dma_wait3A, %dma_wait3A_111, %dma_wait3A_112] : memref<32x116x2x128xi32, #tpu.memory_space<hbm>> -> memref<1x1x2x128xi32, #tpu.memory_space<hbm>>
      %dma_wait3A_114 = tpu.memref_squeeze %dma_wait3A_113 : memref<1x1x2x128xi32, #tpu.memory_space<hbm>> -> memref<2x128xi32, #tpu.memory_space<hbm>>
      %dma_wait3A_115 = arith.constant 0 : i32
      %dma_wait3A_116 = arith.constant 0 : i32
      %dma_wait3A_117 = tpu.memref_slice %arg5[%dma_wait3A_106, %dma_wait3A_115, %dma_wait3A_116] : memref<4x2x128xi32, #tpu.memory_space<vmem>> -> memref<1x2x128xi32, #tpu.memory_space<vmem>>
      %dma_wait3A_118 = tpu.memref_squeeze %dma_wait3A_117 : memref<1x2x128xi32, #tpu.memory_space<vmem>> -> memref<2x128xi32, #tpu.memory_space<vmem>>
      %dma_wait3A_119 = arith.constant 0 : i32
      %dma_wait3A_120 = arith.constant 0 : i32
      %dma_wait3A_121 = tpu.memref_slice %arg3[%add3A, %dma_wait3A, %dma_wait3A_119, %dma_wait3A_120] : memref<32x116x2x128xi32, #tpu.memory_space<hbm>> -> memref<1x1x2x128xi32, #tpu.memory_space<hbm>>
      %dma_wait3A_122 = tpu.memref_squeeze %dma_wait3A_121 : memref<1x1x2x128xi32, #tpu.memory_space<hbm>> -> memref<2x128xi32, #tpu.memory_space<hbm>>
      tpu.wait_dma2 semaphore(%arg12 : memref<!tpu.dma_semaphore, #tpu.memory_space<semaphore_mem>>) src(%dma_wait3A_122 : memref<2x128xi32, #tpu.memory_space<hbm>>) dst(%dma_wait3A_118 : memref<2x128xi32, #tpu.memory_space<vmem>>)
      %dma_start3A_123 = arith.constant 0 : i32
      %dma_start3A_124 = arith.constant 0 : i32
      %dma_start3A_125 = arith.constant 0 : i32
      %dma_start3A_126 = arith.constant 0 : i32
      %dma_start3A_127 = arith.constant 0 : i32
      %dma_start3A_128 = tpu.memref_slice %arg6[%dma_start3A_125, %dma_start3A_126, %dma_start3A_127] : memref<2x128x128xf32, #tpu.memory_space<vmem>> -> memref<1x128x128xf32, #tpu.memory_space<vmem>>
      %dma_start3A_129 = tpu.memref_squeeze %dma_start3A_128 : memref<1x128x128xf32, #tpu.memory_space<vmem>> -> memref<128x128xf32, #tpu.memory_space<vmem>>
      %dma_start3A_130 = arith.constant 0 : i32
      %dma_start3A_131 = tpu.memref_slice %arg5[%dma_start3A_123, %dma_start3A_124, %dma_start3A_130] : memref<4x2x128xi32, #tpu.memory_space<vmem>> -> memref<1x1x128xi32, #tpu.memory_space<vmem>>
      %dma_start3A_132 = tpu.memref_squeeze %dma_start3A_131 : memref<1x1x128xi32, #tpu.memory_space<vmem>> -> memref<128xi32, #tpu.memory_space<vmem>>
      %dma_start3A_133 = arith.constant 0 : i32
      %dma_start3A_134 = arith.constant 0 : i32
      %dma_start3A_135 = tpu.memref_slice %arg2[%dma_start3A_133, %dma_start3A_134] : memref<10240x128xf32, #tpu.memory_space<hbm>> -> memref<10240x128xf32, #tpu.memory_space<hbm>>
      tpu.enqueue_indirect_dma source(%dma_start3A_135 : memref<10240x128xf32, #tpu.memory_space<hbm>>) target(%dma_start3A_129 : memref<128x128xf32, #tpu.memory_space<vmem>>) offsets(%dma_start3A_132 : memref<128xi32, #tpu.memory_space<vmem>>) semaphore(%arg8 : memref<!tpu.dma_semaphore, #tpu.memory_space<semaphore_mem>>)
    } else {
    }
    %while3A = arith.constant 0 : i32
    %while3A_34 = arith.constant 0 : i32
    %while3A_35 = arith.subi %select_n3A, %while3A_34 : i32
    %while3A_36 = arith.addi %while3A_34, %while3A_35 : i32
    %while3A_37 = arith.constant 1 : i32
    %while3A_38 = arith.divsi %while3A_35, %while3A_37 : i32
    %while3A_39 = arith.muli %while3A_38, %while3A_37 : i32
    %while3A_40 = arith.addi %while3A_34, %while3A_39 : i32
    %while3A_41 = arith.constant 1 : i32
    scf.for %while3A_53 = %while3A_34 to %while3A_40 step %while3A_41  : i32 {
      %mul3A_54 = arith.constant 4 : i32
      %mul3A_55 = arith.muli %while3A_53, %mul3A_54 : i32
      %add3A_56 = arith.constant 0 : i32
      %add3A_57 = arith.addi %mul3A_55, %add3A_56 : i32
      %gt3A_58 = arith.constant 0 : i32
      %gt3A_59 = arith.cmpi sgt, %while3A_53, %gt3A_58 : i32
      %convert_element_type3A_60 = arith.extui %gt3A_59 : i1 to i32
      %cond3A_61 = arith.constant 0 : i32
      %cond3A_62 = arith.cmpi ne, %convert_element_type3A_60, %cond3A_61 : i32
      scf.if %cond3A_62 {
        %sub3A_365 = arith.constant 1 : i32
        %sub3A_366 = arith.subi %add3A_57, %sub3A_365 : i32
        %dma_wait3A_367 = arith.constant 1 : i32
        %dma_wait3A_368 = arith.constant 3 : i32
        %dma_wait3A_369 = arith.constant 1 : i32
        %dma_wait3A_370 = arith.constant 0 : i32
        %dma_wait3A_371 = arith.constant 0 : i32
        %dma_wait3A_372 = tpu.memref_slice %arg6[%dma_wait3A_367, %dma_wait3A_370, %dma_wait3A_371] : memref<2x128x128xf32, #tpu.memory_space<vmem>> -> memref<1x128x128xf32, #tpu.memory_space<vmem>>
        %dma_wait3A_373 = tpu.memref_squeeze %dma_wait3A_372 : memref<1x128x128xf32, #tpu.memory_space<vmem>> -> memref<128x128xf32, #tpu.memory_space<vmem>>
        %dma_wait3A_374 = arith.constant 0 : i32
        %dma_wait3A_375 = tpu.memref_slice %arg5[%dma_wait3A_368, %dma_wait3A_369, %dma_wait3A_374] : memref<4x2x128xi32, #tpu.memory_space<vmem>> -> memref<1x1x128xi32, #tpu.memory_space<vmem>>
        %dma_wait3A_376 = tpu.memref_squeeze %dma_wait3A_375 : memref<1x1x128xi32, #tpu.memory_space<vmem>> -> memref<128xi32, #tpu.memory_space<vmem>>
        %dma_wait3A_377 = arith.constant 0 : i32
        %dma_wait3A_378 = arith.constant 0 : i32
        %dma_wait3A_379 = tpu.memref_slice %arg7[%dma_wait3A_377, %dma_wait3A_378] : memref<10240x128xf32, #tpu.memory_space<vmem_shared>> -> memref<10240x128xf32, #tpu.memory_space<vmem_shared>>
        tpu.wait_indirect_dma semaphore(%arg11 : memref<!tpu.dma_semaphore, #tpu.memory_space<semaphore_mem>>) src(%dma_wait3A_373 : memref<128x128xf32, #tpu.memory_space<vmem>>) dst(%dma_wait3A_379 : memref<10240x128xf32, #tpu.memory_space<vmem_shared>>)
      } else {
      }
      %add3A_63 = arith.constant 3 : i32
      %add3A_64 = arith.addi %add3A_57, %add3A_63 : i32
      %dma_start3A = arith.constant 3 : i32
      %dma_start3A_65 = arith.constant 0 : i32
      %dma_start3A_66 = arith.constant 0 : i32
      %dma_start3A_67 = tpu.memref_slice %arg5[%dma_start3A, %dma_start3A_65, %dma_start3A_66] : memref<4x2x128xi32, #tpu.memory_space<vmem>> -> memref<1x2x128xi32, #tpu.memory_space<vmem>>
      %dma_start3A_68 = tpu.memref_squeeze %dma_start3A_67 : memref<1x2x128xi32, #tpu.memory_space<vmem>> -> memref<2x128xi32, #tpu.memory_space<vmem>>
      %dma_start3A_69 = arith.constant 0 : i32
      %dma_start3A_70 = arith.constant 0 : i32
      %dma_start3A_71 = tpu.memref_slice %arg3[%add3A, %add3A_64, %dma_start3A_69, %dma_start3A_70] : memref<32x116x2x128xi32, #tpu.memory_space<hbm>> -> memref<1x1x2x128xi32, #tpu.memory_space<hbm>>
      %dma_start3A_72 = tpu.memref_squeeze %dma_start3A_71 : memref<1x1x2x128xi32, #tpu.memory_space<hbm>> -> memref<2x128xi32, #tpu.memory_space<hbm>>
      %dma_start3A_73 = arith.constant 0 : i32
      %dma_start3A_74 = arith.constant 0 : i32
      %dma_start3A_75 = tpu.memref_slice %arg5[%dma_start3A, %dma_start3A_73, %dma_start3A_74] : memref<4x2x128xi32, #tpu.memory_space<vmem>> -> memref<1x2x128xi32, #tpu.memory_space<vmem>>
      %dma_start3A_76 = tpu.memref_squeeze %dma_start3A_75 : memref<1x2x128xi32, #tpu.memory_space<vmem>> -> memref<2x128xi32, #tpu.memory_space<vmem>>
      %dma_start3A_77 = arith.constant 0 : i32
      %dma_start3A_78 = arith.constant 0 : i32
      %dma_start3A_79 = tpu.memref_slice %arg3[%add3A, %add3A_64, %dma_start3A_77, %dma_start3A_78] : memref<32x116x2x128xi32, #tpu.memory_space<hbm>> -> memref<1x1x2x128xi32, #tpu.memory_space<hbm>>
      %dma_start3A_80 = tpu.memref_squeeze %dma_start3A_79 : memref<1x1x2x128xi32, #tpu.memory_space<hbm>> -> memref<2x128xi32, #tpu.memory_space<hbm>>
      tpu.enqueue_dma source(%dma_start3A_80 : memref<2x128xi32, #tpu.memory_space<hbm>>) target(%dma_start3A_76 : memref<2x128xi32, #tpu.memory_space<vmem>>) target_semaphore(%arg15 : memref<!tpu.dma_semaphore, #tpu.memory_space<semaphore_mem>>)
      %add3A_81 = arith.constant 1 : i32
      %add3A_82 = arith.addi %add3A_57, %add3A_81 : i32
      %dma_wait3A = arith.constant 1 : i32
      %dma_wait3A_83 = arith.constant 0 : i32
      %dma_wait3A_84 = arith.constant 0 : i32
      %dma_wait3A_85 = tpu.memref_slice %arg5[%dma_wait3A, %dma_wait3A_83, %dma_wait3A_84] : memref<4x2x128xi32, #tpu.memory_space<vmem>> -> memref<1x2x128xi32, #tpu.memory_space<vmem>>
      %dma_wait3A_86 = tpu.memref_squeeze %dma_wait3A_85 : memref<1x2x128xi32, #tpu.memory_space<vmem>> -> memref<2x128xi32, #tpu.memory_space<vmem>>
      %dma_wait3A_87 = arith.constant 0 : i32
      %dma_wait3A_88 = arith.constant 0 : i32
      %dma_wait3A_89 = tpu.memref_slice %arg3[%add3A, %add3A_82, %dma_wait3A_87, %dma_wait3A_88] : memref<32x116x2x128xi32, #tpu.memory_space<hbm>> -> memref<1x1x2x128xi32, #tpu.memory_space<hbm>>
      %dma_wait3A_90 = tpu.memref_squeeze %dma_wait3A_89 : memref<1x1x2x128xi32, #tpu.memory_space<hbm>> -> memref<2x128xi32, #tpu.memory_space<hbm>>
      %dma_wait3A_91 = arith.constant 0 : i32
      %dma_wait3A_92 = arith.constant 0 : i32
      %dma_wait3A_93 = tpu.memref_slice %arg5[%dma_wait3A, %dma_wait3A_91, %dma_wait3A_92] : memref<4x2x128xi32, #tpu.memory_space<vmem>> -> memref<1x2x128xi32, #tpu.memory_space<vmem>>
      %dma_wait3A_94 = tpu.memref_squeeze %dma_wait3A_93 : memref<1x2x128xi32, #tpu.memory_space<vmem>> -> memref<2x128xi32, #tpu.memory_space<vmem>>
      %dma_wait3A_95 = arith.constant 0 : i32
      %dma_wait3A_96 = arith.constant 0 : i32
      %dma_wait3A_97 = tpu.memref_slice %arg3[%add3A, %add3A_82, %dma_wait3A_95, %dma_wait3A_96] : memref<32x116x2x128xi32, #tpu.memory_space<hbm>> -> memref<1x1x2x128xi32, #tpu.memory_space<hbm>>
      %dma_wait3A_98 = tpu.memref_squeeze %dma_wait3A_97 : memref<1x1x2x128xi32, #tpu.memory_space<hbm>> -> memref<2x128xi32, #tpu.memory_space<hbm>>
      tpu.wait_dma2 semaphore(%arg13 : memref<!tpu.dma_semaphore, #tpu.memory_space<semaphore_mem>>) src(%dma_wait3A_98 : memref<2x128xi32, #tpu.memory_space<hbm>>) dst(%dma_wait3A_94 : memref<2x128xi32, #tpu.memory_space<vmem>>)
      %add3A_99 = arith.constant 1 : i32
      %add3A_100 = arith.addi %add3A_57, %add3A_99 : i32
      %dma_start3A_101 = arith.constant 1 : i32
      %dma_start3A_102 = arith.constant 0 : i32
      %dma_start3A_103 = arith.constant 1 : i32
      %dma_start3A_104 = arith.constant 0 : i32
      %dma_start3A_105 = arith.constant 0 : i32
      %dma_start3A_106 = tpu.memref_slice %arg6[%dma_start3A_103, %dma_start3A_104, %dma_start3A_105] : memref<2x128x128xf32, #tpu.memory_space<vmem>> -> memref<1x128x128xf32, #tpu.memory_space<vmem>>
      %dma_start3A_107 = tpu.memref_squeeze %dma_start3A_106 : memref<1x128x128xf32, #tpu.memory_space<vmem>> -> memref<128x128xf32, #tpu.memory_space<vmem>>
      %dma_start3A_108 = arith.constant 0 : i32
      %dma_start3A_109 = tpu.memref_slice %arg5[%dma_start3A_101, %dma_start3A_102, %dma_start3A_108] : memref<4x2x128xi32, #tpu.memory_space<vmem>> -> memref<1x1x128xi32, #tpu.memory_space<vmem>>
      %dma_start3A_110 = tpu.memref_squeeze %dma_start3A_109 : memref<1x1x128xi32, #tpu.memory_space<vmem>> -> memref<128xi32, #tpu.memory_space<vmem>>
      %dma_start3A_111 = arith.constant 0 : i32
      %dma_start3A_112 = arith.constant 0 : i32
      %dma_start3A_113 = tpu.memref_slice %arg2[%dma_start3A_111, %dma_start3A_112] : memref<10240x128xf32, #tpu.memory_space<hbm>> -> memref<10240x128xf32, #tpu.memory_space<hbm>>
      tpu.enqueue_indirect_dma source(%dma_start3A_113 : memref<10240x128xf32, #tpu.memory_space<hbm>>) target(%dma_start3A_107 : memref<128x128xf32, #tpu.memory_space<vmem>>) offsets(%dma_start3A_110 : memref<128xi32, #tpu.memory_space<vmem>>) semaphore(%arg9 : memref<!tpu.dma_semaphore, #tpu.memory_space<semaphore_mem>>)
      %dma_wait3A_114 = arith.constant 0 : i32
      %dma_wait3A_115 = arith.constant 0 : i32
      %dma_wait3A_116 = arith.constant 0 : i32
      %dma_wait3A_117 = arith.constant 0 : i32
      %dma_wait3A_118 = arith.constant 0 : i32
      %dma_wait3A_119 = tpu.memref_slice %arg6[%dma_wait3A_116, %dma_wait3A_117, %dma_wait3A_118] : memref<2x128x128xf32, #tpu.memory_space<vmem>> -> memref<1x128x128xf32, #tpu.memory_space<vmem>>
      %dma_wait3A_120 = tpu.memref_squeeze %dma_wait3A_119 : memref<1x128x128xf32, #tpu.memory_space<vmem>> -> memref<128x128xf32, #tpu.memory_space<vmem>>
      %dma_wait3A_121 = arith.constant 0 : i32
      %dma_wait3A_122 = tpu.memref_slice %arg5[%dma_wait3A_114, %dma_wait3A_115, %dma_wait3A_121] : memref<4x2x128xi32, #tpu.memory_space<vmem>> -> memref<1x1x128xi32, #tpu.memory_space<vmem>>
      %dma_wait3A_123 = tpu.memref_squeeze %dma_wait3A_122 : memref<1x1x128xi32, #tpu.memory_space<vmem>> -> memref<128xi32, #tpu.memory_space<vmem>>
      %dma_wait3A_124 = arith.constant 0 : i32
      %dma_wait3A_125 = arith.constant 0 : i32
      %dma_wait3A_126 = tpu.memref_slice %arg2[%dma_wait3A_124, %dma_wait3A_125] : memref<10240x128xf32, #tpu.memory_space<hbm>> -> memref<10240x128xf32, #tpu.memory_space<hbm>>
      tpu.wait_indirect_dma semaphore(%arg8 : memref<!tpu.dma_semaphore, #tpu.memory_space<semaphore_mem>>) src(%dma_wait3A_126 : memref<10240x128xf32, #tpu.memory_space<hbm>>) dst(%dma_wait3A_120 : memref<128x128xf32, #tpu.memory_space<vmem>>)
      %dma_start3A_127 = arith.constant 0 : i32
      %dma_start3A_128 = arith.constant 0 : i32
      %dma_start3A_129 = arith.constant 1 : i32
      %dma_start3A_130 = arith.constant 0 : i32
      %dma_start3A_131 = arith.constant 0 : i32
      %dma_start3A_132 = tpu.memref_slice %arg6[%dma_start3A_127, %dma_start3A_130, %dma_start3A_131] : memref<2x128x128xf32, #tpu.memory_space<vmem>> -> memref<1x128x128xf32, #tpu.memory_space<vmem>>
      %dma_start3A_133 = tpu.memref_squeeze %dma_start3A_132 : memref<1x128x128xf32, #tpu.memory_space<vmem>> -> memref<128x128xf32, #tpu.memory_space<vmem>>
      %dma_start3A_134 = arith.constant 0 : i32
      %dma_start3A_135 = tpu.memref_slice %arg5[%dma_start3A_128, %dma_start3A_129, %dma_start3A_134] : memref<4x2x128xi32, #tpu.memory_space<vmem>> -> memref<1x1x128xi32, #tpu.memory_space<vmem>>
      %dma_start3A_136 = tpu.memref_squeeze %dma_start3A_135 : memref<1x1x128xi32, #tpu.memory_space<vmem>> -> memref<128xi32, #tpu.memory_space<vmem>>
      %dma_start3A_137 = arith.constant 0 : i32
      %dma_start3A_138 = arith.constant 0 : i32
      %dma_start3A_139 = tpu.memref_slice %arg7[%dma_start3A_137, %dma_start3A_138] : memref<10240x128xf32, #tpu.memory_space<vmem_shared>> -> memref<10240x128xf32, #tpu.memory_space<vmem_shared>>
      tpu.enqueue_indirect_dma source(%dma_start3A_133 : memref<128x128xf32, #tpu.memory_space<vmem>>) target(%dma_start3A_139 : memref<10240x128xf32, #tpu.memory_space<vmem_shared>>) offsets(%dma_start3A_136 : memref<128xi32, #tpu.memory_space<vmem>>) semaphore(%arg10 : memref<!tpu.dma_semaphore, #tpu.memory_space<semaphore_mem>>) {add = true}
      %mul3A_140 = arith.constant 4 : i32
      %mul3A_141 = arith.muli %while3A_53, %mul3A_140 : i32
      %add3A_142 = arith.constant 1 : i32
      %add3A_143 = arith.addi %mul3A_141, %add3A_142 : i32
      %sub3A = arith.constant 1 : i32
      %sub3A_144 = arith.subi %add3A_143, %sub3A : i32
      %dma_wait3A_145 = arith.constant 0 : i32
      %dma_wait3A_146 = arith.constant 0 : i32
      %dma_wait3A_147 = arith.constant 1 : i32
      %dma_wait3A_148 = arith.constant 0 : i32
      %dma_wait3A_149 = arith.constant 0 : i32
      %dma_wait3A_150 = tpu.memref_slice %arg6[%dma_wait3A_145, %dma_wait3A_148, %dma_wait3A_149] : memref<2x128x128xf32, #tpu.memory_space<vmem>> -> memref<1x128x128xf32, #tpu.memory_space<vmem>>
      %dma_wait3A_151 = tpu.memref_squeeze %dma_wait3A_150 : memref<1x128x128xf32, #tpu.memory_space<vmem>> -> memref<128x128xf32, #tpu.memory_space<vmem>>
      %dma_wait3A_152 = arith.constant 0 : i32
      %dma_wait3A_153 = tpu.memref_slice %arg5[%dma_wait3A_146, %dma_wait3A_147, %dma_wait3A_152] : memref<4x2x128xi32, #tpu.memory_space<vmem>> -> memref<1x1x128xi32, #tpu.memory_space<vmem>>
      %dma_wait3A_154 = tpu.memref_squeeze %dma_wait3A_153 : memref<1x1x128xi32, #tpu.memory_space<vmem>> -> memref<128xi32, #tpu.memory_space<vmem>>
      %dma_wait3A_155 = arith.constant 0 : i32
      %dma_wait3A_156 = arith.constant 0 : i32
      %dma_wait3A_157 = tpu.memref_slice %arg7[%dma_wait3A_155, %dma_wait3A_156] : memref<10240x128xf32, #tpu.memory_space<vmem_shared>> -> memref<10240x128xf32, #tpu.memory_space<vmem_shared>>
      tpu.wait_indirect_dma semaphore(%arg10 : memref<!tpu.dma_semaphore, #tpu.memory_space<semaphore_mem>>) src(%dma_wait3A_151 : memref<128x128xf32, #tpu.memory_space<vmem>>) dst(%dma_wait3A_157 : memref<10240x128xf32, #tpu.memory_space<vmem_shared>>)
      %sub3A_158 = arith.constant 1 : i32
      %sub3A_159 = arith.subi %select_n3A, %sub3A_158 : i32
      %lt3A = arith.cmpi slt, %while3A_53, %sub3A_159 : i32
      %convert_element_type3A_160 = arith.extui %lt3A : i1 to i32
      %cond3A_161 = arith.constant 0 : i32
      %cond3A_162 = arith.cmpi ne, %convert_element_type3A_160, %cond3A_161 : i32
      scf.if %cond3A_162 {
        %add3A_365 = arith.constant 3 : i32
        %add3A_366 = arith.addi %add3A_143, %add3A_365 : i32
        %dma_start3A_367 = arith.constant 0 : i32
        %dma_start3A_368 = arith.constant 0 : i32
        %dma_start3A_369 = arith.constant 0 : i32
        %dma_start3A_370 = tpu.memref_slice %arg5[%dma_start3A_367, %dma_start3A_368, %dma_start3A_369] : memref<4x2x128xi32, #tpu.memory_space<vmem>> -> memref<1x2x128xi32, #tpu.memory_space<vmem>>
        %dma_start3A_371 = tpu.memref_squeeze %dma_start3A_370 : memref<1x2x128xi32, #tpu.memory_space<vmem>> -> memref<2x128xi32, #tpu.memory_space<vmem>>
        %dma_start3A_372 = arith.constant 0 : i32
        %dma_start3A_373 = arith.constant 0 : i32
        %dma_start3A_374 = tpu.memref_slice %arg3[%add3A, %add3A_366, %dma_start3A_372, %dma_start3A_373] : memref<32x116x2x128xi32, #tpu.memory_space<hbm>> -> memref<1x1x2x128xi32, #tpu.memory_space<hbm>>
        %dma_start3A_375 = tpu.memref_squeeze %dma_start3A_374 : memref<1x1x2x128xi32, #tpu.memory_space<hbm>> -> memref<2x128xi32, #tpu.memory_space<hbm>>
        %dma_start3A_376 = arith.constant 0 : i32
        %dma_start3A_377 = arith.constant 0 : i32
        %dma_start3A_378 = tpu.memref_slice %arg5[%dma_start3A_367, %dma_start3A_376, %dma_start3A_377] : memref<4x2x128xi32, #tpu.memory_space<vmem>> -> memref<1x2x128xi32, #tpu.memory_space<vmem>>
        %dma_start3A_379 = tpu.memref_squeeze %dma_start3A_378 : memref<1x2x128xi32, #tpu.memory_space<vmem>> -> memref<2x128xi32, #tpu.memory_space<vmem>>
        %dma_start3A_380 = arith.constant 0 : i32
        %dma_start3A_381 = arith.constant 0 : i32
        %dma_start3A_382 = tpu.memref_slice %arg3[%add3A, %add3A_366, %dma_start3A_380, %dma_start3A_381] : memref<32x116x2x128xi32, #tpu.memory_space<hbm>> -> memref<1x1x2x128xi32, #tpu.memory_space<hbm>>
        %dma_start3A_383 = tpu.memref_squeeze %dma_start3A_382 : memref<1x1x2x128xi32, #tpu.memory_space<hbm>> -> memref<2x128xi32, #tpu.memory_space<hbm>>
        tpu.enqueue_dma source(%dma_start3A_383 : memref<2x128xi32, #tpu.memory_space<hbm>>) target(%dma_start3A_379 : memref<2x128xi32, #tpu.memory_space<vmem>>) target_semaphore(%arg12 : memref<!tpu.dma_semaphore, #tpu.memory_space<semaphore_mem>>)
      } else {
      }
      %add3A_163 = arith.constant 1 : i32
      %add3A_164 = arith.addi %add3A_143, %add3A_163 : i32
      %dma_wait3A_165 = arith.constant 2 : i32
      %dma_wait3A_166 = arith.constant 0 : i32
      %dma_wait3A_167 = arith.constant 0 : i32
      %dma_wait3A_168 = tpu.memref_slice %arg5[%dma_wait3A_165, %dma_wait3A_166, %dma_wait3A_167] : memref<4x2x128xi32, #tpu.memory_space<vmem>> -> memref<1x2x128xi32, #tpu.memory_space<vmem>>
      %dma_wait3A_169 = tpu.memref_squeeze %dma_wait3A_168 : memref<1x2x128xi32, #tpu.memory_space<vmem>> -> memref<2x128xi32, #tpu.memory_space<vmem>>
      %dma_wait3A_170 = arith.constant 0 : i32
      %dma_wait3A_171 = arith.constant 0 : i32
      %dma_wait3A_172 = tpu.memref_slice %arg3[%add3A, %add3A_164, %dma_wait3A_170, %dma_wait3A_171] : memref<32x116x2x128xi32, #tpu.memory_space<hbm>> -> memref<1x1x2x128xi32, #tpu.memory_space<hbm>>
      %dma_wait3A_173 = tpu.memref_squeeze %dma_wait3A_172 : memref<1x1x2x128xi32, #tpu.memory_space<hbm>> -> memref<2x128xi32, #tpu.memory_space<hbm>>
      %dma_wait3A_174 = arith.constant 0 : i32
      %dma_wait3A_175 = arith.constant 0 : i32
      %dma_wait3A_176 = tpu.memref_slice %arg5[%dma_wait3A_165, %dma_wait3A_174, %dma_wait3A_175] : memref<4x2x128xi32, #tpu.memory_space<vmem>> -> memref<1x2x128xi32, #tpu.memory_space<vmem>>
      %dma_wait3A_177 = tpu.memref_squeeze %dma_wait3A_176 : memref<1x2x128xi32, #tpu.memory_space<vmem>> -> memref<2x128xi32, #tpu.memory_space<vmem>>
      %dma_wait3A_178 = arith.constant 0 : i32
      %dma_wait3A_179 = arith.constant 0 : i32
      %dma_wait3A_180 = tpu.memref_slice %arg3[%add3A, %add3A_164, %dma_wait3A_178, %dma_wait3A_179] : memref<32x116x2x128xi32, #tpu.memory_space<hbm>> -> memref<1x1x2x128xi32, #tpu.memory_space<hbm>>
      %dma_wait3A_181 = tpu.memref_squeeze %dma_wait3A_180 : memref<1x1x2x128xi32, #tpu.memory_space<hbm>> -> memref<2x128xi32, #tpu.memory_space<hbm>>
      tpu.wait_dma2 semaphore(%arg14 : memref<!tpu.dma_semaphore, #tpu.memory_space<semaphore_mem>>) src(%dma_wait3A_181 : memref<2x128xi32, #tpu.memory_space<hbm>>) dst(%dma_wait3A_177 : memref<2x128xi32, #tpu.memory_space<vmem>>)
      %add3A_182 = arith.constant 1 : i32
      %add3A_183 = arith.addi %add3A_143, %add3A_182 : i32
      %dma_start3A_184 = arith.constant 2 : i32
      %dma_start3A_185 = arith.constant 0 : i32
      %dma_start3A_186 = arith.constant 0 : i32
      %dma_start3A_187 = arith.constant 0 : i32
      %dma_start3A_188 = arith.constant 0 : i32
      %dma_start3A_189 = tpu.memref_slice %arg6[%dma_start3A_186, %dma_start3A_187, %dma_start3A_188] : memref<2x128x128xf32, #tpu.memory_space<vmem>> -> memref<1x128x128xf32, #tpu.memory_space<vmem>>
      %dma_start3A_190 = tpu.memref_squeeze %dma_start3A_189 : memref<1x128x128xf32, #tpu.memory_space<vmem>> -> memref<128x128xf32, #tpu.memory_space<vmem>>
      %dma_start3A_191 = arith.constant 0 : i32
      %dma_start3A_192 = tpu.memref_slice %arg5[%dma_start3A_184, %dma_start3A_185, %dma_start3A_191] : memref<4x2x128xi32, #tpu.memory_space<vmem>> -> memref<1x1x128xi32, #tpu.memory_space<vmem>>
      %dma_start3A_193 = tpu.memref_squeeze %dma_start3A_192 : memref<1x1x128xi32, #tpu.memory_space<vmem>> -> memref<128xi32, #tpu.memory_space<vmem>>
      %dma_start3A_194 = arith.constant 0 : i32
      %dma_start3A_195 = arith.constant 0 : i32
      %dma_start3A_196 = tpu.memref_slice %arg2[%dma_start3A_194, %dma_start3A_195] : memref<10240x128xf32, #tpu.memory_space<hbm>> -> memref<10240x128xf32, #tpu.memory_space<hbm>>
      tpu.enqueue_indirect_dma source(%dma_start3A_196 : memref<10240x128xf32, #tpu.memory_space<hbm>>) target(%dma_start3A_190 : memref<128x128xf32, #tpu.memory_space<vmem>>) offsets(%dma_start3A_193 : memref<128xi32, #tpu.memory_space<vmem>>) semaphore(%arg8 : memref<!tpu.dma_semaphore, #tpu.memory_space<semaphore_mem>>)
      %dma_wait3A_197 = arith.constant 1 : i32
      %dma_wait3A_198 = arith.constant 0 : i32
      %dma_wait3A_199 = arith.constant 1 : i32
      %dma_wait3A_200 = arith.constant 0 : i32
      %dma_wait3A_201 = arith.constant 0 : i32
      %dma_wait3A_202 = tpu.memref_slice %arg6[%dma_wait3A_199, %dma_wait3A_200, %dma_wait3A_201] : memref<2x128x128xf32, #tpu.memory_space<vmem>> -> memref<1x128x128xf32, #tpu.memory_space<vmem>>
      %dma_wait3A_203 = tpu.memref_squeeze %dma_wait3A_202 : memref<1x128x128xf32, #tpu.memory_space<vmem>> -> memref<128x128xf32, #tpu.memory_space<vmem>>
      %dma_wait3A_204 = arith.constant 0 : i32
      %dma_wait3A_205 = tpu.memref_slice %arg5[%dma_wait3A_197, %dma_wait3A_198, %dma_wait3A_204] : memref<4x2x128xi32, #tpu.memory_space<vmem>> -> memref<1x1x128xi32, #tpu.memory_space<vmem>>
      %dma_wait3A_206 = tpu.memref_squeeze %dma_wait3A_205 : memref<1x1x128xi32, #tpu.memory_space<vmem>> -> memref<128xi32, #tpu.memory_space<vmem>>
      %dma_wait3A_207 = arith.constant 0 : i32
      %dma_wait3A_208 = arith.constant 0 : i32
      %dma_wait3A_209 = tpu.memref_slice %arg2[%dma_wait3A_207, %dma_wait3A_208] : memref<10240x128xf32, #tpu.memory_space<hbm>> -> memref<10240x128xf32, #tpu.memory_space<hbm>>
      tpu.wait_indirect_dma semaphore(%arg9 : memref<!tpu.dma_semaphore, #tpu.memory_space<semaphore_mem>>) src(%dma_wait3A_209 : memref<10240x128xf32, #tpu.memory_space<hbm>>) dst(%dma_wait3A_203 : memref<128x128xf32, #tpu.memory_space<vmem>>)
      %dma_start3A_210 = arith.constant 1 : i32
      %dma_start3A_211 = arith.constant 1 : i32
      %dma_start3A_212 = arith.constant 1 : i32
      %dma_start3A_213 = arith.constant 0 : i32
      %dma_start3A_214 = arith.constant 0 : i32
      %dma_start3A_215 = tpu.memref_slice %arg6[%dma_start3A_210, %dma_start3A_213, %dma_start3A_214] : memref<2x128x128xf32, #tpu.memory_space<vmem>> -> memref<1x128x128xf32, #tpu.memory_space<vmem>>
      %dma_start3A_216 = tpu.memref_squeeze %dma_start3A_215 : memref<1x128x128xf32, #tpu.memory_space<vmem>> -> memref<128x128xf32, #tpu.memory_space<vmem>>
      %dma_start3A_217 = arith.constant 0 : i32
      %dma_start3A_218 = tpu.memref_slice %arg5[%dma_start3A_211, %dma_start3A_212, %dma_start3A_217] : memref<4x2x128xi32, #tpu.memory_space<vmem>> -> memref<1x1x128xi32, #tpu.memory_space<vmem>>
      %dma_start3A_219 = tpu.memref_squeeze %dma_start3A_218 : memref<1x1x128xi32, #tpu.memory_space<vmem>> -> memref<128xi32, #tpu.memory_space<vmem>>
      %dma_start3A_220 = arith.constant 0 : i32
      %dma_start3A_221 = arith.constant 0 : i32
      %dma_start3A_222 = tpu.memref_slice %arg7[%dma_start3A_220, %dma_start3A_221] : memref<10240x128xf32, #tpu.memory_space<vmem_shared>> -> memref<10240x128xf32, #tpu.memory_space<vmem_shared>>
      tpu.enqueue_indirect_dma source(%dma_start3A_216 : memref<128x128xf32, #tpu.memory_space<vmem>>) target(%dma_start3A_222 : memref<10240x128xf32, #tpu.memory_space<vmem_shared>>) offsets(%dma_start3A_219 : memref<128xi32, #tpu.memory_space<vmem>>) semaphore(%arg11 : memref<!tpu.dma_semaphore, #tpu.memory_space<semaphore_mem>>) {add = true}
      %mul3A_223 = arith.constant 4 : i32
      %mul3A_224 = arith.muli %while3A_53, %mul3A_223 : i32
      %add3A_225 = arith.constant 2 : i32
      %add3A_226 = arith.addi %mul3A_224, %add3A_225 : i32
      %sub3A_227 = arith.constant 1 : i32
      %sub3A_228 = arith.subi %add3A_226, %sub3A_227 : i32
      %dma_wait3A_229 = arith.constant 1 : i32
      %dma_wait3A_230 = arith.constant 1 : i32
      %dma_wait3A_231 = arith.constant 1 : i32
      %dma_wait3A_232 = arith.constant 0 : i32
      %dma_wait3A_233 = arith.constant 0 : i32
      %dma_wait3A_234 = tpu.memref_slice %arg6[%dma_wait3A_229, %dma_wait3A_232, %dma_wait3A_233] : memref<2x128x128xf32, #tpu.memory_space<vmem>> -> memref<1x128x128xf32, #tpu.memory_space<vmem>>
      %dma_wait3A_235 = tpu.memref_squeeze %dma_wait3A_234 : memref<1x128x128xf32, #tpu.memory_space<vmem>> -> memref<128x128xf32, #tpu.memory_space<vmem>>
      %dma_wait3A_236 = arith.constant 0 : i32
      %dma_wait3A_237 = tpu.memref_slice %arg5[%dma_wait3A_230, %dma_wait3A_231, %dma_wait3A_236] : memref<4x2x128xi32, #tpu.memory_space<vmem>> -> memref<1x1x128xi32, #tpu.memory_space<vmem>>
      %dma_wait3A_238 = tpu.memref_squeeze %dma_wait3A_237 : memref<1x1x128xi32, #tpu.memory_space<vmem>> -> memref<128xi32, #tpu.memory_space<vmem>>
      %dma_wait3A_239 = arith.constant 0 : i32
      %dma_wait3A_240 = arith.constant 0 : i32
      %dma_wait3A_241 = tpu.memref_slice %arg7[%dma_wait3A_239, %dma_wait3A_240] : memref<10240x128xf32, #tpu.memory_space<vmem_shared>> -> memref<10240x128xf32, #tpu.memory_space<vmem_shared>>
      tpu.wait_indirect_dma semaphore(%arg11 : memref<!tpu.dma_semaphore, #tpu.memory_space<semaphore_mem>>) src(%dma_wait3A_235 : memref<128x128xf32, #tpu.memory_space<vmem>>) dst(%dma_wait3A_241 : memref<10240x128xf32, #tpu.memory_space<vmem_shared>>)
      %sub3A_242 = arith.constant 1 : i32
      %sub3A_243 = arith.subi %select_n3A, %sub3A_242 : i32
      %lt3A_244 = arith.cmpi slt, %while3A_53, %sub3A_243 : i32
      %convert_element_type3A_245 = arith.extui %lt3A_244 : i1 to i32
      %cond3A_246 = arith.constant 0 : i32
      %cond3A_247 = arith.cmpi ne, %convert_element_type3A_245, %cond3A_246 : i32
      scf.if %cond3A_247 {
        %add3A_365 = arith.constant 3 : i32
        %add3A_366 = arith.addi %add3A_226, %add3A_365 : i32
        %dma_start3A_367 = arith.constant 1 : i32
        %dma_start3A_368 = arith.constant 0 : i32
        %dma_start3A_369 = arith.constant 0 : i32
        %dma_start3A_370 = tpu.memref_slice %arg5[%dma_start3A_367, %dma_start3A_368, %dma_start3A_369] : memref<4x2x128xi32, #tpu.memory_space<vmem>> -> memref<1x2x128xi32, #tpu.memory_space<vmem>>
        %dma_start3A_371 = tpu.memref_squeeze %dma_start3A_370 : memref<1x2x128xi32, #tpu.memory_space<vmem>> -> memref<2x128xi32, #tpu.memory_space<vmem>>
        %dma_start3A_372 = arith.constant 0 : i32
        %dma_start3A_373 = arith.constant 0 : i32
        %dma_start3A_374 = tpu.memref_slice %arg3[%add3A, %add3A_366, %dma_start3A_372, %dma_start3A_373] : memref<32x116x2x128xi32, #tpu.memory_space<hbm>> -> memref<1x1x2x128xi32, #tpu.memory_space<hbm>>
        %dma_start3A_375 = tpu.memref_squeeze %dma_start3A_374 : memref<1x1x2x128xi32, #tpu.memory_space<hbm>> -> memref<2x128xi32, #tpu.memory_space<hbm>>
        %dma_start3A_376 = arith.constant 0 : i32
        %dma_start3A_377 = arith.constant 0 : i32
        %dma_start3A_378 = tpu.memref_slice %arg5[%dma_start3A_367, %dma_start3A_376, %dma_start3A_377] : memref<4x2x128xi32, #tpu.memory_space<vmem>> -> memref<1x2x128xi32, #tpu.memory_space<vmem>>
        %dma_start3A_379 = tpu.memref_squeeze %dma_start3A_378 : memref<1x2x128xi32, #tpu.memory_space<vmem>> -> memref<2x128xi32, #tpu.memory_space<vmem>>
        %dma_start3A_380 = arith.constant 0 : i32
        %dma_start3A_381 = arith.constant 0 : i32
        %dma_start3A_382 = tpu.memref_slice %arg3[%add3A, %add3A_366, %dma_start3A_380, %dma_start3A_381] : memref<32x116x2x128xi32, #tpu.memory_space<hbm>> -> memref<1x1x2x128xi32, #tpu.memory_space<hbm>>
        %dma_start3A_383 = tpu.memref_squeeze %dma_start3A_382 : memref<1x1x2x128xi32, #tpu.memory_space<hbm>> -> memref<2x128xi32, #tpu.memory_space<hbm>>
        tpu.enqueue_dma source(%dma_start3A_383 : memref<2x128xi32, #tpu.memory_space<hbm>>) target(%dma_start3A_379 : memref<2x128xi32, #tpu.memory_space<vmem>>) target_semaphore(%arg13 : memref<!tpu.dma_semaphore, #tpu.memory_space<semaphore_mem>>)
      } else {
      }
      %add3A_248 = arith.constant 1 : i32
      %add3A_249 = arith.addi %add3A_226, %add3A_248 : i32
      %dma_wait3A_250 = arith.constant 3 : i32
      %dma_wait3A_251 = arith.constant 0 : i32
      %dma_wait3A_252 = arith.constant 0 : i32
      %dma_wait3A_253 = tpu.memref_slice %arg5[%dma_wait3A_250, %dma_wait3A_251, %dma_wait3A_252] : memref<4x2x128xi32, #tpu.memory_space<vmem>> -> memref<1x2x128xi32, #tpu.memory_space<vmem>>
      %dma_wait3A_254 = tpu.memref_squeeze %dma_wait3A_253 : memref<1x2x128xi32, #tpu.memory_space<vmem>> -> memref<2x128xi32, #tpu.memory_space<vmem>>
      %dma_wait3A_255 = arith.constant 0 : i32
      %dma_wait3A_256 = arith.constant 0 : i32
      %dma_wait3A_257 = tpu.memref_slice %arg3[%add3A, %add3A_249, %dma_wait3A_255, %dma_wait3A_256] : memref<32x116x2x128xi32, #tpu.memory_space<hbm>> -> memref<1x1x2x128xi32, #tpu.memory_space<hbm>>
      %dma_wait3A_258 = tpu.memref_squeeze %dma_wait3A_257 : memref<1x1x2x128xi32, #tpu.memory_space<hbm>> -> memref<2x128xi32, #tpu.memory_space<hbm>>
      %dma_wait3A_259 = arith.constant 0 : i32
      %dma_wait3A_260 = arith.constant 0 : i32
      %dma_wait3A_261 = tpu.memref_slice %arg5[%dma_wait3A_250, %dma_wait3A_259, %dma_wait3A_260] : memref<4x2x128xi32, #tpu.memory_space<vmem>> -> memref<1x2x128xi32, #tpu.memory_space<vmem>>
      %dma_wait3A_262 = tpu.memref_squeeze %dma_wait3A_261 : memref<1x2x128xi32, #tpu.memory_space<vmem>> -> memref<2x128xi32, #tpu.memory_space<vmem>>
      %dma_wait3A_263 = arith.constant 0 : i32
      %dma_wait3A_264 = arith.constant 0 : i32
      %dma_wait3A_265 = tpu.memref_slice %arg3[%add3A, %add3A_249, %dma_wait3A_263, %dma_wait3A_264] : memref<32x116x2x128xi32, #tpu.memory_space<hbm>> -> memref<1x1x2x128xi32, #tpu.memory_space<hbm>>
      %dma_wait3A_266 = tpu.memref_squeeze %dma_wait3A_265 : memref<1x1x2x128xi32, #tpu.memory_space<hbm>> -> memref<2x128xi32, #tpu.memory_space<hbm>>
      tpu.wait_dma2 semaphore(%arg15 : memref<!tpu.dma_semaphore, #tpu.memory_space<semaphore_mem>>) src(%dma_wait3A_266 : memref<2x128xi32, #tpu.memory_space<hbm>>) dst(%dma_wait3A_262 : memref<2x128xi32, #tpu.memory_space<vmem>>)
      %add3A_267 = arith.constant 1 : i32
      %add3A_268 = arith.addi %add3A_226, %add3A_267 : i32
      %dma_start3A_269 = arith.constant 3 : i32
      %dma_start3A_270 = arith.constant 0 : i32
      %dma_start3A_271 = arith.constant 1 : i32
      %dma_start3A_272 = arith.constant 0 : i32
      %dma_start3A_273 = arith.constant 0 : i32
      %dma_start3A_274 = tpu.memref_slice %arg6[%dma_start3A_271, %dma_start3A_272, %dma_start3A_273] : memref<2x128x128xf32, #tpu.memory_space<vmem>> -> memref<1x128x128xf32, #tpu.memory_space<vmem>>
      %dma_start3A_275 = tpu.memref_squeeze %dma_start3A_274 : memref<1x128x128xf32, #tpu.memory_space<vmem>> -> memref<128x128xf32, #tpu.memory_space<vmem>>
      %dma_start3A_276 = arith.constant 0 : i32
      %dma_start3A_277 = tpu.memref_slice %arg5[%dma_start3A_269, %dma_start3A_270, %dma_start3A_276] : memref<4x2x128xi32, #tpu.memory_space<vmem>> -> memref<1x1x128xi32, #tpu.memory_space<vmem>>
      %dma_start3A_278 = tpu.memref_squeeze %dma_start3A_277 : memref<1x1x128xi32, #tpu.memory_space<vmem>> -> memref<128xi32, #tpu.memory_space<vmem>>
      %dma_start3A_279 = arith.constant 0 : i32
      %dma_start3A_280 = arith.constant 0 : i32
      %dma_start3A_281 = tpu.memref_slice %arg2[%dma_start3A_279, %dma_start3A_280] : memref<10240x128xf32, #tpu.memory_space<hbm>> -> memref<10240x128xf32, #tpu.memory_space<hbm>>
      tpu.enqueue_indirect_dma source(%dma_start3A_281 : memref<10240x128xf32, #tpu.memory_space<hbm>>) target(%dma_start3A_275 : memref<128x128xf32, #tpu.memory_space<vmem>>) offsets(%dma_start3A_278 : memref<128xi32, #tpu.memory_space<vmem>>) semaphore(%arg9 : memref<!tpu.dma_semaphore, #tpu.memory_space<semaphore_mem>>)
      %dma_wait3A_282 = arith.constant 2 : i32
      %dma_wait3A_283 = arith.constant 0 : i32
      %dma_wait3A_284 = arith.constant 0 : i32
      %dma_wait3A_285 = arith.constant 0 : i32
      %dma_wait3A_286 = arith.constant 0 : i32
      %dma_wait3A_287 = tpu.memref_slice %arg6[%dma_wait3A_284, %dma_wait3A_285, %dma_wait3A_286] : memref<2x128x128xf32, #tpu.memory_space<vmem>> -> memref<1x128x128xf32, #tpu.memory_space<vmem>>
      %dma_wait3A_288 = tpu.memref_squeeze %dma_wait3A_287 : memref<1x128x128xf32, #tpu.memory_space<vmem>> -> memref<128x128xf32, #tpu.memory_space<vmem>>
      %dma_wait3A_289 = arith.constant 0 : i32
      %dma_wait3A_290 = tpu.memref_slice %arg5[%dma_wait3A_282, %dma_wait3A_283, %dma_wait3A_289] : memref<4x2x128xi32, #tpu.memory_space<vmem>> -> memref<1x1x128xi32, #tpu.memory_space<vmem>>
      %dma_wait3A_291 = tpu.memref_squeeze %dma_wait3A_290 : memref<1x1x128xi32, #tpu.memory_space<vmem>> -> memref<128xi32, #tpu.memory_space<vmem>>
      %dma_wait3A_292 = arith.constant 0 : i32
      %dma_wait3A_293 = arith.constant 0 : i32
      %dma_wait3A_294 = tpu.memref_slice %arg2[%dma_wait3A_292, %dma_wait3A_293] : memref<10240x128xf32, #tpu.memory_space<hbm>> -> memref<10240x128xf32, #tpu.memory_space<hbm>>
      tpu.wait_indirect_dma semaphore(%arg8 : memref<!tpu.dma_semaphore, #tpu.memory_space<semaphore_mem>>) src(%dma_wait3A_294 : memref<10240x128xf32, #tpu.memory_space<hbm>>) dst(%dma_wait3A_288 : memref<128x128xf32, #tpu.memory_space<vmem>>)
      %dma_start3A_295 = arith.constant 0 : i32
      %dma_start3A_296 = arith.constant 2 : i32
      %dma_start3A_297 = arith.constant 1 : i32
      %dma_start3A_298 = arith.constant 0 : i32
      %dma_start3A_299 = arith.constant 0 : i32
      %dma_start3A_300 = tpu.memref_slice %arg6[%dma_start3A_295, %dma_start3A_298, %dma_start3A_299] : memref<2x128x128xf32, #tpu.memory_space<vmem>> -> memref<1x128x128xf32, #tpu.memory_space<vmem>>
      %dma_start3A_301 = tpu.memref_squeeze %dma_start3A_300 : memref<1x128x128xf32, #tpu.memory_space<vmem>> -> memref<128x128xf32, #tpu.memory_space<vmem>>
      %dma_start3A_302 = arith.constant 0 : i32
      %dma_start3A_303 = tpu.memref_slice %arg5[%dma_start3A_296, %dma_start3A_297, %dma_start3A_302] : memref<4x2x128xi32, #tpu.memory_space<vmem>> -> memref<1x1x128xi32, #tpu.memory_space<vmem>>
      %dma_start3A_304 = tpu.memref_squeeze %dma_start3A_303 : memref<1x1x128xi32, #tpu.memory_space<vmem>> -> memref<128xi32, #tpu.memory_space<vmem>>
      %dma_start3A_305 = arith.constant 0 : i32
      %dma_start3A_306 = arith.constant 0 : i32
      %dma_start3A_307 = tpu.memref_slice %arg7[%dma_start3A_305, %dma_start3A_306] : memref<10240x128xf32, #tpu.memory_space<vmem_shared>> -> memref<10240x128xf32, #tpu.memory_space<vmem_shared>>
      tpu.enqueue_indirect_dma source(%dma_start3A_301 : memref<128x128xf32, #tpu.memory_space<vmem>>) target(%dma_start3A_307 : memref<10240x128xf32, #tpu.memory_space<vmem_shared>>) offsets(%dma_start3A_304 : memref<128xi32, #tpu.memory_space<vmem>>) semaphore(%arg10 : memref<!tpu.dma_semaphore, #tpu.memory_space<semaphore_mem>>) {add = true}
      %mul3A_308 = arith.constant 4 : i32
      %mul3A_309 = arith.muli %while3A_53, %mul3A_308 : i32
      %add3A_310 = arith.constant 3 : i32
      %add3A_311 = arith.addi %mul3A_309, %add3A_310 : i32
      %sub3A_312 = arith.constant 1 : i32
      %sub3A_313 = arith.subi %add3A_311, %sub3A_312 : i32
      %dma_wait3A_314 = arith.constant 0 : i32
      %dma_wait3A_315 = arith.constant 2 : i32
      %dma_wait3A_316 = arith.constant 1 : i32
      %dma_wait3A_317 = arith.constant 0 : i32
      %dma_wait3A_318 = arith.constant 0 : i32
      %dma_wait3A_319 = tpu.memref_slice %arg6[%dma_wait3A_314, %dma_wait3A_317, %dma_wait3A_318] : memref<2x128x128xf32, #tpu.memory_space<vmem>> -> memref<1x128x128xf32, #tpu.memory_space<vmem>>
      %dma_wait3A_320 = tpu.memref_squeeze %dma_wait3A_319 : memref<1x128x128xf32, #tpu.memory_space<vmem>> -> memref<128x128xf32, #tpu.memory_space<vmem>>
      %dma_wait3A_321 = arith.constant 0 : i32
      %dma_wait3A_322 = tpu.memref_slice %arg5[%dma_wait3A_315, %dma_wait3A_316, %dma_wait3A_321] : memref<4x2x128xi32, #tpu.memory_space<vmem>> -> memref<1x1x128xi32, #tpu.memory_space<vmem>>
      %dma_wait3A_323 = tpu.memref_squeeze %dma_wait3A_322 : memref<1x1x128xi32, #tpu.memory_space<vmem>> -> memref<128xi32, #tpu.memory_space<vmem>>
      %dma_wait3A_324 = arith.constant 0 : i32
      %dma_wait3A_325 = arith.constant 0 : i32
      %dma_wait3A_326 = tpu.memref_slice %arg7[%dma_wait3A_324, %dma_wait3A_325] : memref<10240x128xf32, #tpu.memory_space<vmem_shared>> -> memref<10240x128xf32, #tpu.memory_space<vmem_shared>>
      tpu.wait_indirect_dma semaphore(%arg10 : memref<!tpu.dma_semaphore, #tpu.memory_space<semaphore_mem>>) src(%dma_wait3A_320 : memref<128x128xf32, #tpu.memory_space<vmem>>) dst(%dma_wait3A_326 : memref<10240x128xf32, #tpu.memory_space<vmem_shared>>)
      %sub3A_327 = arith.constant 1 : i32
      %sub3A_328 = arith.subi %select_n3A, %sub3A_327 : i32
      %lt3A_329 = arith.cmpi slt, %while3A_53, %sub3A_328 : i32
      %convert_element_type3A_330 = arith.extui %lt3A_329 : i1 to i32
      %cond3A_331 = arith.constant 0 : i32
      %cond3A_332 = arith.cmpi ne, %convert_element_type3A_330, %cond3A_331 : i32
      scf.if %cond3A_332 {
        %add3A_365 = arith.constant 3 : i32
        %add3A_366 = arith.addi %add3A_311, %add3A_365 : i32
        %dma_start3A_367 = arith.constant 2 : i32
        %dma_start3A_368 = arith.constant 0 : i32
        %dma_start3A_369 = arith.constant 0 : i32
        %dma_start3A_370 = tpu.memref_slice %arg5[%dma_start3A_367, %dma_start3A_368, %dma_start3A_369] : memref<4x2x128xi32, #tpu.memory_space<vmem>> -> memref<1x2x128xi32, #tpu.memory_space<vmem>>
        %dma_start3A_371 = tpu.memref_squeeze %dma_start3A_370 : memref<1x2x128xi32, #tpu.memory_space<vmem>> -> memref<2x128xi32, #tpu.memory_space<vmem>>
        %dma_start3A_372 = arith.constant 0 : i32
        %dma_start3A_373 = arith.constant 0 : i32
        %dma_start3A_374 = tpu.memref_slice %arg3[%add3A, %add3A_366, %dma_start3A_372, %dma_start3A_373] : memref<32x116x2x128xi32, #tpu.memory_space<hbm>> -> memref<1x1x2x128xi32, #tpu.memory_space<hbm>>
        %dma_start3A_375 = tpu.memref_squeeze %dma_start3A_374 : memref<1x1x2x128xi32, #tpu.memory_space<hbm>> -> memref<2x128xi32, #tpu.memory_space<hbm>>
        %dma_start3A_376 = arith.constant 0 : i32
        %dma_start3A_377 = arith.constant 0 : i32
        %dma_start3A_378 = tpu.memref_slice %arg5[%dma_start3A_367, %dma_start3A_376, %dma_start3A_377] : memref<4x2x128xi32, #tpu.memory_space<vmem>> -> memref<1x2x128xi32, #tpu.memory_space<vmem>>
        %dma_start3A_379 = tpu.memref_squeeze %dma_start3A_378 : memref<1x2x128xi32, #tpu.memory_space<vmem>> -> memref<2x128xi32, #tpu.memory_space<vmem>>
        %dma_start3A_380 = arith.constant 0 : i32
        %dma_start3A_381 = arith.constant 0 : i32
        %dma_start3A_382 = tpu.memref_slice %arg3[%add3A, %add3A_366, %dma_start3A_380, %dma_start3A_381] : memref<32x116x2x128xi32, #tpu.memory_space<hbm>> -> memref<1x1x2x128xi32, #tpu.memory_space<hbm>>
        %dma_start3A_383 = tpu.memref_squeeze %dma_start3A_382 : memref<1x1x2x128xi32, #tpu.memory_space<hbm>> -> memref<2x128xi32, #tpu.memory_space<hbm>>
        tpu.enqueue_dma source(%dma_start3A_383 : memref<2x128xi32, #tpu.memory_space<hbm>>) target(%dma_start3A_379 : memref<2x128xi32, #tpu.memory_space<vmem>>) target_semaphore(%arg14 : memref<!tpu.dma_semaphore, #tpu.memory_space<semaphore_mem>>)
      } else {
      }
      %sub3A_333 = arith.constant 1 : i32
      %sub3A_334 = arith.subi %select_n3A, %sub3A_333 : i32
      %lt3A_335 = arith.cmpi slt, %while3A_53, %sub3A_334 : i32
      %convert_element_type3A_336 = arith.extui %lt3A_335 : i1 to i32
      %cond3A_337 = arith.constant 0 : i32
      %cond3A_338 = arith.cmpi ne, %convert_element_type3A_336, %cond3A_337 : i32
      scf.if %cond3A_338 {
        %add3A_365 = arith.constant 1 : i32
        %add3A_366 = arith.addi %add3A_311, %add3A_365 : i32
        %dma_wait3A_367 = arith.constant 0 : i32
        %dma_wait3A_368 = arith.constant 0 : i32
        %dma_wait3A_369 = arith.constant 0 : i32
        %dma_wait3A_370 = tpu.memref_slice %arg5[%dma_wait3A_367, %dma_wait3A_368, %dma_wait3A_369] : memref<4x2x128xi32, #tpu.memory_space<vmem>> -> memref<1x2x128xi32, #tpu.memory_space<vmem>>
        %dma_wait3A_371 = tpu.memref_squeeze %dma_wait3A_370 : memref<1x2x128xi32, #tpu.memory_space<vmem>> -> memref<2x128xi32, #tpu.memory_space<vmem>>
        %dma_wait3A_372 = arith.constant 0 : i32
        %dma_wait3A_373 = arith.constant 0 : i32
        %dma_wait3A_374 = tpu.memref_slice %arg3[%add3A, %add3A_366, %dma_wait3A_372, %dma_wait3A_373] : memref<32x116x2x128xi32, #tpu.memory_space<hbm>> -> memref<1x1x2x128xi32, #tpu.memory_space<hbm>>
        %dma_wait3A_375 = tpu.memref_squeeze %dma_wait3A_374 : memref<1x1x2x128xi32, #tpu.memory_space<hbm>> -> memref<2x128xi32, #tpu.memory_space<hbm>>
        %dma_wait3A_376 = arith.constant 0 : i32
        %dma_wait3A_377 = arith.constant 0 : i32
        %dma_wait3A_378 = tpu.memref_slice %arg5[%dma_wait3A_367, %dma_wait3A_376, %dma_wait3A_377] : memref<4x2x128xi32, #tpu.memory_space<vmem>> -> memref<1x2x128xi32, #tpu.memory_space<vmem>>
        %dma_wait3A_379 = tpu.memref_squeeze %dma_wait3A_378 : memref<1x2x128xi32, #tpu.memory_space<vmem>> -> memref<2x128xi32, #tpu.memory_space<vmem>>
        %dma_wait3A_380 = arith.constant 0 : i32
        %dma_wait3A_381 = arith.constant 0 : i32
        %dma_wait3A_382 = tpu.memref_slice %arg3[%add3A, %add3A_366, %dma_wait3A_380, %dma_wait3A_381] : memref<32x116x2x128xi32, #tpu.memory_space<hbm>> -> memref<1x1x2x128xi32, #tpu.memory_space<hbm>>
        %dma_wait3A_383 = tpu.memref_squeeze %dma_wait3A_382 : memref<1x1x2x128xi32, #tpu.memory_space<hbm>> -> memref<2x128xi32, #tpu.memory_space<hbm>>
        tpu.wait_dma2 semaphore(%arg12 : memref<!tpu.dma_semaphore, #tpu.memory_space<semaphore_mem>>) src(%dma_wait3A_383 : memref<2x128xi32, #tpu.memory_space<hbm>>) dst(%dma_wait3A_379 : memref<2x128xi32, #tpu.memory_space<vmem>>)
        %add3A_384 = arith.constant 1 : i32
        %add3A_385 = arith.addi %add3A_311, %add3A_384 : i32
        %dma_start3A_386 = arith.constant 0 : i32
        %dma_start3A_387 = arith.constant 0 : i32
        %dma_start3A_388 = arith.constant 0 : i32
        %dma_start3A_389 = arith.constant 0 : i32
        %dma_start3A_390 = arith.constant 0 : i32
        %dma_start3A_391 = tpu.memref_slice %arg6[%dma_start3A_388, %dma_start3A_389, %dma_start3A_390] : memref<2x128x128xf32, #tpu.memory_space<vmem>> -> memref<1x128x128xf32, #tpu.memory_space<vmem>>
        %dma_start3A_392 = tpu.memref_squeeze %dma_start3A_391 : memref<1x128x128xf32, #tpu.memory_space<vmem>> -> memref<128x128xf32, #tpu.memory_space<vmem>>
        %dma_start3A_393 = arith.constant 0 : i32
        %dma_start3A_394 = tpu.memref_slice %arg5[%dma_start3A_386, %dma_start3A_387, %dma_start3A_393] : memref<4x2x128xi32, #tpu.memory_space<vmem>> -> memref<1x1x128xi32, #tpu.memory_space<vmem>>
        %dma_start3A_395 = tpu.memref_squeeze %dma_start3A_394 : memref<1x1x128xi32, #tpu.memory_space<vmem>> -> memref<128xi32, #tpu.memory_space<vmem>>
        %dma_start3A_396 = arith.constant 0 : i32
        %dma_start3A_397 = arith.constant 0 : i32
        %dma_start3A_398 = tpu.memref_slice %arg2[%dma_start3A_396, %dma_start3A_397] : memref<10240x128xf32, #tpu.memory_space<hbm>> -> memref<10240x128xf32, #tpu.memory_space<hbm>>
        tpu.enqueue_indirect_dma source(%dma_start3A_398 : memref<10240x128xf32, #tpu.memory_space<hbm>>) target(%dma_start3A_392 : memref<128x128xf32, #tpu.memory_space<vmem>>) offsets(%dma_start3A_395 : memref<128xi32, #tpu.memory_space<vmem>>) semaphore(%arg8 : memref<!tpu.dma_semaphore, #tpu.memory_space<semaphore_mem>>)
      } else {
      }
      %dma_wait3A_339 = arith.constant 3 : i32
      %dma_wait3A_340 = arith.constant 0 : i32
      %dma_wait3A_341 = arith.constant 1 : i32
      %dma_wait3A_342 = arith.constant 0 : i32
      %dma_wait3A_343 = arith.constant 0 : i32
      %dma_wait3A_344 = tpu.memref_slice %arg6[%dma_wait3A_341, %dma_wait3A_342, %dma_wait3A_343] : memref<2x128x128xf32, #tpu.memory_space<vmem>> -> memref<1x128x128xf32, #tpu.memory_space<vmem>>
      %dma_wait3A_345 = tpu.memref_squeeze %dma_wait3A_344 : memref<1x128x128xf32, #tpu.memory_space<vmem>> -> memref<128x128xf32, #tpu.memory_space<vmem>>
      %dma_wait3A_346 = arith.constant 0 : i32
      %dma_wait3A_347 = tpu.memref_slice %arg5[%dma_wait3A_339, %dma_wait3A_340, %dma_wait3A_346] : memref<4x2x128xi32, #tpu.memory_space<vmem>> -> memref<1x1x128xi32, #tpu.memory_space<vmem>>
      %dma_wait3A_348 = tpu.memref_squeeze %dma_wait3A_347 : memref<1x1x128xi32, #tpu.memory_space<vmem>> -> memref<128xi32, #tpu.memory_space<vmem>>
      %dma_wait3A_349 = arith.constant 0 : i32
      %dma_wait3A_350 = arith.constant 0 : i32
      %dma_wait3A_351 = tpu.memref_slice %arg2[%dma_wait3A_349, %dma_wait3A_350] : memref<10240x128xf32, #tpu.memory_space<hbm>> -> memref<10240x128xf32, #tpu.memory_space<hbm>>
      tpu.wait_indirect_dma semaphore(%arg9 : memref<!tpu.dma_semaphore, #tpu.memory_space<semaphore_mem>>) src(%dma_wait3A_351 : memref<10240x128xf32, #tpu.memory_space<hbm>>) dst(%dma_wait3A_345 : memref<128x128xf32, #tpu.memory_space<vmem>>)
      %dma_start3A_352 = arith.constant 1 : i32
      %dma_start3A_353 = arith.constant 3 : i32
      %dma_start3A_354 = arith.constant 1 : i32
      %dma_start3A_355 = arith.constant 0 : i32
      %dma_start3A_356 = arith.constant 0 : i32
      %dma_start3A_357 = tpu.memref_slice %arg6[%dma_start3A_352, %dma_start3A_355, %dma_start3A_356] : memref<2x128x128xf32, #tpu.memory_space<vmem>> -> memref<1x128x128xf32, #tpu.memory_space<vmem>>
      %dma_start3A_358 = tpu.memref_squeeze %dma_start3A_357 : memref<1x128x128xf32, #tpu.memory_space<vmem>> -> memref<128x128xf32, #tpu.memory_space<vmem>>
      %dma_start3A_359 = arith.constant 0 : i32
      %dma_start3A_360 = tpu.memref_slice %arg5[%dma_start3A_353, %dma_start3A_354, %dma_start3A_359] : memref<4x2x128xi32, #tpu.memory_space<vmem>> -> memref<1x1x128xi32, #tpu.memory_space<vmem>>
      %dma_start3A_361 = tpu.memref_squeeze %dma_start3A_360 : memref<1x1x128xi32, #tpu.memory_space<vmem>> -> memref<128xi32, #tpu.memory_space<vmem>>
      %dma_start3A_362 = arith.constant 0 : i32
      %dma_start3A_363 = arith.constant 0 : i32
      %dma_start3A_364 = tpu.memref_slice %arg7[%dma_start3A_362, %dma_start3A_363] : memref<10240x128xf32, #tpu.memory_space<vmem_shared>> -> memref<10240x128xf32, #tpu.memory_space<vmem_shared>>
      tpu.enqueue_indirect_dma source(%dma_start3A_358 : memref<128x128xf32, #tpu.memory_space<vmem>>) target(%dma_start3A_364 : memref<10240x128xf32, #tpu.memory_space<vmem_shared>>) offsets(%dma_start3A_361 : memref<128xi32, #tpu.memory_space<vmem>>) semaphore(%arg11 : memref<!tpu.dma_semaphore, #tpu.memory_space<semaphore_mem>>) {add = true}
    }
    %while3A_42 = arith.constant 1 : i32
    scf.for %while3A_53 = %while3A_40 to %while3A_36 step %while3A_42  : i32 {
      %mul3A_54 = arith.constant 4 : i32
      %mul3A_55 = arith.muli %while3A_53, %mul3A_54 : i32
      %add3A_56 = arith.constant 0 : i32
      %add3A_57 = arith.addi %mul3A_55, %add3A_56 : i32
      %gt3A_58 = arith.constant 0 : i32
      %gt3A_59 = arith.cmpi sgt, %while3A_53, %gt3A_58 : i32
      %convert_element_type3A_60 = arith.extui %gt3A_59 : i1 to i32
      %cond3A_61 = arith.constant 0 : i32
      %cond3A_62 = arith.cmpi ne, %convert_element_type3A_60, %cond3A_61 : i32
      scf.if %cond3A_62 {
        %sub3A_365 = arith.constant 1 : i32
        %sub3A_366 = arith.subi %add3A_57, %sub3A_365 : i32
        %dma_wait3A_367 = arith.constant 1 : i32
        %dma_wait3A_368 = arith.constant 3 : i32
        %dma_wait3A_369 = arith.constant 1 : i32
        %dma_wait3A_370 = arith.constant 0 : i32
        %dma_wait3A_371 = arith.constant 0 : i32
        %dma_wait3A_372 = tpu.memref_slice %arg6[%dma_wait3A_367, %dma_wait3A_370, %dma_wait3A_371] : memref<2x128x128xf32, #tpu.memory_space<vmem>> -> memref<1x128x128xf32, #tpu.memory_space<vmem>>
        %dma_wait3A_373 = tpu.memref_squeeze %dma_wait3A_372 : memref<1x128x128xf32, #tpu.memory_space<vmem>> -> memref<128x128xf32, #tpu.memory_space<vmem>>
        %dma_wait3A_374 = arith.constant 0 : i32
        %dma_wait3A_375 = tpu.memref_slice %arg5[%dma_wait3A_368, %dma_wait3A_369, %dma_wait3A_374] : memref<4x2x128xi32, #tpu.memory_space<vmem>> -> memref<1x1x128xi32, #tpu.memory_space<vmem>>
        %dma_wait3A_376 = tpu.memref_squeeze %dma_wait3A_375 : memref<1x1x128xi32, #tpu.memory_space<vmem>> -> memref<128xi32, #tpu.memory_space<vmem>>
        %dma_wait3A_377 = arith.constant 0 : i32
        %dma_wait3A_378 = arith.constant 0 : i32
        %dma_wait3A_379 = tpu.memref_slice %arg7[%dma_wait3A_377, %dma_wait3A_378] : memref<10240x128xf32, #tpu.memory_space<vmem_shared>> -> memref<10240x128xf32, #tpu.memory_space<vmem_shared>>
        tpu.wait_indirect_dma semaphore(%arg11 : memref<!tpu.dma_semaphore, #tpu.memory_space<semaphore_mem>>) src(%dma_wait3A_373 : memref<128x128xf32, #tpu.memory_space<vmem>>) dst(%dma_wait3A_379 : memref<10240x128xf32, #tpu.memory_space<vmem_shared>>)
      } else {
      }
      %add3A_63 = arith.constant 3 : i32
      %add3A_64 = arith.addi %add3A_57, %add3A_63 : i32
      %dma_start3A = arith.constant 3 : i32
      %dma_start3A_65 = arith.constant 0 : i32
      %dma_start3A_66 = arith.constant 0 : i32
      %dma_start3A_67 = tpu.memref_slice %arg5[%dma_start3A, %dma_start3A_65, %dma_start3A_66] : memref<4x2x128xi32, #tpu.memory_space<vmem>> -> memref<1x2x128xi32, #tpu.memory_space<vmem>>
      %dma_start3A_68 = tpu.memref_squeeze %dma_start3A_67 : memref<1x2x128xi32, #tpu.memory_space<vmem>> -> memref<2x128xi32, #tpu.memory_space<vmem>>
      %dma_start3A_69 = arith.constant 0 : i32
      %dma_start3A_70 = arith.constant 0 : i32
      %dma_start3A_71 = tpu.memref_slice %arg3[%add3A, %add3A_64, %dma_start3A_69, %dma_start3A_70] : memref<32x116x2x128xi32, #tpu.memory_space<hbm>> -> memref<1x1x2x128xi32, #tpu.memory_space<hbm>>
      %dma_start3A_72 = tpu.memref_squeeze %dma_start3A_71 : memref<1x1x2x128xi32, #tpu.memory_space<hbm>> -> memref<2x128xi32, #tpu.memory_space<hbm>>
      %dma_start3A_73 = arith.constant 0 : i32
      %dma_start3A_74 = arith.constant 0 : i32
      %dma_start3A_75 = tpu.memref_slice %arg5[%dma_start3A, %dma_start3A_73, %dma_start3A_74] : memref<4x2x128xi32, #tpu.memory_space<vmem>> -> memref<1x2x128xi32, #tpu.memory_space<vmem>>
      %dma_start3A_76 = tpu.memref_squeeze %dma_start3A_75 : memref<1x2x128xi32, #tpu.memory_space<vmem>> -> memref<2x128xi32, #tpu.memory_space<vmem>>
      %dma_start3A_77 = arith.constant 0 : i32
      %dma_start3A_78 = arith.constant 0 : i32
      %dma_start3A_79 = tpu.memref_slice %arg3[%add3A, %add3A_64, %dma_start3A_77, %dma_start3A_78] : memref<32x116x2x128xi32, #tpu.memory_space<hbm>> -> memref<1x1x2x128xi32, #tpu.memory_space<hbm>>
      %dma_start3A_80 = tpu.memref_squeeze %dma_start3A_79 : memref<1x1x2x128xi32, #tpu.memory_space<hbm>> -> memref<2x128xi32, #tpu.memory_space<hbm>>
      tpu.enqueue_dma source(%dma_start3A_80 : memref<2x128xi32, #tpu.memory_space<hbm>>) target(%dma_start3A_76 : memref<2x128xi32, #tpu.memory_space<vmem>>) target_semaphore(%arg15 : memref<!tpu.dma_semaphore, #tpu.memory_space<semaphore_mem>>)
      %add3A_81 = arith.constant 1 : i32
      %add3A_82 = arith.addi %add3A_57, %add3A_81 : i32
      %dma_wait3A = arith.constant 1 : i32
      %dma_wait3A_83 = arith.constant 0 : i32
      %dma_wait3A_84 = arith.constant 0 : i32
      %dma_wait3A_85 = tpu.memref_slice %arg5[%dma_wait3A, %dma_wait3A_83, %dma_wait3A_84] : memref<4x2x128xi32, #tpu.memory_space<vmem>> -> memref<1x2x128xi32, #tpu.memory_space<vmem>>
      %dma_wait3A_86 = tpu.memref_squeeze %dma_wait3A_85 : memref<1x2x128xi32, #tpu.memory_space<vmem>> -> memref<2x128xi32, #tpu.memory_space<vmem>>
      %dma_wait3A_87 = arith.constant 0 : i32
      %dma_wait3A_88 = arith.constant 0 : i32
      %dma_wait3A_89 = tpu.memref_slice %arg3[%add3A, %add3A_82, %dma_wait3A_87, %dma_wait3A_88] : memref<32x116x2x128xi32, #tpu.memory_space<hbm>> -> memref<1x1x2x128xi32, #tpu.memory_space<hbm>>
      %dma_wait3A_90 = tpu.memref_squeeze %dma_wait3A_89 : memref<1x1x2x128xi32, #tpu.memory_space<hbm>> -> memref<2x128xi32, #tpu.memory_space<hbm>>
      %dma_wait3A_91 = arith.constant 0 : i32
      %dma_wait3A_92 = arith.constant 0 : i32
      %dma_wait3A_93 = tpu.memref_slice %arg5[%dma_wait3A, %dma_wait3A_91, %dma_wait3A_92] : memref<4x2x128xi32, #tpu.memory_space<vmem>> -> memref<1x2x128xi32, #tpu.memory_space<vmem>>
      %dma_wait3A_94 = tpu.memref_squeeze %dma_wait3A_93 : memref<1x2x128xi32, #tpu.memory_space<vmem>> -> memref<2x128xi32, #tpu.memory_space<vmem>>
      %dma_wait3A_95 = arith.constant 0 : i32
      %dma_wait3A_96 = arith.constant 0 : i32
      %dma_wait3A_97 = tpu.memref_slice %arg3[%add3A, %add3A_82, %dma_wait3A_95, %dma_wait3A_96] : memref<32x116x2x128xi32, #tpu.memory_space<hbm>> -> memref<1x1x2x128xi32, #tpu.memory_space<hbm>>
      %dma_wait3A_98 = tpu.memref_squeeze %dma_wait3A_97 : memref<1x1x2x128xi32, #tpu.memory_space<hbm>> -> memref<2x128xi32, #tpu.memory_space<hbm>>
      tpu.wait_dma2 semaphore(%arg13 : memref<!tpu.dma_semaphore, #tpu.memory_space<semaphore_mem>>) src(%dma_wait3A_98 : memref<2x128xi32, #tpu.memory_space<hbm>>) dst(%dma_wait3A_94 : memref<2x128xi32, #tpu.memory_space<vmem>>)
      %add3A_99 = arith.constant 1 : i32
      %add3A_100 = arith.addi %add3A_57, %add3A_99 : i32
      %dma_start3A_101 = arith.constant 1 : i32
      %dma_start3A_102 = arith.constant 0 : i32
      %dma_start3A_103 = arith.constant 1 : i32
      %dma_start3A_104 = arith.constant 0 : i32
      %dma_start3A_105 = arith.constant 0 : i32
      %dma_start3A_106 = tpu.memref_slice %arg6[%dma_start3A_103, %dma_start3A_104, %dma_start3A_105] : memref<2x128x128xf32, #tpu.memory_space<vmem>> -> memref<1x128x128xf32, #tpu.memory_space<vmem>>
      %dma_start3A_107 = tpu.memref_squeeze %dma_start3A_106 : memref<1x128x128xf32, #tpu.memory_space<vmem>> -> memref<128x128xf32, #tpu.memory_space<vmem>>
      %dma_start3A_108 = arith.constant 0 : i32
      %dma_start3A_109 = tpu.memref_slice %arg5[%dma_start3A_101, %dma_start3A_102, %dma_start3A_108] : memref<4x2x128xi32, #tpu.memory_space<vmem>> -> memref<1x1x128xi32, #tpu.memory_space<vmem>>
      %dma_start3A_110 = tpu.memref_squeeze %dma_start3A_109 : memref<1x1x128xi32, #tpu.memory_space<vmem>> -> memref<128xi32, #tpu.memory_space<vmem>>
      %dma_start3A_111 = arith.constant 0 : i32
      %dma_start3A_112 = arith.constant 0 : i32
      %dma_start3A_113 = tpu.memref_slice %arg2[%dma_start3A_111, %dma_start3A_112] : memref<10240x128xf32, #tpu.memory_space<hbm>> -> memref<10240x128xf32, #tpu.memory_space<hbm>>
      tpu.enqueue_indirect_dma source(%dma_start3A_113 : memref<10240x128xf32, #tpu.memory_space<hbm>>) target(%dma_start3A_107 : memref<128x128xf32, #tpu.memory_space<vmem>>) offsets(%dma_start3A_110 : memref<128xi32, #tpu.memory_space<vmem>>) semaphore(%arg9 : memref<!tpu.dma_semaphore, #tpu.memory_space<semaphore_mem>>)
      %dma_wait3A_114 = arith.constant 0 : i32
      %dma_wait3A_115 = arith.constant 0 : i32
      %dma_wait3A_116 = arith.constant 0 : i32
      %dma_wait3A_117 = arith.constant 0 : i32
      %dma_wait3A_118 = arith.constant 0 : i32
      %dma_wait3A_119 = tpu.memref_slice %arg6[%dma_wait3A_116, %dma_wait3A_117, %dma_wait3A_118] : memref<2x128x128xf32, #tpu.memory_space<vmem>> -> memref<1x128x128xf32, #tpu.memory_space<vmem>>
      %dma_wait3A_120 = tpu.memref_squeeze %dma_wait3A_119 : memref<1x128x128xf32, #tpu.memory_space<vmem>> -> memref<128x128xf32, #tpu.memory_space<vmem>>
      %dma_wait3A_121 = arith.constant 0 : i32
      %dma_wait3A_122 = tpu.memref_slice %arg5[%dma_wait3A_114, %dma_wait3A_115, %dma_wait3A_121] : memref<4x2x128xi32, #tpu.memory_space<vmem>> -> memref<1x1x128xi32, #tpu.memory_space<vmem>>
      %dma_wait3A_123 = tpu.memref_squeeze %dma_wait3A_122 : memref<1x1x128xi32, #tpu.memory_space<vmem>> -> memref<128xi32, #tpu.memory_space<vmem>>
      %dma_wait3A_124 = arith.constant 0 : i32
      %dma_wait3A_125 = arith.constant 0 : i32
      %dma_wait3A_126 = tpu.memref_slice %arg2[%dma_wait3A_124, %dma_wait3A_125] : memref<10240x128xf32, #tpu.memory_space<hbm>> -> memref<10240x128xf32, #tpu.memory_space<hbm>>
      tpu.wait_indirect_dma semaphore(%arg8 : memref<!tpu.dma_semaphore, #tpu.memory_space<semaphore_mem>>) src(%dma_wait3A_126 : memref<10240x128xf32, #tpu.memory_space<hbm>>) dst(%dma_wait3A_120 : memref<128x128xf32, #tpu.memory_space<vmem>>)
      %dma_start3A_127 = arith.constant 0 : i32
      %dma_start3A_128 = arith.constant 0 : i32
      %dma_start3A_129 = arith.constant 1 : i32
      %dma_start3A_130 = arith.constant 0 : i32
      %dma_start3A_131 = arith.constant 0 : i32
      %dma_start3A_132 = tpu.memref_slice %arg6[%dma_start3A_127, %dma_start3A_130, %dma_start3A_131] : memref<2x128x128xf32, #tpu.memory_space<vmem>> -> memref<1x128x128xf32, #tpu.memory_space<vmem>>
      %dma_start3A_133 = tpu.memref_squeeze %dma_start3A_132 : memref<1x128x128xf32, #tpu.memory_space<vmem>> -> memref<128x128xf32, #tpu.memory_space<vmem>>
      %dma_start3A_134 = arith.constant 0 : i32
      %dma_start3A_135 = tpu.memref_slice %arg5[%dma_start3A_128, %dma_start3A_129, %dma_start3A_134] : memref<4x2x128xi32, #tpu.memory_space<vmem>> -> memref<1x1x128xi32, #tpu.memory_space<vmem>>
      %dma_start3A_136 = tpu.memref_squeeze %dma_start3A_135 : memref<1x1x128xi32, #tpu.memory_space<vmem>> -> memref<128xi32, #tpu.memory_space<vmem>>
      %dma_start3A_137 = arith.constant 0 : i32
      %dma_start3A_138 = arith.constant 0 : i32
      %dma_start3A_139 = tpu.memref_slice %arg7[%dma_start3A_137, %dma_start3A_138] : memref<10240x128xf32, #tpu.memory_space<vmem_shared>> -> memref<10240x128xf32, #tpu.memory_space<vmem_shared>>
      tpu.enqueue_indirect_dma source(%dma_start3A_133 : memref<128x128xf32, #tpu.memory_space<vmem>>) target(%dma_start3A_139 : memref<10240x128xf32, #tpu.memory_space<vmem_shared>>) offsets(%dma_start3A_136 : memref<128xi32, #tpu.memory_space<vmem>>) semaphore(%arg10 : memref<!tpu.dma_semaphore, #tpu.memory_space<semaphore_mem>>) {add = true}
      %mul3A_140 = arith.constant 4 : i32
      %mul3A_141 = arith.muli %while3A_53, %mul3A_140 : i32
      %add3A_142 = arith.constant 1 : i32
      %add3A_143 = arith.addi %mul3A_141, %add3A_142 : i32
      %sub3A = arith.constant 1 : i32
      %sub3A_144 = arith.subi %add3A_143, %sub3A : i32
      %dma_wait3A_145 = arith.constant 0 : i32
      %dma_wait3A_146 = arith.constant 0 : i32
      %dma_wait3A_147 = arith.constant 1 : i32
      %dma_wait3A_148 = arith.constant 0 : i32
      %dma_wait3A_149 = arith.constant 0 : i32
      %dma_wait3A_150 = tpu.memref_slice %arg6[%dma_wait3A_145, %dma_wait3A_148, %dma_wait3A_149] : memref<2x128x128xf32, #tpu.memory_space<vmem>> -> memref<1x128x128xf32, #tpu.memory_space<vmem>>
      %dma_wait3A_151 = tpu.memref_squeeze %dma_wait3A_150 : memref<1x128x128xf32, #tpu.memory_space<vmem>> -> memref<128x128xf32, #tpu.memory_space<vmem>>
      %dma_wait3A_152 = arith.constant 0 : i32
      %dma_wait3A_153 = tpu.memref_slice %arg5[%dma_wait3A_146, %dma_wait3A_147, %dma_wait3A_152] : memref<4x2x128xi32, #tpu.memory_space<vmem>> -> memref<1x1x128xi32, #tpu.memory_space<vmem>>
      %dma_wait3A_154 = tpu.memref_squeeze %dma_wait3A_153 : memref<1x1x128xi32, #tpu.memory_space<vmem>> -> memref<128xi32, #tpu.memory_space<vmem>>
      %dma_wait3A_155 = arith.constant 0 : i32
      %dma_wait3A_156 = arith.constant 0 : i32
      %dma_wait3A_157 = tpu.memref_slice %arg7[%dma_wait3A_155, %dma_wait3A_156] : memref<10240x128xf32, #tpu.memory_space<vmem_shared>> -> memref<10240x128xf32, #tpu.memory_space<vmem_shared>>
      tpu.wait_indirect_dma semaphore(%arg10 : memref<!tpu.dma_semaphore, #tpu.memory_space<semaphore_mem>>) src(%dma_wait3A_151 : memref<128x128xf32, #tpu.memory_space<vmem>>) dst(%dma_wait3A_157 : memref<10240x128xf32, #tpu.memory_space<vmem_shared>>)
      %sub3A_158 = arith.constant 1 : i32
      %sub3A_159 = arith.subi %select_n3A, %sub3A_158 : i32
      %lt3A = arith.cmpi slt, %while3A_53, %sub3A_159 : i32
      %convert_element_type3A_160 = arith.extui %lt3A : i1 to i32
      %cond3A_161 = arith.constant 0 : i32
      %cond3A_162 = arith.cmpi ne, %convert_element_type3A_160, %cond3A_161 : i32
      scf.if %cond3A_162 {
        %add3A_365 = arith.constant 3 : i32
        %add3A_366 = arith.addi %add3A_143, %add3A_365 : i32
        %dma_start3A_367 = arith.constant 0 : i32
        %dma_start3A_368 = arith.constant 0 : i32
        %dma_start3A_369 = arith.constant 0 : i32
        %dma_start3A_370 = tpu.memref_slice %arg5[%dma_start3A_367, %dma_start3A_368, %dma_start3A_369] : memref<4x2x128xi32, #tpu.memory_space<vmem>> -> memref<1x2x128xi32, #tpu.memory_space<vmem>>
        %dma_start3A_371 = tpu.memref_squeeze %dma_start3A_370 : memref<1x2x128xi32, #tpu.memory_space<vmem>> -> memref<2x128xi32, #tpu.memory_space<vmem>>
        %dma_start3A_372 = arith.constant 0 : i32
        %dma_start3A_373 = arith.constant 0 : i32
        %dma_start3A_374 = tpu.memref_slice %arg3[%add3A, %add3A_366, %dma_start3A_372, %dma_start3A_373] : memref<32x116x2x128xi32, #tpu.memory_space<hbm>> -> memref<1x1x2x128xi32, #tpu.memory_space<hbm>>
        %dma_start3A_375 = tpu.memref_squeeze %dma_start3A_374 : memref<1x1x2x128xi32, #tpu.memory_space<hbm>> -> memref<2x128xi32, #tpu.memory_space<hbm>>
        %dma_start3A_376 = arith.constant 0 : i32
        %dma_start3A_377 = arith.constant 0 : i32
        %dma_start3A_378 = tpu.memref_slice %arg5[%dma_start3A_367, %dma_start3A_376, %dma_start3A_377] : memref<4x2x128xi32, #tpu.memory_space<vmem>> -> memref<1x2x128xi32, #tpu.memory_space<vmem>>
        %dma_start3A_379 = tpu.memref_squeeze %dma_start3A_378 : memref<1x2x128xi32, #tpu.memory_space<vmem>> -> memref<2x128xi32, #tpu.memory_space<vmem>>
        %dma_start3A_380 = arith.constant 0 : i32
        %dma_start3A_381 = arith.constant 0 : i32
        %dma_start3A_382 = tpu.memref_slice %arg3[%add3A, %add3A_366, %dma_start3A_380, %dma_start3A_381] : memref<32x116x2x128xi32, #tpu.memory_space<hbm>> -> memref<1x1x2x128xi32, #tpu.memory_space<hbm>>
        %dma_start3A_383 = tpu.memref_squeeze %dma_start3A_382 : memref<1x1x2x128xi32, #tpu.memory_space<hbm>> -> memref<2x128xi32, #tpu.memory_space<hbm>>
        tpu.enqueue_dma source(%dma_start3A_383 : memref<2x128xi32, #tpu.memory_space<hbm>>) target(%dma_start3A_379 : memref<2x128xi32, #tpu.memory_space<vmem>>) target_semaphore(%arg12 : memref<!tpu.dma_semaphore, #tpu.memory_space<semaphore_mem>>)
      } else {
      }
      %add3A_163 = arith.constant 1 : i32
      %add3A_164 = arith.addi %add3A_143, %add3A_163 : i32
      %dma_wait3A_165 = arith.constant 2 : i32
      %dma_wait3A_166 = arith.constant 0 : i32
      %dma_wait3A_167 = arith.constant 0 : i32
      %dma_wait3A_168 = tpu.memref_slice %arg5[%dma_wait3A_165, %dma_wait3A_166, %dma_wait3A_167] : memref<4x2x128xi32, #tpu.memory_space<vmem>> -> memref<1x2x128xi32, #tpu.memory_space<vmem>>
      %dma_wait3A_169 = tpu.memref_squeeze %dma_wait3A_168 : memref<1x2x128xi32, #tpu.memory_space<vmem>> -> memref<2x128xi32, #tpu.memory_space<vmem>>
      %dma_wait3A_170 = arith.constant 0 : i32
      %dma_wait3A_171 = arith.constant 0 : i32
      %dma_wait3A_172 = tpu.memref_slice %arg3[%add3A, %add3A_164, %dma_wait3A_170, %dma_wait3A_171] : memref<32x116x2x128xi32, #tpu.memory_space<hbm>> -> memref<1x1x2x128xi32, #tpu.memory_space<hbm>>
      %dma_wait3A_173 = tpu.memref_squeeze %dma_wait3A_172 : memref<1x1x2x128xi32, #tpu.memory_space<hbm>> -> memref<2x128xi32, #tpu.memory_space<hbm>>
      %dma_wait3A_174 = arith.constant 0 : i32
      %dma_wait3A_175 = arith.constant 0 : i32
      %dma_wait3A_176 = tpu.memref_slice %arg5[%dma_wait3A_165, %dma_wait3A_174, %dma_wait3A_175] : memref<4x2x128xi32, #tpu.memory_space<vmem>> -> memref<1x2x128xi32, #tpu.memory_space<vmem>>
      %dma_wait3A_177 = tpu.memref_squeeze %dma_wait3A_176 : memref<1x2x128xi32, #tpu.memory_space<vmem>> -> memref<2x128xi32, #tpu.memory_space<vmem>>
      %dma_wait3A_178 = arith.constant 0 : i32
      %dma_wait3A_179 = arith.constant 0 : i32
      %dma_wait3A_180 = tpu.memref_slice %arg3[%add3A, %add3A_164, %dma_wait3A_178, %dma_wait3A_179] : memref<32x116x2x128xi32, #tpu.memory_space<hbm>> -> memref<1x1x2x128xi32, #tpu.memory_space<hbm>>
      %dma_wait3A_181 = tpu.memref_squeeze %dma_wait3A_180 : memref<1x1x2x128xi32, #tpu.memory_space<hbm>> -> memref<2x128xi32, #tpu.memory_space<hbm>>
      tpu.wait_dma2 semaphore(%arg14 : memref<!tpu.dma_semaphore, #tpu.memory_space<semaphore_mem>>) src(%dma_wait3A_181 : memref<2x128xi32, #tpu.memory_space<hbm>>) dst(%dma_wait3A_177 : memref<2x128xi32, #tpu.memory_space<vmem>>)
      %add3A_182 = arith.constant 1 : i32
      %add3A_183 = arith.addi %add3A_143, %add3A_182 : i32
      %dma_start3A_184 = arith.constant 2 : i32
      %dma_start3A_185 = arith.constant 0 : i32
      %dma_start3A_186 = arith.constant 0 : i32
      %dma_start3A_187 = arith.constant 0 : i32
      %dma_start3A_188 = arith.constant 0 : i32
      %dma_start3A_189 = tpu.memref_slice %arg6[%dma_start3A_186, %dma_start3A_187, %dma_start3A_188] : memref<2x128x128xf32, #tpu.memory_space<vmem>> -> memref<1x128x128xf32, #tpu.memory_space<vmem>>
      %dma_start3A_190 = tpu.memref_squeeze %dma_start3A_189 : memref<1x128x128xf32, #tpu.memory_space<vmem>> -> memref<128x128xf32, #tpu.memory_space<vmem>>
      %dma_start3A_191 = arith.constant 0 : i32
      %dma_start3A_192 = tpu.memref_slice %arg5[%dma_start3A_184, %dma_start3A_185, %dma_start3A_191] : memref<4x2x128xi32, #tpu.memory_space<vmem>> -> memref<1x1x128xi32, #tpu.memory_space<vmem>>
      %dma_start3A_193 = tpu.memref_squeeze %dma_start3A_192 : memref<1x1x128xi32, #tpu.memory_space<vmem>> -> memref<128xi32, #tpu.memory_space<vmem>>
      %dma_start3A_194 = arith.constant 0 : i32
      %dma_start3A_195 = arith.constant 0 : i32
      %dma_start3A_196 = tpu.memref_slice %arg2[%dma_start3A_194, %dma_start3A_195] : memref<10240x128xf32, #tpu.memory_space<hbm>> -> memref<10240x128xf32, #tpu.memory_space<hbm>>
      tpu.enqueue_indirect_dma source(%dma_start3A_196 : memref<10240x128xf32, #tpu.memory_space<hbm>>) target(%dma_start3A_190 : memref<128x128xf32, #tpu.memory_space<vmem>>) offsets(%dma_start3A_193 : memref<128xi32, #tpu.memory_space<vmem>>) semaphore(%arg8 : memref<!tpu.dma_semaphore, #tpu.memory_space<semaphore_mem>>)
      %dma_wait3A_197 = arith.constant 1 : i32
      %dma_wait3A_198 = arith.constant 0 : i32
      %dma_wait3A_199 = arith.constant 1 : i32
      %dma_wait3A_200 = arith.constant 0 : i32
      %dma_wait3A_201 = arith.constant 0 : i32
      %dma_wait3A_202 = tpu.memref_slice %arg6[%dma_wait3A_199, %dma_wait3A_200, %dma_wait3A_201] : memref<2x128x128xf32, #tpu.memory_space<vmem>> -> memref<1x128x128xf32, #tpu.memory_space<vmem>>
      %dma_wait3A_203 = tpu.memref_squeeze %dma_wait3A_202 : memref<1x128x128xf32, #tpu.memory_space<vmem>> -> memref<128x128xf32, #tpu.memory_space<vmem>>
      %dma_wait3A_204 = arith.constant 0 : i32
      %dma_wait3A_205 = tpu.memref_slice %arg5[%dma_wait3A_197, %dma_wait3A_198, %dma_wait3A_204] : memref<4x2x128xi32, #tpu.memory_space<vmem>> -> memref<1x1x128xi32, #tpu.memory_space<vmem>>
      %dma_wait3A_206 = tpu.memref_squeeze %dma_wait3A_205 : memref<1x1x128xi32, #tpu.memory_space<vmem>> -> memref<128xi32, #tpu.memory_space<vmem>>
      %dma_wait3A_207 = arith.constant 0 : i32
      %dma_wait3A_208 = arith.constant 0 : i32
      %dma_wait3A_209 = tpu.memref_slice %arg2[%dma_wait3A_207, %dma_wait3A_208] : memref<10240x128xf32, #tpu.memory_space<hbm>> -> memref<10240x128xf32, #tpu.memory_space<hbm>>
      tpu.wait_indirect_dma semaphore(%arg9 : memref<!tpu.dma_semaphore, #tpu.memory_space<semaphore_mem>>) src(%dma_wait3A_209 : memref<10240x128xf32, #tpu.memory_space<hbm>>) dst(%dma_wait3A_203 : memref<128x128xf32, #tpu.memory_space<vmem>>)
      %dma_start3A_210 = arith.constant 1 : i32
      %dma_start3A_211 = arith.constant 1 : i32
      %dma_start3A_212 = arith.constant 1 : i32
      %dma_start3A_213 = arith.constant 0 : i32
      %dma_start3A_214 = arith.constant 0 : i32
      %dma_start3A_215 = tpu.memref_slice %arg6[%dma_start3A_210, %dma_start3A_213, %dma_start3A_214] : memref<2x128x128xf32, #tpu.memory_space<vmem>> -> memref<1x128x128xf32, #tpu.memory_space<vmem>>
      %dma_start3A_216 = tpu.memref_squeeze %dma_start3A_215 : memref<1x128x128xf32, #tpu.memory_space<vmem>> -> memref<128x128xf32, #tpu.memory_space<vmem>>
      %dma_start3A_217 = arith.constant 0 : i32
      %dma_start3A_218 = tpu.memref_slice %arg5[%dma_start3A_211, %dma_start3A_212, %dma_start3A_217] : memref<4x2x128xi32, #tpu.memory_space<vmem>> -> memref<1x1x128xi32, #tpu.memory_space<vmem>>
      %dma_start3A_219 = tpu.memref_squeeze %dma_start3A_218 : memref<1x1x128xi32, #tpu.memory_space<vmem>> -> memref<128xi32, #tpu.memory_space<vmem>>
      %dma_start3A_220 = arith.constant 0 : i32
      %dma_start3A_221 = arith.constant 0 : i32
      %dma_start3A_222 = tpu.memref_slice %arg7[%dma_start3A_220, %dma_start3A_221] : memref<10240x128xf32, #tpu.memory_space<vmem_shared>> -> memref<10240x128xf32, #tpu.memory_space<vmem_shared>>
      tpu.enqueue_indirect_dma source(%dma_start3A_216 : memref<128x128xf32, #tpu.memory_space<vmem>>) target(%dma_start3A_222 : memref<10240x128xf32, #tpu.memory_space<vmem_shared>>) offsets(%dma_start3A_219 : memref<128xi32, #tpu.memory_space<vmem>>) semaphore(%arg11 : memref<!tpu.dma_semaphore, #tpu.memory_space<semaphore_mem>>) {add = true}
      %mul3A_223 = arith.constant 4 : i32
      %mul3A_224 = arith.muli %while3A_53, %mul3A_223 : i32
      %add3A_225 = arith.constant 2 : i32
      %add3A_226 = arith.addi %mul3A_224, %add3A_225 : i32
      %sub3A_227 = arith.constant 1 : i32
      %sub3A_228 = arith.subi %add3A_226, %sub3A_227 : i32
      %dma_wait3A_229 = arith.constant 1 : i32
      %dma_wait3A_230 = arith.constant 1 : i32
      %dma_wait3A_231 = arith.constant 1 : i32
      %dma_wait3A_232 = arith.constant 0 : i32
      %dma_wait3A_233 = arith.constant 0 : i32
      %dma_wait3A_234 = tpu.memref_slice %arg6[%dma_wait3A_229, %dma_wait3A_232, %dma_wait3A_233] : memref<2x128x128xf32, #tpu.memory_space<vmem>> -> memref<1x128x128xf32, #tpu.memory_space<vmem>>
      %dma_wait3A_235 = tpu.memref_squeeze %dma_wait3A_234 : memref<1x128x128xf32, #tpu.memory_space<vmem>> -> memref<128x128xf32, #tpu.memory_space<vmem>>
      %dma_wait3A_236 = arith.constant 0 : i32
      %dma_wait3A_237 = tpu.memref_slice %arg5[%dma_wait3A_230, %dma_wait3A_231, %dma_wait3A_236] : memref<4x2x128xi32, #tpu.memory_space<vmem>> -> memref<1x1x128xi32, #tpu.memory_space<vmem>>
      %dma_wait3A_238 = tpu.memref_squeeze %dma_wait3A_237 : memref<1x1x128xi32, #tpu.memory_space<vmem>> -> memref<128xi32, #tpu.memory_space<vmem>>
      %dma_wait3A_239 = arith.constant 0 : i32
      %dma_wait3A_240 = arith.constant 0 : i32
      %dma_wait3A_241 = tpu.memref_slice %arg7[%dma_wait3A_239, %dma_wait3A_240] : memref<10240x128xf32, #tpu.memory_space<vmem_shared>> -> memref<10240x128xf32, #tpu.memory_space<vmem_shared>>
      tpu.wait_indirect_dma semaphore(%arg11 : memref<!tpu.dma_semaphore, #tpu.memory_space<semaphore_mem>>) src(%dma_wait3A_235 : memref<128x128xf32, #tpu.memory_space<vmem>>) dst(%dma_wait3A_241 : memref<10240x128xf32, #tpu.memory_space<vmem_shared>>)
      %sub3A_242 = arith.constant 1 : i32
      %sub3A_243 = arith.subi %select_n3A, %sub3A_242 : i32
      %lt3A_244 = arith.cmpi slt, %while3A_53, %sub3A_243 : i32
      %convert_element_type3A_245 = arith.extui %lt3A_244 : i1 to i32
      %cond3A_246 = arith.constant 0 : i32
      %cond3A_247 = arith.cmpi ne, %convert_element_type3A_245, %cond3A_246 : i32
      scf.if %cond3A_247 {
        %add3A_365 = arith.constant 3 : i32
        %add3A_366 = arith.addi %add3A_226, %add3A_365 : i32
        %dma_start3A_367 = arith.constant 1 : i32
        %dma_start3A_368 = arith.constant 0 : i32
        %dma_start3A_369 = arith.constant 0 : i32
        %dma_start3A_370 = tpu.memref_slice %arg5[%dma_start3A_367, %dma_start3A_368, %dma_start3A_369] : memref<4x2x128xi32, #tpu.memory_space<vmem>> -> memref<1x2x128xi32, #tpu.memory_space<vmem>>
        %dma_start3A_371 = tpu.memref_squeeze %dma_start3A_370 : memref<1x2x128xi32, #tpu.memory_space<vmem>> -> memref<2x128xi32, #tpu.memory_space<vmem>>
        %dma_start3A_372 = arith.constant 0 : i32
        %dma_start3A_373 = arith.constant 0 : i32
        %dma_start3A_374 = tpu.memref_slice %arg3[%add3A, %add3A_366, %dma_start3A_372, %dma_start3A_373] : memref<32x116x2x128xi32, #tpu.memory_space<hbm>> -> memref<1x1x2x128xi32, #tpu.memory_space<hbm>>
        %dma_start3A_375 = tpu.memref_squeeze %dma_start3A_374 : memref<1x1x2x128xi32, #tpu.memory_space<hbm>> -> memref<2x128xi32, #tpu.memory_space<hbm>>
        %dma_start3A_376 = arith.constant 0 : i32
        %dma_start3A_377 = arith.constant 0 : i32
        %dma_start3A_378 = tpu.memref_slice %arg5[%dma_start3A_367, %dma_start3A_376, %dma_start3A_377] : memref<4x2x128xi32, #tpu.memory_space<vmem>> -> memref<1x2x128xi32, #tpu.memory_space<vmem>>
        %dma_start3A_379 = tpu.memref_squeeze %dma_start3A_378 : memref<1x2x128xi32, #tpu.memory_space<vmem>> -> memref<2x128xi32, #tpu.memory_space<vmem>>
        %dma_start3A_380 = arith.constant 0 : i32
        %dma_start3A_381 = arith.constant 0 : i32
        %dma_start3A_382 = tpu.memref_slice %arg3[%add3A, %add3A_366, %dma_start3A_380, %dma_start3A_381] : memref<32x116x2x128xi32, #tpu.memory_space<hbm>> -> memref<1x1x2x128xi32, #tpu.memory_space<hbm>>
        %dma_start3A_383 = tpu.memref_squeeze %dma_start3A_382 : memref<1x1x2x128xi32, #tpu.memory_space<hbm>> -> memref<2x128xi32, #tpu.memory_space<hbm>>
        tpu.enqueue_dma source(%dma_start3A_383 : memref<2x128xi32, #tpu.memory_space<hbm>>) target(%dma_start3A_379 : memref<2x128xi32, #tpu.memory_space<vmem>>) target_semaphore(%arg13 : memref<!tpu.dma_semaphore, #tpu.memory_space<semaphore_mem>>)
      } else {
      }
      %add3A_248 = arith.constant 1 : i32
      %add3A_249 = arith.addi %add3A_226, %add3A_248 : i32
      %dma_wait3A_250 = arith.constant 3 : i32
      %dma_wait3A_251 = arith.constant 0 : i32
      %dma_wait3A_252 = arith.constant 0 : i32
      %dma_wait3A_253 = tpu.memref_slice %arg5[%dma_wait3A_250, %dma_wait3A_251, %dma_wait3A_252] : memref<4x2x128xi32, #tpu.memory_space<vmem>> -> memref<1x2x128xi32, #tpu.memory_space<vmem>>
      %dma_wait3A_254 = tpu.memref_squeeze %dma_wait3A_253 : memref<1x2x128xi32, #tpu.memory_space<vmem>> -> memref<2x128xi32, #tpu.memory_space<vmem>>
      %dma_wait3A_255 = arith.constant 0 : i32
      %dma_wait3A_256 = arith.constant 0 : i32
      %dma_wait3A_257 = tpu.memref_slice %arg3[%add3A, %add3A_249, %dma_wait3A_255, %dma_wait3A_256] : memref<32x116x2x128xi32, #tpu.memory_space<hbm>> -> memref<1x1x2x128xi32, #tpu.memory_space<hbm>>
      %dma_wait3A_258 = tpu.memref_squeeze %dma_wait3A_257 : memref<1x1x2x128xi32, #tpu.memory_space<hbm>> -> memref<2x128xi32, #tpu.memory_space<hbm>>
      %dma_wait3A_259 = arith.constant 0 : i32
      %dma_wait3A_260 = arith.constant 0 : i32
      %dma_wait3A_261 = tpu.memref_slice %arg5[%dma_wait3A_250, %dma_wait3A_259, %dma_wait3A_260] : memref<4x2x128xi32, #tpu.memory_space<vmem>> -> memref<1x2x128xi32, #tpu.memory_space<vmem>>
      %dma_wait3A_262 = tpu.memref_squeeze %dma_wait3A_261 : memref<1x2x128xi32, #tpu.memory_space<vmem>> -> memref<2x128xi32, #tpu.memory_space<vmem>>
      %dma_wait3A_263 = arith.constant 0 : i32
      %dma_wait3A_264 = arith.constant 0 : i32
      %dma_wait3A_265 = tpu.memref_slice %arg3[%add3A, %add3A_249, %dma_wait3A_263, %dma_wait3A_264] : memref<32x116x2x128xi32, #tpu.memory_space<hbm>> -> memref<1x1x2x128xi32, #tpu.memory_space<hbm>>
      %dma_wait3A_266 = tpu.memref_squeeze %dma_wait3A_265 : memref<1x1x2x128xi32, #tpu.memory_space<hbm>> -> memref<2x128xi32, #tpu.memory_space<hbm>>
      tpu.wait_dma2 semaphore(%arg15 : memref<!tpu.dma_semaphore, #tpu.memory_space<semaphore_mem>>) src(%dma_wait3A_266 : memref<2x128xi32, #tpu.memory_space<hbm>>) dst(%dma_wait3A_262 : memref<2x128xi32, #tpu.memory_space<vmem>>)
      %add3A_267 = arith.constant 1 : i32
      %add3A_268 = arith.addi %add3A_226, %add3A_267 : i32
      %dma_start3A_269 = arith.constant 3 : i32
      %dma_start3A_270 = arith.constant 0 : i32
      %dma_start3A_271 = arith.constant 1 : i32
      %dma_start3A_272 = arith.constant 0 : i32
      %dma_start3A_273 = arith.constant 0 : i32
      %dma_start3A_274 = tpu.memref_slice %arg6[%dma_start3A_271, %dma_start3A_272, %dma_start3A_273] : memref<2x128x128xf32, #tpu.memory_space<vmem>> -> memref<1x128x128xf32, #tpu.memory_space<vmem>>
      %dma_start3A_275 = tpu.memref_squeeze %dma_start3A_274 : memref<1x128x128xf32, #tpu.memory_space<vmem>> -> memref<128x128xf32, #tpu.memory_space<vmem>>
      %dma_start3A_276 = arith.constant 0 : i32
      %dma_start3A_277 = tpu.memref_slice %arg5[%dma_start3A_269, %dma_start3A_270, %dma_start3A_276] : memref<4x2x128xi32, #tpu.memory_space<vmem>> -> memref<1x1x128xi32, #tpu.memory_space<vmem>>
      %dma_start3A_278 = tpu.memref_squeeze %dma_start3A_277 : memref<1x1x128xi32, #tpu.memory_space<vmem>> -> memref<128xi32, #tpu.memory_space<vmem>>
      %dma_start3A_279 = arith.constant 0 : i32
      %dma_start3A_280 = arith.constant 0 : i32
      %dma_start3A_281 = tpu.memref_slice %arg2[%dma_start3A_279, %dma_start3A_280] : memref<10240x128xf32, #tpu.memory_space<hbm>> -> memref<10240x128xf32, #tpu.memory_space<hbm>>
      tpu.enqueue_indirect_dma source(%dma_start3A_281 : memref<10240x128xf32, #tpu.memory_space<hbm>>) target(%dma_start3A_275 : memref<128x128xf32, #tpu.memory_space<vmem>>) offsets(%dma_start3A_278 : memref<128xi32, #tpu.memory_space<vmem>>) semaphore(%arg9 : memref<!tpu.dma_semaphore, #tpu.memory_space<semaphore_mem>>)
      %dma_wait3A_282 = arith.constant 2 : i32
      %dma_wait3A_283 = arith.constant 0 : i32
      %dma_wait3A_284 = arith.constant 0 : i32
      %dma_wait3A_285 = arith.constant 0 : i32
      %dma_wait3A_286 = arith.constant 0 : i32
      %dma_wait3A_287 = tpu.memref_slice %arg6[%dma_wait3A_284, %dma_wait3A_285, %dma_wait3A_286] : memref<2x128x128xf32, #tpu.memory_space<vmem>> -> memref<1x128x128xf32, #tpu.memory_space<vmem>>
      %dma_wait3A_288 = tpu.memref_squeeze %dma_wait3A_287 : memref<1x128x128xf32, #tpu.memory_space<vmem>> -> memref<128x128xf32, #tpu.memory_space<vmem>>
      %dma_wait3A_289 = arith.constant 0 : i32
      %dma_wait3A_290 = tpu.memref_slice %arg5[%dma_wait3A_282, %dma_wait3A_283, %dma_wait3A_289] : memref<4x2x128xi32, #tpu.memory_space<vmem>> -> memref<1x1x128xi32, #tpu.memory_space<vmem>>
      %dma_wait3A_291 = tpu.memref_squeeze %dma_wait3A_290 : memref<1x1x128xi32, #tpu.memory_space<vmem>> -> memref<128xi32, #tpu.memory_space<vmem>>
      %dma_wait3A_292 = arith.constant 0 : i32
      %dma_wait3A_293 = arith.constant 0 : i32
      %dma_wait3A_294 = tpu.memref_slice %arg2[%dma_wait3A_292, %dma_wait3A_293] : memref<10240x128xf32, #tpu.memory_space<hbm>> -> memref<10240x128xf32, #tpu.memory_space<hbm>>
      tpu.wait_indirect_dma semaphore(%arg8 : memref<!tpu.dma_semaphore, #tpu.memory_space<semaphore_mem>>) src(%dma_wait3A_294 : memref<10240x128xf32, #tpu.memory_space<hbm>>) dst(%dma_wait3A_288 : memref<128x128xf32, #tpu.memory_space<vmem>>)
      %dma_start3A_295 = arith.constant 0 : i32
      %dma_start3A_296 = arith.constant 2 : i32
      %dma_start3A_297 = arith.constant 1 : i32
      %dma_start3A_298 = arith.constant 0 : i32
      %dma_start3A_299 = arith.constant 0 : i32
      %dma_start3A_300 = tpu.memref_slice %arg6[%dma_start3A_295, %dma_start3A_298, %dma_start3A_299] : memref<2x128x128xf32, #tpu.memory_space<vmem>> -> memref<1x128x128xf32, #tpu.memory_space<vmem>>
      %dma_start3A_301 = tpu.memref_squeeze %dma_start3A_300 : memref<1x128x128xf32, #tpu.memory_space<vmem>> -> memref<128x128xf32, #tpu.memory_space<vmem>>
      %dma_start3A_302 = arith.constant 0 : i32
      %dma_start3A_303 = tpu.memref_slice %arg5[%dma_start3A_296, %dma_start3A_297, %dma_start3A_302] : memref<4x2x128xi32, #tpu.memory_space<vmem>> -> memref<1x1x128xi32, #tpu.memory_space<vmem>>
      %dma_start3A_304 = tpu.memref_squeeze %dma_start3A_303 : memref<1x1x128xi32, #tpu.memory_space<vmem>> -> memref<128xi32, #tpu.memory_space<vmem>>
      %dma_start3A_305 = arith.constant 0 : i32
      %dma_start3A_306 = arith.constant 0 : i32
      %dma_start3A_307 = tpu.memref_slice %arg7[%dma_start3A_305, %dma_start3A_306] : memref<10240x128xf32, #tpu.memory_space<vmem_shared>> -> memref<10240x128xf32, #tpu.memory_space<vmem_shared>>
      tpu.enqueue_indirect_dma source(%dma_start3A_301 : memref<128x128xf32, #tpu.memory_space<vmem>>) target(%dma_start3A_307 : memref<10240x128xf32, #tpu.memory_space<vmem_shared>>) offsets(%dma_start3A_304 : memref<128xi32, #tpu.memory_space<vmem>>) semaphore(%arg10 : memref<!tpu.dma_semaphore, #tpu.memory_space<semaphore_mem>>) {add = true}
      %mul3A_308 = arith.constant 4 : i32
      %mul3A_309 = arith.muli %while3A_53, %mul3A_308 : i32
      %add3A_310 = arith.constant 3 : i32
      %add3A_311 = arith.addi %mul3A_309, %add3A_310 : i32
      %sub3A_312 = arith.constant 1 : i32
      %sub3A_313 = arith.subi %add3A_311, %sub3A_312 : i32
      %dma_wait3A_314 = arith.constant 0 : i32
      %dma_wait3A_315 = arith.constant 2 : i32
      %dma_wait3A_316 = arith.constant 1 : i32
      %dma_wait3A_317 = arith.constant 0 : i32
      %dma_wait3A_318 = arith.constant 0 : i32
      %dma_wait3A_319 = tpu.memref_slice %arg6[%dma_wait3A_314, %dma_wait3A_317, %dma_wait3A_318] : memref<2x128x128xf32, #tpu.memory_space<vmem>> -> memref<1x128x128xf32, #tpu.memory_space<vmem>>
      %dma_wait3A_320 = tpu.memref_squeeze %dma_wait3A_319 : memref<1x128x128xf32, #tpu.memory_space<vmem>> -> memref<128x128xf32, #tpu.memory_space<vmem>>
      %dma_wait3A_321 = arith.constant 0 : i32
      %dma_wait3A_322 = tpu.memref_slice %arg5[%dma_wait3A_315, %dma_wait3A_316, %dma_wait3A_321] : memref<4x2x128xi32, #tpu.memory_space<vmem>> -> memref<1x1x128xi32, #tpu.memory_space<vmem>>
      %dma_wait3A_323 = tpu.memref_squeeze %dma_wait3A_322 : memref<1x1x128xi32, #tpu.memory_space<vmem>> -> memref<128xi32, #tpu.memory_space<vmem>>
      %dma_wait3A_324 = arith.constant 0 : i32
      %dma_wait3A_325 = arith.constant 0 : i32
      %dma_wait3A_326 = tpu.memref_slice %arg7[%dma_wait3A_324, %dma_wait3A_325] : memref<10240x128xf32, #tpu.memory_space<vmem_shared>> -> memref<10240x128xf32, #tpu.memory_space<vmem_shared>>
      tpu.wait_indirect_dma semaphore(%arg10 : memref<!tpu.dma_semaphore, #tpu.memory_space<semaphore_mem>>) src(%dma_wait3A_320 : memref<128x128xf32, #tpu.memory_space<vmem>>) dst(%dma_wait3A_326 : memref<10240x128xf32, #tpu.memory_space<vmem_shared>>)
      %sub3A_327 = arith.constant 1 : i32
      %sub3A_328 = arith.subi %select_n3A, %sub3A_327 : i32
      %lt3A_329 = arith.cmpi slt, %while3A_53, %sub3A_328 : i32
      %convert_element_type3A_330 = arith.extui %lt3A_329 : i1 to i32
      %cond3A_331 = arith.constant 0 : i32
      %cond3A_332 = arith.cmpi ne, %convert_element_type3A_330, %cond3A_331 : i32
      scf.if %cond3A_332 {
        %add3A_365 = arith.constant 3 : i32
        %add3A_366 = arith.addi %add3A_311, %add3A_365 : i32
        %dma_start3A_367 = arith.constant 2 : i32
        %dma_start3A_368 = arith.constant 0 : i32
        %dma_start3A_369 = arith.constant 0 : i32
        %dma_start3A_370 = tpu.memref_slice %arg5[%dma_start3A_367, %dma_start3A_368, %dma_start3A_369] : memref<4x2x128xi32, #tpu.memory_space<vmem>> -> memref<1x2x128xi32, #tpu.memory_space<vmem>>
        %dma_start3A_371 = tpu.memref_squeeze %dma_start3A_370 : memref<1x2x128xi32, #tpu.memory_space<vmem>> -> memref<2x128xi32, #tpu.memory_space<vmem>>
        %dma_start3A_372 = arith.constant 0 : i32
        %dma_start3A_373 = arith.constant 0 : i32
        %dma_start3A_374 = tpu.memref_slice %arg3[%add3A, %add3A_366, %dma_start3A_372, %dma_start3A_373] : memref<32x116x2x128xi32, #tpu.memory_space<hbm>> -> memref<1x1x2x128xi32, #tpu.memory_space<hbm>>
        %dma_start3A_375 = tpu.memref_squeeze %dma_start3A_374 : memref<1x1x2x128xi32, #tpu.memory_space<hbm>> -> memref<2x128xi32, #tpu.memory_space<hbm>>
        %dma_start3A_376 = arith.constant 0 : i32
        %dma_start3A_377 = arith.constant 0 : i32
        %dma_start3A_378 = tpu.memref_slice %arg5[%dma_start3A_367, %dma_start3A_376, %dma_start3A_377] : memref<4x2x128xi32, #tpu.memory_space<vmem>> -> memref<1x2x128xi32, #tpu.memory_space<vmem>>
        %dma_start3A_379 = tpu.memref_squeeze %dma_start3A_378 : memref<1x2x128xi32, #tpu.memory_space<vmem>> -> memref<2x128xi32, #tpu.memory_space<vmem>>
        %dma_start3A_380 = arith.constant 0 : i32
        %dma_start3A_381 = arith.constant 0 : i32
        %dma_start3A_382 = tpu.memref_slice %arg3[%add3A, %add3A_366, %dma_start3A_380, %dma_start3A_381] : memref<32x116x2x128xi32, #tpu.memory_space<hbm>> -> memref<1x1x2x128xi32, #tpu.memory_space<hbm>>
        %dma_start3A_383 = tpu.memref_squeeze %dma_start3A_382 : memref<1x1x2x128xi32, #tpu.memory_space<hbm>> -> memref<2x128xi32, #tpu.memory_space<hbm>>
        tpu.enqueue_dma source(%dma_start3A_383 : memref<2x128xi32, #tpu.memory_space<hbm>>) target(%dma_start3A_379 : memref<2x128xi32, #tpu.memory_space<vmem>>) target_semaphore(%arg14 : memref<!tpu.dma_semaphore, #tpu.memory_space<semaphore_mem>>)
      } else {
      }
      %sub3A_333 = arith.constant 1 : i32
      %sub3A_334 = arith.subi %select_n3A, %sub3A_333 : i32
      %lt3A_335 = arith.cmpi slt, %while3A_53, %sub3A_334 : i32
      %convert_element_type3A_336 = arith.extui %lt3A_335 : i1 to i32
      %cond3A_337 = arith.constant 0 : i32
      %cond3A_338 = arith.cmpi ne, %convert_element_type3A_336, %cond3A_337 : i32
      scf.if %cond3A_338 {
        %add3A_365 = arith.constant 1 : i32
        %add3A_366 = arith.addi %add3A_311, %add3A_365 : i32
        %dma_wait3A_367 = arith.constant 0 : i32
        %dma_wait3A_368 = arith.constant 0 : i32
        %dma_wait3A_369 = arith.constant 0 : i32
        %dma_wait3A_370 = tpu.memref_slice %arg5[%dma_wait3A_367, %dma_wait3A_368, %dma_wait3A_369] : memref<4x2x128xi32, #tpu.memory_space<vmem>> -> memref<1x2x128xi32, #tpu.memory_space<vmem>>
        %dma_wait3A_371 = tpu.memref_squeeze %dma_wait3A_370 : memref<1x2x128xi32, #tpu.memory_space<vmem>> -> memref<2x128xi32, #tpu.memory_space<vmem>>
        %dma_wait3A_372 = arith.constant 0 : i32
        %dma_wait3A_373 = arith.constant 0 : i32
        %dma_wait3A_374 = tpu.memref_slice %arg3[%add3A, %add3A_366, %dma_wait3A_372, %dma_wait3A_373] : memref<32x116x2x128xi32, #tpu.memory_space<hbm>> -> memref<1x1x2x128xi32, #tpu.memory_space<hbm>>
        %dma_wait3A_375 = tpu.memref_squeeze %dma_wait3A_374 : memref<1x1x2x128xi32, #tpu.memory_space<hbm>> -> memref<2x128xi32, #tpu.memory_space<hbm>>
        %dma_wait3A_376 = arith.constant 0 : i32
        %dma_wait3A_377 = arith.constant 0 : i32
        %dma_wait3A_378 = tpu.memref_slice %arg5[%dma_wait3A_367, %dma_wait3A_376, %dma_wait3A_377] : memref<4x2x128xi32, #tpu.memory_space<vmem>> -> memref<1x2x128xi32, #tpu.memory_space<vmem>>
        %dma_wait3A_379 = tpu.memref_squeeze %dma_wait3A_378 : memref<1x2x128xi32, #tpu.memory_space<vmem>> -> memref<2x128xi32, #tpu.memory_space<vmem>>
        %dma_wait3A_380 = arith.constant 0 : i32
        %dma_wait3A_381 = arith.constant 0 : i32
        %dma_wait3A_382 = tpu.memref_slice %arg3[%add3A, %add3A_366, %dma_wait3A_380, %dma_wait3A_381] : memref<32x116x2x128xi32, #tpu.memory_space<hbm>> -> memref<1x1x2x128xi32, #tpu.memory_space<hbm>>
        %dma_wait3A_383 = tpu.memref_squeeze %dma_wait3A_382 : memref<1x1x2x128xi32, #tpu.memory_space<hbm>> -> memref<2x128xi32, #tpu.memory_space<hbm>>
        tpu.wait_dma2 semaphore(%arg12 : memref<!tpu.dma_semaphore, #tpu.memory_space<semaphore_mem>>) src(%dma_wait3A_383 : memref<2x128xi32, #tpu.memory_space<hbm>>) dst(%dma_wait3A_379 : memref<2x128xi32, #tpu.memory_space<vmem>>)
        %add3A_384 = arith.constant 1 : i32
        %add3A_385 = arith.addi %add3A_311, %add3A_384 : i32
        %dma_start3A_386 = arith.constant 0 : i32
        %dma_start3A_387 = arith.constant 0 : i32
        %dma_start3A_388 = arith.constant 0 : i32
        %dma_start3A_389 = arith.constant 0 : i32
        %dma_start3A_390 = arith.constant 0 : i32
        %dma_start3A_391 = tpu.memref_slice %arg6[%dma_start3A_388, %dma_start3A_389, %dma_start3A_390] : memref<2x128x128xf32, #tpu.memory_space<vmem>> -> memref<1x128x128xf32, #tpu.memory_space<vmem>>
        %dma_start3A_392 = tpu.memref_squeeze %dma_start3A_391 : memref<1x128x128xf32, #tpu.memory_space<vmem>> -> memref<128x128xf32, #tpu.memory_space<vmem>>
        %dma_start3A_393 = arith.constant 0 : i32
        %dma_start3A_394 = tpu.memref_slice %arg5[%dma_start3A_386, %dma_start3A_387, %dma_start3A_393] : memref<4x2x128xi32, #tpu.memory_space<vmem>> -> memref<1x1x128xi32, #tpu.memory_space<vmem>>
        %dma_start3A_395 = tpu.memref_squeeze %dma_start3A_394 : memref<1x1x128xi32, #tpu.memory_space<vmem>> -> memref<128xi32, #tpu.memory_space<vmem>>
        %dma_start3A_396 = arith.constant 0 : i32
        %dma_start3A_397 = arith.constant 0 : i32
        %dma_start3A_398 = tpu.memref_slice %arg2[%dma_start3A_396, %dma_start3A_397] : memref<10240x128xf32, #tpu.memory_space<hbm>> -> memref<10240x128xf32, #tpu.memory_space<hbm>>
        tpu.enqueue_indirect_dma source(%dma_start3A_398 : memref<10240x128xf32, #tpu.memory_space<hbm>>) target(%dma_start3A_392 : memref<128x128xf32, #tpu.memory_space<vmem>>) offsets(%dma_start3A_395 : memref<128xi32, #tpu.memory_space<vmem>>) semaphore(%arg8 : memref<!tpu.dma_semaphore, #tpu.memory_space<semaphore_mem>>)
      } else {
      }
      %dma_wait3A_339 = arith.constant 3 : i32
      %dma_wait3A_340 = arith.constant 0 : i32
      %dma_wait3A_341 = arith.constant 1 : i32
      %dma_wait3A_342 = arith.constant 0 : i32
      %dma_wait3A_343 = arith.constant 0 : i32
      %dma_wait3A_344 = tpu.memref_slice %arg6[%dma_wait3A_341, %dma_wait3A_342, %dma_wait3A_343] : memref<2x128x128xf32, #tpu.memory_space<vmem>> -> memref<1x128x128xf32, #tpu.memory_space<vmem>>
      %dma_wait3A_345 = tpu.memref_squeeze %dma_wait3A_344 : memref<1x128x128xf32, #tpu.memory_space<vmem>> -> memref<128x128xf32, #tpu.memory_space<vmem>>
      %dma_wait3A_346 = arith.constant 0 : i32
      %dma_wait3A_347 = tpu.memref_slice %arg5[%dma_wait3A_339, %dma_wait3A_340, %dma_wait3A_346] : memref<4x2x128xi32, #tpu.memory_space<vmem>> -> memref<1x1x128xi32, #tpu.memory_space<vmem>>
      %dma_wait3A_348 = tpu.memref_squeeze %dma_wait3A_347 : memref<1x1x128xi32, #tpu.memory_space<vmem>> -> memref<128xi32, #tpu.memory_space<vmem>>
      %dma_wait3A_349 = arith.constant 0 : i32
      %dma_wait3A_350 = arith.constant 0 : i32
      %dma_wait3A_351 = tpu.memref_slice %arg2[%dma_wait3A_349, %dma_wait3A_350] : memref<10240x128xf32, #tpu.memory_space<hbm>> -> memref<10240x128xf32, #tpu.memory_space<hbm>>
      tpu.wait_indirect_dma semaphore(%arg9 : memref<!tpu.dma_semaphore, #tpu.memory_space<semaphore_mem>>) src(%dma_wait3A_351 : memref<10240x128xf32, #tpu.memory_space<hbm>>) dst(%dma_wait3A_345 : memref<128x128xf32, #tpu.memory_space<vmem>>)
      %dma_start3A_352 = arith.constant 1 : i32
      %dma_start3A_353 = arith.constant 3 : i32
      %dma_start3A_354 = arith.constant 1 : i32
      %dma_start3A_355 = arith.constant 0 : i32
      %dma_start3A_356 = arith.constant 0 : i32
      %dma_start3A_357 = tpu.memref_slice %arg6[%dma_start3A_352, %dma_start3A_355, %dma_start3A_356] : memref<2x128x128xf32, #tpu.memory_space<vmem>> -> memref<1x128x128xf32, #tpu.memory_space<vmem>>
      %dma_start3A_358 = tpu.memref_squeeze %dma_start3A_357 : memref<1x128x128xf32, #tpu.memory_space<vmem>> -> memref<128x128xf32, #tpu.memory_space<vmem>>
      %dma_start3A_359 = arith.constant 0 : i32
      %dma_start3A_360 = tpu.memref_slice %arg5[%dma_start3A_353, %dma_start3A_354, %dma_start3A_359] : memref<4x2x128xi32, #tpu.memory_space<vmem>> -> memref<1x1x128xi32, #tpu.memory_space<vmem>>
      %dma_start3A_361 = tpu.memref_squeeze %dma_start3A_360 : memref<1x1x128xi32, #tpu.memory_space<vmem>> -> memref<128xi32, #tpu.memory_space<vmem>>
      %dma_start3A_362 = arith.constant 0 : i32
      %dma_start3A_363 = arith.constant 0 : i32
      %dma_start3A_364 = tpu.memref_slice %arg7[%dma_start3A_362, %dma_start3A_363] : memref<10240x128xf32, #tpu.memory_space<vmem_shared>> -> memref<10240x128xf32, #tpu.memory_space<vmem_shared>>
      tpu.enqueue_indirect_dma source(%dma_start3A_358 : memref<128x128xf32, #tpu.memory_space<vmem>>) target(%dma_start3A_364 : memref<10240x128xf32, #tpu.memory_space<vmem_shared>>) offsets(%dma_start3A_361 : memref<128xi32, #tpu.memory_space<vmem>>) semaphore(%arg11 : memref<!tpu.dma_semaphore, #tpu.memory_space<semaphore_mem>>) {add = true}
    }
    %gt3A_43 = arith.constant 0 : i32
    %gt3A_44 = arith.cmpi sgt, %select_n3A, %gt3A_43 : i32
    %convert_element_type3A_45 = arith.extui %gt3A_44 : i1 to i32
    %cond3A_46 = arith.constant 0 : i32
    %cond3A_47 = arith.cmpi ne, %convert_element_type3A_45, %cond3A_46 : i32
    scf.if %cond3A_47 {
      %dma_wait3A = arith.constant 1 : i32
      %dma_wait3A_53 = arith.constant 3 : i32
      %dma_wait3A_54 = arith.constant 1 : i32
      %dma_wait3A_55 = arith.constant 0 : i32
      %dma_wait3A_56 = arith.constant 0 : i32
      %dma_wait3A_57 = tpu.memref_slice %arg6[%dma_wait3A, %dma_wait3A_55, %dma_wait3A_56] : memref<2x128x128xf32, #tpu.memory_space<vmem>> -> memref<1x128x128xf32, #tpu.memory_space<vmem>>
      %dma_wait3A_58 = tpu.memref_squeeze %dma_wait3A_57 : memref<1x128x128xf32, #tpu.memory_space<vmem>> -> memref<128x128xf32, #tpu.memory_space<vmem>>
      %dma_wait3A_59 = arith.constant 0 : i32
      %dma_wait3A_60 = tpu.memref_slice %arg5[%dma_wait3A_53, %dma_wait3A_54, %dma_wait3A_59] : memref<4x2x128xi32, #tpu.memory_space<vmem>> -> memref<1x1x128xi32, #tpu.memory_space<vmem>>
      %dma_wait3A_61 = tpu.memref_squeeze %dma_wait3A_60 : memref<1x1x128xi32, #tpu.memory_space<vmem>> -> memref<128xi32, #tpu.memory_space<vmem>>
      %dma_wait3A_62 = arith.constant 0 : i32
      %dma_wait3A_63 = arith.constant 0 : i32
      %dma_wait3A_64 = tpu.memref_slice %arg7[%dma_wait3A_62, %dma_wait3A_63] : memref<10240x128xf32, #tpu.memory_space<vmem_shared>> -> memref<10240x128xf32, #tpu.memory_space<vmem_shared>>
      tpu.wait_indirect_dma semaphore(%arg11 : memref<!tpu.dma_semaphore, #tpu.memory_space<semaphore_mem>>) src(%dma_wait3A_58 : memref<128x128xf32, #tpu.memory_space<vmem>>) dst(%dma_wait3A_64 : memref<10240x128xf32, #tpu.memory_space<vmem_shared>>)
    } else {
    }
    %barrier3A_48 = arith.constant 0 : index
    tpu.barrier barrier_id(%barrier3A_48)
    %mul3A_49 = arith.constant 640 : i32
    %mul3A_50 = arith.muli %arg1, %mul3A_49 : i32
    %mul3A_51 = arith.constant 640 : i32
    %mul3A_52 = arith.muli %arg1, %mul3A_51 : i32
    "tpu.region"() ({
      %run_scoped3A_53 = tpu.sem_alloc : memref<!tpu.dma_semaphore, #tpu.memory_space<semaphore_mem>>
      %dma_start3A = arith.constant 0 : i32
      %dma_start3A_54 = tpu.memref_slice %arg4[%arg0, %mul3A_52, %dma_start3A] : memref<2x10240x128xf32, #tpu.memory_space<hbm>> -> memref<1x640x128xf32, #tpu.memory_space<hbm>>
      %dma_start3A_55 = tpu.memref_squeeze %dma_start3A_54 : memref<1x640x128xf32, #tpu.memory_space<hbm>> -> memref<640x128xf32, #tpu.memory_space<hbm>>
      %dma_start3A_56 = arith.constant 0 : i32
      %dma_start3A_57 = tpu.memref_slice %arg7[%mul3A_50, %dma_start3A_56] : memref<10240x128xf32, #tpu.memory_space<vmem_shared>> -> memref<640x128xf32, #tpu.memory_space<vmem_shared>>
      tpu.enqueue_dma source(%dma_start3A_57 : memref<640x128xf32, #tpu.memory_space<vmem_shared>>) target(%dma_start3A_55 : memref<640x128xf32, #tpu.memory_space<hbm>>) target_semaphore(%run_scoped3A_53 : memref<!tpu.dma_semaphore, #tpu.memory_space<semaphore_mem>>)
      %dma_wait3A = arith.constant 0 : i32
      %dma_wait3A_58 = tpu.memref_slice %arg4[%arg0, %mul3A_52, %dma_wait3A] : memref<2x10240x128xf32, #tpu.memory_space<hbm>> -> memref<1x640x128xf32, #tpu.memory_space<hbm>>
      %dma_wait3A_59 = tpu.memref_squeeze %dma_wait3A_58 : memref<1x640x128xf32, #tpu.memory_space<hbm>> -> memref<640x128xf32, #tpu.memory_space<hbm>>
      %dma_wait3A_60 = arith.constant 0 : i32
      %dma_wait3A_61 = tpu.memref_slice %arg7[%mul3A_50, %dma_wait3A_60] : memref<10240x128xf32, #tpu.memory_space<vmem_shared>> -> memref<640x128xf32, #tpu.memory_space<vmem_shared>>
      tpu.wait_dma2 semaphore(%run_scoped3A_53 : memref<!tpu.dma_semaphore, #tpu.memory_space<semaphore_mem>>) src(%dma_wait3A_61 : memref<640x128xf32, #tpu.memory_space<vmem_shared>>) dst(%dma_wait3A_59 : memref<640x128xf32, #tpu.memory_space<hbm>>)
      tpu.yield
    }) : () -> ()
    return
  }
}

#map = affine_map<(d0, d1) -> (0, 0)>
#map1 = affine_map<(d0, d1) -> (0, 0, 0, 0)>
#map2 = affine_map<(d0, d1) -> (0, 0, 0)>
module attributes {stable_mosaic.version = 14 : i64} {
  func.func @_seg_sum_body(%arg0: i32, %arg1: i32, %arg2: memref<10240x128xf32, #tpu.memory_space<hbm>>, %arg3: memref<32x116x2x128xi32, #tpu.memory_space<hbm>>, %arg4: memref<2x10240x128xf32, #tpu.memory_space<hbm>>, %arg5: memref<4x2x128xi32, #tpu.memory_space<vmem>>, %arg6: memref<2x128x128xf32, #tpu.memory_space<vmem>>, %arg7: memref<10240x128xf32, #tpu.memory_space<vmem_shared>>, %arg8: memref<!tpu.dma_semaphore, #tpu.memory_space<semaphore_mem>>, %arg9: memref<!tpu.dma_semaphore, #tpu.memory_space<semaphore_mem>>, %arg10: memref<!tpu.dma_semaphore, #tpu.memory_space<semaphore_mem>>, %arg11: memref<!tpu.dma_semaphore, #tpu.memory_space<semaphore_mem>>, %arg12: memref<!tpu.dma_semaphore, #tpu.memory_space<semaphore_mem>>, %arg13: memref<!tpu.dma_semaphore, #tpu.memory_space<semaphore_mem>>, %arg14: memref<!tpu.dma_semaphore, #tpu.memory_space<semaphore_mem>>, %arg15: memref<!tpu.dma_semaphore, #tpu.memory_space<semaphore_mem>>) attributes {dimension_semantics = [#tpu.dimension_semantics<core_parallel>, #tpu.dimension_semantics<subcore_parallel>], iteration_bounds = array<i64: 2, 16>, scalar_prefetch = 0 : i64, scratch_operands = 11 : i64, tpu.core_type = #tpu.core_type<sc_vector_subcore>, window_params = [{transform_indices = #map}, {transform_indices = #map1}, {transform_indices = #map2}]} {
    %mul3A = arith.constant 2 : i32
    %mul3A_0 = arith.muli %arg1, %mul3A : i32
    %add3A = arith.addi %mul3A_0, %arg0 : i32
    %scan3A = arith.constant 0 : i32
    %scan3A_1 = arith.constant 0 : i32
    %scan3A_2 = arith.constant 128 : i32
    %scan3A_3 = arith.addi %scan3A_1, %scan3A_2 : i32
    %scan3A_4 = arith.constant 1 : i32
    scf.for %scan3A_53 = %scan3A_1 to %scan3A_3 step %scan3A_4  : i32 {
      %broadcast_in_dim3A = arith.constant 0.000000e+00 : f32
      %broadcast_in_dim3A_54 = vector.broadcast %broadcast_in_dim3A : f32 to vector<16xf32>
      %swap3A = arith.constant 0 : i32
      %swap3A_55 = arith.index_cast %swap3A : i32 to index
      %swap3A_56 = arith.index_cast %scan3A_53 : i32 to index
      %swap3A_57 = arith.constant 0 : index
      %swap3A_58 = tpu.vector_load %arg6[%swap3A_55, %swap3A_56, %swap3A_57] {strides = array<i32>} : memref<2x128x128xf32, #tpu.memory_space<vmem>>, vector<1x1x16xf32>,
      %swap3A_59 = vector.shape_cast %swap3A_58 : vector<1x1x16xf32> to vector<16xf32>
      %swap3A_60 = vector.shape_cast %broadcast_in_dim3A_54 : vector<16xf32> to vector<1x1x16xf32>
      tpu.vector_store %arg6[%swap3A_55, %swap3A_56, %swap3A_57], %swap3A_60 {strides = array<i32>} : memref<2x128x128xf32, #tpu.memory_space<vmem>>, vector<1x1x16xf32>,
      %broadcast_in_dim3A_61 = arith.constant 0.000000e+00 : f32
      %broadcast_in_dim3A_62 = vector.broadcast %broadcast_in_dim3A_61 : f32 to vector<16xf32>
      %swap3A_63 = arith.constant 0 : i32
      %swap3A_64 = arith.index_cast %swap3A_63 : i32 to index
      %swap3A_65 = arith.index_cast %scan3A_53 : i32 to index
      %swap3A_66 = arith.constant 16 : index
      %swap3A_67 = tpu.vector_load %arg6[%swap3A_64, %swap3A_65, %swap3A_66] {strides = array<i32>} : memref<2x128x128xf32, #tpu.memory_space<vmem>>, vector<1x1x16xf32>,
      %swap3A_68 = vector.shape_cast %swap3A_67 : vector<1x1x16xf32> to vector<16xf32>
      %swap3A_69 = vector.shape_cast %broadcast_in_dim3A_62 : vector<16xf32> to vector<1x1x16xf32>
      tpu.vector_store %arg6[%swap3A_64, %swap3A_65, %swap3A_66], %swap3A_69 {strides = array<i32>} : memref<2x128x128xf32, #tpu.memory_space<vmem>>, vector<1x1x16xf32>,
      %broadcast_in_dim3A_70 = arith.constant 0.000000e+00 : f32
      %broadcast_in_dim3A_71 = vector.broadcast %broadcast_in_dim3A_70 : f32 to vector<16xf32>
      %swap3A_72 = arith.constant 0 : i32
      %swap3A_73 = arith.index_cast %swap3A_72 : i32 to index
      %swap3A_74 = arith.index_cast %scan3A_53 : i32 to index
      %swap3A_75 = arith.constant 32 : index
      %swap3A_76 = tpu.vector_load %arg6[%swap3A_73, %swap3A_74, %swap3A_75] {strides = array<i32>} : memref<2x128x128xf32, #tpu.memory_space<vmem>>, vector<1x1x16xf32>,
      %swap3A_77 = vector.shape_cast %swap3A_76 : vector<1x1x16xf32> to vector<16xf32>
      %swap3A_78 = vector.shape_cast %broadcast_in_dim3A_71 : vector<16xf32> to vector<1x1x16xf32>
      tpu.vector_store %arg6[%swap3A_73, %swap3A_74, %swap3A_75], %swap3A_78 {strides = array<i32>} : memref<2x128x128xf32, #tpu.memory_space<vmem>>, vector<1x1x16xf32>,
      %broadcast_in_dim3A_79 = arith.constant 0.000000e+00 : f32
      %broadcast_in_dim3A_80 = vector.broadcast %broadcast_in_dim3A_79 : f32 to vector<16xf32>
      %swap3A_81 = arith.constant 0 : i32
      %swap3A_82 = arith.index_cast %swap3A_81 : i32 to index
      %swap3A_83 = arith.index_cast %scan3A_53 : i32 to index
      %swap3A_84 = arith.constant 48 : index
      %swap3A_85 = tpu.vector_load %arg6[%swap3A_82, %swap3A_83, %swap3A_84] {strides = array<i32>} : memref<2x128x128xf32, #tpu.memory_space<vmem>>, vector<1x1x16xf32>,
      %swap3A_86 = vector.shape_cast %swap3A_85 : vector<1x1x16xf32> to vector<16xf32>
      %swap3A_87 = vector.shape_cast %broadcast_in_dim3A_80 : vector<16xf32> to vector<1x1x16xf32>
      tpu.vector_store %arg6[%swap3A_82, %swap3A_83, %swap3A_84], %swap3A_87 {strides = array<i32>} : memref<2x128x128xf32, #tpu.memory_space<vmem>>, vector<1x1x16xf32>,
      %broadcast_in_dim3A_88 = arith.constant 0.000000e+00 : f32
      %broadcast_in_dim3A_89 = vector.broadcast %broadcast_in_dim3A_88 : f32 to vector<16xf32>
      %swap3A_90 = arith.constant 0 : i32
      %swap3A_91 = arith.index_cast %swap3A_90 : i32 to index
      %swap3A_92 = arith.index_cast %scan3A_53 : i32 to index
      %swap3A_93 = arith.constant 64 : index
      %swap3A_94 = tpu.vector_load %arg6[%swap3A_91, %swap3A_92, %swap3A_93] {strides = array<i32>} : memref<2x128x128xf32, #tpu.memory_space<vmem>>, vector<1x1x16xf32>,
      %swap3A_95 = vector.shape_cast %swap3A_94 : vector<1x1x16xf32> to vector<16xf32>
      %swap3A_96 = vector.shape_cast %broadcast_in_dim3A_89 : vector<16xf32> to vector<1x1x16xf32>
      tpu.vector_store %arg6[%swap3A_91, %swap3A_92, %swap3A_93], %swap3A_96 {strides = array<i32>} : memref<2x128x128xf32, #tpu.memory_space<vmem>>, vector<1x1x16xf32>,
      %broadcast_in_dim3A_97 = arith.constant 0.000000e+00 : f32
      %broadcast_in_dim3A_98 = vector.broadcast %broadcast_in_dim3A_97 : f32 to vector<16xf32>
      %swap3A_99 = arith.constant 0 : i32
      %swap3A_100 = arith.index_cast %swap3A_99 : i32 to index
      %swap3A_101 = arith.index_cast %scan3A_53 : i32 to index
      %swap3A_102 = arith.constant 80 : index
      %swap3A_103 = tpu.vector_load %arg6[%swap3A_100, %swap3A_101, %swap3A_102] {strides = array<i32>} : memref<2x128x128xf32, #tpu.memory_space<vmem>>, vector<1x1x16xf32>,
      %swap3A_104 = vector.shape_cast %swap3A_103 : vector<1x1x16xf32> to vector<16xf32>
      %swap3A_105 = vector.shape_cast %broadcast_in_dim3A_98 : vector<16xf32> to vector<1x1x16xf32>
      tpu.vector_store %arg6[%swap3A_100, %swap3A_101, %swap3A_102], %swap3A_105 {strides = array<i32>} : memref<2x128x128xf32, #tpu.memory_space<vmem>>, vector<1x1x16xf32>,
      %broadcast_in_dim3A_106 = arith.constant 0.000000e+00 : f32
      %broadcast_in_dim3A_107 = vector.broadcast %broadcast_in_dim3A_106 : f32 to vector<16xf32>
      %swap3A_108 = arith.constant 0 : i32
      %swap3A_109 = arith.index_cast %swap3A_108 : i32 to index
      %swap3A_110 = arith.index_cast %scan3A_53 : i32 to index
      %swap3A_111 = arith.constant 96 : index
      %swap3A_112 = tpu.vector_load %arg6[%swap3A_109, %swap3A_110, %swap3A_111] {strides = array<i32>} : memref<2x128x128xf32, #tpu.memory_space<vmem>>, vector<1x1x16xf32>,
      %swap3A_113 = vector.shape_cast %swap3A_112 : vector<1x1x16xf32> to vector<16xf32>
      %swap3A_114 = vector.shape_cast %broadcast_in_dim3A_107 : vector<16xf32> to vector<1x1x16xf32>
      tpu.vector_store %arg6[%swap3A_109, %swap3A_110, %swap3A_111], %swap3A_114 {strides = array<i32>} : memref<2x128x128xf32, #tpu.memory_space<vmem>>, vector<1x1x16xf32>,
      %broadcast_in_dim3A_115 = arith.constant 0.000000e+00 : f32
      %broadcast_in_dim3A_116 = vector.broadcast %broadcast_in_dim3A_115 : f32 to vector<16xf32>
      %swap3A_117 = arith.constant 0 : i32
      %swap3A_118 = arith.index_cast %swap3A_117 : i32 to index
      %swap3A_119 = arith.index_cast %scan3A_53 : i32 to index
      %swap3A_120 = arith.constant 112 : index
      %swap3A_121 = tpu.vector_load %arg6[%swap3A_118, %swap3A_119, %swap3A_120] {strides = array<i32>} : memref<2x128x128xf32, #tpu.memory_space<vmem>>, vector<1x1x16xf32>,
      %swap3A_122 = vector.shape_cast %swap3A_121 : vector<1x1x16xf32> to vector<16xf32>
      %swap3A_123 = vector.shape_cast %broadcast_in_dim3A_116 : vector<16xf32> to vector<1x1x16xf32>
      tpu.vector_store %arg6[%swap3A_118, %swap3A_119, %swap3A_120], %swap3A_123 {strides = array<i32>} : memref<2x128x128xf32, #tpu.memory_space<vmem>>, vector<1x1x16xf32>,
    }
    %scan3A_5 = arith.constant 128 : i32
    %mul3A_6 = arith.constant 640 : i32
    %mul3A_7 = arith.muli %arg1, %mul3A_6 : i32
    %add3A_8 = arith.constant 0 : i32
    %add3A_9 = arith.addi %mul3A_7, %add3A_8 : i32
    %run_scoped3A = arith.constant 0 : i32
    "tpu.region"() ({
      %run_scoped3A_53 = tpu.sem_alloc : memref<!tpu.dma_semaphore, #tpu.memory_space<semaphore_mem>>
      %dma_start3A = arith.constant 0 : i32
      %dma_start3A_54 = arith.constant 0 : i32
      %dma_start3A_55 = tpu.memref_slice %arg6[%run_scoped3A, %dma_start3A, %dma_start3A_54] : memref<2x128x128xf32, #tpu.memory_space<vmem>> -> memref<1x128x128xf32, #tpu.memory_space<vmem>>
      %dma_start3A_56 = tpu.memref_squeeze %dma_start3A_55 : memref<1x128x128xf32, #tpu.memory_space<vmem>> -> memref<128x128xf32, #tpu.memory_space<vmem>>
      %dma_start3A_57 = arith.constant 0 : i32
      %dma_start3A_58 = tpu.memref_slice %arg7[%add3A_9, %dma_start3A_57] : memref<10240x128xf32, #tpu.memory_space<vmem_shared>> -> memref<128x128xf32, #tpu.memory_space<vmem_shared>>
      %dma_start3A_59 = arith.constant 0 : i32
      %dma_start3A_60 = tpu.memref_slice %arg7[%add3A_9, %dma_start3A_59] : memref<10240x128xf32, #tpu.memory_space<vmem_shared>> -> memref<128x128xf32, #tpu.memory_space<vmem_shared>>
      %dma_start3A_61 = arith.constant 0 : i32
      %dma_start3A_62 = arith.constant 0 : i32
      %dma_start3A_63 = tpu.memref_slice %arg6[%run_scoped3A, %dma_start3A_61, %dma_start3A_62] : memref<2x128x128xf32, #tpu.memory_space<vmem>> -> memref<1x128x128xf32, #tpu.memory_space<vmem>>
      %dma_start3A_64 = tpu.memref_squeeze %dma_start3A_63 : memref<1x128x128xf32, #tpu.memory_space<vmem>> -> memref<128x128xf32, #tpu.memory_space<vmem>>
      tpu.enqueue_dma source(%dma_start3A_64 : memref<128x128xf32, #tpu.memory_space<vmem>>) target(%dma_start3A_60 : memref<128x128xf32, #tpu.memory_space<vmem_shared>>) target_semaphore(%run_scoped3A_53 : memref<!tpu.dma_semaphore, #tpu.memory_space<semaphore_mem>>)
      %dma_wait3A = arith.constant 0 : i32
      %dma_wait3A_65 = arith.constant 0 : i32
      %dma_wait3A_66 = tpu.memref_slice %arg6[%run_scoped3A, %dma_wait3A, %dma_wait3A_65] : memref<2x128x128xf32, #tpu.memory_space<vmem>> -> memref<1x128x128xf32, #tpu.memory_space<vmem>>
      %dma_wait3A_67 = tpu.memref_squeeze %dma_wait3A_66 : memref<1x128x128xf32, #tpu.memory_space<vmem>> -> memref<128x128xf32, #tpu.memory_space<vmem>>
      %dma_wait3A_68 = arith.constant 0 : i32
      %dma_wait3A_69 = tpu.memref_slice %arg7[%add3A_9, %dma_wait3A_68] : memref<10240x128xf32, #tpu.memory_space<vmem_shared>> -> memref<128x128xf32, #tpu.memory_space<vmem_shared>>
      %dma_wait3A_70 = arith.constant 0 : i32
      %dma_wait3A_71 = tpu.memref_slice %arg7[%add3A_9, %dma_wait3A_70] : memref<10240x128xf32, #tpu.memory_space<vmem_shared>> -> memref<128x128xf32, #tpu.memory_space<vmem_shared>>
      %dma_wait3A_72 = arith.constant 0 : i32
      %dma_wait3A_73 = arith.constant 0 : i32
      %dma_wait3A_74 = tpu.memref_slice %arg6[%run_scoped3A, %dma_wait3A_72, %dma_wait3A_73] : memref<2x128x128xf32, #tpu.memory_space<vmem>> -> memref<1x128x128xf32, #tpu.memory_space<vmem>>
      %dma_wait3A_75 = tpu.memref_squeeze %dma_wait3A_74 : memref<1x128x128xf32, #tpu.memory_space<vmem>> -> memref<128x128xf32, #tpu.memory_space<vmem>>
      tpu.wait_dma2 semaphore(%run_scoped3A_53 : memref<!tpu.dma_semaphore, #tpu.memory_space<semaphore_mem>>) src(%dma_wait3A_75 : memref<128x128xf32, #tpu.memory_space<vmem>>) dst(%dma_wait3A_71 : memref<128x128xf32, #tpu.memory_space<vmem_shared>>)
      tpu.yield
    }) : () -> ()
    %mul3A_10 = arith.constant 640 : i32
    %mul3A_11 = arith.muli %arg1, %mul3A_10 : i32
    %add3A_12 = arith.constant 128 : i32
    %add3A_13 = arith.addi %mul3A_11, %add3A_12 : i32
    %run_scoped3A_14 = arith.constant 0 : i32
    "tpu.region"() ({
      %run_scoped3A_53 = tpu.sem_alloc : memref<!tpu.dma_semaphore, #tpu.memory_space<semaphore_mem>>
      %dma_start3A = arith.constant 0 : i32
      %dma_start3A_54 = arith.constant 0 : i32
      %dma_start3A_55 = tpu.memref_slice %arg6[%run_scoped3A_14, %dma_start3A, %dma_start3A_54] : memref<2x128x128xf32, #tpu.memory_space<vmem>> -> memref<1x128x128xf32, #tpu.memory_space<vmem>>
      %dma_start3A_56 = tpu.memref_squeeze %dma_start3A_55 : memref<1x128x128xf32, #tpu.memory_space<vmem>> -> memref<128x128xf32, #tpu.memory_space<vmem>>
      %dma_start3A_57 = arith.constant 0 : i32
      %dma_start3A_58 = tpu.memref_slice %arg7[%add3A_13, %dma_start3A_57] : memref<10240x128xf32, #tpu.memory_space<vmem_shared>> -> memref<128x128xf32, #tpu.memory_space<vmem_shared>>
      %dma_start3A_59 = arith.constant 0 : i32
      %dma_start3A_60 = tpu.memref_slice %arg7[%add3A_13, %dma_start3A_59] : memref<10240x128xf32, #tpu.memory_space<vmem_shared>> -> memref<128x128xf32, #tpu.memory_space<vmem_shared>>
      %dma_start3A_61 = arith.constant 0 : i32
      %dma_start3A_62 = arith.constant 0 : i32
      %dma_start3A_63 = tpu.memref_slice %arg6[%run_scoped3A_14, %dma_start3A_61, %dma_start3A_62] : memref<2x128x128xf32, #tpu.memory_space<vmem>> -> memref<1x128x128xf32, #tpu.memory_space<vmem>>
      %dma_start3A_64 = tpu.memref_squeeze %dma_start3A_63 : memref<1x128x128xf32, #tpu.memory_space<vmem>> -> memref<128x128xf32, #tpu.memory_space<vmem>>
      tpu.enqueue_dma source(%dma_start3A_64 : memref<128x128xf32, #tpu.memory_space<vmem>>) target(%dma_start3A_60 : memref<128x128xf32, #tpu.memory_space<vmem_shared>>) target_semaphore(%run_scoped3A_53 : memref<!tpu.dma_semaphore, #tpu.memory_space<semaphore_mem>>)
      %dma_wait3A = arith.constant 0 : i32
      %dma_wait3A_65 = arith.constant 0 : i32
      %dma_wait3A_66 = tpu.memref_slice %arg6[%run_scoped3A_14, %dma_wait3A, %dma_wait3A_65] : memref<2x128x128xf32, #tpu.memory_space<vmem>> -> memref<1x128x128xf32, #tpu.memory_space<vmem>>
      %dma_wait3A_67 = tpu.memref_squeeze %dma_wait3A_66 : memref<1x128x128xf32, #tpu.memory_space<vmem>> -> memref<128x128xf32, #tpu.memory_space<vmem>>
      %dma_wait3A_68 = arith.constant 0 : i32
      %dma_wait3A_69 = tpu.memref_slice %arg7[%add3A_13, %dma_wait3A_68] : memref<10240x128xf32, #tpu.memory_space<vmem_shared>> -> memref<128x128xf32, #tpu.memory_space<vmem_shared>>
      %dma_wait3A_70 = arith.constant 0 : i32
      %dma_wait3A_71 = tpu.memref_slice %arg7[%add3A_13, %dma_wait3A_70] : memref<10240x128xf32, #tpu.memory_space<vmem_shared>> -> memref<128x128xf32, #tpu.memory_space<vmem_shared>>
      %dma_wait3A_72 = arith.constant 0 : i32
      %dma_wait3A_73 = arith.constant 0 : i32
      %dma_wait3A_74 = tpu.memref_slice %arg6[%run_scoped3A_14, %dma_wait3A_72, %dma_wait3A_73] : memref<2x128x128xf32, #tpu.memory_space<vmem>> -> memref<1x128x128xf32, #tpu.memory_space<vmem>>
      %dma_wait3A_75 = tpu.memref_squeeze %dma_wait3A_74 : memref<1x128x128xf32, #tpu.memory_space<vmem>> -> memref<128x128xf32, #tpu.memory_space<vmem>>
      tpu.wait_dma2 semaphore(%run_scoped3A_53 : memref<!tpu.dma_semaphore, #tpu.memory_space<semaphore_mem>>) src(%dma_wait3A_75 : memref<128x128xf32, #tpu.memory_space<vmem>>) dst(%dma_wait3A_71 : memref<128x128xf32, #tpu.memory_space<vmem_shared>>)
      tpu.yield
    }) : () -> ()
    %mul3A_15 = arith.constant 640 : i32
    %mul3A_16 = arith.muli %arg1, %mul3A_15 : i32
    %add3A_17 = arith.constant 256 : i32
    %add3A_18 = arith.addi %mul3A_16, %add3A_17 : i32
    %run_scoped3A_19 = arith.constant 0 : i32
    "tpu.region"() ({
      %run_scoped3A_53 = tpu.sem_alloc : memref<!tpu.dma_semaphore, #tpu.memory_space<semaphore_mem>>
      %dma_start3A = arith.constant 0 : i32
      %dma_start3A_54 = arith.constant 0 : i32
      %dma_start3A_55 = tpu.memref_slice %arg6[%run_scoped3A_19, %dma_start3A, %dma_start3A_54] : memref<2x128x128xf32, #tpu.memory_space<vmem>> -> memref<1x128x128xf32, #tpu.memory_space<vmem>>
      %dma_start3A_56 = tpu.memref_squeeze %dma_start3A_55 : memref<1x128x128xf32, #tpu.memory_space<vmem>> -> memref<128x128xf32, #tpu.memory_space<vmem>>
      %dma_start3A_57 = arith.constant 0 : i32
      %dma_start3A_58 = tpu.memref_slice %arg7[%add3A_18, %dma_start3A_57] : memref<10240x128xf32, #tpu.memory_space<vmem_shared>> -> memref<128x128xf32, #tpu.memory_space<vmem_shared>>
      %dma_start3A_59 = arith.constant 0 : i32
      %dma_start3A_60 = tpu.memref_slice %arg7[%add3A_18, %dma_start3A_59] : memref<10240x128xf32, #tpu.memory_space<vmem_shared>> -> memref<128x128xf32, #tpu.memory_space<vmem_shared>>
      %dma_start3A_61 = arith.constant 0 : i32
      %dma_start3A_62 = arith.constant 0 : i32
      %dma_start3A_63 = tpu.memref_slice %arg6[%run_scoped3A_19, %dma_start3A_61, %dma_start3A_62] : memref<2x128x128xf32, #tpu.memory_space<vmem>> -> memref<1x128x128xf32, #tpu.memory_space<vmem>>
      %dma_start3A_64 = tpu.memref_squeeze %dma_start3A_63 : memref<1x128x128xf32, #tpu.memory_space<vmem>> -> memref<128x128xf32, #tpu.memory_space<vmem>>
      tpu.enqueue_dma source(%dma_start3A_64 : memref<128x128xf32, #tpu.memory_space<vmem>>) target(%dma_start3A_60 : memref<128x128xf32, #tpu.memory_space<vmem_shared>>) target_semaphore(%run_scoped3A_53 : memref<!tpu.dma_semaphore, #tpu.memory_space<semaphore_mem>>)
      %dma_wait3A = arith.constant 0 : i32
      %dma_wait3A_65 = arith.constant 0 : i32
      %dma_wait3A_66 = tpu.memref_slice %arg6[%run_scoped3A_19, %dma_wait3A, %dma_wait3A_65] : memref<2x128x128xf32, #tpu.memory_space<vmem>> -> memref<1x128x128xf32, #tpu.memory_space<vmem>>
      %dma_wait3A_67 = tpu.memref_squeeze %dma_wait3A_66 : memref<1x128x128xf32, #tpu.memory_space<vmem>> -> memref<128x128xf32, #tpu.memory_space<vmem>>
      %dma_wait3A_68 = arith.constant 0 : i32
      %dma_wait3A_69 = tpu.memref_slice %arg7[%add3A_18, %dma_wait3A_68] : memref<10240x128xf32, #tpu.memory_space<vmem_shared>> -> memref<128x128xf32, #tpu.memory_space<vmem_shared>>
      %dma_wait3A_70 = arith.constant 0 : i32
      %dma_wait3A_71 = tpu.memref_slice %arg7[%add3A_18, %dma_wait3A_70] : memref<10240x128xf32, #tpu.memory_space<vmem_shared>> -> memref<128x128xf32, #tpu.memory_space<vmem_shared>>
      %dma_wait3A_72 = arith.constant 0 : i32
      %dma_wait3A_73 = arith.constant 0 : i32
      %dma_wait3A_74 = tpu.memref_slice %arg6[%run_scoped3A_19, %dma_wait3A_72, %dma_wait3A_73] : memref<2x128x128xf32, #tpu.memory_space<vmem>> -> memref<1x128x128xf32, #tpu.memory_space<vmem>>
      %dma_wait3A_75 = tpu.memref_squeeze %dma_wait3A_74 : memref<1x128x128xf32, #tpu.memory_space<vmem>> -> memref<128x128xf32, #tpu.memory_space<vmem>>
      tpu.wait_dma2 semaphore(%run_scoped3A_53 : memref<!tpu.dma_semaphore, #tpu.memory_space<semaphore_mem>>) src(%dma_wait3A_75 : memref<128x128xf32, #tpu.memory_space<vmem>>) dst(%dma_wait3A_71 : memref<128x128xf32, #tpu.memory_space<vmem_shared>>)
      tpu.yield
    }) : () -> ()
    %mul3A_20 = arith.constant 640 : i32
    %mul3A_21 = arith.muli %arg1, %mul3A_20 : i32
    %add3A_22 = arith.constant 384 : i32
    %add3A_23 = arith.addi %mul3A_21, %add3A_22 : i32
    %run_scoped3A_24 = arith.constant 0 : i32
    "tpu.region"() ({
      %run_scoped3A_53 = tpu.sem_alloc : memref<!tpu.dma_semaphore, #tpu.memory_space<semaphore_mem>>
      %dma_start3A = arith.constant 0 : i32
      %dma_start3A_54 = arith.constant 0 : i32
      %dma_start3A_55 = tpu.memref_slice %arg6[%run_scoped3A_24, %dma_start3A, %dma_start3A_54] : memref<2x128x128xf32, #tpu.memory_space<vmem>> -> memref<1x128x128xf32, #tpu.memory_space<vmem>>
      %dma_start3A_56 = tpu.memref_squeeze %dma_start3A_55 : memref<1x128x128xf32, #tpu.memory_space<vmem>> -> memref<128x128xf32, #tpu.memory_space<vmem>>
      %dma_start3A_57 = arith.constant 0 : i32
      %dma_start3A_58 = tpu.memref_slice %arg7[%add3A_23, %dma_start3A_57] : memref<10240x128xf32, #tpu.memory_space<vmem_shared>> -> memref<128x128xf32, #tpu.memory_space<vmem_shared>>
      %dma_start3A_59 = arith.constant 0 : i32
      %dma_start3A_60 = tpu.memref_slice %arg7[%add3A_23, %dma_start3A_59] : memref<10240x128xf32, #tpu.memory_space<vmem_shared>> -> memref<128x128xf32, #tpu.memory_space<vmem_shared>>
      %dma_start3A_61 = arith.constant 0 : i32
      %dma_start3A_62 = arith.constant 0 : i32
      %dma_start3A_63 = tpu.memref_slice %arg6[%run_scoped3A_24, %dma_start3A_61, %dma_start3A_62] : memref<2x128x128xf32, #tpu.memory_space<vmem>> -> memref<1x128x128xf32, #tpu.memory_space<vmem>>
      %dma_start3A_64 = tpu.memref_squeeze %dma_start3A_63 : memref<1x128x128xf32, #tpu.memory_space<vmem>> -> memref<128x128xf32, #tpu.memory_space<vmem>>
      tpu.enqueue_dma source(%dma_start3A_64 : memref<128x128xf32, #tpu.memory_space<vmem>>) target(%dma_start3A_60 : memref<128x128xf32, #tpu.memory_space<vmem_shared>>) target_semaphore(%run_scoped3A_53 : memref<!tpu.dma_semaphore, #tpu.memory_space<semaphore_mem>>)
      %dma_wait3A = arith.constant 0 : i32
      %dma_wait3A_65 = arith.constant 0 : i32
      %dma_wait3A_66 = tpu.memref_slice %arg6[%run_scoped3A_24, %dma_wait3A, %dma_wait3A_65] : memref<2x128x128xf32, #tpu.memory_space<vmem>> -> memref<1x128x128xf32, #tpu.memory_space<vmem>>
      %dma_wait3A_67 = tpu.memref_squeeze %dma_wait3A_66 : memref<1x128x128xf32, #tpu.memory_space<vmem>> -> memref<128x128xf32, #tpu.memory_space<vmem>>
      %dma_wait3A_68 = arith.constant 0 : i32
      %dma_wait3A_69 = tpu.memref_slice %arg7[%add3A_23, %dma_wait3A_68] : memref<10240x128xf32, #tpu.memory_space<vmem_shared>> -> memref<128x128xf32, #tpu.memory_space<vmem_shared>>
      %dma_wait3A_70 = arith.constant 0 : i32
      %dma_wait3A_71 = tpu.memref_slice %arg7[%add3A_23, %dma_wait3A_70] : memref<10240x128xf32, #tpu.memory_space<vmem_shared>> -> memref<128x128xf32, #tpu.memory_space<vmem_shared>>
      %dma_wait3A_72 = arith.constant 0 : i32
      %dma_wait3A_73 = arith.constant 0 : i32
      %dma_wait3A_74 = tpu.memref_slice %arg6[%run_scoped3A_24, %dma_wait3A_72, %dma_wait3A_73] : memref<2x128x128xf32, #tpu.memory_space<vmem>> -> memref<1x128x128xf32, #tpu.memory_space<vmem>>
      %dma_wait3A_75 = tpu.memref_squeeze %dma_wait3A_74 : memref<1x128x128xf32, #tpu.memory_space<vmem>> -> memref<128x128xf32, #tpu.memory_space<vmem>>
      tpu.wait_dma2 semaphore(%run_scoped3A_53 : memref<!tpu.dma_semaphore, #tpu.memory_space<semaphore_mem>>) src(%dma_wait3A_75 : memref<128x128xf32, #tpu.memory_space<vmem>>) dst(%dma_wait3A_71 : memref<128x128xf32, #tpu.memory_space<vmem_shared>>)
      tpu.yield
    }) : () -> ()
    %mul3A_25 = arith.constant 640 : i32
    %mul3A_26 = arith.muli %arg1, %mul3A_25 : i32
    %add3A_27 = arith.constant 512 : i32
    %add3A_28 = arith.addi %mul3A_26, %add3A_27 : i32
    %run_scoped3A_29 = arith.constant 0 : i32
    "tpu.region"() ({
      %run_scoped3A_53 = tpu.sem_alloc : memref<!tpu.dma_semaphore, #tpu.memory_space<semaphore_mem>>
      %dma_start3A = arith.constant 0 : i32
      %dma_start3A_54 = arith.constant 0 : i32
      %dma_start3A_55 = tpu.memref_slice %arg6[%run_scoped3A_29, %dma_start3A, %dma_start3A_54] : memref<2x128x128xf32, #tpu.memory_space<vmem>> -> memref<1x128x128xf32, #tpu.memory_space<vmem>>
      %dma_start3A_56 = tpu.memref_squeeze %dma_start3A_55 : memref<1x128x128xf32, #tpu.memory_space<vmem>> -> memref<128x128xf32, #tpu.memory_space<vmem>>
      %dma_start3A_57 = arith.constant 0 : i32
      %dma_start3A_58 = tpu.memref_slice %arg7[%add3A_28, %dma_start3A_57] : memref<10240x128xf32, #tpu.memory_space<vmem_shared>> -> memref<128x128xf32, #tpu.memory_space<vmem_shared>>
      %dma_start3A_59 = arith.constant 0 : i32
      %dma_start3A_60 = tpu.memref_slice %arg7[%add3A_28, %dma_start3A_59] : memref<10240x128xf32, #tpu.memory_space<vmem_shared>> -> memref<128x128xf32, #tpu.memory_space<vmem_shared>>
      %dma_start3A_61 = arith.constant 0 : i32
      %dma_start3A_62 = arith.constant 0 : i32
      %dma_start3A_63 = tpu.memref_slice %arg6[%run_scoped3A_29, %dma_start3A_61, %dma_start3A_62] : memref<2x128x128xf32, #tpu.memory_space<vmem>> -> memref<1x128x128xf32, #tpu.memory_space<vmem>>
      %dma_start3A_64 = tpu.memref_squeeze %dma_start3A_63 : memref<1x128x128xf32, #tpu.memory_space<vmem>> -> memref<128x128xf32, #tpu.memory_space<vmem>>
      tpu.enqueue_dma source(%dma_start3A_64 : memref<128x128xf32, #tpu.memory_space<vmem>>) target(%dma_start3A_60 : memref<128x128xf32, #tpu.memory_space<vmem_shared>>) target_semaphore(%run_scoped3A_53 : memref<!tpu.dma_semaphore, #tpu.memory_space<semaphore_mem>>)
      %dma_wait3A = arith.constant 0 : i32
      %dma_wait3A_65 = arith.constant 0 : i32
      %dma_wait3A_66 = tpu.memref_slice %arg6[%run_scoped3A_29, %dma_wait3A, %dma_wait3A_65] : memref<2x128x128xf32, #tpu.memory_space<vmem>> -> memref<1x128x128xf32, #tpu.memory_space<vmem>>
      %dma_wait3A_67 = tpu.memref_squeeze %dma_wait3A_66 : memref<1x128x128xf32, #tpu.memory_space<vmem>> -> memref<128x128xf32, #tpu.memory_space<vmem>>
      %dma_wait3A_68 = arith.constant 0 : i32
      %dma_wait3A_69 = tpu.memref_slice %arg7[%add3A_28, %dma_wait3A_68] : memref<10240x128xf32, #tpu.memory_space<vmem_shared>> -> memref<128x128xf32, #tpu.memory_space<vmem_shared>>
      %dma_wait3A_70 = arith.constant 0 : i32
      %dma_wait3A_71 = tpu.memref_slice %arg7[%add3A_28, %dma_wait3A_70] : memref<10240x128xf32, #tpu.memory_space<vmem_shared>> -> memref<128x128xf32, #tpu.memory_space<vmem_shared>>
      %dma_wait3A_72 = arith.constant 0 : i32
      %dma_wait3A_73 = arith.constant 0 : i32
      %dma_wait3A_74 = tpu.memref_slice %arg6[%run_scoped3A_29, %dma_wait3A_72, %dma_wait3A_73] : memref<2x128x128xf32, #tpu.memory_space<vmem>> -> memref<1x128x128xf32, #tpu.memory_space<vmem>>
      %dma_wait3A_75 = tpu.memref_squeeze %dma_wait3A_74 : memref<1x128x128xf32, #tpu.memory_space<vmem>> -> memref<128x128xf32, #tpu.memory_space<vmem>>
      tpu.wait_dma2 semaphore(%run_scoped3A_53 : memref<!tpu.dma_semaphore, #tpu.memory_space<semaphore_mem>>) src(%dma_wait3A_75 : memref<128x128xf32, #tpu.memory_space<vmem>>) dst(%dma_wait3A_71 : memref<128x128xf32, #tpu.memory_space<vmem_shared>>)
      tpu.yield
    }) : () -> ()
    %barrier3A = arith.constant 0 : index
    tpu.barrier barrier_id(%barrier3A)
    %eq3A = arith.constant 0 : i32
    %eq3A_30 = arith.cmpi eq, %arg0, %eq3A : i32
    %jit3A = arith.constant 29 : i32
    %jit3A_31 = arith.constant 11 : i32
    %select_n3A = arith.select %eq3A_30, %jit3A, %jit3A_31 : i32
    %gt3A = arith.constant 0 : i32
    %gt3A_32 = arith.cmpi sgt, %select_n3A, %gt3A : i32
    %convert_element_type3A = arith.extui %gt3A_32 : i1 to i32
    %cond3A = arith.constant 0 : i32
    %cond3A_33 = arith.cmpi ne, %convert_element_type3A, %cond3A : i32
    scf.if %cond3A_33 {
      %dma_start3A = arith.constant 0 : i32
      %dma_start3A_53 = arith.constant 0 : i32
      %dma_start3A_54 = arith.constant 0 : i32
      %dma_start3A_55 = arith.constant 0 : i32
      %dma_start3A_56 = tpu.memref_slice %arg5[%dma_start3A_53, %dma_start3A_54, %dma_start3A_55] : memref<4x2x128xi32, #tpu.memory_space<vmem>> -> memref<1x2x128xi32, #tpu.memory_space<vmem>>
      %dma_start3A_57 = tpu.memref_squeeze %dma_start3A_56 : memref<1x2x128xi32, #tpu.memory_space<vmem>> -> memref<2x128xi32, #tpu.memory_space<vmem>>
      %dma_start3A_58 = arith.constant 0 : i32
      %dma_start3A_59 = arith.constant 0 : i32
      %dma_start3A_60 = tpu.memref_slice %arg3[%add3A, %dma_start3A, %dma_start3A_58, %dma_start3A_59] : memref<32x116x2x128xi32, #tpu.memory_space<hbm>> -> memref<1x1x2x128xi32, #tpu.memory_space<hbm>>
      %dma_start3A_61 = tpu.memref_squeeze %dma_start3A_60 : memref<1x1x2x128xi32, #tpu.memory_space<hbm>> -> memref<2x128xi32, #tpu.memory_space<hbm>>
      %dma_start3A_62 = arith.constant 0 : i32
      %dma_start3A_63 = arith.constant 0 : i32
      %dma_start3A_64 = tpu.memref_slice %arg5[%dma_start3A_53, %dma_start3A_62, %dma_start3A_63] : memref<4x2x128xi32, #tpu.memory_space<vmem>> -> memref<1x2x128xi32, #tpu.memory_space<vmem>>
      %dma_start3A_65 = tpu.memref_squeeze %dma_start3A_64 : memref<1x2x128xi32, #tpu.memory_space<vmem>> -> memref<2x128xi32, #tpu.memory_space<vmem>>
      %dma_start3A_66 = arith.constant 0 : i32
      %dma_start3A_67 = arith.constant 0 : i32
      %dma_start3A_68 = tpu.memref_slice %arg3[%add3A, %dma_start3A, %dma_start3A_66, %dma_start3A_67] : memref<32x116x2x128xi32, #tpu.memory_space<hbm>> -> memref<1x1x2x128xi32, #tpu.memory_space<hbm>>
      %dma_start3A_69 = tpu.memref_squeeze %dma_start3A_68 : memref<1x1x2x128xi32, #tpu.memory_space<hbm>> -> memref<2x128xi32, #tpu.memory_space<hbm>>
      tpu.enqueue_dma source(%dma_start3A_69 : memref<2x128xi32, #tpu.memory_space<hbm>>) target(%dma_start3A_65 : memref<2x128xi32, #tpu.memory_space<vmem>>) target_semaphore(%arg12 : memref<!tpu.dma_semaphore, #tpu.memory_space<semaphore_mem>>)
      %dma_start3A_70 = arith.constant 1 : i32
      %dma_start3A_71 = arith.constant 1 : i32
      %dma_start3A_72 = arith.constant 0 : i32
      %dma_start3A_73 = arith.constant 0 : i32
      %dma_start3A_74 = tpu.memref_slice %arg5[%dma_start3A_71, %dma_start3A_72, %dma_start3A_73] : memref<4x2x128xi32, #tpu.memory_space<vmem>> -> memref<1x2x128xi32, #tpu.memory_space<vmem>>
      %dma_start3A_75 = tpu.memref_squeeze %dma_start3A_74 : memref<1x2x128xi32, #tpu.memory_space<vmem>> -> memref<2x128xi32, #tpu.memory_space<vmem>>
      %dma_start3A_76 = arith.constant 0 : i32
      %dma_start3A_77 = arith.constant 0 : i32
      %dma_start3A_78 = tpu.memref_slice %arg3[%add3A, %dma_start3A_70, %dma_start3A_76, %dma_start3A_77] : memref<32x116x2x128xi32, #tpu.memory_space<hbm>> -> memref<1x1x2x128xi32, #tpu.memory_space<hbm>>
      %dma_start3A_79 = tpu.memref_squeeze %dma_start3A_78 : memref<1x1x2x128xi32, #tpu.memory_space<hbm>> -> memref<2x128xi32, #tpu.memory_space<hbm>>
      %dma_start3A_80 = arith.constant 0 : i32
      %dma_start3A_81 = arith.constant 0 : i32
      %dma_start3A_82 = tpu.memref_slice %arg5[%dma_start3A_71, %dma_start3A_80, %dma_start3A_81] : memref<4x2x128xi32, #tpu.memory_space<vmem>> -> memref<1x2x128xi32, #tpu.memory_space<vmem>>
      %dma_start3A_83 = tpu.memref_squeeze %dma_start3A_82 : memref<1x2x128xi32, #tpu.memory_space<vmem>> -> memref<2x128xi32, #tpu.memory_space<vmem>>
      %dma_start3A_84 = arith.constant 0 : i32
      %dma_start3A_85 = arith.constant 0 : i32
      %dma_start3A_86 = tpu.memref_slice %arg3[%add3A, %dma_start3A_70, %dma_start3A_84, %dma_start3A_85] : memref<32x116x2x128xi32, #tpu.memory_space<hbm>> -> memref<1x1x2x128xi32, #tpu.memory_space<hbm>>
      %dma_start3A_87 = tpu.memref_squeeze %dma_start3A_86 : memref<1x1x2x128xi32, #tpu.memory_space<hbm>> -> memref<2x128xi32, #tpu.memory_space<hbm>>
      tpu.enqueue_dma source(%dma_start3A_87 : memref<2x128xi32, #tpu.memory_space<hbm>>) target(%dma_start3A_83 : memref<2x128xi32, #tpu.memory_space<vmem>>) target_semaphore(%arg13 : memref<!tpu.dma_semaphore, #tpu.memory_space<semaphore_mem>>)
      %dma_start3A_88 = arith.constant 2 : i32
      %dma_start3A_89 = arith.constant 2 : i32
      %dma_start3A_90 = arith.constant 0 : i32
      %dma_start3A_91 = arith.constant 0 : i32
      %dma_start3A_92 = tpu.memref_slice %arg5[%dma_start3A_89, %dma_start3A_90, %dma_start3A_91] : memref<4x2x128xi32, #tpu.memory_space<vmem>> -> memref<1x2x128xi32, #tpu.memory_space<vmem>>
      %dma_start3A_93 = tpu.memref_squeeze %dma_start3A_92 : memref<1x2x128xi32, #tpu.memory_space<vmem>> -> memref<2x128xi32, #tpu.memory_space<vmem>>
      %dma_start3A_94 = arith.constant 0 : i32
      %dma_start3A_95 = arith.constant 0 : i32
      %dma_start3A_96 = tpu.memref_slice %arg3[%add3A, %dma_start3A_88, %dma_start3A_94, %dma_start3A_95] : memref<32x116x2x128xi32, #tpu.memory_space<hbm>> -> memref<1x1x2x128xi32, #tpu.memory_space<hbm>>
      %dma_start3A_97 = tpu.memref_squeeze %dma_start3A_96 : memref<1x1x2x128xi32, #tpu.memory_space<hbm>> -> memref<2x128xi32, #tpu.memory_space<hbm>>
      %dma_start3A_98 = arith.constant 0 : i32
      %dma_start3A_99 = arith.constant 0 : i32
      %dma_start3A_100 = tpu.memref_slice %arg5[%dma_start3A_89, %dma_start3A_98, %dma_start3A_99] : memref<4x2x128xi32, #tpu.memory_space<vmem>> -> memref<1x2x128xi32, #tpu.memory_space<vmem>>
      %dma_start3A_101 = tpu.memref_squeeze %dma_start3A_100 : memref<1x2x128xi32, #tpu.memory_space<vmem>> -> memref<2x128xi32, #tpu.memory_space<vmem>>
      %dma_start3A_102 = arith.constant 0 : i32
      %dma_start3A_103 = arith.constant 0 : i32
      %dma_start3A_104 = tpu.memref_slice %arg3[%add3A, %dma_start3A_88, %dma_start3A_102, %dma_start3A_103] : memref<32x116x2x128xi32, #tpu.memory_space<hbm>> -> memref<1x1x2x128xi32, #tpu.memory_space<hbm>>
      %dma_start3A_105 = tpu.memref_squeeze %dma_start3A_104 : memref<1x1x2x128xi32, #tpu.memory_space<hbm>> -> memref<2x128xi32, #tpu.memory_space<hbm>>
      tpu.enqueue_dma source(%dma_start3A_105 : memref<2x128xi32, #tpu.memory_space<hbm>>) target(%dma_start3A_101 : memref<2x128xi32, #tpu.memory_space<vmem>>) target_semaphore(%arg14 : memref<!tpu.dma_semaphore, #tpu.memory_space<semaphore_mem>>)
      %dma_wait3A = arith.constant 0 : i32
      %dma_wait3A_106 = arith.constant 0 : i32
      %dma_wait3A_107 = arith.constant 0 : i32
      %dma_wait3A_108 = arith.constant 0 : i32
      %dma_wait3A_109 = tpu.memref_slice %arg5[%dma_wait3A_106, %dma_wait3A_107, %dma_wait3A_108] : memref<4x2x128xi32, #tpu.memory_space<vmem>> -> memref<1x2x128xi32, #tpu.memory_space<vmem>>
      %dma_wait3A_110 = tpu.memref_squeeze %dma_wait3A_109 : memref<1x2x128xi32, #tpu.memory_space<vmem>> -> memref<2x128xi32, #tpu.memory_space<vmem>>
      %dma_wait3A_111 = arith.constant 0 : i32
      %dma_wait3A_112 = arith.constant 0 : i32
      %dma_wait3A_113 = tpu.memref_slice %arg3[%add3A, %dma_wait3A, %dma_wait3A_111, %dma_wait3A_112] : memref<32x116x2x128xi32, #tpu.memory_space<hbm>> -> memref<1x1x2x128xi32, #tpu.memory_space<hbm>>
      %dma_wait3A_114 = tpu.memref_squeeze %dma_wait3A_113 : memref<1x1x2x128xi32, #tpu.memory_space<hbm>> -> memref<2x128xi32, #tpu.memory_space<hbm>>
      %dma_wait3A_115 = arith.constant 0 : i32
      %dma_wait3A_116 = arith.constant 0 : i32
      %dma_wait3A_117 = tpu.memref_slice %arg5[%dma_wait3A_106, %dma_wait3A_115, %dma_wait3A_116] : memref<4x2x128xi32, #tpu.memory_space<vmem>> -> memref<1x2x128xi32, #tpu.memory_space<vmem>>
      %dma_wait3A_118 = tpu.memref_squeeze %dma_wait3A_117 : memref<1x2x128xi32, #tpu.memory_space<vmem>> -> memref<2x128xi32, #tpu.memory_space<vmem>>
      %dma_wait3A_119 = arith.constant 0 : i32
      %dma_wait3A_120 = arith.constant 0 : i32
      %dma_wait3A_121 = tpu.memref_slice %arg3[%add3A, %dma_wait3A, %dma_wait3A_119, %dma_wait3A_120] : memref<32x116x2x128xi32, #tpu.memory_space<hbm>> -> memref<1x1x2x128xi32, #tpu.memory_space<hbm>>
      %dma_wait3A_122 = tpu.memref_squeeze %dma_wait3A_121 : memref<1x1x2x128xi32, #tpu.memory_space<hbm>> -> memref<2x128xi32, #tpu.memory_space<hbm>>
      tpu.wait_dma2 semaphore(%arg12 : memref<!tpu.dma_semaphore, #tpu.memory_space<semaphore_mem>>) src(%dma_wait3A_122 : memref<2x128xi32, #tpu.memory_space<hbm>>) dst(%dma_wait3A_118 : memref<2x128xi32, #tpu.memory_space<vmem>>)
      %dma_start3A_123 = arith.constant 0 : i32
      %dma_start3A_124 = arith.constant 0 : i32
      %dma_start3A_125 = arith.constant 0 : i32
      %dma_start3A_126 = arith.constant 0 : i32
      %dma_start3A_127 = arith.constant 0 : i32
      %dma_start3A_128 = tpu.memref_slice %arg6[%dma_start3A_125, %dma_start3A_126, %dma_start3A_127] : memref<2x128x128xf32, #tpu.memory_space<vmem>> -> memref<1x128x128xf32, #tpu.memory_space<vmem>>
      %dma_start3A_129 = tpu.memref_squeeze %dma_start3A_128 : memref<1x128x128xf32, #tpu.memory_space<vmem>> -> memref<128x128xf32, #tpu.memory_space<vmem>>
      %dma_start3A_130 = arith.constant 0 : i32
      %dma_start3A_131 = tpu.memref_slice %arg5[%dma_start3A_123, %dma_start3A_124, %dma_start3A_130] : memref<4x2x128xi32, #tpu.memory_space<vmem>> -> memref<1x1x128xi32, #tpu.memory_space<vmem>>
      %dma_start3A_132 = tpu.memref_squeeze %dma_start3A_131 : memref<1x1x128xi32, #tpu.memory_space<vmem>> -> memref<128xi32, #tpu.memory_space<vmem>>
      %dma_start3A_133 = arith.constant 0 : i32
      %dma_start3A_134 = arith.constant 0 : i32
      %dma_start3A_135 = tpu.memref_slice %arg2[%dma_start3A_133, %dma_start3A_134] : memref<10240x128xf32, #tpu.memory_space<hbm>> -> memref<10240x128xf32, #tpu.memory_space<hbm>>
      tpu.enqueue_indirect_dma source(%dma_start3A_135 : memref<10240x128xf32, #tpu.memory_space<hbm>>) target(%dma_start3A_129 : memref<128x128xf32, #tpu.memory_space<vmem>>) offsets(%dma_start3A_132 : memref<128xi32, #tpu.memory_space<vmem>>) semaphore(%arg8 : memref<!tpu.dma_semaphore, #tpu.memory_space<semaphore_mem>>)
    } else {
    }
    %while3A = arith.constant 0 : i32
    %while3A_34 = arith.constant 0 : i32
    %while3A_35 = arith.subi %select_n3A, %while3A_34 : i32
    %while3A_36 = arith.addi %while3A_34, %while3A_35 : i32
    %while3A_37 = arith.constant 1 : i32
    %while3A_38 = arith.divsi %while3A_35, %while3A_37 : i32
    %while3A_39 = arith.muli %while3A_38, %while3A_37 : i32
    %while3A_40 = arith.addi %while3A_34, %while3A_39 : i32
    %while3A_41 = arith.constant 1 : i32
    scf.for %while3A_53 = %while3A_34 to %while3A_40 step %while3A_41  : i32 {
      %mul3A_54 = arith.constant 4 : i32
      %mul3A_55 = arith.muli %while3A_53, %mul3A_54 : i32
      %add3A_56 = arith.constant 0 : i32
      %add3A_57 = arith.addi %mul3A_55, %add3A_56 : i32
      %gt3A_58 = arith.constant 0 : i32
      %gt3A_59 = arith.cmpi sgt, %while3A_53, %gt3A_58 : i32
      %convert_element_type3A_60 = arith.extui %gt3A_59 : i1 to i32
      %cond3A_61 = arith.constant 0 : i32
      %cond3A_62 = arith.cmpi ne, %convert_element_type3A_60, %cond3A_61 : i32
      scf.if %cond3A_62 {
        %sub3A_365 = arith.constant 1 : i32
        %sub3A_366 = arith.subi %add3A_57, %sub3A_365 : i32
        %dma_wait3A_367 = arith.constant 1 : i32
        %dma_wait3A_368 = arith.constant 3 : i32
        %dma_wait3A_369 = arith.constant 1 : i32
        %dma_wait3A_370 = arith.constant 0 : i32
        %dma_wait3A_371 = arith.constant 0 : i32
        %dma_wait3A_372 = tpu.memref_slice %arg6[%dma_wait3A_367, %dma_wait3A_370, %dma_wait3A_371] : memref<2x128x128xf32, #tpu.memory_space<vmem>> -> memref<1x128x128xf32, #tpu.memory_space<vmem>>
        %dma_wait3A_373 = tpu.memref_squeeze %dma_wait3A_372 : memref<1x128x128xf32, #tpu.memory_space<vmem>> -> memref<128x128xf32, #tpu.memory_space<vmem>>
        %dma_wait3A_374 = arith.constant 0 : i32
        %dma_wait3A_375 = tpu.memref_slice %arg5[%dma_wait3A_368, %dma_wait3A_369, %dma_wait3A_374] : memref<4x2x128xi32, #tpu.memory_space<vmem>> -> memref<1x1x128xi32, #tpu.memory_space<vmem>>
        %dma_wait3A_376 = tpu.memref_squeeze %dma_wait3A_375 : memref<1x1x128xi32, #tpu.memory_space<vmem>> -> memref<128xi32, #tpu.memory_space<vmem>>
        %dma_wait3A_377 = arith.constant 0 : i32
        %dma_wait3A_378 = arith.constant 0 : i32
        %dma_wait3A_379 = tpu.memref_slice %arg7[%dma_wait3A_377, %dma_wait3A_378] : memref<10240x128xf32, #tpu.memory_space<vmem_shared>> -> memref<10240x128xf32, #tpu.memory_space<vmem_shared>>
        tpu.wait_indirect_dma semaphore(%arg11 : memref<!tpu.dma_semaphore, #tpu.memory_space<semaphore_mem>>) src(%dma_wait3A_373 : memref<128x128xf32, #tpu.memory_space<vmem>>) dst(%dma_wait3A_379 : memref<10240x128xf32, #tpu.memory_space<vmem_shared>>)
      } else {
      }
      %add3A_63 = arith.constant 3 : i32
      %add3A_64 = arith.addi %add3A_57, %add3A_63 : i32
      %dma_start3A = arith.constant 3 : i32
      %dma_start3A_65 = arith.constant 0 : i32
      %dma_start3A_66 = arith.constant 0 : i32
      %dma_start3A_67 = tpu.memref_slice %arg5[%dma_start3A, %dma_start3A_65, %dma_start3A_66] : memref<4x2x128xi32, #tpu.memory_space<vmem>> -> memref<1x2x128xi32, #tpu.memory_space<vmem>>
      %dma_start3A_68 = tpu.memref_squeeze %dma_start3A_67 : memref<1x2x128xi32, #tpu.memory_space<vmem>> -> memref<2x128xi32, #tpu.memory_space<vmem>>
      %dma_start3A_69 = arith.constant 0 : i32
      %dma_start3A_70 = arith.constant 0 : i32
      %dma_start3A_71 = tpu.memref_slice %arg3[%add3A, %add3A_64, %dma_start3A_69, %dma_start3A_70] : memref<32x116x2x128xi32, #tpu.memory_space<hbm>> -> memref<1x1x2x128xi32, #tpu.memory_space<hbm>>
      %dma_start3A_72 = tpu.memref_squeeze %dma_start3A_71 : memref<1x1x2x128xi32, #tpu.memory_space<hbm>> -> memref<2x128xi32, #tpu.memory_space<hbm>>
      %dma_start3A_73 = arith.constant 0 : i32
      %dma_start3A_74 = arith.constant 0 : i32
      %dma_start3A_75 = tpu.memref_slice %arg5[%dma_start3A, %dma_start3A_73, %dma_start3A_74] : memref<4x2x128xi32, #tpu.memory_space<vmem>> -> memref<1x2x128xi32, #tpu.memory_space<vmem>>
      %dma_start3A_76 = tpu.memref_squeeze %dma_start3A_75 : memref<1x2x128xi32, #tpu.memory_space<vmem>> -> memref<2x128xi32, #tpu.memory_space<vmem>>
      %dma_start3A_77 = arith.constant 0 : i32
      %dma_start3A_78 = arith.constant 0 : i32
      %dma_start3A_79 = tpu.memref_slice %arg3[%add3A, %add3A_64, %dma_start3A_77, %dma_start3A_78] : memref<32x116x2x128xi32, #tpu.memory_space<hbm>> -> memref<1x1x2x128xi32, #tpu.memory_space<hbm>>
      %dma_start3A_80 = tpu.memref_squeeze %dma_start3A_79 : memref<1x1x2x128xi32, #tpu.memory_space<hbm>> -> memref<2x128xi32, #tpu.memory_space<hbm>>
      tpu.enqueue_dma source(%dma_start3A_80 : memref<2x128xi32, #tpu.memory_space<hbm>>) target(%dma_start3A_76 : memref<2x128xi32, #tpu.memory_space<vmem>>) target_semaphore(%arg15 : memref<!tpu.dma_semaphore, #tpu.memory_space<semaphore_mem>>)
      %add3A_81 = arith.constant 1 : i32
      %add3A_82 = arith.addi %add3A_57, %add3A_81 : i32
      %dma_wait3A = arith.constant 1 : i32
      %dma_wait3A_83 = arith.constant 0 : i32
      %dma_wait3A_84 = arith.constant 0 : i32
      %dma_wait3A_85 = tpu.memref_slice %arg5[%dma_wait3A, %dma_wait3A_83, %dma_wait3A_84] : memref<4x2x128xi32, #tpu.memory_space<vmem>> -> memref<1x2x128xi32, #tpu.memory_space<vmem>>
      %dma_wait3A_86 = tpu.memref_squeeze %dma_wait3A_85 : memref<1x2x128xi32, #tpu.memory_space<vmem>> -> memref<2x128xi32, #tpu.memory_space<vmem>>
      %dma_wait3A_87 = arith.constant 0 : i32
      %dma_wait3A_88 = arith.constant 0 : i32
      %dma_wait3A_89 = tpu.memref_slice %arg3[%add3A, %add3A_82, %dma_wait3A_87, %dma_wait3A_88] : memref<32x116x2x128xi32, #tpu.memory_space<hbm>> -> memref<1x1x2x128xi32, #tpu.memory_space<hbm>>
      %dma_wait3A_90 = tpu.memref_squeeze %dma_wait3A_89 : memref<1x1x2x128xi32, #tpu.memory_space<hbm>> -> memref<2x128xi32, #tpu.memory_space<hbm>>
      %dma_wait3A_91 = arith.constant 0 : i32
      %dma_wait3A_92 = arith.constant 0 : i32
      %dma_wait3A_93 = tpu.memref_slice %arg5[%dma_wait3A, %dma_wait3A_91, %dma_wait3A_92] : memref<4x2x128xi32, #tpu.memory_space<vmem>> -> memref<1x2x128xi32, #tpu.memory_space<vmem>>
      %dma_wait3A_94 = tpu.memref_squeeze %dma_wait3A_93 : memref<1x2x128xi32, #tpu.memory_space<vmem>> -> memref<2x128xi32, #tpu.memory_space<vmem>>
      %dma_wait3A_95 = arith.constant 0 : i32
      %dma_wait3A_96 = arith.constant 0 : i32
      %dma_wait3A_97 = tpu.memref_slice %arg3[%add3A, %add3A_82, %dma_wait3A_95, %dma_wait3A_96] : memref<32x116x2x128xi32, #tpu.memory_space<hbm>> -> memref<1x1x2x128xi32, #tpu.memory_space<hbm>>
      %dma_wait3A_98 = tpu.memref_squeeze %dma_wait3A_97 : memref<1x1x2x128xi32, #tpu.memory_space<hbm>> -> memref<2x128xi32, #tpu.memory_space<hbm>>
      tpu.wait_dma2 semaphore(%arg13 : memref<!tpu.dma_semaphore, #tpu.memory_space<semaphore_mem>>) src(%dma_wait3A_98 : memref<2x128xi32, #tpu.memory_space<hbm>>) dst(%dma_wait3A_94 : memref<2x128xi32, #tpu.memory_space<vmem>>)
      %add3A_99 = arith.constant 1 : i32
      %add3A_100 = arith.addi %add3A_57, %add3A_99 : i32
      %dma_start3A_101 = arith.constant 1 : i32
      %dma_start3A_102 = arith.constant 0 : i32
      %dma_start3A_103 = arith.constant 1 : i32
      %dma_start3A_104 = arith.constant 0 : i32
      %dma_start3A_105 = arith.constant 0 : i32
      %dma_start3A_106 = tpu.memref_slice %arg6[%dma_start3A_103, %dma_start3A_104, %dma_start3A_105] : memref<2x128x128xf32, #tpu.memory_space<vmem>> -> memref<1x128x128xf32, #tpu.memory_space<vmem>>
      %dma_start3A_107 = tpu.memref_squeeze %dma_start3A_106 : memref<1x128x128xf32, #tpu.memory_space<vmem>> -> memref<128x128xf32, #tpu.memory_space<vmem>>
      %dma_start3A_108 = arith.constant 0 : i32
      %dma_start3A_109 = tpu.memref_slice %arg5[%dma_start3A_101, %dma_start3A_102, %dma_start3A_108] : memref<4x2x128xi32, #tpu.memory_space<vmem>> -> memref<1x1x128xi32, #tpu.memory_space<vmem>>
      %dma_start3A_110 = tpu.memref_squeeze %dma_start3A_109 : memref<1x1x128xi32, #tpu.memory_space<vmem>> -> memref<128xi32, #tpu.memory_space<vmem>>
      %dma_start3A_111 = arith.constant 0 : i32
      %dma_start3A_112 = arith.constant 0 : i32
      %dma_start3A_113 = tpu.memref_slice %arg2[%dma_start3A_111, %dma_start3A_112] : memref<10240x128xf32, #tpu.memory_space<hbm>> -> memref<10240x128xf32, #tpu.memory_space<hbm>>
      tpu.enqueue_indirect_dma source(%dma_start3A_113 : memref<10240x128xf32, #tpu.memory_space<hbm>>) target(%dma_start3A_107 : memref<128x128xf32, #tpu.memory_space<vmem>>) offsets(%dma_start3A_110 : memref<128xi32, #tpu.memory_space<vmem>>) semaphore(%arg9 : memref<!tpu.dma_semaphore, #tpu.memory_space<semaphore_mem>>)
      %dma_wait3A_114 = arith.constant 0 : i32
      %dma_wait3A_115 = arith.constant 0 : i32
      %dma_wait3A_116 = arith.constant 0 : i32
      %dma_wait3A_117 = arith.constant 0 : i32
      %dma_wait3A_118 = arith.constant 0 : i32
      %dma_wait3A_119 = tpu.memref_slice %arg6[%dma_wait3A_116, %dma_wait3A_117, %dma_wait3A_118] : memref<2x128x128xf32, #tpu.memory_space<vmem>> -> memref<1x128x128xf32, #tpu.memory_space<vmem>>
      %dma_wait3A_120 = tpu.memref_squeeze %dma_wait3A_119 : memref<1x128x128xf32, #tpu.memory_space<vmem>> -> memref<128x128xf32, #tpu.memory_space<vmem>>
      %dma_wait3A_121 = arith.constant 0 : i32
      %dma_wait3A_122 = tpu.memref_slice %arg5[%dma_wait3A_114, %dma_wait3A_115, %dma_wait3A_121] : memref<4x2x128xi32, #tpu.memory_space<vmem>> -> memref<1x1x128xi32, #tpu.memory_space<vmem>>
      %dma_wait3A_123 = tpu.memref_squeeze %dma_wait3A_122 : memref<1x1x128xi32, #tpu.memory_space<vmem>> -> memref<128xi32, #tpu.memory_space<vmem>>
      %dma_wait3A_124 = arith.constant 0 : i32
      %dma_wait3A_125 = arith.constant 0 : i32
      %dma_wait3A_126 = tpu.memref_slice %arg2[%dma_wait3A_124, %dma_wait3A_125] : memref<10240x128xf32, #tpu.memory_space<hbm>> -> memref<10240x128xf32, #tpu.memory_space<hbm>>
      tpu.wait_indirect_dma semaphore(%arg8 : memref<!tpu.dma_semaphore, #tpu.memory_space<semaphore_mem>>) src(%dma_wait3A_126 : memref<10240x128xf32, #tpu.memory_space<hbm>>) dst(%dma_wait3A_120 : memref<128x128xf32, #tpu.memory_space<vmem>>)
      %dma_start3A_127 = arith.constant 0 : i32
      %dma_start3A_128 = arith.constant 0 : i32
      %dma_start3A_129 = arith.constant 1 : i32
      %dma_start3A_130 = arith.constant 0 : i32
      %dma_start3A_131 = arith.constant 0 : i32
      %dma_start3A_132 = tpu.memref_slice %arg6[%dma_start3A_127, %dma_start3A_130, %dma_start3A_131] : memref<2x128x128xf32, #tpu.memory_space<vmem>> -> memref<1x128x128xf32, #tpu.memory_space<vmem>>
      %dma_start3A_133 = tpu.memref_squeeze %dma_start3A_132 : memref<1x128x128xf32, #tpu.memory_space<vmem>> -> memref<128x128xf32, #tpu.memory_space<vmem>>
      %dma_start3A_134 = arith.constant 0 : i32
      %dma_start3A_135 = tpu.memref_slice %arg5[%dma_start3A_128, %dma_start3A_129, %dma_start3A_134] : memref<4x2x128xi32, #tpu.memory_space<vmem>> -> memref<1x1x128xi32, #tpu.memory_space<vmem>>
      %dma_start3A_136 = tpu.memref_squeeze %dma_start3A_135 : memref<1x1x128xi32, #tpu.memory_space<vmem>> -> memref<128xi32, #tpu.memory_space<vmem>>
      %dma_start3A_137 = arith.constant 0 : i32
      %dma_start3A_138 = arith.constant 0 : i32
      %dma_start3A_139 = tpu.memref_slice %arg7[%dma_start3A_137, %dma_start3A_138] : memref<10240x128xf32, #tpu.memory_space<vmem_shared>> -> memref<10240x128xf32, #tpu.memory_space<vmem_shared>>
      tpu.enqueue_indirect_dma source(%dma_start3A_133 : memref<128x128xf32, #tpu.memory_space<vmem>>) target(%dma_start3A_139 : memref<10240x128xf32, #tpu.memory_space<vmem_shared>>) offsets(%dma_start3A_136 : memref<128xi32, #tpu.memory_space<vmem>>) semaphore(%arg10 : memref<!tpu.dma_semaphore, #tpu.memory_space<semaphore_mem>>) {add = true}
      %mul3A_140 = arith.constant 4 : i32
      %mul3A_141 = arith.muli %while3A_53, %mul3A_140 : i32
      %add3A_142 = arith.constant 1 : i32
      %add3A_143 = arith.addi %mul3A_141, %add3A_142 : i32
      %sub3A = arith.constant 1 : i32
      %sub3A_144 = arith.subi %add3A_143, %sub3A : i32
      %dma_wait3A_145 = arith.constant 0 : i32
      %dma_wait3A_146 = arith.constant 0 : i32
      %dma_wait3A_147 = arith.constant 1 : i32
      %dma_wait3A_148 = arith.constant 0 : i32
      %dma_wait3A_149 = arith.constant 0 : i32
      %dma_wait3A_150 = tpu.memref_slice %arg6[%dma_wait3A_145, %dma_wait3A_148, %dma_wait3A_149] : memref<2x128x128xf32, #tpu.memory_space<vmem>> -> memref<1x128x128xf32, #tpu.memory_space<vmem>>
      %dma_wait3A_151 = tpu.memref_squeeze %dma_wait3A_150 : memref<1x128x128xf32, #tpu.memory_space<vmem>> -> memref<128x128xf32, #tpu.memory_space<vmem>>
      %dma_wait3A_152 = arith.constant 0 : i32
      %dma_wait3A_153 = tpu.memref_slice %arg5[%dma_wait3A_146, %dma_wait3A_147, %dma_wait3A_152] : memref<4x2x128xi32, #tpu.memory_space<vmem>> -> memref<1x1x128xi32, #tpu.memory_space<vmem>>
      %dma_wait3A_154 = tpu.memref_squeeze %dma_wait3A_153 : memref<1x1x128xi32, #tpu.memory_space<vmem>> -> memref<128xi32, #tpu.memory_space<vmem>>
      %dma_wait3A_155 = arith.constant 0 : i32
      %dma_wait3A_156 = arith.constant 0 : i32
      %dma_wait3A_157 = tpu.memref_slice %arg7[%dma_wait3A_155, %dma_wait3A_156] : memref<10240x128xf32, #tpu.memory_space<vmem_shared>> -> memref<10240x128xf32, #tpu.memory_space<vmem_shared>>
      tpu.wait_indirect_dma semaphore(%arg10 : memref<!tpu.dma_semaphore, #tpu.memory_space<semaphore_mem>>) src(%dma_wait3A_151 : memref<128x128xf32, #tpu.memory_space<vmem>>) dst(%dma_wait3A_157 : memref<10240x128xf32, #tpu.memory_space<vmem_shared>>)
      %sub3A_158 = arith.constant 1 : i32
      %sub3A_159 = arith.subi %select_n3A, %sub3A_158 : i32
      %lt3A = arith.cmpi slt, %while3A_53, %sub3A_159 : i32
      %convert_element_type3A_160 = arith.extui %lt3A : i1 to i32
      %cond3A_161 = arith.constant 0 : i32
      %cond3A_162 = arith.cmpi ne, %convert_element_type3A_160, %cond3A_161 : i32
      scf.if %cond3A_162 {
        %add3A_365 = arith.constant 3 : i32
        %add3A_366 = arith.addi %add3A_143, %add3A_365 : i32
        %dma_start3A_367 = arith.constant 0 : i32
        %dma_start3A_368 = arith.constant 0 : i32
        %dma_start3A_369 = arith.constant 0 : i32
        %dma_start3A_370 = tpu.memref_slice %arg5[%dma_start3A_367, %dma_start3A_368, %dma_start3A_369] : memref<4x2x128xi32, #tpu.memory_space<vmem>> -> memref<1x2x128xi32, #tpu.memory_space<vmem>>
        %dma_start3A_371 = tpu.memref_squeeze %dma_start3A_370 : memref<1x2x128xi32, #tpu.memory_space<vmem>> -> memref<2x128xi32, #tpu.memory_space<vmem>>
        %dma_start3A_372 = arith.constant 0 : i32
        %dma_start3A_373 = arith.constant 0 : i32
        %dma_start3A_374 = tpu.memref_slice %arg3[%add3A, %add3A_366, %dma_start3A_372, %dma_start3A_373] : memref<32x116x2x128xi32, #tpu.memory_space<hbm>> -> memref<1x1x2x128xi32, #tpu.memory_space<hbm>>
        %dma_start3A_375 = tpu.memref_squeeze %dma_start3A_374 : memref<1x1x2x128xi32, #tpu.memory_space<hbm>> -> memref<2x128xi32, #tpu.memory_space<hbm>>
        %dma_start3A_376 = arith.constant 0 : i32
        %dma_start3A_377 = arith.constant 0 : i32
        %dma_start3A_378 = tpu.memref_slice %arg5[%dma_start3A_367, %dma_start3A_376, %dma_start3A_377] : memref<4x2x128xi32, #tpu.memory_space<vmem>> -> memref<1x2x128xi32, #tpu.memory_space<vmem>>
        %dma_start3A_379 = tpu.memref_squeeze %dma_start3A_378 : memref<1x2x128xi32, #tpu.memory_space<vmem>> -> memref<2x128xi32, #tpu.memory_space<vmem>>
        %dma_start3A_380 = arith.constant 0 : i32
        %dma_start3A_381 = arith.constant 0 : i32
        %dma_start3A_382 = tpu.memref_slice %arg3[%add3A, %add3A_366, %dma_start3A_380, %dma_start3A_381] : memref<32x116x2x128xi32, #tpu.memory_space<hbm>> -> memref<1x1x2x128xi32, #tpu.memory_space<hbm>>
        %dma_start3A_383 = tpu.memref_squeeze %dma_start3A_382 : memref<1x1x2x128xi32, #tpu.memory_space<hbm>> -> memref<2x128xi32, #tpu.memory_space<hbm>>
        tpu.enqueue_dma source(%dma_start3A_383 : memref<2x128xi32, #tpu.memory_space<hbm>>) target(%dma_start3A_379 : memref<2x128xi32, #tpu.memory_space<vmem>>) target_semaphore(%arg12 : memref<!tpu.dma_semaphore, #tpu.memory_space<semaphore_mem>>)
      } else {
      }
      %add3A_163 = arith.constant 1 : i32
      %add3A_164 = arith.addi %add3A_143, %add3A_163 : i32
      %dma_wait3A_165 = arith.constant 2 : i32
      %dma_wait3A_166 = arith.constant 0 : i32
      %dma_wait3A_167 = arith.constant 0 : i32
      %dma_wait3A_168 = tpu.memref_slice %arg5[%dma_wait3A_165, %dma_wait3A_166, %dma_wait3A_167] : memref<4x2x128xi32, #tpu.memory_space<vmem>> -> memref<1x2x128xi32, #tpu.memory_space<vmem>>
      %dma_wait3A_169 = tpu.memref_squeeze %dma_wait3A_168 : memref<1x2x128xi32, #tpu.memory_space<vmem>> -> memref<2x128xi32, #tpu.memory_space<vmem>>
      %dma_wait3A_170 = arith.constant 0 : i32
      %dma_wait3A_171 = arith.constant 0 : i32
      %dma_wait3A_172 = tpu.memref_slice %arg3[%add3A, %add3A_164, %dma_wait3A_170, %dma_wait3A_171] : memref<32x116x2x128xi32, #tpu.memory_space<hbm>> -> memref<1x1x2x128xi32, #tpu.memory_space<hbm>>
      %dma_wait3A_173 = tpu.memref_squeeze %dma_wait3A_172 : memref<1x1x2x128xi32, #tpu.memory_space<hbm>> -> memref<2x128xi32, #tpu.memory_space<hbm>>
      %dma_wait3A_174 = arith.constant 0 : i32
      %dma_wait3A_175 = arith.constant 0 : i32
      %dma_wait3A_176 = tpu.memref_slice %arg5[%dma_wait3A_165, %dma_wait3A_174, %dma_wait3A_175] : memref<4x2x128xi32, #tpu.memory_space<vmem>> -> memref<1x2x128xi32, #tpu.memory_space<vmem>>
      %dma_wait3A_177 = tpu.memref_squeeze %dma_wait3A_176 : memref<1x2x128xi32, #tpu.memory_space<vmem>> -> memref<2x128xi32, #tpu.memory_space<vmem>>
      %dma_wait3A_178 = arith.constant 0 : i32
      %dma_wait3A_179 = arith.constant 0 : i32
      %dma_wait3A_180 = tpu.memref_slice %arg3[%add3A, %add3A_164, %dma_wait3A_178, %dma_wait3A_179] : memref<32x116x2x128xi32, #tpu.memory_space<hbm>> -> memref<1x1x2x128xi32, #tpu.memory_space<hbm>>
      %dma_wait3A_181 = tpu.memref_squeeze %dma_wait3A_180 : memref<1x1x2x128xi32, #tpu.memory_space<hbm>> -> memref<2x128xi32, #tpu.memory_space<hbm>>
      tpu.wait_dma2 semaphore(%arg14 : memref<!tpu.dma_semaphore, #tpu.memory_space<semaphore_mem>>) src(%dma_wait3A_181 : memref<2x128xi32, #tpu.memory_space<hbm>>) dst(%dma_wait3A_177 : memref<2x128xi32, #tpu.memory_space<vmem>>)
      %add3A_182 = arith.constant 1 : i32
      %add3A_183 = arith.addi %add3A_143, %add3A_182 : i32
      %dma_start3A_184 = arith.constant 2 : i32
      %dma_start3A_185 = arith.constant 0 : i32
      %dma_start3A_186 = arith.constant 0 : i32
      %dma_start3A_187 = arith.constant 0 : i32
      %dma_start3A_188 = arith.constant 0 : i32
      %dma_start3A_189 = tpu.memref_slice %arg6[%dma_start3A_186, %dma_start3A_187, %dma_start3A_188] : memref<2x128x128xf32, #tpu.memory_space<vmem>> -> memref<1x128x128xf32, #tpu.memory_space<vmem>>
      %dma_start3A_190 = tpu.memref_squeeze %dma_start3A_189 : memref<1x128x128xf32, #tpu.memory_space<vmem>> -> memref<128x128xf32, #tpu.memory_space<vmem>>
      %dma_start3A_191 = arith.constant 0 : i32
      %dma_start3A_192 = tpu.memref_slice %arg5[%dma_start3A_184, %dma_start3A_185, %dma_start3A_191] : memref<4x2x128xi32, #tpu.memory_space<vmem>> -> memref<1x1x128xi32, #tpu.memory_space<vmem>>
      %dma_start3A_193 = tpu.memref_squeeze %dma_start3A_192 : memref<1x1x128xi32, #tpu.memory_space<vmem>> -> memref<128xi32, #tpu.memory_space<vmem>>
      %dma_start3A_194 = arith.constant 0 : i32
      %dma_start3A_195 = arith.constant 0 : i32
      %dma_start3A_196 = tpu.memref_slice %arg2[%dma_start3A_194, %dma_start3A_195] : memref<10240x128xf32, #tpu.memory_space<hbm>> -> memref<10240x128xf32, #tpu.memory_space<hbm>>
      tpu.enqueue_indirect_dma source(%dma_start3A_196 : memref<10240x128xf32, #tpu.memory_space<hbm>>) target(%dma_start3A_190 : memref<128x128xf32, #tpu.memory_space<vmem>>) offsets(%dma_start3A_193 : memref<128xi32, #tpu.memory_space<vmem>>) semaphore(%arg8 : memref<!tpu.dma_semaphore, #tpu.memory_space<semaphore_mem>>)
      %dma_wait3A_197 = arith.constant 1 : i32
      %dma_wait3A_198 = arith.constant 0 : i32
      %dma_wait3A_199 = arith.constant 1 : i32
      %dma_wait3A_200 = arith.constant 0 : i32
      %dma_wait3A_201 = arith.constant 0 : i32
      %dma_wait3A_202 = tpu.memref_slice %arg6[%dma_wait3A_199, %dma_wait3A_200, %dma_wait3A_201] : memref<2x128x128xf32, #tpu.memory_space<vmem>> -> memref<1x128x128xf32, #tpu.memory_space<vmem>>
      %dma_wait3A_203 = tpu.memref_squeeze %dma_wait3A_202 : memref<1x128x128xf32, #tpu.memory_space<vmem>> -> memref<128x128xf32, #tpu.memory_space<vmem>>
      %dma_wait3A_204 = arith.constant 0 : i32
      %dma_wait3A_205 = tpu.memref_slice %arg5[%dma_wait3A_197, %dma_wait3A_198, %dma_wait3A_204] : memref<4x2x128xi32, #tpu.memory_space<vmem>> -> memref<1x1x128xi32, #tpu.memory_space<vmem>>
      %dma_wait3A_206 = tpu.memref_squeeze %dma_wait3A_205 : memref<1x1x128xi32, #tpu.memory_space<vmem>> -> memref<128xi32, #tpu.memory_space<vmem>>
      %dma_wait3A_207 = arith.constant 0 : i32
      %dma_wait3A_208 = arith.constant 0 : i32
      %dma_wait3A_209 = tpu.memref_slice %arg2[%dma_wait3A_207, %dma_wait3A_208] : memref<10240x128xf32, #tpu.memory_space<hbm>> -> memref<10240x128xf32, #tpu.memory_space<hbm>>
      tpu.wait_indirect_dma semaphore(%arg9 : memref<!tpu.dma_semaphore, #tpu.memory_space<semaphore_mem>>) src(%dma_wait3A_209 : memref<10240x128xf32, #tpu.memory_space<hbm>>) dst(%dma_wait3A_203 : memref<128x128xf32, #tpu.memory_space<vmem>>)
      %dma_start3A_210 = arith.constant 1 : i32
      %dma_start3A_211 = arith.constant 1 : i32
      %dma_start3A_212 = arith.constant 1 : i32
      %dma_start3A_213 = arith.constant 0 : i32
      %dma_start3A_214 = arith.constant 0 : i32
      %dma_start3A_215 = tpu.memref_slice %arg6[%dma_start3A_210, %dma_start3A_213, %dma_start3A_214] : memref<2x128x128xf32, #tpu.memory_space<vmem>> -> memref<1x128x128xf32, #tpu.memory_space<vmem>>
      %dma_start3A_216 = tpu.memref_squeeze %dma_start3A_215 : memref<1x128x128xf32, #tpu.memory_space<vmem>> -> memref<128x128xf32, #tpu.memory_space<vmem>>
      %dma_start3A_217 = arith.constant 0 : i32
      %dma_start3A_218 = tpu.memref_slice %arg5[%dma_start3A_211, %dma_start3A_212, %dma_start3A_217] : memref<4x2x128xi32, #tpu.memory_space<vmem>> -> memref<1x1x128xi32, #tpu.memory_space<vmem>>
      %dma_start3A_219 = tpu.memref_squeeze %dma_start3A_218 : memref<1x1x128xi32, #tpu.memory_space<vmem>> -> memref<128xi32, #tpu.memory_space<vmem>>
      %dma_start3A_220 = arith.constant 0 : i32
      %dma_start3A_221 = arith.constant 0 : i32
      %dma_start3A_222 = tpu.memref_slice %arg7[%dma_start3A_220, %dma_start3A_221] : memref<10240x128xf32, #tpu.memory_space<vmem_shared>> -> memref<10240x128xf32, #tpu.memory_space<vmem_shared>>
      tpu.enqueue_indirect_dma source(%dma_start3A_216 : memref<128x128xf32, #tpu.memory_space<vmem>>) target(%dma_start3A_222 : memref<10240x128xf32, #tpu.memory_space<vmem_shared>>) offsets(%dma_start3A_219 : memref<128xi32, #tpu.memory_space<vmem>>) semaphore(%arg11 : memref<!tpu.dma_semaphore, #tpu.memory_space<semaphore_mem>>) {add = true}
      %mul3A_223 = arith.constant 4 : i32
      %mul3A_224 = arith.muli %while3A_53, %mul3A_223 : i32
      %add3A_225 = arith.constant 2 : i32
      %add3A_226 = arith.addi %mul3A_224, %add3A_225 : i32
      %sub3A_227 = arith.constant 1 : i32
      %sub3A_228 = arith.subi %add3A_226, %sub3A_227 : i32
      %dma_wait3A_229 = arith.constant 1 : i32
      %dma_wait3A_230 = arith.constant 1 : i32
      %dma_wait3A_231 = arith.constant 1 : i32
      %dma_wait3A_232 = arith.constant 0 : i32
      %dma_wait3A_233 = arith.constant 0 : i32
      %dma_wait3A_234 = tpu.memref_slice %arg6[%dma_wait3A_229, %dma_wait3A_232, %dma_wait3A_233] : memref<2x128x128xf32, #tpu.memory_space<vmem>> -> memref<1x128x128xf32, #tpu.memory_space<vmem>>
      %dma_wait3A_235 = tpu.memref_squeeze %dma_wait3A_234 : memref<1x128x128xf32, #tpu.memory_space<vmem>> -> memref<128x128xf32, #tpu.memory_space<vmem>>
      %dma_wait3A_236 = arith.constant 0 : i32
      %dma_wait3A_237 = tpu.memref_slice %arg5[%dma_wait3A_230, %dma_wait3A_231, %dma_wait3A_236] : memref<4x2x128xi32, #tpu.memory_space<vmem>> -> memref<1x1x128xi32, #tpu.memory_space<vmem>>
      %dma_wait3A_238 = tpu.memref_squeeze %dma_wait3A_237 : memref<1x1x128xi32, #tpu.memory_space<vmem>> -> memref<128xi32, #tpu.memory_space<vmem>>
      %dma_wait3A_239 = arith.constant 0 : i32
      %dma_wait3A_240 = arith.constant 0 : i32
      %dma_wait3A_241 = tpu.memref_slice %arg7[%dma_wait3A_239, %dma_wait3A_240] : memref<10240x128xf32, #tpu.memory_space<vmem_shared>> -> memref<10240x128xf32, #tpu.memory_space<vmem_shared>>
      tpu.wait_indirect_dma semaphore(%arg11 : memref<!tpu.dma_semaphore, #tpu.memory_space<semaphore_mem>>) src(%dma_wait3A_235 : memref<128x128xf32, #tpu.memory_space<vmem>>) dst(%dma_wait3A_241 : memref<10240x128xf32, #tpu.memory_space<vmem_shared>>)
      %sub3A_242 = arith.constant 1 : i32
      %sub3A_243 = arith.subi %select_n3A, %sub3A_242 : i32
      %lt3A_244 = arith.cmpi slt, %while3A_53, %sub3A_243 : i32
      %convert_element_type3A_245 = arith.extui %lt3A_244 : i1 to i32
      %cond3A_246 = arith.constant 0 : i32
      %cond3A_247 = arith.cmpi ne, %convert_element_type3A_245, %cond3A_246 : i32
      scf.if %cond3A_247 {
        %add3A_365 = arith.constant 3 : i32
        %add3A_366 = arith.addi %add3A_226, %add3A_365 : i32
        %dma_start3A_367 = arith.constant 1 : i32
        %dma_start3A_368 = arith.constant 0 : i32
        %dma_start3A_369 = arith.constant 0 : i32
        %dma_start3A_370 = tpu.memref_slice %arg5[%dma_start3A_367, %dma_start3A_368, %dma_start3A_369] : memref<4x2x128xi32, #tpu.memory_space<vmem>> -> memref<1x2x128xi32, #tpu.memory_space<vmem>>
        %dma_start3A_371 = tpu.memref_squeeze %dma_start3A_370 : memref<1x2x128xi32, #tpu.memory_space<vmem>> -> memref<2x128xi32, #tpu.memory_space<vmem>>
        %dma_start3A_372 = arith.constant 0 : i32
        %dma_start3A_373 = arith.constant 0 : i32
        %dma_start3A_374 = tpu.memref_slice %arg3[%add3A, %add3A_366, %dma_start3A_372, %dma_start3A_373] : memref<32x116x2x128xi32, #tpu.memory_space<hbm>> -> memref<1x1x2x128xi32, #tpu.memory_space<hbm>>
        %dma_start3A_375 = tpu.memref_squeeze %dma_start3A_374 : memref<1x1x2x128xi32, #tpu.memory_space<hbm>> -> memref<2x128xi32, #tpu.memory_space<hbm>>
        %dma_start3A_376 = arith.constant 0 : i32
        %dma_start3A_377 = arith.constant 0 : i32
        %dma_start3A_378 = tpu.memref_slice %arg5[%dma_start3A_367, %dma_start3A_376, %dma_start3A_377] : memref<4x2x128xi32, #tpu.memory_space<vmem>> -> memref<1x2x128xi32, #tpu.memory_space<vmem>>
        %dma_start3A_379 = tpu.memref_squeeze %dma_start3A_378 : memref<1x2x128xi32, #tpu.memory_space<vmem>> -> memref<2x128xi32, #tpu.memory_space<vmem>>
        %dma_start3A_380 = arith.constant 0 : i32
        %dma_start3A_381 = arith.constant 0 : i32
        %dma_start3A_382 = tpu.memref_slice %arg3[%add3A, %add3A_366, %dma_start3A_380, %dma_start3A_381] : memref<32x116x2x128xi32, #tpu.memory_space<hbm>> -> memref<1x1x2x128xi32, #tpu.memory_space<hbm>>
        %dma_start3A_383 = tpu.memref_squeeze %dma_start3A_382 : memref<1x1x2x128xi32, #tpu.memory_space<hbm>> -> memref<2x128xi32, #tpu.memory_space<hbm>>
        tpu.enqueue_dma source(%dma_start3A_383 : memref<2x128xi32, #tpu.memory_space<hbm>>) target(%dma_start3A_379 : memref<2x128xi32, #tpu.memory_space<vmem>>) target_semaphore(%arg13 : memref<!tpu.dma_semaphore, #tpu.memory_space<semaphore_mem>>)
      } else {
      }
      %add3A_248 = arith.constant 1 : i32
      %add3A_249 = arith.addi %add3A_226, %add3A_248 : i32
      %dma_wait3A_250 = arith.constant 3 : i32
      %dma_wait3A_251 = arith.constant 0 : i32
      %dma_wait3A_252 = arith.constant 0 : i32
      %dma_wait3A_253 = tpu.memref_slice %arg5[%dma_wait3A_250, %dma_wait3A_251, %dma_wait3A_252] : memref<4x2x128xi32, #tpu.memory_space<vmem>> -> memref<1x2x128xi32, #tpu.memory_space<vmem>>
      %dma_wait3A_254 = tpu.memref_squeeze %dma_wait3A_253 : memref<1x2x128xi32, #tpu.memory_space<vmem>> -> memref<2x128xi32, #tpu.memory_space<vmem>>
      %dma_wait3A_255 = arith.constant 0 : i32
      %dma_wait3A_256 = arith.constant 0 : i32
      %dma_wait3A_257 = tpu.memref_slice %arg3[%add3A, %add3A_249, %dma_wait3A_255, %dma_wait3A_256] : memref<32x116x2x128xi32, #tpu.memory_space<hbm>> -> memref<1x1x2x128xi32, #tpu.memory_space<hbm>>
      %dma_wait3A_258 = tpu.memref_squeeze %dma_wait3A_257 : memref<1x1x2x128xi32, #tpu.memory_space<hbm>> -> memref<2x128xi32, #tpu.memory_space<hbm>>
      %dma_wait3A_259 = arith.constant 0 : i32
      %dma_wait3A_260 = arith.constant 0 : i32
      %dma_wait3A_261 = tpu.memref_slice %arg5[%dma_wait3A_250, %dma_wait3A_259, %dma_wait3A_260] : memref<4x2x128xi32, #tpu.memory_space<vmem>> -> memref<1x2x128xi32, #tpu.memory_space<vmem>>
      %dma_wait3A_262 = tpu.memref_squeeze %dma_wait3A_261 : memref<1x2x128xi32, #tpu.memory_space<vmem>> -> memref<2x128xi32, #tpu.memory_space<vmem>>
      %dma_wait3A_263 = arith.constant 0 : i32
      %dma_wait3A_264 = arith.constant 0 : i32
      %dma_wait3A_265 = tpu.memref_slice %arg3[%add3A, %add3A_249, %dma_wait3A_263, %dma_wait3A_264] : memref<32x116x2x128xi32, #tpu.memory_space<hbm>> -> memref<1x1x2x128xi32, #tpu.memory_space<hbm>>
      %dma_wait3A_266 = tpu.memref_squeeze %dma_wait3A_265 : memref<1x1x2x128xi32, #tpu.memory_space<hbm>> -> memref<2x128xi32, #tpu.memory_space<hbm>>
      tpu.wait_dma2 semaphore(%arg15 : memref<!tpu.dma_semaphore, #tpu.memory_space<semaphore_mem>>) src(%dma_wait3A_266 : memref<2x128xi32, #tpu.memory_space<hbm>>) dst(%dma_wait3A_262 : memref<2x128xi32, #tpu.memory_space<vmem>>)
      %add3A_267 = arith.constant 1 : i32
      %add3A_268 = arith.addi %add3A_226, %add3A_267 : i32
      %dma_start3A_269 = arith.constant 3 : i32
      %dma_start3A_270 = arith.constant 0 : i32
      %dma_start3A_271 = arith.constant 1 : i32
      %dma_start3A_272 = arith.constant 0 : i32
      %dma_start3A_273 = arith.constant 0 : i32
      %dma_start3A_274 = tpu.memref_slice %arg6[%dma_start3A_271, %dma_start3A_272, %dma_start3A_273] : memref<2x128x128xf32, #tpu.memory_space<vmem>> -> memref<1x128x128xf32, #tpu.memory_space<vmem>>
      %dma_start3A_275 = tpu.memref_squeeze %dma_start3A_274 : memref<1x128x128xf32, #tpu.memory_space<vmem>> -> memref<128x128xf32, #tpu.memory_space<vmem>>
      %dma_start3A_276 = arith.constant 0 : i32
      %dma_start3A_277 = tpu.memref_slice %arg5[%dma_start3A_269, %dma_start3A_270, %dma_start3A_276] : memref<4x2x128xi32, #tpu.memory_space<vmem>> -> memref<1x1x128xi32, #tpu.memory_space<vmem>>
      %dma_start3A_278 = tpu.memref_squeeze %dma_start3A_277 : memref<1x1x128xi32, #tpu.memory_space<vmem>> -> memref<128xi32, #tpu.memory_space<vmem>>
      %dma_start3A_279 = arith.constant 0 : i32
      %dma_start3A_280 = arith.constant 0 : i32
      %dma_start3A_281 = tpu.memref_slice %arg2[%dma_start3A_279, %dma_start3A_280] : memref<10240x128xf32, #tpu.memory_space<hbm>> -> memref<10240x128xf32, #tpu.memory_space<hbm>>
      tpu.enqueue_indirect_dma source(%dma_start3A_281 : memref<10240x128xf32, #tpu.memory_space<hbm>>) target(%dma_start3A_275 : memref<128x128xf32, #tpu.memory_space<vmem>>) offsets(%dma_start3A_278 : memref<128xi32, #tpu.memory_space<vmem>>) semaphore(%arg9 : memref<!tpu.dma_semaphore, #tpu.memory_space<semaphore_mem>>)
      %dma_wait3A_282 = arith.constant 2 : i32
      %dma_wait3A_283 = arith.constant 0 : i32
      %dma_wait3A_284 = arith.constant 0 : i32
      %dma_wait3A_285 = arith.constant 0 : i32
      %dma_wait3A_286 = arith.constant 0 : i32
      %dma_wait3A_287 = tpu.memref_slice %arg6[%dma_wait3A_284, %dma_wait3A_285, %dma_wait3A_286] : memref<2x128x128xf32, #tpu.memory_space<vmem>> -> memref<1x128x128xf32, #tpu.memory_space<vmem>>
      %dma_wait3A_288 = tpu.memref_squeeze %dma_wait3A_287 : memref<1x128x128xf32, #tpu.memory_space<vmem>> -> memref<128x128xf32, #tpu.memory_space<vmem>>
      %dma_wait3A_289 = arith.constant 0 : i32
      %dma_wait3A_290 = tpu.memref_slice %arg5[%dma_wait3A_282, %dma_wait3A_283, %dma_wait3A_289] : memref<4x2x128xi32, #tpu.memory_space<vmem>> -> memref<1x1x128xi32, #tpu.memory_space<vmem>>
      %dma_wait3A_291 = tpu.memref_squeeze %dma_wait3A_290 : memref<1x1x128xi32, #tpu.memory_space<vmem>> -> memref<128xi32, #tpu.memory_space<vmem>>
      %dma_wait3A_292 = arith.constant 0 : i32
      %dma_wait3A_293 = arith.constant 0 : i32
      %dma_wait3A_294 = tpu.memref_slice %arg2[%dma_wait3A_292, %dma_wait3A_293] : memref<10240x128xf32, #tpu.memory_space<hbm>> -> memref<10240x128xf32, #tpu.memory_space<hbm>>
      tpu.wait_indirect_dma semaphore(%arg8 : memref<!tpu.dma_semaphore, #tpu.memory_space<semaphore_mem>>) src(%dma_wait3A_294 : memref<10240x128xf32, #tpu.memory_space<hbm>>) dst(%dma_wait3A_288 : memref<128x128xf32, #tpu.memory_space<vmem>>)
      %dma_start3A_295 = arith.constant 0 : i32
      %dma_start3A_296 = arith.constant 2 : i32
      %dma_start3A_297 = arith.constant 1 : i32
      %dma_start3A_298 = arith.constant 0 : i32
      %dma_start3A_299 = arith.constant 0 : i32
      %dma_start3A_300 = tpu.memref_slice %arg6[%dma_start3A_295, %dma_start3A_298, %dma_start3A_299] : memref<2x128x128xf32, #tpu.memory_space<vmem>> -> memref<1x128x128xf32, #tpu.memory_space<vmem>>
      %dma_start3A_301 = tpu.memref_squeeze %dma_start3A_300 : memref<1x128x128xf32, #tpu.memory_space<vmem>> -> memref<128x128xf32, #tpu.memory_space<vmem>>
      %dma_start3A_302 = arith.constant 0 : i32
      %dma_start3A_303 = tpu.memref_slice %arg5[%dma_start3A_296, %dma_start3A_297, %dma_start3A_302] : memref<4x2x128xi32, #tpu.memory_space<vmem>> -> memref<1x1x128xi32, #tpu.memory_space<vmem>>
      %dma_start3A_304 = tpu.memref_squeeze %dma_start3A_303 : memref<1x1x128xi32, #tpu.memory_space<vmem>> -> memref<128xi32, #tpu.memory_space<vmem>>
      %dma_start3A_305 = arith.constant 0 : i32
      %dma_start3A_306 = arith.constant 0 : i32
      %dma_start3A_307 = tpu.memref_slice %arg7[%dma_start3A_305, %dma_start3A_306] : memref<10240x128xf32, #tpu.memory_space<vmem_shared>> -> memref<10240x128xf32, #tpu.memory_space<vmem_shared>>
      tpu.enqueue_indirect_dma source(%dma_start3A_301 : memref<128x128xf32, #tpu.memory_space<vmem>>) target(%dma_start3A_307 : memref<10240x128xf32, #tpu.memory_space<vmem_shared>>) offsets(%dma_start3A_304 : memref<128xi32, #tpu.memory_space<vmem>>) semaphore(%arg10 : memref<!tpu.dma_semaphore, #tpu.memory_space<semaphore_mem>>) {add = true}
      %mul3A_308 = arith.constant 4 : i32
      %mul3A_309 = arith.muli %while3A_53, %mul3A_308 : i32
      %add3A_310 = arith.constant 3 : i32
      %add3A_311 = arith.addi %mul3A_309, %add3A_310 : i32
      %sub3A_312 = arith.constant 1 : i32
      %sub3A_313 = arith.subi %add3A_311, %sub3A_312 : i32
      %dma_wait3A_314 = arith.constant 0 : i32
      %dma_wait3A_315 = arith.constant 2 : i32
      %dma_wait3A_316 = arith.constant 1 : i32
      %dma_wait3A_317 = arith.constant 0 : i32
      %dma_wait3A_318 = arith.constant 0 : i32
      %dma_wait3A_319 = tpu.memref_slice %arg6[%dma_wait3A_314, %dma_wait3A_317, %dma_wait3A_318] : memref<2x128x128xf32, #tpu.memory_space<vmem>> -> memref<1x128x128xf32, #tpu.memory_space<vmem>>
      %dma_wait3A_320 = tpu.memref_squeeze %dma_wait3A_319 : memref<1x128x128xf32, #tpu.memory_space<vmem>> -> memref<128x128xf32, #tpu.memory_space<vmem>>
      %dma_wait3A_321 = arith.constant 0 : i32
      %dma_wait3A_322 = tpu.memref_slice %arg5[%dma_wait3A_315, %dma_wait3A_316, %dma_wait3A_321] : memref<4x2x128xi32, #tpu.memory_space<vmem>> -> memref<1x1x128xi32, #tpu.memory_space<vmem>>
      %dma_wait3A_323 = tpu.memref_squeeze %dma_wait3A_322 : memref<1x1x128xi32, #tpu.memory_space<vmem>> -> memref<128xi32, #tpu.memory_space<vmem>>
      %dma_wait3A_324 = arith.constant 0 : i32
      %dma_wait3A_325 = arith.constant 0 : i32
      %dma_wait3A_326 = tpu.memref_slice %arg7[%dma_wait3A_324, %dma_wait3A_325] : memref<10240x128xf32, #tpu.memory_space<vmem_shared>> -> memref<10240x128xf32, #tpu.memory_space<vmem_shared>>
      tpu.wait_indirect_dma semaphore(%arg10 : memref<!tpu.dma_semaphore, #tpu.memory_space<semaphore_mem>>) src(%dma_wait3A_320 : memref<128x128xf32, #tpu.memory_space<vmem>>) dst(%dma_wait3A_326 : memref<10240x128xf32, #tpu.memory_space<vmem_shared>>)
      %sub3A_327 = arith.constant 1 : i32
      %sub3A_328 = arith.subi %select_n3A, %sub3A_327 : i32
      %lt3A_329 = arith.cmpi slt, %while3A_53, %sub3A_328 : i32
      %convert_element_type3A_330 = arith.extui %lt3A_329 : i1 to i32
      %cond3A_331 = arith.constant 0 : i32
      %cond3A_332 = arith.cmpi ne, %convert_element_type3A_330, %cond3A_331 : i32
      scf.if %cond3A_332 {
        %add3A_365 = arith.constant 3 : i32
        %add3A_366 = arith.addi %add3A_311, %add3A_365 : i32
        %dma_start3A_367 = arith.constant 2 : i32
        %dma_start3A_368 = arith.constant 0 : i32
        %dma_start3A_369 = arith.constant 0 : i32
        %dma_start3A_370 = tpu.memref_slice %arg5[%dma_start3A_367, %dma_start3A_368, %dma_start3A_369] : memref<4x2x128xi32, #tpu.memory_space<vmem>> -> memref<1x2x128xi32, #tpu.memory_space<vmem>>
        %dma_start3A_371 = tpu.memref_squeeze %dma_start3A_370 : memref<1x2x128xi32, #tpu.memory_space<vmem>> -> memref<2x128xi32, #tpu.memory_space<vmem>>
        %dma_start3A_372 = arith.constant 0 : i32
        %dma_start3A_373 = arith.constant 0 : i32
        %dma_start3A_374 = tpu.memref_slice %arg3[%add3A, %add3A_366, %dma_start3A_372, %dma_start3A_373] : memref<32x116x2x128xi32, #tpu.memory_space<hbm>> -> memref<1x1x2x128xi32, #tpu.memory_space<hbm>>
        %dma_start3A_375 = tpu.memref_squeeze %dma_start3A_374 : memref<1x1x2x128xi32, #tpu.memory_space<hbm>> -> memref<2x128xi32, #tpu.memory_space<hbm>>
        %dma_start3A_376 = arith.constant 0 : i32
        %dma_start3A_377 = arith.constant 0 : i32
        %dma_start3A_378 = tpu.memref_slice %arg5[%dma_start3A_367, %dma_start3A_376, %dma_start3A_377] : memref<4x2x128xi32, #tpu.memory_space<vmem>> -> memref<1x2x128xi32, #tpu.memory_space<vmem>>
        %dma_start3A_379 = tpu.memref_squeeze %dma_start3A_378 : memref<1x2x128xi32, #tpu.memory_space<vmem>> -> memref<2x128xi32, #tpu.memory_space<vmem>>
        %dma_start3A_380 = arith.constant 0 : i32
        %dma_start3A_381 = arith.constant 0 : i32
        %dma_start3A_382 = tpu.memref_slice %arg3[%add3A, %add3A_366, %dma_start3A_380, %dma_start3A_381] : memref<32x116x2x128xi32, #tpu.memory_space<hbm>> -> memref<1x1x2x128xi32, #tpu.memory_space<hbm>>
        %dma_start3A_383 = tpu.memref_squeeze %dma_start3A_382 : memref<1x1x2x128xi32, #tpu.memory_space<hbm>> -> memref<2x128xi32, #tpu.memory_space<hbm>>
        tpu.enqueue_dma source(%dma_start3A_383 : memref<2x128xi32, #tpu.memory_space<hbm>>) target(%dma_start3A_379 : memref<2x128xi32, #tpu.memory_space<vmem>>) target_semaphore(%arg14 : memref<!tpu.dma_semaphore, #tpu.memory_space<semaphore_mem>>)
      } else {
      }
      %sub3A_333 = arith.constant 1 : i32
      %sub3A_334 = arith.subi %select_n3A, %sub3A_333 : i32
      %lt3A_335 = arith.cmpi slt, %while3A_53, %sub3A_334 : i32
      %convert_element_type3A_336 = arith.extui %lt3A_335 : i1 to i32
      %cond3A_337 = arith.constant 0 : i32
      %cond3A_338 = arith.cmpi ne, %convert_element_type3A_336, %cond3A_337 : i32
      scf.if %cond3A_338 {
        %add3A_365 = arith.constant 1 : i32
        %add3A_366 = arith.addi %add3A_311, %add3A_365 : i32
        %dma_wait3A_367 = arith.constant 0 : i32
        %dma_wait3A_368 = arith.constant 0 : i32
        %dma_wait3A_369 = arith.constant 0 : i32
        %dma_wait3A_370 = tpu.memref_slice %arg5[%dma_wait3A_367, %dma_wait3A_368, %dma_wait3A_369] : memref<4x2x128xi32, #tpu.memory_space<vmem>> -> memref<1x2x128xi32, #tpu.memory_space<vmem>>
        %dma_wait3A_371 = tpu.memref_squeeze %dma_wait3A_370 : memref<1x2x128xi32, #tpu.memory_space<vmem>> -> memref<2x128xi32, #tpu.memory_space<vmem>>
        %dma_wait3A_372 = arith.constant 0 : i32
        %dma_wait3A_373 = arith.constant 0 : i32
        %dma_wait3A_374 = tpu.memref_slice %arg3[%add3A, %add3A_366, %dma_wait3A_372, %dma_wait3A_373] : memref<32x116x2x128xi32, #tpu.memory_space<hbm>> -> memref<1x1x2x128xi32, #tpu.memory_space<hbm>>
        %dma_wait3A_375 = tpu.memref_squeeze %dma_wait3A_374 : memref<1x1x2x128xi32, #tpu.memory_space<hbm>> -> memref<2x128xi32, #tpu.memory_space<hbm>>
        %dma_wait3A_376 = arith.constant 0 : i32
        %dma_wait3A_377 = arith.constant 0 : i32
        %dma_wait3A_378 = tpu.memref_slice %arg5[%dma_wait3A_367, %dma_wait3A_376, %dma_wait3A_377] : memref<4x2x128xi32, #tpu.memory_space<vmem>> -> memref<1x2x128xi32, #tpu.memory_space<vmem>>
        %dma_wait3A_379 = tpu.memref_squeeze %dma_wait3A_378 : memref<1x2x128xi32, #tpu.memory_space<vmem>> -> memref<2x128xi32, #tpu.memory_space<vmem>>
        %dma_wait3A_380 = arith.constant 0 : i32
        %dma_wait3A_381 = arith.constant 0 : i32
        %dma_wait3A_382 = tpu.memref_slice %arg3[%add3A, %add3A_366, %dma_wait3A_380, %dma_wait3A_381] : memref<32x116x2x128xi32, #tpu.memory_space<hbm>> -> memref<1x1x2x128xi32, #tpu.memory_space<hbm>>
        %dma_wait3A_383 = tpu.memref_squeeze %dma_wait3A_382 : memref<1x1x2x128xi32, #tpu.memory_space<hbm>> -> memref<2x128xi32, #tpu.memory_space<hbm>>
        tpu.wait_dma2 semaphore(%arg12 : memref<!tpu.dma_semaphore, #tpu.memory_space<semaphore_mem>>) src(%dma_wait3A_383 : memref<2x128xi32, #tpu.memory_space<hbm>>) dst(%dma_wait3A_379 : memref<2x128xi32, #tpu.memory_space<vmem>>)
        %add3A_384 = arith.constant 1 : i32
        %add3A_385 = arith.addi %add3A_311, %add3A_384 : i32
        %dma_start3A_386 = arith.constant 0 : i32
        %dma_start3A_387 = arith.constant 0 : i32
        %dma_start3A_388 = arith.constant 0 : i32
        %dma_start3A_389 = arith.constant 0 : i32
        %dma_start3A_390 = arith.constant 0 : i32
        %dma_start3A_391 = tpu.memref_slice %arg6[%dma_start3A_388, %dma_start3A_389, %dma_start3A_390] : memref<2x128x128xf32, #tpu.memory_space<vmem>> -> memref<1x128x128xf32, #tpu.memory_space<vmem>>
        %dma_start3A_392 = tpu.memref_squeeze %dma_start3A_391 : memref<1x128x128xf32, #tpu.memory_space<vmem>> -> memref<128x128xf32, #tpu.memory_space<vmem>>
        %dma_start3A_393 = arith.constant 0 : i32
        %dma_start3A_394 = tpu.memref_slice %arg5[%dma_start3A_386, %dma_start3A_387, %dma_start3A_393] : memref<4x2x128xi32, #tpu.memory_space<vmem>> -> memref<1x1x128xi32, #tpu.memory_space<vmem>>
        %dma_start3A_395 = tpu.memref_squeeze %dma_start3A_394 : memref<1x1x128xi32, #tpu.memory_space<vmem>> -> memref<128xi32, #tpu.memory_space<vmem>>
        %dma_start3A_396 = arith.constant 0 : i32
        %dma_start3A_397 = arith.constant 0 : i32
        %dma_start3A_398 = tpu.memref_slice %arg2[%dma_start3A_396, %dma_start3A_397] : memref<10240x128xf32, #tpu.memory_space<hbm>> -> memref<10240x128xf32, #tpu.memory_space<hbm>>
        tpu.enqueue_indirect_dma source(%dma_start3A_398 : memref<10240x128xf32, #tpu.memory_space<hbm>>) target(%dma_start3A_392 : memref<128x128xf32, #tpu.memory_space<vmem>>) offsets(%dma_start3A_395 : memref<128xi32, #tpu.memory_space<vmem>>) semaphore(%arg8 : memref<!tpu.dma_semaphore, #tpu.memory_space<semaphore_mem>>)
      } else {
      }
      %dma_wait3A_339 = arith.constant 3 : i32
      %dma_wait3A_340 = arith.constant 0 : i32
      %dma_wait3A_341 = arith.constant 1 : i32
      %dma_wait3A_342 = arith.constant 0 : i32
      %dma_wait3A_343 = arith.constant 0 : i32
      %dma_wait3A_344 = tpu.memref_slice %arg6[%dma_wait3A_341, %dma_wait3A_342, %dma_wait3A_343] : memref<2x128x128xf32, #tpu.memory_space<vmem>> -> memref<1x128x128xf32, #tpu.memory_space<vmem>>
      %dma_wait3A_345 = tpu.memref_squeeze %dma_wait3A_344 : memref<1x128x128xf32, #tpu.memory_space<vmem>> -> memref<128x128xf32, #tpu.memory_space<vmem>>
      %dma_wait3A_346 = arith.constant 0 : i32
      %dma_wait3A_347 = tpu.memref_slice %arg5[%dma_wait3A_339, %dma_wait3A_340, %dma_wait3A_346] : memref<4x2x128xi32, #tpu.memory_space<vmem>> -> memref<1x1x128xi32, #tpu.memory_space<vmem>>
      %dma_wait3A_348 = tpu.memref_squeeze %dma_wait3A_347 : memref<1x1x128xi32, #tpu.memory_space<vmem>> -> memref<128xi32, #tpu.memory_space<vmem>>
      %dma_wait3A_349 = arith.constant 0 : i32
      %dma_wait3A_350 = arith.constant 0 : i32
      %dma_wait3A_351 = tpu.memref_slice %arg2[%dma_wait3A_349, %dma_wait3A_350] : memref<10240x128xf32, #tpu.memory_space<hbm>> -> memref<10240x128xf32, #tpu.memory_space<hbm>>
      tpu.wait_indirect_dma semaphore(%arg9 : memref<!tpu.dma_semaphore, #tpu.memory_space<semaphore_mem>>) src(%dma_wait3A_351 : memref<10240x128xf32, #tpu.memory_space<hbm>>) dst(%dma_wait3A_345 : memref<128x128xf32, #tpu.memory_space<vmem>>)
      %dma_start3A_352 = arith.constant 1 : i32
      %dma_start3A_353 = arith.constant 3 : i32
      %dma_start3A_354 = arith.constant 1 : i32
      %dma_start3A_355 = arith.constant 0 : i32
      %dma_start3A_356 = arith.constant 0 : i32
      %dma_start3A_357 = tpu.memref_slice %arg6[%dma_start3A_352, %dma_start3A_355, %dma_start3A_356] : memref<2x128x128xf32, #tpu.memory_space<vmem>> -> memref<1x128x128xf32, #tpu.memory_space<vmem>>
      %dma_start3A_358 = tpu.memref_squeeze %dma_start3A_357 : memref<1x128x128xf32, #tpu.memory_space<vmem>> -> memref<128x128xf32, #tpu.memory_space<vmem>>
      %dma_start3A_359 = arith.constant 0 : i32
      %dma_start3A_360 = tpu.memref_slice %arg5[%dma_start3A_353, %dma_start3A_354, %dma_start3A_359] : memref<4x2x128xi32, #tpu.memory_space<vmem>> -> memref<1x1x128xi32, #tpu.memory_space<vmem>>
      %dma_start3A_361 = tpu.memref_squeeze %dma_start3A_360 : memref<1x1x128xi32, #tpu.memory_space<vmem>> -> memref<128xi32, #tpu.memory_space<vmem>>
      %dma_start3A_362 = arith.constant 0 : i32
      %dma_start3A_363 = arith.constant 0 : i32
      %dma_start3A_364 = tpu.memref_slice %arg7[%dma_start3A_362, %dma_start3A_363] : memref<10240x128xf32, #tpu.memory_space<vmem_shared>> -> memref<10240x128xf32, #tpu.memory_space<vmem_shared>>
      tpu.enqueue_indirect_dma source(%dma_start3A_358 : memref<128x128xf32, #tpu.memory_space<vmem>>) target(%dma_start3A_364 : memref<10240x128xf32, #tpu.memory_space<vmem_shared>>) offsets(%dma_start3A_361 : memref<128xi32, #tpu.memory_space<vmem>>) semaphore(%arg11 : memref<!tpu.dma_semaphore, #tpu.memory_space<semaphore_mem>>) {add = true}
    }
    %while3A_42 = arith.constant 1 : i32
    scf.for %while3A_53 = %while3A_40 to %while3A_36 step %while3A_42  : i32 {
      %mul3A_54 = arith.constant 4 : i32
      %mul3A_55 = arith.muli %while3A_53, %mul3A_54 : i32
      %add3A_56 = arith.constant 0 : i32
      %add3A_57 = arith.addi %mul3A_55, %add3A_56 : i32
      %gt3A_58 = arith.constant 0 : i32
      %gt3A_59 = arith.cmpi sgt, %while3A_53, %gt3A_58 : i32
      %convert_element_type3A_60 = arith.extui %gt3A_59 : i1 to i32
      %cond3A_61 = arith.constant 0 : i32
      %cond3A_62 = arith.cmpi ne, %convert_element_type3A_60, %cond3A_61 : i32
      scf.if %cond3A_62 {
        %sub3A_365 = arith.constant 1 : i32
        %sub3A_366 = arith.subi %add3A_57, %sub3A_365 : i32
        %dma_wait3A_367 = arith.constant 1 : i32
        %dma_wait3A_368 = arith.constant 3 : i32
        %dma_wait3A_369 = arith.constant 1 : i32
        %dma_wait3A_370 = arith.constant 0 : i32
        %dma_wait3A_371 = arith.constant 0 : i32
        %dma_wait3A_372 = tpu.memref_slice %arg6[%dma_wait3A_367, %dma_wait3A_370, %dma_wait3A_371] : memref<2x128x128xf32, #tpu.memory_space<vmem>> -> memref<1x128x128xf32, #tpu.memory_space<vmem>>
        %dma_wait3A_373 = tpu.memref_squeeze %dma_wait3A_372 : memref<1x128x128xf32, #tpu.memory_space<vmem>> -> memref<128x128xf32, #tpu.memory_space<vmem>>
        %dma_wait3A_374 = arith.constant 0 : i32
        %dma_wait3A_375 = tpu.memref_slice %arg5[%dma_wait3A_368, %dma_wait3A_369, %dma_wait3A_374] : memref<4x2x128xi32, #tpu.memory_space<vmem>> -> memref<1x1x128xi32, #tpu.memory_space<vmem>>
        %dma_wait3A_376 = tpu.memref_squeeze %dma_wait3A_375 : memref<1x1x128xi32, #tpu.memory_space<vmem>> -> memref<128xi32, #tpu.memory_space<vmem>>
        %dma_wait3A_377 = arith.constant 0 : i32
        %dma_wait3A_378 = arith.constant 0 : i32
        %dma_wait3A_379 = tpu.memref_slice %arg7[%dma_wait3A_377, %dma_wait3A_378] : memref<10240x128xf32, #tpu.memory_space<vmem_shared>> -> memref<10240x128xf32, #tpu.memory_space<vmem_shared>>
        tpu.wait_indirect_dma semaphore(%arg11 : memref<!tpu.dma_semaphore, #tpu.memory_space<semaphore_mem>>) src(%dma_wait3A_373 : memref<128x128xf32, #tpu.memory_space<vmem>>) dst(%dma_wait3A_379 : memref<10240x128xf32, #tpu.memory_space<vmem_shared>>)
      } else {
      }
      %add3A_63 = arith.constant 3 : i32
      %add3A_64 = arith.addi %add3A_57, %add3A_63 : i32
      %dma_start3A = arith.constant 3 : i32
      %dma_start3A_65 = arith.constant 0 : i32
      %dma_start3A_66 = arith.constant 0 : i32
      %dma_start3A_67 = tpu.memref_slice %arg5[%dma_start3A, %dma_start3A_65, %dma_start3A_66] : memref<4x2x128xi32, #tpu.memory_space<vmem>> -> memref<1x2x128xi32, #tpu.memory_space<vmem>>
      %dma_start3A_68 = tpu.memref_squeeze %dma_start3A_67 : memref<1x2x128xi32, #tpu.memory_space<vmem>> -> memref<2x128xi32, #tpu.memory_space<vmem>>
      %dma_start3A_69 = arith.constant 0 : i32
      %dma_start3A_70 = arith.constant 0 : i32
      %dma_start3A_71 = tpu.memref_slice %arg3[%add3A, %add3A_64, %dma_start3A_69, %dma_start3A_70] : memref<32x116x2x128xi32, #tpu.memory_space<hbm>> -> memref<1x1x2x128xi32, #tpu.memory_space<hbm>>
      %dma_start3A_72 = tpu.memref_squeeze %dma_start3A_71 : memref<1x1x2x128xi32, #tpu.memory_space<hbm>> -> memref<2x128xi32, #tpu.memory_space<hbm>>
      %dma_start3A_73 = arith.constant 0 : i32
      %dma_start3A_74 = arith.constant 0 : i32
      %dma_start3A_75 = tpu.memref_slice %arg5[%dma_start3A, %dma_start3A_73, %dma_start3A_74] : memref<4x2x128xi32, #tpu.memory_space<vmem>> -> memref<1x2x128xi32, #tpu.memory_space<vmem>>
      %dma_start3A_76 = tpu.memref_squeeze %dma_start3A_75 : memref<1x2x128xi32, #tpu.memory_space<vmem>> -> memref<2x128xi32, #tpu.memory_space<vmem>>
      %dma_start3A_77 = arith.constant 0 : i32
      %dma_start3A_78 = arith.constant 0 : i32
      %dma_start3A_79 = tpu.memref_slice %arg3[%add3A, %add3A_64, %dma_start3A_77, %dma_start3A_78] : memref<32x116x2x128xi32, #tpu.memory_space<hbm>> -> memref<1x1x2x128xi32, #tpu.memory_space<hbm>>
      %dma_start3A_80 = tpu.memref_squeeze %dma_start3A_79 : memref<1x1x2x128xi32, #tpu.memory_space<hbm>> -> memref<2x128xi32, #tpu.memory_space<hbm>>
      tpu.enqueue_dma source(%dma_start3A_80 : memref<2x128xi32, #tpu.memory_space<hbm>>) target(%dma_start3A_76 : memref<2x128xi32, #tpu.memory_space<vmem>>) target_semaphore(%arg15 : memref<!tpu.dma_semaphore, #tpu.memory_space<semaphore_mem>>)
      %add3A_81 = arith.constant 1 : i32
      %add3A_82 = arith.addi %add3A_57, %add3A_81 : i32
      %dma_wait3A = arith.constant 1 : i32
      %dma_wait3A_83 = arith.constant 0 : i32
      %dma_wait3A_84 = arith.constant 0 : i32
      %dma_wait3A_85 = tpu.memref_slice %arg5[%dma_wait3A, %dma_wait3A_83, %dma_wait3A_84] : memref<4x2x128xi32, #tpu.memory_space<vmem>> -> memref<1x2x128xi32, #tpu.memory_space<vmem>>
      %dma_wait3A_86 = tpu.memref_squeeze %dma_wait3A_85 : memref<1x2x128xi32, #tpu.memory_space<vmem>> -> memref<2x128xi32, #tpu.memory_space<vmem>>
      %dma_wait3A_87 = arith.constant 0 : i32
      %dma_wait3A_88 = arith.constant 0 : i32
      %dma_wait3A_89 = tpu.memref_slice %arg3[%add3A, %add3A_82, %dma_wait3A_87, %dma_wait3A_88] : memref<32x116x2x128xi32, #tpu.memory_space<hbm>> -> memref<1x1x2x128xi32, #tpu.memory_space<hbm>>
      %dma_wait3A_90 = tpu.memref_squeeze %dma_wait3A_89 : memref<1x1x2x128xi32, #tpu.memory_space<hbm>> -> memref<2x128xi32, #tpu.memory_space<hbm>>
      %dma_wait3A_91 = arith.constant 0 : i32
      %dma_wait3A_92 = arith.constant 0 : i32
      %dma_wait3A_93 = tpu.memref_slice %arg5[%dma_wait3A, %dma_wait3A_91, %dma_wait3A_92] : memref<4x2x128xi32, #tpu.memory_space<vmem>> -> memref<1x2x128xi32, #tpu.memory_space<vmem>>
      %dma_wait3A_94 = tpu.memref_squeeze %dma_wait3A_93 : memref<1x2x128xi32, #tpu.memory_space<vmem>> -> memref<2x128xi32, #tpu.memory_space<vmem>>
      %dma_wait3A_95 = arith.constant 0 : i32
      %dma_wait3A_96 = arith.constant 0 : i32
      %dma_wait3A_97 = tpu.memref_slice %arg3[%add3A, %add3A_82, %dma_wait3A_95, %dma_wait3A_96] : memref<32x116x2x128xi32, #tpu.memory_space<hbm>> -> memref<1x1x2x128xi32, #tpu.memory_space<hbm>>
      %dma_wait3A_98 = tpu.memref_squeeze %dma_wait3A_97 : memref<1x1x2x128xi32, #tpu.memory_space<hbm>> -> memref<2x128xi32, #tpu.memory_space<hbm>>
      tpu.wait_dma2 semaphore(%arg13 : memref<!tpu.dma_semaphore, #tpu.memory_space<semaphore_mem>>) src(%dma_wait3A_98 : memref<2x128xi32, #tpu.memory_space<hbm>>) dst(%dma_wait3A_94 : memref<2x128xi32, #tpu.memory_space<vmem>>)
      %add3A_99 = arith.constant 1 : i32
      %add3A_100 = arith.addi %add3A_57, %add3A_99 : i32
      %dma_start3A_101 = arith.constant 1 : i32
      %dma_start3A_102 = arith.constant 0 : i32
      %dma_start3A_103 = arith.constant 1 : i32
      %dma_start3A_104 = arith.constant 0 : i32
      %dma_start3A_105 = arith.constant 0 : i32
      %dma_start3A_106 = tpu.memref_slice %arg6[%dma_start3A_103, %dma_start3A_104, %dma_start3A_105] : memref<2x128x128xf32, #tpu.memory_space<vmem>> -> memref<1x128x128xf32, #tpu.memory_space<vmem>>
      %dma_start3A_107 = tpu.memref_squeeze %dma_start3A_106 : memref<1x128x128xf32, #tpu.memory_space<vmem>> -> memref<128x128xf32, #tpu.memory_space<vmem>>
      %dma_start3A_108 = arith.constant 0 : i32
      %dma_start3A_109 = tpu.memref_slice %arg5[%dma_start3A_101, %dma_start3A_102, %dma_start3A_108] : memref<4x2x128xi32, #tpu.memory_space<vmem>> -> memref<1x1x128xi32, #tpu.memory_space<vmem>>
      %dma_start3A_110 = tpu.memref_squeeze %dma_start3A_109 : memref<1x1x128xi32, #tpu.memory_space<vmem>> -> memref<128xi32, #tpu.memory_space<vmem>>
      %dma_start3A_111 = arith.constant 0 : i32
      %dma_start3A_112 = arith.constant 0 : i32
      %dma_start3A_113 = tpu.memref_slice %arg2[%dma_start3A_111, %dma_start3A_112] : memref<10240x128xf32, #tpu.memory_space<hbm>> -> memref<10240x128xf32, #tpu.memory_space<hbm>>
      tpu.enqueue_indirect_dma source(%dma_start3A_113 : memref<10240x128xf32, #tpu.memory_space<hbm>>) target(%dma_start3A_107 : memref<128x128xf32, #tpu.memory_space<vmem>>) offsets(%dma_start3A_110 : memref<128xi32, #tpu.memory_space<vmem>>) semaphore(%arg9 : memref<!tpu.dma_semaphore, #tpu.memory_space<semaphore_mem>>)
      %dma_wait3A_114 = arith.constant 0 : i32
      %dma_wait3A_115 = arith.constant 0 : i32
      %dma_wait3A_116 = arith.constant 0 : i32
      %dma_wait3A_117 = arith.constant 0 : i32
      %dma_wait3A_118 = arith.constant 0 : i32
      %dma_wait3A_119 = tpu.memref_slice %arg6[%dma_wait3A_116, %dma_wait3A_117, %dma_wait3A_118] : memref<2x128x128xf32, #tpu.memory_space<vmem>> -> memref<1x128x128xf32, #tpu.memory_space<vmem>>
      %dma_wait3A_120 = tpu.memref_squeeze %dma_wait3A_119 : memref<1x128x128xf32, #tpu.memory_space<vmem>> -> memref<128x128xf32, #tpu.memory_space<vmem>>
      %dma_wait3A_121 = arith.constant 0 : i32
      %dma_wait3A_122 = tpu.memref_slice %arg5[%dma_wait3A_114, %dma_wait3A_115, %dma_wait3A_121] : memref<4x2x128xi32, #tpu.memory_space<vmem>> -> memref<1x1x128xi32, #tpu.memory_space<vmem>>
      %dma_wait3A_123 = tpu.memref_squeeze %dma_wait3A_122 : memref<1x1x128xi32, #tpu.memory_space<vmem>> -> memref<128xi32, #tpu.memory_space<vmem>>
      %dma_wait3A_124 = arith.constant 0 : i32
      %dma_wait3A_125 = arith.constant 0 : i32
      %dma_wait3A_126 = tpu.memref_slice %arg2[%dma_wait3A_124, %dma_wait3A_125] : memref<10240x128xf32, #tpu.memory_space<hbm>> -> memref<10240x128xf32, #tpu.memory_space<hbm>>
      tpu.wait_indirect_dma semaphore(%arg8 : memref<!tpu.dma_semaphore, #tpu.memory_space<semaphore_mem>>) src(%dma_wait3A_126 : memref<10240x128xf32, #tpu.memory_space<hbm>>) dst(%dma_wait3A_120 : memref<128x128xf32, #tpu.memory_space<vmem>>)
      %dma_start3A_127 = arith.constant 0 : i32
      %dma_start3A_128 = arith.constant 0 : i32
      %dma_start3A_129 = arith.constant 1 : i32
      %dma_start3A_130 = arith.constant 0 : i32
      %dma_start3A_131 = arith.constant 0 : i32
      %dma_start3A_132 = tpu.memref_slice %arg6[%dma_start3A_127, %dma_start3A_130, %dma_start3A_131] : memref<2x128x128xf32, #tpu.memory_space<vmem>> -> memref<1x128x128xf32, #tpu.memory_space<vmem>>
      %dma_start3A_133 = tpu.memref_squeeze %dma_start3A_132 : memref<1x128x128xf32, #tpu.memory_space<vmem>> -> memref<128x128xf32, #tpu.memory_space<vmem>>
      %dma_start3A_134 = arith.constant 0 : i32
      %dma_start3A_135 = tpu.memref_slice %arg5[%dma_start3A_128, %dma_start3A_129, %dma_start3A_134] : memref<4x2x128xi32, #tpu.memory_space<vmem>> -> memref<1x1x128xi32, #tpu.memory_space<vmem>>
      %dma_start3A_136 = tpu.memref_squeeze %dma_start3A_135 : memref<1x1x128xi32, #tpu.memory_space<vmem>> -> memref<128xi32, #tpu.memory_space<vmem>>
      %dma_start3A_137 = arith.constant 0 : i32
      %dma_start3A_138 = arith.constant 0 : i32
      %dma_start3A_139 = tpu.memref_slice %arg7[%dma_start3A_137, %dma_start3A_138] : memref<10240x128xf32, #tpu.memory_space<vmem_shared>> -> memref<10240x128xf32, #tpu.memory_space<vmem_shared>>
      tpu.enqueue_indirect_dma source(%dma_start3A_133 : memref<128x128xf32, #tpu.memory_space<vmem>>) target(%dma_start3A_139 : memref<10240x128xf32, #tpu.memory_space<vmem_shared>>) offsets(%dma_start3A_136 : memref<128xi32, #tpu.memory_space<vmem>>) semaphore(%arg10 : memref<!tpu.dma_semaphore, #tpu.memory_space<semaphore_mem>>) {add = true}
      %mul3A_140 = arith.constant 4 : i32
      %mul3A_141 = arith.muli %while3A_53, %mul3A_140 : i32
      %add3A_142 = arith.constant 1 : i32
      %add3A_143 = arith.addi %mul3A_141, %add3A_142 : i32
      %sub3A = arith.constant 1 : i32
      %sub3A_144 = arith.subi %add3A_143, %sub3A : i32
      %dma_wait3A_145 = arith.constant 0 : i32
      %dma_wait3A_146 = arith.constant 0 : i32
      %dma_wait3A_147 = arith.constant 1 : i32
      %dma_wait3A_148 = arith.constant 0 : i32
      %dma_wait3A_149 = arith.constant 0 : i32
      %dma_wait3A_150 = tpu.memref_slice %arg6[%dma_wait3A_145, %dma_wait3A_148, %dma_wait3A_149] : memref<2x128x128xf32, #tpu.memory_space<vmem>> -> memref<1x128x128xf32, #tpu.memory_space<vmem>>
      %dma_wait3A_151 = tpu.memref_squeeze %dma_wait3A_150 : memref<1x128x128xf32, #tpu.memory_space<vmem>> -> memref<128x128xf32, #tpu.memory_space<vmem>>
      %dma_wait3A_152 = arith.constant 0 : i32
      %dma_wait3A_153 = tpu.memref_slice %arg5[%dma_wait3A_146, %dma_wait3A_147, %dma_wait3A_152] : memref<4x2x128xi32, #tpu.memory_space<vmem>> -> memref<1x1x128xi32, #tpu.memory_space<vmem>>
      %dma_wait3A_154 = tpu.memref_squeeze %dma_wait3A_153 : memref<1x1x128xi32, #tpu.memory_space<vmem>> -> memref<128xi32, #tpu.memory_space<vmem>>
      %dma_wait3A_155 = arith.constant 0 : i32
      %dma_wait3A_156 = arith.constant 0 : i32
      %dma_wait3A_157 = tpu.memref_slice %arg7[%dma_wait3A_155, %dma_wait3A_156] : memref<10240x128xf32, #tpu.memory_space<vmem_shared>> -> memref<10240x128xf32, #tpu.memory_space<vmem_shared>>
      tpu.wait_indirect_dma semaphore(%arg10 : memref<!tpu.dma_semaphore, #tpu.memory_space<semaphore_mem>>) src(%dma_wait3A_151 : memref<128x128xf32, #tpu.memory_space<vmem>>) dst(%dma_wait3A_157 : memref<10240x128xf32, #tpu.memory_space<vmem_shared>>)
      %sub3A_158 = arith.constant 1 : i32
      %sub3A_159 = arith.subi %select_n3A, %sub3A_158 : i32
      %lt3A = arith.cmpi slt, %while3A_53, %sub3A_159 : i32
      %convert_element_type3A_160 = arith.extui %lt3A : i1 to i32
      %cond3A_161 = arith.constant 0 : i32
      %cond3A_162 = arith.cmpi ne, %convert_element_type3A_160, %cond3A_161 : i32
      scf.if %cond3A_162 {
        %add3A_365 = arith.constant 3 : i32
        %add3A_366 = arith.addi %add3A_143, %add3A_365 : i32
        %dma_start3A_367 = arith.constant 0 : i32
        %dma_start3A_368 = arith.constant 0 : i32
        %dma_start3A_369 = arith.constant 0 : i32
        %dma_start3A_370 = tpu.memref_slice %arg5[%dma_start3A_367, %dma_start3A_368, %dma_start3A_369] : memref<4x2x128xi32, #tpu.memory_space<vmem>> -> memref<1x2x128xi32, #tpu.memory_space<vmem>>
        %dma_start3A_371 = tpu.memref_squeeze %dma_start3A_370 : memref<1x2x128xi32, #tpu.memory_space<vmem>> -> memref<2x128xi32, #tpu.memory_space<vmem>>
        %dma_start3A_372 = arith.constant 0 : i32
        %dma_start3A_373 = arith.constant 0 : i32
        %dma_start3A_374 = tpu.memref_slice %arg3[%add3A, %add3A_366, %dma_start3A_372, %dma_start3A_373] : memref<32x116x2x128xi32, #tpu.memory_space<hbm>> -> memref<1x1x2x128xi32, #tpu.memory_space<hbm>>
        %dma_start3A_375 = tpu.memref_squeeze %dma_start3A_374 : memref<1x1x2x128xi32, #tpu.memory_space<hbm>> -> memref<2x128xi32, #tpu.memory_space<hbm>>
        %dma_start3A_376 = arith.constant 0 : i32
        %dma_start3A_377 = arith.constant 0 : i32
        %dma_start3A_378 = tpu.memref_slice %arg5[%dma_start3A_367, %dma_start3A_376, %dma_start3A_377] : memref<4x2x128xi32, #tpu.memory_space<vmem>> -> memref<1x2x128xi32, #tpu.memory_space<vmem>>
        %dma_start3A_379 = tpu.memref_squeeze %dma_start3A_378 : memref<1x2x128xi32, #tpu.memory_space<vmem>> -> memref<2x128xi32, #tpu.memory_space<vmem>>
        %dma_start3A_380 = arith.constant 0 : i32
        %dma_start3A_381 = arith.constant 0 : i32
        %dma_start3A_382 = tpu.memref_slice %arg3[%add3A, %add3A_366, %dma_start3A_380, %dma_start3A_381] : memref<32x116x2x128xi32, #tpu.memory_space<hbm>> -> memref<1x1x2x128xi32, #tpu.memory_space<hbm>>
        %dma_start3A_383 = tpu.memref_squeeze %dma_start3A_382 : memref<1x1x2x128xi32, #tpu.memory_space<hbm>> -> memref<2x128xi32, #tpu.memory_space<hbm>>
        tpu.enqueue_dma source(%dma_start3A_383 : memref<2x128xi32, #tpu.memory_space<hbm>>) target(%dma_start3A_379 : memref<2x128xi32, #tpu.memory_space<vmem>>) target_semaphore(%arg12 : memref<!tpu.dma_semaphore, #tpu.memory_space<semaphore_mem>>)
      } else {
      }
      %add3A_163 = arith.constant 1 : i32
      %add3A_164 = arith.addi %add3A_143, %add3A_163 : i32
      %dma_wait3A_165 = arith.constant 2 : i32
      %dma_wait3A_166 = arith.constant 0 : i32
      %dma_wait3A_167 = arith.constant 0 : i32
      %dma_wait3A_168 = tpu.memref_slice %arg5[%dma_wait3A_165, %dma_wait3A_166, %dma_wait3A_167] : memref<4x2x128xi32, #tpu.memory_space<vmem>> -> memref<1x2x128xi32, #tpu.memory_space<vmem>>
      %dma_wait3A_169 = tpu.memref_squeeze %dma_wait3A_168 : memref<1x2x128xi32, #tpu.memory_space<vmem>> -> memref<2x128xi32, #tpu.memory_space<vmem>>
      %dma_wait3A_170 = arith.constant 0 : i32
      %dma_wait3A_171 = arith.constant 0 : i32
      %dma_wait3A_172 = tpu.memref_slice %arg3[%add3A, %add3A_164, %dma_wait3A_170, %dma_wait3A_171] : memref<32x116x2x128xi32, #tpu.memory_space<hbm>> -> memref<1x1x2x128xi32, #tpu.memory_space<hbm>>
      %dma_wait3A_173 = tpu.memref_squeeze %dma_wait3A_172 : memref<1x1x2x128xi32, #tpu.memory_space<hbm>> -> memref<2x128xi32, #tpu.memory_space<hbm>>
      %dma_wait3A_174 = arith.constant 0 : i32
      %dma_wait3A_175 = arith.constant 0 : i32
      %dma_wait3A_176 = tpu.memref_slice %arg5[%dma_wait3A_165, %dma_wait3A_174, %dma_wait3A_175] : memref<4x2x128xi32, #tpu.memory_space<vmem>> -> memref<1x2x128xi32, #tpu.memory_space<vmem>>
      %dma_wait3A_177 = tpu.memref_squeeze %dma_wait3A_176 : memref<1x2x128xi32, #tpu.memory_space<vmem>> -> memref<2x128xi32, #tpu.memory_space<vmem>>
      %dma_wait3A_178 = arith.constant 0 : i32
      %dma_wait3A_179 = arith.constant 0 : i32
      %dma_wait3A_180 = tpu.memref_slice %arg3[%add3A, %add3A_164, %dma_wait3A_178, %dma_wait3A_179] : memref<32x116x2x128xi32, #tpu.memory_space<hbm>> -> memref<1x1x2x128xi32, #tpu.memory_space<hbm>>
      %dma_wait3A_181 = tpu.memref_squeeze %dma_wait3A_180 : memref<1x1x2x128xi32, #tpu.memory_space<hbm>> -> memref<2x128xi32, #tpu.memory_space<hbm>>
      tpu.wait_dma2 semaphore(%arg14 : memref<!tpu.dma_semaphore, #tpu.memory_space<semaphore_mem>>) src(%dma_wait3A_181 : memref<2x128xi32, #tpu.memory_space<hbm>>) dst(%dma_wait3A_177 : memref<2x128xi32, #tpu.memory_space<vmem>>)
      %add3A_182 = arith.constant 1 : i32
      %add3A_183 = arith.addi %add3A_143, %add3A_182 : i32
      %dma_start3A_184 = arith.constant 2 : i32
      %dma_start3A_185 = arith.constant 0 : i32
      %dma_start3A_186 = arith.constant 0 : i32
      %dma_start3A_187 = arith.constant 0 : i32
      %dma_start3A_188 = arith.constant 0 : i32
      %dma_start3A_189 = tpu.memref_slice %arg6[%dma_start3A_186, %dma_start3A_187, %dma_start3A_188] : memref<2x128x128xf32, #tpu.memory_space<vmem>> -> memref<1x128x128xf32, #tpu.memory_space<vmem>>
      %dma_start3A_190 = tpu.memref_squeeze %dma_start3A_189 : memref<1x128x128xf32, #tpu.memory_space<vmem>> -> memref<128x128xf32, #tpu.memory_space<vmem>>
      %dma_start3A_191 = arith.constant 0 : i32
      %dma_start3A_192 = tpu.memref_slice %arg5[%dma_start3A_184, %dma_start3A_185, %dma_start3A_191] : memref<4x2x128xi32, #tpu.memory_space<vmem>> -> memref<1x1x128xi32, #tpu.memory_space<vmem>>
      %dma_start3A_193 = tpu.memref_squeeze %dma_start3A_192 : memref<1x1x128xi32, #tpu.memory_space<vmem>> -> memref<128xi32, #tpu.memory_space<vmem>>
      %dma_start3A_194 = arith.constant 0 : i32
      %dma_start3A_195 = arith.constant 0 : i32
      %dma_start3A_196 = tpu.memref_slice %arg2[%dma_start3A_194, %dma_start3A_195] : memref<10240x128xf32, #tpu.memory_space<hbm>> -> memref<10240x128xf32, #tpu.memory_space<hbm>>
      tpu.enqueue_indirect_dma source(%dma_start3A_196 : memref<10240x128xf32, #tpu.memory_space<hbm>>) target(%dma_start3A_190 : memref<128x128xf32, #tpu.memory_space<vmem>>) offsets(%dma_start3A_193 : memref<128xi32, #tpu.memory_space<vmem>>) semaphore(%arg8 : memref<!tpu.dma_semaphore, #tpu.memory_space<semaphore_mem>>)
      %dma_wait3A_197 = arith.constant 1 : i32
      %dma_wait3A_198 = arith.constant 0 : i32
      %dma_wait3A_199 = arith.constant 1 : i32
      %dma_wait3A_200 = arith.constant 0 : i32
      %dma_wait3A_201 = arith.constant 0 : i32
      %dma_wait3A_202 = tpu.memref_slice %arg6[%dma_wait3A_199, %dma_wait3A_200, %dma_wait3A_201] : memref<2x128x128xf32, #tpu.memory_space<vmem>> -> memref<1x128x128xf32, #tpu.memory_space<vmem>>
      %dma_wait3A_203 = tpu.memref_squeeze %dma_wait3A_202 : memref<1x128x128xf32, #tpu.memory_space<vmem>> -> memref<128x128xf32, #tpu.memory_space<vmem>>
      %dma_wait3A_204 = arith.constant 0 : i32
      %dma_wait3A_205 = tpu.memref_slice %arg5[%dma_wait3A_197, %dma_wait3A_198, %dma_wait3A_204] : memref<4x2x128xi32, #tpu.memory_space<vmem>> -> memref<1x1x128xi32, #tpu.memory_space<vmem>>
      %dma_wait3A_206 = tpu.memref_squeeze %dma_wait3A_205 : memref<1x1x128xi32, #tpu.memory_space<vmem>> -> memref<128xi32, #tpu.memory_space<vmem>>
      %dma_wait3A_207 = arith.constant 0 : i32
      %dma_wait3A_208 = arith.constant 0 : i32
      %dma_wait3A_209 = tpu.memref_slice %arg2[%dma_wait3A_207, %dma_wait3A_208] : memref<10240x128xf32, #tpu.memory_space<hbm>> -> memref<10240x128xf32, #tpu.memory_space<hbm>>
      tpu.wait_indirect_dma semaphore(%arg9 : memref<!tpu.dma_semaphore, #tpu.memory_space<semaphore_mem>>) src(%dma_wait3A_209 : memref<10240x128xf32, #tpu.memory_space<hbm>>) dst(%dma_wait3A_203 : memref<128x128xf32, #tpu.memory_space<vmem>>)
      %dma_start3A_210 = arith.constant 1 : i32
      %dma_start3A_211 = arith.constant 1 : i32
      %dma_start3A_212 = arith.constant 1 : i32
      %dma_start3A_213 = arith.constant 0 : i32
      %dma_start3A_214 = arith.constant 0 : i32
      %dma_start3A_215 = tpu.memref_slice %arg6[%dma_start3A_210, %dma_start3A_213, %dma_start3A_214] : memref<2x128x128xf32, #tpu.memory_space<vmem>> -> memref<1x128x128xf32, #tpu.memory_space<vmem>>
      %dma_start3A_216 = tpu.memref_squeeze %dma_start3A_215 : memref<1x128x128xf32, #tpu.memory_space<vmem>> -> memref<128x128xf32, #tpu.memory_space<vmem>>
      %dma_start3A_217 = arith.constant 0 : i32
      %dma_start3A_218 = tpu.memref_slice %arg5[%dma_start3A_211, %dma_start3A_212, %dma_start3A_217] : memref<4x2x128xi32, #tpu.memory_space<vmem>> -> memref<1x1x128xi32, #tpu.memory_space<vmem>>
      %dma_start3A_219 = tpu.memref_squeeze %dma_start3A_218 : memref<1x1x128xi32, #tpu.memory_space<vmem>> -> memref<128xi32, #tpu.memory_space<vmem>>
      %dma_start3A_220 = arith.constant 0 : i32
      %dma_start3A_221 = arith.constant 0 : i32
      %dma_start3A_222 = tpu.memref_slice %arg7[%dma_start3A_220, %dma_start3A_221] : memref<10240x128xf32, #tpu.memory_space<vmem_shared>> -> memref<10240x128xf32, #tpu.memory_space<vmem_shared>>
      tpu.enqueue_indirect_dma source(%dma_start3A_216 : memref<128x128xf32, #tpu.memory_space<vmem>>) target(%dma_start3A_222 : memref<10240x128xf32, #tpu.memory_space<vmem_shared>>) offsets(%dma_start3A_219 : memref<128xi32, #tpu.memory_space<vmem>>) semaphore(%arg11 : memref<!tpu.dma_semaphore, #tpu.memory_space<semaphore_mem>>) {add = true}
      %mul3A_223 = arith.constant 4 : i32
      %mul3A_224 = arith.muli %while3A_53, %mul3A_223 : i32
      %add3A_225 = arith.constant 2 : i32
      %add3A_226 = arith.addi %mul3A_224, %add3A_225 : i32
      %sub3A_227 = arith.constant 1 : i32
      %sub3A_228 = arith.subi %add3A_226, %sub3A_227 : i32
      %dma_wait3A_229 = arith.constant 1 : i32
      %dma_wait3A_230 = arith.constant 1 : i32
      %dma_wait3A_231 = arith.constant 1 : i32
      %dma_wait3A_232 = arith.constant 0 : i32
      %dma_wait3A_233 = arith.constant 0 : i32
      %dma_wait3A_234 = tpu.memref_slice %arg6[%dma_wait3A_229, %dma_wait3A_232, %dma_wait3A_233] : memref<2x128x128xf32, #tpu.memory_space<vmem>> -> memref<1x128x128xf32, #tpu.memory_space<vmem>>
      %dma_wait3A_235 = tpu.memref_squeeze %dma_wait3A_234 : memref<1x128x128xf32, #tpu.memory_space<vmem>> -> memref<128x128xf32, #tpu.memory_space<vmem>>
      %dma_wait3A_236 = arith.constant 0 : i32
      %dma_wait3A_237 = tpu.memref_slice %arg5[%dma_wait3A_230, %dma_wait3A_231, %dma_wait3A_236] : memref<4x2x128xi32, #tpu.memory_space<vmem>> -> memref<1x1x128xi32, #tpu.memory_space<vmem>>
      %dma_wait3A_238 = tpu.memref_squeeze %dma_wait3A_237 : memref<1x1x128xi32, #tpu.memory_space<vmem>> -> memref<128xi32, #tpu.memory_space<vmem>>
      %dma_wait3A_239 = arith.constant 0 : i32
      %dma_wait3A_240 = arith.constant 0 : i32
      %dma_wait3A_241 = tpu.memref_slice %arg7[%dma_wait3A_239, %dma_wait3A_240] : memref<10240x128xf32, #tpu.memory_space<vmem_shared>> -> memref<10240x128xf32, #tpu.memory_space<vmem_shared>>
      tpu.wait_indirect_dma semaphore(%arg11 : memref<!tpu.dma_semaphore, #tpu.memory_space<semaphore_mem>>) src(%dma_wait3A_235 : memref<128x128xf32, #tpu.memory_space<vmem>>) dst(%dma_wait3A_241 : memref<10240x128xf32, #tpu.memory_space<vmem_shared>>)
      %sub3A_242 = arith.constant 1 : i32
      %sub3A_243 = arith.subi %select_n3A, %sub3A_242 : i32
      %lt3A_244 = arith.cmpi slt, %while3A_53, %sub3A_243 : i32
      %convert_element_type3A_245 = arith.extui %lt3A_244 : i1 to i32
      %cond3A_246 = arith.constant 0 : i32
      %cond3A_247 = arith.cmpi ne, %convert_element_type3A_245, %cond3A_246 : i32
      scf.if %cond3A_247 {
        %add3A_365 = arith.constant 3 : i32
        %add3A_366 = arith.addi %add3A_226, %add3A_365 : i32
        %dma_start3A_367 = arith.constant 1 : i32
        %dma_start3A_368 = arith.constant 0 : i32
        %dma_start3A_369 = arith.constant 0 : i32
        %dma_start3A_370 = tpu.memref_slice %arg5[%dma_start3A_367, %dma_start3A_368, %dma_start3A_369] : memref<4x2x128xi32, #tpu.memory_space<vmem>> -> memref<1x2x128xi32, #tpu.memory_space<vmem>>
        %dma_start3A_371 = tpu.memref_squeeze %dma_start3A_370 : memref<1x2x128xi32, #tpu.memory_space<vmem>> -> memref<2x128xi32, #tpu.memory_space<vmem>>
        %dma_start3A_372 = arith.constant 0 : i32
        %dma_start3A_373 = arith.constant 0 : i32
        %dma_start3A_374 = tpu.memref_slice %arg3[%add3A, %add3A_366, %dma_start3A_372, %dma_start3A_373] : memref<32x116x2x128xi32, #tpu.memory_space<hbm>> -> memref<1x1x2x128xi32, #tpu.memory_space<hbm>>
        %dma_start3A_375 = tpu.memref_squeeze %dma_start3A_374 : memref<1x1x2x128xi32, #tpu.memory_space<hbm>> -> memref<2x128xi32, #tpu.memory_space<hbm>>
        %dma_start3A_376 = arith.constant 0 : i32
        %dma_start3A_377 = arith.constant 0 : i32
        %dma_start3A_378 = tpu.memref_slice %arg5[%dma_start3A_367, %dma_start3A_376, %dma_start3A_377] : memref<4x2x128xi32, #tpu.memory_space<vmem>> -> memref<1x2x128xi32, #tpu.memory_space<vmem>>
        %dma_start3A_379 = tpu.memref_squeeze %dma_start3A_378 : memref<1x2x128xi32, #tpu.memory_space<vmem>> -> memref<2x128xi32, #tpu.memory_space<vmem>>
        %dma_start3A_380 = arith.constant 0 : i32
        %dma_start3A_381 = arith.constant 0 : i32
        %dma_start3A_382 = tpu.memref_slice %arg3[%add3A, %add3A_366, %dma_start3A_380, %dma_start3A_381] : memref<32x116x2x128xi32, #tpu.memory_space<hbm>> -> memref<1x1x2x128xi32, #tpu.memory_space<hbm>>
        %dma_start3A_383 = tpu.memref_squeeze %dma_start3A_382 : memref<1x1x2x128xi32, #tpu.memory_space<hbm>> -> memref<2x128xi32, #tpu.memory_space<hbm>>
        tpu.enqueue_dma source(%dma_start3A_383 : memref<2x128xi32, #tpu.memory_space<hbm>>) target(%dma_start3A_379 : memref<2x128xi32, #tpu.memory_space<vmem>>) target_semaphore(%arg13 : memref<!tpu.dma_semaphore, #tpu.memory_space<semaphore_mem>>)
      } else {
      }
      %add3A_248 = arith.constant 1 : i32
      %add3A_249 = arith.addi %add3A_226, %add3A_248 : i32
      %dma_wait3A_250 = arith.constant 3 : i32
      %dma_wait3A_251 = arith.constant 0 : i32
      %dma_wait3A_252 = arith.constant 0 : i32
      %dma_wait3A_253 = tpu.memref_slice %arg5[%dma_wait3A_250, %dma_wait3A_251, %dma_wait3A_252] : memref<4x2x128xi32, #tpu.memory_space<vmem>> -> memref<1x2x128xi32, #tpu.memory_space<vmem>>
      %dma_wait3A_254 = tpu.memref_squeeze %dma_wait3A_253 : memref<1x2x128xi32, #tpu.memory_space<vmem>> -> memref<2x128xi32, #tpu.memory_space<vmem>>
      %dma_wait3A_255 = arith.constant 0 : i32
      %dma_wait3A_256 = arith.constant 0 : i32
      %dma_wait3A_257 = tpu.memref_slice %arg3[%add3A, %add3A_249, %dma_wait3A_255, %dma_wait3A_256] : memref<32x116x2x128xi32, #tpu.memory_space<hbm>> -> memref<1x1x2x128xi32, #tpu.memory_space<hbm>>
      %dma_wait3A_258 = tpu.memref_squeeze %dma_wait3A_257 : memref<1x1x2x128xi32, #tpu.memory_space<hbm>> -> memref<2x128xi32, #tpu.memory_space<hbm>>
      %dma_wait3A_259 = arith.constant 0 : i32
      %dma_wait3A_260 = arith.constant 0 : i32
      %dma_wait3A_261 = tpu.memref_slice %arg5[%dma_wait3A_250, %dma_wait3A_259, %dma_wait3A_260] : memref<4x2x128xi32, #tpu.memory_space<vmem>> -> memref<1x2x128xi32, #tpu.memory_space<vmem>>
      %dma_wait3A_262 = tpu.memref_squeeze %dma_wait3A_261 : memref<1x2x128xi32, #tpu.memory_space<vmem>> -> memref<2x128xi32, #tpu.memory_space<vmem>>
      %dma_wait3A_263 = arith.constant 0 : i32
      %dma_wait3A_264 = arith.constant 0 : i32
      %dma_wait3A_265 = tpu.memref_slice %arg3[%add3A, %add3A_249, %dma_wait3A_263, %dma_wait3A_264] : memref<32x116x2x128xi32, #tpu.memory_space<hbm>> -> memref<1x1x2x128xi32, #tpu.memory_space<hbm>>
      %dma_wait3A_266 = tpu.memref_squeeze %dma_wait3A_265 : memref<1x1x2x128xi32, #tpu.memory_space<hbm>> -> memref<2x128xi32, #tpu.memory_space<hbm>>
      tpu.wait_dma2 semaphore(%arg15 : memref<!tpu.dma_semaphore, #tpu.memory_space<semaphore_mem>>) src(%dma_wait3A_266 : memref<2x128xi32, #tpu.memory_space<hbm>>) dst(%dma_wait3A_262 : memref<2x128xi32, #tpu.memory_space<vmem>>)
      %add3A_267 = arith.constant 1 : i32
      %add3A_268 = arith.addi %add3A_226, %add3A_267 : i32
      %dma_start3A_269 = arith.constant 3 : i32
      %dma_start3A_270 = arith.constant 0 : i32
      %dma_start3A_271 = arith.constant 1 : i32
      %dma_start3A_272 = arith.constant 0 : i32
      %dma_start3A_273 = arith.constant 0 : i32
      %dma_start3A_274 = tpu.memref_slice %arg6[%dma_start3A_271, %dma_start3A_272, %dma_start3A_273] : memref<2x128x128xf32, #tpu.memory_space<vmem>> -> memref<1x128x128xf32, #tpu.memory_space<vmem>>
      %dma_start3A_275 = tpu.memref_squeeze %dma_start3A_274 : memref<1x128x128xf32, #tpu.memory_space<vmem>> -> memref<128x128xf32, #tpu.memory_space<vmem>>
      %dma_start3A_276 = arith.constant 0 : i32
      %dma_start3A_277 = tpu.memref_slice %arg5[%dma_start3A_269, %dma_start3A_270, %dma_start3A_276] : memref<4x2x128xi32, #tpu.memory_space<vmem>> -> memref<1x1x128xi32, #tpu.memory_space<vmem>>
      %dma_start3A_278 = tpu.memref_squeeze %dma_start3A_277 : memref<1x1x128xi32, #tpu.memory_space<vmem>> -> memref<128xi32, #tpu.memory_space<vmem>>
      %dma_start3A_279 = arith.constant 0 : i32
      %dma_start3A_280 = arith.constant 0 : i32
      %dma_start3A_281 = tpu.memref_slice %arg2[%dma_start3A_279, %dma_start3A_280] : memref<10240x128xf32, #tpu.memory_space<hbm>> -> memref<10240x128xf32, #tpu.memory_space<hbm>>
      tpu.enqueue_indirect_dma source(%dma_start3A_281 : memref<10240x128xf32, #tpu.memory_space<hbm>>) target(%dma_start3A_275 : memref<128x128xf32, #tpu.memory_space<vmem>>) offsets(%dma_start3A_278 : memref<128xi32, #tpu.memory_space<vmem>>) semaphore(%arg9 : memref<!tpu.dma_semaphore, #tpu.memory_space<semaphore_mem>>)
      %dma_wait3A_282 = arith.constant 2 : i32
      %dma_wait3A_283 = arith.constant 0 : i32
      %dma_wait3A_284 = arith.constant 0 : i32
      %dma_wait3A_285 = arith.constant 0 : i32
      %dma_wait3A_286 = arith.constant 0 : i32
      %dma_wait3A_287 = tpu.memref_slice %arg6[%dma_wait3A_284, %dma_wait3A_285, %dma_wait3A_286] : memref<2x128x128xf32, #tpu.memory_space<vmem>> -> memref<1x128x128xf32, #tpu.memory_space<vmem>>
      %dma_wait3A_288 = tpu.memref_squeeze %dma_wait3A_287 : memref<1x128x128xf32, #tpu.memory_space<vmem>> -> memref<128x128xf32, #tpu.memory_space<vmem>>
      %dma_wait3A_289 = arith.constant 0 : i32
      %dma_wait3A_290 = tpu.memref_slice %arg5[%dma_wait3A_282, %dma_wait3A_283, %dma_wait3A_289] : memref<4x2x128xi32, #tpu.memory_space<vmem>> -> memref<1x1x128xi32, #tpu.memory_space<vmem>>
      %dma_wait3A_291 = tpu.memref_squeeze %dma_wait3A_290 : memref<1x1x128xi32, #tpu.memory_space<vmem>> -> memref<128xi32, #tpu.memory_space<vmem>>
      %dma_wait3A_292 = arith.constant 0 : i32
      %dma_wait3A_293 = arith.constant 0 : i32
      %dma_wait3A_294 = tpu.memref_slice %arg2[%dma_wait3A_292, %dma_wait3A_293] : memref<10240x128xf32, #tpu.memory_space<hbm>> -> memref<10240x128xf32, #tpu.memory_space<hbm>>
      tpu.wait_indirect_dma semaphore(%arg8 : memref<!tpu.dma_semaphore, #tpu.memory_space<semaphore_mem>>) src(%dma_wait3A_294 : memref<10240x128xf32, #tpu.memory_space<hbm>>) dst(%dma_wait3A_288 : memref<128x128xf32, #tpu.memory_space<vmem>>)
      %dma_start3A_295 = arith.constant 0 : i32
      %dma_start3A_296 = arith.constant 2 : i32
      %dma_start3A_297 = arith.constant 1 : i32
      %dma_start3A_298 = arith.constant 0 : i32
      %dma_start3A_299 = arith.constant 0 : i32
      %dma_start3A_300 = tpu.memref_slice %arg6[%dma_start3A_295, %dma_start3A_298, %dma_start3A_299] : memref<2x128x128xf32, #tpu.memory_space<vmem>> -> memref<1x128x128xf32, #tpu.memory_space<vmem>>
      %dma_start3A_301 = tpu.memref_squeeze %dma_start3A_300 : memref<1x128x128xf32, #tpu.memory_space<vmem>> -> memref<128x128xf32, #tpu.memory_space<vmem>>
      %dma_start3A_302 = arith.constant 0 : i32
      %dma_start3A_303 = tpu.memref_slice %arg5[%dma_start3A_296, %dma_start3A_297, %dma_start3A_302] : memref<4x2x128xi32, #tpu.memory_space<vmem>> -> memref<1x1x128xi32, #tpu.memory_space<vmem>>
      %dma_start3A_304 = tpu.memref_squeeze %dma_start3A_303 : memref<1x1x128xi32, #tpu.memory_space<vmem>> -> memref<128xi32, #tpu.memory_space<vmem>>
      %dma_start3A_305 = arith.constant 0 : i32
      %dma_start3A_306 = arith.constant 0 : i32
      %dma_start3A_307 = tpu.memref_slice %arg7[%dma_start3A_305, %dma_start3A_306] : memref<10240x128xf32, #tpu.memory_space<vmem_shared>> -> memref<10240x128xf32, #tpu.memory_space<vmem_shared>>
      tpu.enqueue_indirect_dma source(%dma_start3A_301 : memref<128x128xf32, #tpu.memory_space<vmem>>) target(%dma_start3A_307 : memref<10240x128xf32, #tpu.memory_space<vmem_shared>>) offsets(%dma_start3A_304 : memref<128xi32, #tpu.memory_space<vmem>>) semaphore(%arg10 : memref<!tpu.dma_semaphore, #tpu.memory_space<semaphore_mem>>) {add = true}
      %mul3A_308 = arith.constant 4 : i32
      %mul3A_309 = arith.muli %while3A_53, %mul3A_308 : i32
      %add3A_310 = arith.constant 3 : i32
      %add3A_311 = arith.addi %mul3A_309, %add3A_310 : i32
      %sub3A_312 = arith.constant 1 : i32
      %sub3A_313 = arith.subi %add3A_311, %sub3A_312 : i32
      %dma_wait3A_314 = arith.constant 0 : i32
      %dma_wait3A_315 = arith.constant 2 : i32
      %dma_wait3A_316 = arith.constant 1 : i32
      %dma_wait3A_317 = arith.constant 0 : i32
      %dma_wait3A_318 = arith.constant 0 : i32
      %dma_wait3A_319 = tpu.memref_slice %arg6[%dma_wait3A_314, %dma_wait3A_317, %dma_wait3A_318] : memref<2x128x128xf32, #tpu.memory_space<vmem>> -> memref<1x128x128xf32, #tpu.memory_space<vmem>>
      %dma_wait3A_320 = tpu.memref_squeeze %dma_wait3A_319 : memref<1x128x128xf32, #tpu.memory_space<vmem>> -> memref<128x128xf32, #tpu.memory_space<vmem>>
      %dma_wait3A_321 = arith.constant 0 : i32
      %dma_wait3A_322 = tpu.memref_slice %arg5[%dma_wait3A_315, %dma_wait3A_316, %dma_wait3A_321] : memref<4x2x128xi32, #tpu.memory_space<vmem>> -> memref<1x1x128xi32, #tpu.memory_space<vmem>>
      %dma_wait3A_323 = tpu.memref_squeeze %dma_wait3A_322 : memref<1x1x128xi32, #tpu.memory_space<vmem>> -> memref<128xi32, #tpu.memory_space<vmem>>
      %dma_wait3A_324 = arith.constant 0 : i32
      %dma_wait3A_325 = arith.constant 0 : i32
      %dma_wait3A_326 = tpu.memref_slice %arg7[%dma_wait3A_324, %dma_wait3A_325] : memref<10240x128xf32, #tpu.memory_space<vmem_shared>> -> memref<10240x128xf32, #tpu.memory_space<vmem_shared>>
      tpu.wait_indirect_dma semaphore(%arg10 : memref<!tpu.dma_semaphore, #tpu.memory_space<semaphore_mem>>) src(%dma_wait3A_320 : memref<128x128xf32, #tpu.memory_space<vmem>>) dst(%dma_wait3A_326 : memref<10240x128xf32, #tpu.memory_space<vmem_shared>>)
      %sub3A_327 = arith.constant 1 : i32
      %sub3A_328 = arith.subi %select_n3A, %sub3A_327 : i32
      %lt3A_329 = arith.cmpi slt, %while3A_53, %sub3A_328 : i32
      %convert_element_type3A_330 = arith.extui %lt3A_329 : i1 to i32
      %cond3A_331 = arith.constant 0 : i32
      %cond3A_332 = arith.cmpi ne, %convert_element_type3A_330, %cond3A_331 : i32
      scf.if %cond3A_332 {
        %add3A_365 = arith.constant 3 : i32
        %add3A_366 = arith.addi %add3A_311, %add3A_365 : i32
        %dma_start3A_367 = arith.constant 2 : i32
        %dma_start3A_368 = arith.constant 0 : i32
        %dma_start3A_369 = arith.constant 0 : i32
        %dma_start3A_370 = tpu.memref_slice %arg5[%dma_start3A_367, %dma_start3A_368, %dma_start3A_369] : memref<4x2x128xi32, #tpu.memory_space<vmem>> -> memref<1x2x128xi32, #tpu.memory_space<vmem>>
        %dma_start3A_371 = tpu.memref_squeeze %dma_start3A_370 : memref<1x2x128xi32, #tpu.memory_space<vmem>> -> memref<2x128xi32, #tpu.memory_space<vmem>>
        %dma_start3A_372 = arith.constant 0 : i32
        %dma_start3A_373 = arith.constant 0 : i32
        %dma_start3A_374 = tpu.memref_slice %arg3[%add3A, %add3A_366, %dma_start3A_372, %dma_start3A_373] : memref<32x116x2x128xi32, #tpu.memory_space<hbm>> -> memref<1x1x2x128xi32, #tpu.memory_space<hbm>>
        %dma_start3A_375 = tpu.memref_squeeze %dma_start3A_374 : memref<1x1x2x128xi32, #tpu.memory_space<hbm>> -> memref<2x128xi32, #tpu.memory_space<hbm>>
        %dma_start3A_376 = arith.constant 0 : i32
        %dma_start3A_377 = arith.constant 0 : i32
        %dma_start3A_378 = tpu.memref_slice %arg5[%dma_start3A_367, %dma_start3A_376, %dma_start3A_377] : memref<4x2x128xi32, #tpu.memory_space<vmem>> -> memref<1x2x128xi32, #tpu.memory_space<vmem>>
        %dma_start3A_379 = tpu.memref_squeeze %dma_start3A_378 : memref<1x2x128xi32, #tpu.memory_space<vmem>> -> memref<2x128xi32, #tpu.memory_space<vmem>>
        %dma_start3A_380 = arith.constant 0 : i32
        %dma_start3A_381 = arith.constant 0 : i32
        %dma_start3A_382 = tpu.memref_slice %arg3[%add3A, %add3A_366, %dma_start3A_380, %dma_start3A_381] : memref<32x116x2x128xi32, #tpu.memory_space<hbm>> -> memref<1x1x2x128xi32, #tpu.memory_space<hbm>>
        %dma_start3A_383 = tpu.memref_squeeze %dma_start3A_382 : memref<1x1x2x128xi32, #tpu.memory_space<hbm>> -> memref<2x128xi32, #tpu.memory_space<hbm>>
        tpu.enqueue_dma source(%dma_start3A_383 : memref<2x128xi32, #tpu.memory_space<hbm>>) target(%dma_start3A_379 : memref<2x128xi32, #tpu.memory_space<vmem>>) target_semaphore(%arg14 : memref<!tpu.dma_semaphore, #tpu.memory_space<semaphore_mem>>)
      } else {
      }
      %sub3A_333 = arith.constant 1 : i32
      %sub3A_334 = arith.subi %select_n3A, %sub3A_333 : i32
      %lt3A_335 = arith.cmpi slt, %while3A_53, %sub3A_334 : i32
      %convert_element_type3A_336 = arith.extui %lt3A_335 : i1 to i32
      %cond3A_337 = arith.constant 0 : i32
      %cond3A_338 = arith.cmpi ne, %convert_element_type3A_336, %cond3A_337 : i32
      scf.if %cond3A_338 {
        %add3A_365 = arith.constant 1 : i32
        %add3A_366 = arith.addi %add3A_311, %add3A_365 : i32
        %dma_wait3A_367 = arith.constant 0 : i32
        %dma_wait3A_368 = arith.constant 0 : i32
        %dma_wait3A_369 = arith.constant 0 : i32
        %dma_wait3A_370 = tpu.memref_slice %arg5[%dma_wait3A_367, %dma_wait3A_368, %dma_wait3A_369] : memref<4x2x128xi32, #tpu.memory_space<vmem>> -> memref<1x2x128xi32, #tpu.memory_space<vmem>>
        %dma_wait3A_371 = tpu.memref_squeeze %dma_wait3A_370 : memref<1x2x128xi32, #tpu.memory_space<vmem>> -> memref<2x128xi32, #tpu.memory_space<vmem>>
        %dma_wait3A_372 = arith.constant 0 : i32
        %dma_wait3A_373 = arith.constant 0 : i32
        %dma_wait3A_374 = tpu.memref_slice %arg3[%add3A, %add3A_366, %dma_wait3A_372, %dma_wait3A_373] : memref<32x116x2x128xi32, #tpu.memory_space<hbm>> -> memref<1x1x2x128xi32, #tpu.memory_space<hbm>>
        %dma_wait3A_375 = tpu.memref_squeeze %dma_wait3A_374 : memref<1x1x2x128xi32, #tpu.memory_space<hbm>> -> memref<2x128xi32, #tpu.memory_space<hbm>>
        %dma_wait3A_376 = arith.constant 0 : i32
        %dma_wait3A_377 = arith.constant 0 : i32
        %dma_wait3A_378 = tpu.memref_slice %arg5[%dma_wait3A_367, %dma_wait3A_376, %dma_wait3A_377] : memref<4x2x128xi32, #tpu.memory_space<vmem>> -> memref<1x2x128xi32, #tpu.memory_space<vmem>>
        %dma_wait3A_379 = tpu.memref_squeeze %dma_wait3A_378 : memref<1x2x128xi32, #tpu.memory_space<vmem>> -> memref<2x128xi32, #tpu.memory_space<vmem>>
        %dma_wait3A_380 = arith.constant 0 : i32
        %dma_wait3A_381 = arith.constant 0 : i32
        %dma_wait3A_382 = tpu.memref_slice %arg3[%add3A, %add3A_366, %dma_wait3A_380, %dma_wait3A_381] : memref<32x116x2x128xi32, #tpu.memory_space<hbm>> -> memref<1x1x2x128xi32, #tpu.memory_space<hbm>>
        %dma_wait3A_383 = tpu.memref_squeeze %dma_wait3A_382 : memref<1x1x2x128xi32, #tpu.memory_space<hbm>> -> memref<2x128xi32, #tpu.memory_space<hbm>>
        tpu.wait_dma2 semaphore(%arg12 : memref<!tpu.dma_semaphore, #tpu.memory_space<semaphore_mem>>) src(%dma_wait3A_383 : memref<2x128xi32, #tpu.memory_space<hbm>>) dst(%dma_wait3A_379 : memref<2x128xi32, #tpu.memory_space<vmem>>)
        %add3A_384 = arith.constant 1 : i32
        %add3A_385 = arith.addi %add3A_311, %add3A_384 : i32
        %dma_start3A_386 = arith.constant 0 : i32
        %dma_start3A_387 = arith.constant 0 : i32
        %dma_start3A_388 = arith.constant 0 : i32
        %dma_start3A_389 = arith.constant 0 : i32
        %dma_start3A_390 = arith.constant 0 : i32
        %dma_start3A_391 = tpu.memref_slice %arg6[%dma_start3A_388, %dma_start3A_389, %dma_start3A_390] : memref<2x128x128xf32, #tpu.memory_space<vmem>> -> memref<1x128x128xf32, #tpu.memory_space<vmem>>
        %dma_start3A_392 = tpu.memref_squeeze %dma_start3A_391 : memref<1x128x128xf32, #tpu.memory_space<vmem>> -> memref<128x128xf32, #tpu.memory_space<vmem>>
        %dma_start3A_393 = arith.constant 0 : i32
        %dma_start3A_394 = tpu.memref_slice %arg5[%dma_start3A_386, %dma_start3A_387, %dma_start3A_393] : memref<4x2x128xi32, #tpu.memory_space<vmem>> -> memref<1x1x128xi32, #tpu.memory_space<vmem>>
        %dma_start3A_395 = tpu.memref_squeeze %dma_start3A_394 : memref<1x1x128xi32, #tpu.memory_space<vmem>> -> memref<128xi32, #tpu.memory_space<vmem>>
        %dma_start3A_396 = arith.constant 0 : i32
        %dma_start3A_397 = arith.constant 0 : i32
        %dma_start3A_398 = tpu.memref_slice %arg2[%dma_start3A_396, %dma_start3A_397] : memref<10240x128xf32, #tpu.memory_space<hbm>> -> memref<10240x128xf32, #tpu.memory_space<hbm>>
        tpu.enqueue_indirect_dma source(%dma_start3A_398 : memref<10240x128xf32, #tpu.memory_space<hbm>>) target(%dma_start3A_392 : memref<128x128xf32, #tpu.memory_space<vmem>>) offsets(%dma_start3A_395 : memref<128xi32, #tpu.memory_space<vmem>>) semaphore(%arg8 : memref<!tpu.dma_semaphore, #tpu.memory_space<semaphore_mem>>)
      } else {
      }
      %dma_wait3A_339 = arith.constant 3 : i32
      %dma_wait3A_340 = arith.constant 0 : i32
      %dma_wait3A_341 = arith.constant 1 : i32
      %dma_wait3A_342 = arith.constant 0 : i32
      %dma_wait3A_343 = arith.constant 0 : i32
      %dma_wait3A_344 = tpu.memref_slice %arg6[%dma_wait3A_341, %dma_wait3A_342, %dma_wait3A_343] : memref<2x128x128xf32, #tpu.memory_space<vmem>> -> memref<1x128x128xf32, #tpu.memory_space<vmem>>
      %dma_wait3A_345 = tpu.memref_squeeze %dma_wait3A_344 : memref<1x128x128xf32, #tpu.memory_space<vmem>> -> memref<128x128xf32, #tpu.memory_space<vmem>>
      %dma_wait3A_346 = arith.constant 0 : i32
      %dma_wait3A_347 = tpu.memref_slice %arg5[%dma_wait3A_339, %dma_wait3A_340, %dma_wait3A_346] : memref<4x2x128xi32, #tpu.memory_space<vmem>> -> memref<1x1x128xi32, #tpu.memory_space<vmem>>
      %dma_wait3A_348 = tpu.memref_squeeze %dma_wait3A_347 : memref<1x1x128xi32, #tpu.memory_space<vmem>> -> memref<128xi32, #tpu.memory_space<vmem>>
      %dma_wait3A_349 = arith.constant 0 : i32
      %dma_wait3A_350 = arith.constant 0 : i32
      %dma_wait3A_351 = tpu.memref_slice %arg2[%dma_wait3A_349, %dma_wait3A_350] : memref<10240x128xf32, #tpu.memory_space<hbm>> -> memref<10240x128xf32, #tpu.memory_space<hbm>>
      tpu.wait_indirect_dma semaphore(%arg9 : memref<!tpu.dma_semaphore, #tpu.memory_space<semaphore_mem>>) src(%dma_wait3A_351 : memref<10240x128xf32, #tpu.memory_space<hbm>>) dst(%dma_wait3A_345 : memref<128x128xf32, #tpu.memory_space<vmem>>)
      %dma_start3A_352 = arith.constant 1 : i32
      %dma_start3A_353 = arith.constant 3 : i32
      %dma_start3A_354 = arith.constant 1 : i32
      %dma_start3A_355 = arith.constant 0 : i32
      %dma_start3A_356 = arith.constant 0 : i32
      %dma_start3A_357 = tpu.memref_slice %arg6[%dma_start3A_352, %dma_start3A_355, %dma_start3A_356] : memref<2x128x128xf32, #tpu.memory_space<vmem>> -> memref<1x128x128xf32, #tpu.memory_space<vmem>>
      %dma_start3A_358 = tpu.memref_squeeze %dma_start3A_357 : memref<1x128x128xf32, #tpu.memory_space<vmem>> -> memref<128x128xf32, #tpu.memory_space<vmem>>
      %dma_start3A_359 = arith.constant 0 : i32
      %dma_start3A_360 = tpu.memref_slice %arg5[%dma_start3A_353, %dma_start3A_354, %dma_start3A_359] : memref<4x2x128xi32, #tpu.memory_space<vmem>> -> memref<1x1x128xi32, #tpu.memory_space<vmem>>
      %dma_start3A_361 = tpu.memref_squeeze %dma_start3A_360 : memref<1x1x128xi32, #tpu.memory_space<vmem>> -> memref<128xi32, #tpu.memory_space<vmem>>
      %dma_start3A_362 = arith.constant 0 : i32
      %dma_start3A_363 = arith.constant 0 : i32
      %dma_start3A_364 = tpu.memref_slice %arg7[%dma_start3A_362, %dma_start3A_363] : memref<10240x128xf32, #tpu.memory_space<vmem_shared>> -> memref<10240x128xf32, #tpu.memory_space<vmem_shared>>
      tpu.enqueue_indirect_dma source(%dma_start3A_358 : memref<128x128xf32, #tpu.memory_space<vmem>>) target(%dma_start3A_364 : memref<10240x128xf32, #tpu.memory_space<vmem_shared>>) offsets(%dma_start3A_361 : memref<128xi32, #tpu.memory_space<vmem>>) semaphore(%arg11 : memref<!tpu.dma_semaphore, #tpu.memory_space<semaphore_mem>>) {add = true}
    }
    %gt3A_43 = arith.constant 0 : i32
    %gt3A_44 = arith.cmpi sgt, %select_n3A, %gt3A_43 : i32
    %convert_element_type3A_45 = arith.extui %gt3A_44 : i1 to i32
    %cond3A_46 = arith.constant 0 : i32
    %cond3A_47 = arith.cmpi ne, %convert_element_type3A_45, %cond3A_46 : i32
    scf.if %cond3A_47 {
      %dma_wait3A = arith.constant 1 : i32
      %dma_wait3A_53 = arith.constant 3 : i32
      %dma_wait3A_54 = arith.constant 1 : i32
      %dma_wait3A_55 = arith.constant 0 : i32
      %dma_wait3A_56 = arith.constant 0 : i32
      %dma_wait3A_57 = tpu.memref_slice %arg6[%dma_wait3A, %dma_wait3A_55, %dma_wait3A_56] : memref<2x128x128xf32, #tpu.memory_space<vmem>> -> memref<1x128x128xf32, #tpu.memory_space<vmem>>
      %dma_wait3A_58 = tpu.memref_squeeze %dma_wait3A_57 : memref<1x128x128xf32, #tpu.memory_space<vmem>> -> memref<128x128xf32, #tpu.memory_space<vmem>>
      %dma_wait3A_59 = arith.constant 0 : i32
      %dma_wait3A_60 = tpu.memref_slice %arg5[%dma_wait3A_53, %dma_wait3A_54, %dma_wait3A_59] : memref<4x2x128xi32, #tpu.memory_space<vmem>> -> memref<1x1x128xi32, #tpu.memory_space<vmem>>
      %dma_wait3A_61 = tpu.memref_squeeze %dma_wait3A_60 : memref<1x1x128xi32, #tpu.memory_space<vmem>> -> memref<128xi32, #tpu.memory_space<vmem>>
      %dma_wait3A_62 = arith.constant 0 : i32
      %dma_wait3A_63 = arith.constant 0 : i32
      %dma_wait3A_64 = tpu.memref_slice %arg7[%dma_wait3A_62, %dma_wait3A_63] : memref<10240x128xf32, #tpu.memory_space<vmem_shared>> -> memref<10240x128xf32, #tpu.memory_space<vmem_shared>>
      tpu.wait_indirect_dma semaphore(%arg11 : memref<!tpu.dma_semaphore, #tpu.memory_space<semaphore_mem>>) src(%dma_wait3A_58 : memref<128x128xf32, #tpu.memory_space<vmem>>) dst(%dma_wait3A_64 : memref<10240x128xf32, #tpu.memory_space<vmem_shared>>)
    } else {
    }
    %barrier3A_48 = arith.constant 0 : index
    tpu.barrier barrier_id(%barrier3A_48)
    %mul3A_49 = arith.constant 640 : i32
    %mul3A_50 = arith.muli %arg1, %mul3A_49 : i32
    %mul3A_51 = arith.constant 640 : i32
    %mul3A_52 = arith.muli %arg1, %mul3A_51 : i32
    "tpu.region"() ({
      %run_scoped3A_53 = tpu.sem_alloc : memref<!tpu.dma_semaphore, #tpu.memory_space<semaphore_mem>>
      %dma_start3A = arith.constant 0 : i32
      %dma_start3A_54 = tpu.memref_slice %arg4[%arg0, %mul3A_52, %dma_start3A] : memref<2x10240x128xf32, #tpu.memory_space<hbm>> -> memref<1x640x128xf32, #tpu.memory_space<hbm>>
      %dma_start3A_55 = tpu.memref_squeeze %dma_start3A_54 : memref<1x640x128xf32, #tpu.memory_space<hbm>> -> memref<640x128xf32, #tpu.memory_space<hbm>>
      %dma_start3A_56 = arith.constant 0 : i32
      %dma_start3A_57 = tpu.memref_slice %arg7[%mul3A_50, %dma_start3A_56] : memref<10240x128xf32, #tpu.memory_space<vmem_shared>> -> memref<640x128xf32, #tpu.memory_space<vmem_shared>>
      tpu.enqueue_dma source(%dma_start3A_57 : memref<640x128xf32, #tpu.memory_space<vmem_shared>>) target(%dma_start3A_55 : memref<640x128xf32, #tpu.memory_space<hbm>>) target_semaphore(%run_scoped3A_53 : memref<!tpu.dma_semaphore, #tpu.memory_space<semaphore_mem>>)
      %dma_wait3A = arith.constant 0 : i32
      %dma_wait3A_58 = tpu.memref_slice %arg4[%arg0, %mul3A_52, %dma_wait3A] : memref<2x10240x128xf32, #tpu.memory_space<hbm>> -> memref<1x640x128xf32, #tpu.memory_space<hbm>>
      %dma_wait3A_59 = tpu.memref_squeeze %dma_wait3A_58 : memref<1x640x128xf32, #tpu.memory_space<hbm>> -> memref<640x128xf32, #tpu.memory_space<hbm>>
      %dma_wait3A_60 = arith.constant 0 : i32
      %dma_wait3A_61 = tpu.memref_slice %arg7[%mul3A_50, %dma_wait3A_60] : memref<10240x128xf32, #tpu.memory_space<vmem_shared>> -> memref<640x128xf32, #tpu.memory_space<vmem_shared>>
      tpu.wait_dma2 semaphore(%run_scoped3A_53 : memref<!tpu.dma_semaphore, #tpu.memory_space<semaphore_mem>>) src(%dma_wait3A_61 : memref<640x128xf32, #tpu.memory_space<vmem_shared>>) dst(%dma_wait3A_59 : memref<640x128xf32, #tpu.memory_space<hbm>>)
      tpu.yield
    }) : () -> ()
    return
  }
}

#map = affine_map<(d0, d1) -> (0, 0)>
module attributes {stable_mosaic.version = 14 : i64} {
  func.func @_emb_gather_body(%arg0: i32, %arg1: i32, %arg2: memref<10000x128xf32, #tpu.memory_space<hbm>>, %arg3: memref<160x64xi32, #tpu.memory_space<hbm>>, %arg4: memref<10240x128xf32, #tpu.memory_space<hbm>>, %arg5: memref<64xi32, #tpu.memory_space<vmem>>, %arg6: memref<64x128xf32, #tpu.memory_space<vmem>>, %arg7: memref<!tpu.dma_semaphore, #tpu.memory_space<semaphore_mem>>) attributes {dimension_semantics = [#tpu.dimension_semantics<core_parallel>, #tpu.dimension_semantics<subcore_parallel>], iteration_bounds = array<i64: 2, 16>, scalar_prefetch = 0 : i64, scratch_operands = 3 : i64, tpu.core_type = #tpu.core_type<sc_vector_subcore>, window_params = [{transform_indices = #map}, {transform_indices = #map}, {transform_indices = #map}]} {
    %mul3A = arith.constant 2 : i32
    %mul3A_0 = arith.muli %arg1, %mul3A : i32
    %add3A = arith.addi %mul3A_0, %arg0 : i32
    %mul3A_1 = arith.constant 5 : i32
    %mul3A_2 = arith.muli %add3A, %mul3A_1 : i32
    %add3A_3 = arith.constant 0 : i32
    %add3A_4 = arith.addi %mul3A_2, %add3A_3 : i32
    "tpu.region"() ({
      %run_scoped3A = tpu.sem_alloc : memref<!tpu.dma_semaphore, #tpu.memory_space<semaphore_mem>>
      %dma_start3A_59 = arith.constant 0 : i32
      %dma_start3A_60 = tpu.memref_slice %arg3[%add3A_4, %dma_start3A_59] : memref<160x64xi32, #tpu.memory_space<hbm>> -> memref<1x64xi32, #tpu.memory_space<hbm>>
      %dma_start3A_61 = tpu.memref_squeeze %dma_start3A_60 : memref<1x64xi32, #tpu.memory_space<hbm>> -> memref<64xi32, #tpu.memory_space<hbm>>
      %dma_start3A_62 = arith.constant 0 : i32
      %dma_start3A_63 = tpu.memref_slice %arg3[%add3A_4, %dma_start3A_62] : memref<160x64xi32, #tpu.memory_space<hbm>> -> memref<1x64xi32, #tpu.memory_space<hbm>>
      %dma_start3A_64 = tpu.memref_squeeze %dma_start3A_63 : memref<1x64xi32, #tpu.memory_space<hbm>> -> memref<64xi32, #tpu.memory_space<hbm>>
      tpu.enqueue_dma source(%dma_start3A_64 : memref<64xi32, #tpu.memory_space<hbm>>) target(%arg5 : memref<64xi32, #tpu.memory_space<vmem>>) target_semaphore(%run_scoped3A : memref<!tpu.dma_semaphore, #tpu.memory_space<semaphore_mem>>)
      %dma_wait3A_65 = arith.constant 0 : i32
      %dma_wait3A_66 = tpu.memref_slice %arg3[%add3A_4, %dma_wait3A_65] : memref<160x64xi32, #tpu.memory_space<hbm>> -> memref<1x64xi32, #tpu.memory_space<hbm>>
      %dma_wait3A_67 = tpu.memref_squeeze %dma_wait3A_66 : memref<1x64xi32, #tpu.memory_space<hbm>> -> memref<64xi32, #tpu.memory_space<hbm>>
      %dma_wait3A_68 = arith.constant 0 : i32
      %dma_wait3A_69 = tpu.memref_slice %arg3[%add3A_4, %dma_wait3A_68] : memref<160x64xi32, #tpu.memory_space<hbm>> -> memref<1x64xi32, #tpu.memory_space<hbm>>
      %dma_wait3A_70 = tpu.memref_squeeze %dma_wait3A_69 : memref<1x64xi32, #tpu.memory_space<hbm>> -> memref<64xi32, #tpu.memory_space<hbm>>
      tpu.wait_dma2 semaphore(%run_scoped3A : memref<!tpu.dma_semaphore, #tpu.memory_space<semaphore_mem>>) src(%dma_wait3A_70 : memref<64xi32, #tpu.memory_space<hbm>>) dst(%arg5 : memref<64xi32, #tpu.memory_space<vmem>>)
      tpu.yield
    }) : () -> ()
    %dma_start3A = arith.constant 0 : i32
    %dma_start3A_5 = arith.constant 0 : i32
    %dma_start3A_6 = tpu.memref_slice %arg2[%dma_start3A, %dma_start3A_5] : memref<10000x128xf32, #tpu.memory_space<hbm>> -> memref<10000x128xf32, #tpu.memory_space<hbm>>
    tpu.enqueue_indirect_dma source(%dma_start3A_6 : memref<10000x128xf32, #tpu.memory_space<hbm>>) target(%arg6 : memref<64x128xf32, #tpu.memory_space<vmem>>) offsets(%arg5 : memref<64xi32, #tpu.memory_space<vmem>>) semaphore(%arg7 : memref<!tpu.dma_semaphore, #tpu.memory_space<semaphore_mem>>)
    %dma_wait3A = arith.constant 0 : i32
    %dma_wait3A_7 = arith.constant 0 : i32
    %dma_wait3A_8 = tpu.memref_slice %arg2[%dma_wait3A, %dma_wait3A_7] : memref<10000x128xf32, #tpu.memory_space<hbm>> -> memref<10000x128xf32, #tpu.memory_space<hbm>>
    tpu.wait_indirect_dma semaphore(%arg7 : memref<!tpu.dma_semaphore, #tpu.memory_space<semaphore_mem>>) src(%dma_wait3A_8 : memref<10000x128xf32, #tpu.memory_space<hbm>>) dst(%arg6 : memref<64x128xf32, #tpu.memory_space<vmem>>)
    %mul3A_9 = arith.constant 64 : i32
    %mul3A_10 = arith.muli %add3A_4, %mul3A_9 : i32
    "tpu.region"() ({
      %run_scoped3A = tpu.sem_alloc : memref<!tpu.dma_semaphore, #tpu.memory_space<semaphore_mem>>
      %dma_start3A_59 = arith.constant 0 : i32
      %dma_start3A_60 = tpu.memref_slice %arg4[%mul3A_10, %dma_start3A_59] : memref<10240x128xf32, #tpu.memory_space<hbm>> -> memref<64x128xf32, #tpu.memory_space<hbm>>
      %dma_start3A_61 = arith.constant 0 : i32
      %dma_start3A_62 = tpu.memref_slice %arg4[%mul3A_10, %dma_start3A_61] : memref<10240x128xf32, #tpu.memory_space<hbm>> -> memref<64x128xf32, #tpu.memory_space<hbm>>
      tpu.enqueue_dma source(%arg6 : memref<64x128xf32, #tpu.memory_space<vmem>>) target(%dma_start3A_62 : memref<64x128xf32, #tpu.memory_space<hbm>>) target_semaphore(%run_scoped3A : memref<!tpu.dma_semaphore, #tpu.memory_space<semaphore_mem>>)
      %dma_wait3A_63 = arith.constant 0 : i32
      %dma_wait3A_64 = tpu.memref_slice %arg4[%mul3A_10, %dma_wait3A_63] : memref<10240x128xf32, #tpu.memory_space<hbm>> -> memref<64x128xf32, #tpu.memory_space<hbm>>
      %dma_wait3A_65 = arith.constant 0 : i32
      %dma_wait3A_66 = tpu.memref_slice %arg4[%mul3A_10, %dma_wait3A_65] : memref<10240x128xf32, #tpu.memory_space<hbm>> -> memref<64x128xf32, #tpu.memory_space<hbm>>
      tpu.wait_dma2 semaphore(%run_scoped3A : memref<!tpu.dma_semaphore, #tpu.memory_space<semaphore_mem>>) src(%arg6 : memref<64x128xf32, #tpu.memory_space<vmem>>) dst(%dma_wait3A_66 : memref<64x128xf32, #tpu.memory_space<hbm>>)
      tpu.yield
    }) : () -> ()
    %mul3A_11 = arith.constant 5 : i32
    %mul3A_12 = arith.muli %add3A, %mul3A_11 : i32
    %add3A_13 = arith.constant 1 : i32
    %add3A_14 = arith.addi %mul3A_12, %add3A_13 : i32
    "tpu.region"() ({
      %run_scoped3A = tpu.sem_alloc : memref<!tpu.dma_semaphore, #tpu.memory_space<semaphore_mem>>
      %dma_start3A_59 = arith.constant 0 : i32
      %dma_start3A_60 = tpu.memref_slice %arg3[%add3A_14, %dma_start3A_59] : memref<160x64xi32, #tpu.memory_space<hbm>> -> memref<1x64xi32, #tpu.memory_space<hbm>>
      %dma_start3A_61 = tpu.memref_squeeze %dma_start3A_60 : memref<1x64xi32, #tpu.memory_space<hbm>> -> memref<64xi32, #tpu.memory_space<hbm>>
      %dma_start3A_62 = arith.constant 0 : i32
      %dma_start3A_63 = tpu.memref_slice %arg3[%add3A_14, %dma_start3A_62] : memref<160x64xi32, #tpu.memory_space<hbm>> -> memref<1x64xi32, #tpu.memory_space<hbm>>
      %dma_start3A_64 = tpu.memref_squeeze %dma_start3A_63 : memref<1x64xi32, #tpu.memory_space<hbm>> -> memref<64xi32, #tpu.memory_space<hbm>>
      tpu.enqueue_dma source(%dma_start3A_64 : memref<64xi32, #tpu.memory_space<hbm>>) target(%arg5 : memref<64xi32, #tpu.memory_space<vmem>>) target_semaphore(%run_scoped3A : memref<!tpu.dma_semaphore, #tpu.memory_space<semaphore_mem>>)
      %dma_wait3A_65 = arith.constant 0 : i32
      %dma_wait3A_66 = tpu.memref_slice %arg3[%add3A_14, %dma_wait3A_65] : memref<160x64xi32, #tpu.memory_space<hbm>> -> memref<1x64xi32, #tpu.memory_space<hbm>>
      %dma_wait3A_67 = tpu.memref_squeeze %dma_wait3A_66 : memref<1x64xi32, #tpu.memory_space<hbm>> -> memref<64xi32, #tpu.memory_space<hbm>>
      %dma_wait3A_68 = arith.constant 0 : i32
      %dma_wait3A_69 = tpu.memref_slice %arg3[%add3A_14, %dma_wait3A_68] : memref<160x64xi32, #tpu.memory_space<hbm>> -> memref<1x64xi32, #tpu.memory_space<hbm>>
      %dma_wait3A_70 = tpu.memref_squeeze %dma_wait3A_69 : memref<1x64xi32, #tpu.memory_space<hbm>> -> memref<64xi32, #tpu.memory_space<hbm>>
      tpu.wait_dma2 semaphore(%run_scoped3A : memref<!tpu.dma_semaphore, #tpu.memory_space<semaphore_mem>>) src(%dma_wait3A_70 : memref<64xi32, #tpu.memory_space<hbm>>) dst(%arg5 : memref<64xi32, #tpu.memory_space<vmem>>)
      tpu.yield
    }) : () -> ()
    %dma_start3A_15 = arith.constant 0 : i32
    %dma_start3A_16 = arith.constant 0 : i32
    %dma_start3A_17 = tpu.memref_slice %arg2[%dma_start3A_15, %dma_start3A_16] : memref<10000x128xf32, #tpu.memory_space<hbm>> -> memref<10000x128xf32, #tpu.memory_space<hbm>>
    tpu.enqueue_indirect_dma source(%dma_start3A_17 : memref<10000x128xf32, #tpu.memory_space<hbm>>) target(%arg6 : memref<64x128xf32, #tpu.memory_space<vmem>>) offsets(%arg5 : memref<64xi32, #tpu.memory_space<vmem>>) semaphore(%arg7 : memref<!tpu.dma_semaphore, #tpu.memory_space<semaphore_mem>>)
    %dma_wait3A_18 = arith.constant 0 : i32
    %dma_wait3A_19 = arith.constant 0 : i32
    %dma_wait3A_20 = tpu.memref_slice %arg2[%dma_wait3A_18, %dma_wait3A_19] : memref<10000x128xf32, #tpu.memory_space<hbm>> -> memref<10000x128xf32, #tpu.memory_space<hbm>>
    tpu.wait_indirect_dma semaphore(%arg7 : memref<!tpu.dma_semaphore, #tpu.memory_space<semaphore_mem>>) src(%dma_wait3A_20 : memref<10000x128xf32, #tpu.memory_space<hbm>>) dst(%arg6 : memref<64x128xf32, #tpu.memory_space<vmem>>)
    %mul3A_21 = arith.constant 64 : i32
    %mul3A_22 = arith.muli %add3A_14, %mul3A_21 : i32
    "tpu.region"() ({
      %run_scoped3A = tpu.sem_alloc : memref<!tpu.dma_semaphore, #tpu.memory_space<semaphore_mem>>
      %dma_start3A_59 = arith.constant 0 : i32
      %dma_start3A_60 = tpu.memref_slice %arg4[%mul3A_22, %dma_start3A_59] : memref<10240x128xf32, #tpu.memory_space<hbm>> -> memref<64x128xf32, #tpu.memory_space<hbm>>
      %dma_start3A_61 = arith.constant 0 : i32
      %dma_start3A_62 = tpu.memref_slice %arg4[%mul3A_22, %dma_start3A_61] : memref<10240x128xf32, #tpu.memory_space<hbm>> -> memref<64x128xf32, #tpu.memory_space<hbm>>
      tpu.enqueue_dma source(%arg6 : memref<64x128xf32, #tpu.memory_space<vmem>>) target(%dma_start3A_62 : memref<64x128xf32, #tpu.memory_space<hbm>>) target_semaphore(%run_scoped3A : memref<!tpu.dma_semaphore, #tpu.memory_space<semaphore_mem>>)
      %dma_wait3A_63 = arith.constant 0 : i32
      %dma_wait3A_64 = tpu.memref_slice %arg4[%mul3A_22, %dma_wait3A_63] : memref<10240x128xf32, #tpu.memory_space<hbm>> -> memref<64x128xf32, #tpu.memory_space<hbm>>
      %dma_wait3A_65 = arith.constant 0 : i32
      %dma_wait3A_66 = tpu.memref_slice %arg4[%mul3A_22, %dma_wait3A_65] : memref<10240x128xf32, #tpu.memory_space<hbm>> -> memref<64x128xf32, #tpu.memory_space<hbm>>
      tpu.wait_dma2 semaphore(%run_scoped3A : memref<!tpu.dma_semaphore, #tpu.memory_space<semaphore_mem>>) src(%arg6 : memref<64x128xf32, #tpu.memory_space<vmem>>) dst(%dma_wait3A_66 : memref<64x128xf32, #tpu.memory_space<hbm>>)
      tpu.yield
    }) : () -> ()
    %mul3A_23 = arith.constant 5 : i32
    %mul3A_24 = arith.muli %add3A, %mul3A_23 : i32
    %add3A_25 = arith.constant 2 : i32
    %add3A_26 = arith.addi %mul3A_24, %add3A_25 : i32
    "tpu.region"() ({
      %run_scoped3A = tpu.sem_alloc : memref<!tpu.dma_semaphore, #tpu.memory_space<semaphore_mem>>
      %dma_start3A_59 = arith.constant 0 : i32
      %dma_start3A_60 = tpu.memref_slice %arg3[%add3A_26, %dma_start3A_59] : memref<160x64xi32, #tpu.memory_space<hbm>> -> memref<1x64xi32, #tpu.memory_space<hbm>>
      %dma_start3A_61 = tpu.memref_squeeze %dma_start3A_60 : memref<1x64xi32, #tpu.memory_space<hbm>> -> memref<64xi32, #tpu.memory_space<hbm>>
      %dma_start3A_62 = arith.constant 0 : i32
      %dma_start3A_63 = tpu.memref_slice %arg3[%add3A_26, %dma_start3A_62] : memref<160x64xi32, #tpu.memory_space<hbm>> -> memref<1x64xi32, #tpu.memory_space<hbm>>
      %dma_start3A_64 = tpu.memref_squeeze %dma_start3A_63 : memref<1x64xi32, #tpu.memory_space<hbm>> -> memref<64xi32, #tpu.memory_space<hbm>>
      tpu.enqueue_dma source(%dma_start3A_64 : memref<64xi32, #tpu.memory_space<hbm>>) target(%arg5 : memref<64xi32, #tpu.memory_space<vmem>>) target_semaphore(%run_scoped3A : memref<!tpu.dma_semaphore, #tpu.memory_space<semaphore_mem>>)
      %dma_wait3A_65 = arith.constant 0 : i32
      %dma_wait3A_66 = tpu.memref_slice %arg3[%add3A_26, %dma_wait3A_65] : memref<160x64xi32, #tpu.memory_space<hbm>> -> memref<1x64xi32, #tpu.memory_space<hbm>>
      %dma_wait3A_67 = tpu.memref_squeeze %dma_wait3A_66 : memref<1x64xi32, #tpu.memory_space<hbm>> -> memref<64xi32, #tpu.memory_space<hbm>>
      %dma_wait3A_68 = arith.constant 0 : i32
      %dma_wait3A_69 = tpu.memref_slice %arg3[%add3A_26, %dma_wait3A_68] : memref<160x64xi32, #tpu.memory_space<hbm>> -> memref<1x64xi32, #tpu.memory_space<hbm>>
      %dma_wait3A_70 = tpu.memref_squeeze %dma_wait3A_69 : memref<1x64xi32, #tpu.memory_space<hbm>> -> memref<64xi32, #tpu.memory_space<hbm>>
      tpu.wait_dma2 semaphore(%run_scoped3A : memref<!tpu.dma_semaphore, #tpu.memory_space<semaphore_mem>>) src(%dma_wait3A_70 : memref<64xi32, #tpu.memory_space<hbm>>) dst(%arg5 : memref<64xi32, #tpu.memory_space<vmem>>)
      tpu.yield
    }) : () -> ()
    %dma_start3A_27 = arith.constant 0 : i32
    %dma_start3A_28 = arith.constant 0 : i32
    %dma_start3A_29 = tpu.memref_slice %arg2[%dma_start3A_27, %dma_start3A_28] : memref<10000x128xf32, #tpu.memory_space<hbm>> -> memref<10000x128xf32, #tpu.memory_space<hbm>>
    tpu.enqueue_indirect_dma source(%dma_start3A_29 : memref<10000x128xf32, #tpu.memory_space<hbm>>) target(%arg6 : memref<64x128xf32, #tpu.memory_space<vmem>>) offsets(%arg5 : memref<64xi32, #tpu.memory_space<vmem>>) semaphore(%arg7 : memref<!tpu.dma_semaphore, #tpu.memory_space<semaphore_mem>>)
    %dma_wait3A_30 = arith.constant 0 : i32
    %dma_wait3A_31 = arith.constant 0 : i32
    %dma_wait3A_32 = tpu.memref_slice %arg2[%dma_wait3A_30, %dma_wait3A_31] : memref<10000x128xf32, #tpu.memory_space<hbm>> -> memref<10000x128xf32, #tpu.memory_space<hbm>>
    tpu.wait_indirect_dma semaphore(%arg7 : memref<!tpu.dma_semaphore, #tpu.memory_space<semaphore_mem>>) src(%dma_wait3A_32 : memref<10000x128xf32, #tpu.memory_space<hbm>>) dst(%arg6 : memref<64x128xf32, #tpu.memory_space<vmem>>)
    %mul3A_33 = arith.constant 64 : i32
    %mul3A_34 = arith.muli %add3A_26, %mul3A_33 : i32
    "tpu.region"() ({
      %run_scoped3A = tpu.sem_alloc : memref<!tpu.dma_semaphore, #tpu.memory_space<semaphore_mem>>
      %dma_start3A_59 = arith.constant 0 : i32
      %dma_start3A_60 = tpu.memref_slice %arg4[%mul3A_34, %dma_start3A_59] : memref<10240x128xf32, #tpu.memory_space<hbm>> -> memref<64x128xf32, #tpu.memory_space<hbm>>
      %dma_start3A_61 = arith.constant 0 : i32
      %dma_start3A_62 = tpu.memref_slice %arg4[%mul3A_34, %dma_start3A_61] : memref<10240x128xf32, #tpu.memory_space<hbm>> -> memref<64x128xf32, #tpu.memory_space<hbm>>
      tpu.enqueue_dma source(%arg6 : memref<64x128xf32, #tpu.memory_space<vmem>>) target(%dma_start3A_62 : memref<64x128xf32, #tpu.memory_space<hbm>>) target_semaphore(%run_scoped3A : memref<!tpu.dma_semaphore, #tpu.memory_space<semaphore_mem>>)
      %dma_wait3A_63 = arith.constant 0 : i32
      %dma_wait3A_64 = tpu.memref_slice %arg4[%mul3A_34, %dma_wait3A_63] : memref<10240x128xf32, #tpu.memory_space<hbm>> -> memref<64x128xf32, #tpu.memory_space<hbm>>
      %dma_wait3A_65 = arith.constant 0 : i32
      %dma_wait3A_66 = tpu.memref_slice %arg4[%mul3A_34, %dma_wait3A_65] : memref<10240x128xf32, #tpu.memory_space<hbm>> -> memref<64x128xf32, #tpu.memory_space<hbm>>
      tpu.wait_dma2 semaphore(%run_scoped3A : memref<!tpu.dma_semaphore, #tpu.memory_space<semaphore_mem>>) src(%arg6 : memref<64x128xf32, #tpu.memory_space<vmem>>) dst(%dma_wait3A_66 : memref<64x128xf32, #tpu.memory_space<hbm>>)
      tpu.yield
    }) : () -> ()
    %mul3A_35 = arith.constant 5 : i32
    %mul3A_36 = arith.muli %add3A, %mul3A_35 : i32
    %add3A_37 = arith.constant 3 : i32
    %add3A_38 = arith.addi %mul3A_36, %add3A_37 : i32
    "tpu.region"() ({
      %run_scoped3A = tpu.sem_alloc : memref<!tpu.dma_semaphore, #tpu.memory_space<semaphore_mem>>
      %dma_start3A_59 = arith.constant 0 : i32
      %dma_start3A_60 = tpu.memref_slice %arg3[%add3A_38, %dma_start3A_59] : memref<160x64xi32, #tpu.memory_space<hbm>> -> memref<1x64xi32, #tpu.memory_space<hbm>>
      %dma_start3A_61 = tpu.memref_squeeze %dma_start3A_60 : memref<1x64xi32, #tpu.memory_space<hbm>> -> memref<64xi32, #tpu.memory_space<hbm>>
      %dma_start3A_62 = arith.constant 0 : i32
      %dma_start3A_63 = tpu.memref_slice %arg3[%add3A_38, %dma_start3A_62] : memref<160x64xi32, #tpu.memory_space<hbm>> -> memref<1x64xi32, #tpu.memory_space<hbm>>
      %dma_start3A_64 = tpu.memref_squeeze %dma_start3A_63 : memref<1x64xi32, #tpu.memory_space<hbm>> -> memref<64xi32, #tpu.memory_space<hbm>>
      tpu.enqueue_dma source(%dma_start3A_64 : memref<64xi32, #tpu.memory_space<hbm>>) target(%arg5 : memref<64xi32, #tpu.memory_space<vmem>>) target_semaphore(%run_scoped3A : memref<!tpu.dma_semaphore, #tpu.memory_space<semaphore_mem>>)
      %dma_wait3A_65 = arith.constant 0 : i32
      %dma_wait3A_66 = tpu.memref_slice %arg3[%add3A_38, %dma_wait3A_65] : memref<160x64xi32, #tpu.memory_space<hbm>> -> memref<1x64xi32, #tpu.memory_space<hbm>>
      %dma_wait3A_67 = tpu.memref_squeeze %dma_wait3A_66 : memref<1x64xi32, #tpu.memory_space<hbm>> -> memref<64xi32, #tpu.memory_space<hbm>>
      %dma_wait3A_68 = arith.constant 0 : i32
      %dma_wait3A_69 = tpu.memref_slice %arg3[%add3A_38, %dma_wait3A_68] : memref<160x64xi32, #tpu.memory_space<hbm>> -> memref<1x64xi32, #tpu.memory_space<hbm>>
      %dma_wait3A_70 = tpu.memref_squeeze %dma_wait3A_69 : memref<1x64xi32, #tpu.memory_space<hbm>> -> memref<64xi32, #tpu.memory_space<hbm>>
      tpu.wait_dma2 semaphore(%run_scoped3A : memref<!tpu.dma_semaphore, #tpu.memory_space<semaphore_mem>>) src(%dma_wait3A_70 : memref<64xi32, #tpu.memory_space<hbm>>) dst(%arg5 : memref<64xi32, #tpu.memory_space<vmem>>)
      tpu.yield
    }) : () -> ()
    %dma_start3A_39 = arith.constant 0 : i32
    %dma_start3A_40 = arith.constant 0 : i32
    %dma_start3A_41 = tpu.memref_slice %arg2[%dma_start3A_39, %dma_start3A_40] : memref<10000x128xf32, #tpu.memory_space<hbm>> -> memref<10000x128xf32, #tpu.memory_space<hbm>>
    tpu.enqueue_indirect_dma source(%dma_start3A_41 : memref<10000x128xf32, #tpu.memory_space<hbm>>) target(%arg6 : memref<64x128xf32, #tpu.memory_space<vmem>>) offsets(%arg5 : memref<64xi32, #tpu.memory_space<vmem>>) semaphore(%arg7 : memref<!tpu.dma_semaphore, #tpu.memory_space<semaphore_mem>>)
    %dma_wait3A_42 = arith.constant 0 : i32
    %dma_wait3A_43 = arith.constant 0 : i32
    %dma_wait3A_44 = tpu.memref_slice %arg2[%dma_wait3A_42, %dma_wait3A_43] : memref<10000x128xf32, #tpu.memory_space<hbm>> -> memref<10000x128xf32, #tpu.memory_space<hbm>>
    tpu.wait_indirect_dma semaphore(%arg7 : memref<!tpu.dma_semaphore, #tpu.memory_space<semaphore_mem>>) src(%dma_wait3A_44 : memref<10000x128xf32, #tpu.memory_space<hbm>>) dst(%arg6 : memref<64x128xf32, #tpu.memory_space<vmem>>)
    %mul3A_45 = arith.constant 64 : i32
    %mul3A_46 = arith.muli %add3A_38, %mul3A_45 : i32
    "tpu.region"() ({
      %run_scoped3A = tpu.sem_alloc : memref<!tpu.dma_semaphore, #tpu.memory_space<semaphore_mem>>
      %dma_start3A_59 = arith.constant 0 : i32
      %dma_start3A_60 = tpu.memref_slice %arg4[%mul3A_46, %dma_start3A_59] : memref<10240x128xf32, #tpu.memory_space<hbm>> -> memref<64x128xf32, #tpu.memory_space<hbm>>
      %dma_start3A_61 = arith.constant 0 : i32
      %dma_start3A_62 = tpu.memref_slice %arg4[%mul3A_46, %dma_start3A_61] : memref<10240x128xf32, #tpu.memory_space<hbm>> -> memref<64x128xf32, #tpu.memory_space<hbm>>
      tpu.enqueue_dma source(%arg6 : memref<64x128xf32, #tpu.memory_space<vmem>>) target(%dma_start3A_62 : memref<64x128xf32, #tpu.memory_space<hbm>>) target_semaphore(%run_scoped3A : memref<!tpu.dma_semaphore, #tpu.memory_space<semaphore_mem>>)
      %dma_wait3A_63 = arith.constant 0 : i32
      %dma_wait3A_64 = tpu.memref_slice %arg4[%mul3A_46, %dma_wait3A_63] : memref<10240x128xf32, #tpu.memory_space<hbm>> -> memref<64x128xf32, #tpu.memory_space<hbm>>
      %dma_wait3A_65 = arith.constant 0 : i32
      %dma_wait3A_66 = tpu.memref_slice %arg4[%mul3A_46, %dma_wait3A_65] : memref<10240x128xf32, #tpu.memory_space<hbm>> -> memref<64x128xf32, #tpu.memory_space<hbm>>
      tpu.wait_dma2 semaphore(%run_scoped3A : memref<!tpu.dma_semaphore, #tpu.memory_space<semaphore_mem>>) src(%arg6 : memref<64x128xf32, #tpu.memory_space<vmem>>) dst(%dma_wait3A_66 : memref<64x128xf32, #tpu.memory_space<hbm>>)
      tpu.yield
    }) : () -> ()
    %mul3A_47 = arith.constant 5 : i32
    %mul3A_48 = arith.muli %add3A, %mul3A_47 : i32
    %add3A_49 = arith.constant 4 : i32
    %add3A_50 = arith.addi %mul3A_48, %add3A_49 : i32
    "tpu.region"() ({
      %run_scoped3A = tpu.sem_alloc : memref<!tpu.dma_semaphore, #tpu.memory_space<semaphore_mem>>
      %dma_start3A_59 = arith.constant 0 : i32
      %dma_start3A_60 = tpu.memref_slice %arg3[%add3A_50, %dma_start3A_59] : memref<160x64xi32, #tpu.memory_space<hbm>> -> memref<1x64xi32, #tpu.memory_space<hbm>>
      %dma_start3A_61 = tpu.memref_squeeze %dma_start3A_60 : memref<1x64xi32, #tpu.memory_space<hbm>> -> memref<64xi32, #tpu.memory_space<hbm>>
      %dma_start3A_62 = arith.constant 0 : i32
      %dma_start3A_63 = tpu.memref_slice %arg3[%add3A_50, %dma_start3A_62] : memref<160x64xi32, #tpu.memory_space<hbm>> -> memref<1x64xi32, #tpu.memory_space<hbm>>
      %dma_start3A_64 = tpu.memref_squeeze %dma_start3A_63 : memref<1x64xi32, #tpu.memory_space<hbm>> -> memref<64xi32, #tpu.memory_space<hbm>>
      tpu.enqueue_dma source(%dma_start3A_64 : memref<64xi32, #tpu.memory_space<hbm>>) target(%arg5 : memref<64xi32, #tpu.memory_space<vmem>>) target_semaphore(%run_scoped3A : memref<!tpu.dma_semaphore, #tpu.memory_space<semaphore_mem>>)
      %dma_wait3A_65 = arith.constant 0 : i32
      %dma_wait3A_66 = tpu.memref_slice %arg3[%add3A_50, %dma_wait3A_65] : memref<160x64xi32, #tpu.memory_space<hbm>> -> memref<1x64xi32, #tpu.memory_space<hbm>>
      %dma_wait3A_67 = tpu.memref_squeeze %dma_wait3A_66 : memref<1x64xi32, #tpu.memory_space<hbm>> -> memref<64xi32, #tpu.memory_space<hbm>>
      %dma_wait3A_68 = arith.constant 0 : i32
      %dma_wait3A_69 = tpu.memref_slice %arg3[%add3A_50, %dma_wait3A_68] : memref<160x64xi32, #tpu.memory_space<hbm>> -> memref<1x64xi32, #tpu.memory_space<hbm>>
      %dma_wait3A_70 = tpu.memref_squeeze %dma_wait3A_69 : memref<1x64xi32, #tpu.memory_space<hbm>> -> memref<64xi32, #tpu.memory_space<hbm>>
      tpu.wait_dma2 semaphore(%run_scoped3A : memref<!tpu.dma_semaphore, #tpu.memory_space<semaphore_mem>>) src(%dma_wait3A_70 : memref<64xi32, #tpu.memory_space<hbm>>) dst(%arg5 : memref<64xi32, #tpu.memory_space<vmem>>)
      tpu.yield
    }) : () -> ()
    %dma_start3A_51 = arith.constant 0 : i32
    %dma_start3A_52 = arith.constant 0 : i32
    %dma_start3A_53 = tpu.memref_slice %arg2[%dma_start3A_51, %dma_start3A_52] : memref<10000x128xf32, #tpu.memory_space<hbm>> -> memref<10000x128xf32, #tpu.memory_space<hbm>>
    tpu.enqueue_indirect_dma source(%dma_start3A_53 : memref<10000x128xf32, #tpu.memory_space<hbm>>) target(%arg6 : memref<64x128xf32, #tpu.memory_space<vmem>>) offsets(%arg5 : memref<64xi32, #tpu.memory_space<vmem>>) semaphore(%arg7 : memref<!tpu.dma_semaphore, #tpu.memory_space<semaphore_mem>>)
    %dma_wait3A_54 = arith.constant 0 : i32
    %dma_wait3A_55 = arith.constant 0 : i32
    %dma_wait3A_56 = tpu.memref_slice %arg2[%dma_wait3A_54, %dma_wait3A_55] : memref<10000x128xf32, #tpu.memory_space<hbm>> -> memref<10000x128xf32, #tpu.memory_space<hbm>>
    tpu.wait_indirect_dma semaphore(%arg7 : memref<!tpu.dma_semaphore, #tpu.memory_space<semaphore_mem>>) src(%dma_wait3A_56 : memref<10000x128xf32, #tpu.memory_space<hbm>>) dst(%arg6 : memref<64x128xf32, #tpu.memory_space<vmem>>)
    %mul3A_57 = arith.constant 64 : i32
    %mul3A_58 = arith.muli %add3A_50, %mul3A_57 : i32
    "tpu.region"() ({
      %run_scoped3A = tpu.sem_alloc : memref<!tpu.dma_semaphore, #tpu.memory_space<semaphore_mem>>
      %dma_start3A_59 = arith.constant 0 : i32
      %dma_start3A_60 = tpu.memref_slice %arg4[%mul3A_58, %dma_start3A_59] : memref<10240x128xf32, #tpu.memory_space<hbm>> -> memref<64x128xf32, #tpu.memory_space<hbm>>
      %dma_start3A_61 = arith.constant 0 : i32
      %dma_start3A_62 = tpu.memref_slice %arg4[%mul3A_58, %dma_start3A_61] : memref<10240x128xf32, #tpu.memory_space<hbm>> -> memref<64x128xf32, #tpu.memory_space<hbm>>
      tpu.enqueue_dma source(%arg6 : memref<64x128xf32, #tpu.memory_space<vmem>>) target(%dma_start3A_62 : memref<64x128xf32, #tpu.memory_space<hbm>>) target_semaphore(%run_scoped3A : memref<!tpu.dma_semaphore, #tpu.memory_space<semaphore_mem>>)
      %dma_wait3A_63 = arith.constant 0 : i32
      %dma_wait3A_64 = tpu.memref_slice %arg4[%mul3A_58, %dma_wait3A_63] : memref<10240x128xf32, #tpu.memory_space<hbm>> -> memref<64x128xf32, #tpu.memory_space<hbm>>
      %dma_wait3A_65 = arith.constant 0 : i32
      %dma_wait3A_66 = tpu.memref_slice %arg4[%mul3A_58, %dma_wait3A_65] : memref<10240x128xf32, #tpu.memory_space<hbm>> -> memref<64x128xf32, #tpu.memory_space<hbm>>
      tpu.wait_dma2 semaphore(%run_scoped3A : memref<!tpu.dma_semaphore, #tpu.memory_space<semaphore_mem>>) src(%arg6 : memref<64x128xf32, #tpu.memory_space<vmem>>) dst(%dma_wait3A_66 : memref<64x128xf32, #tpu.memory_space<hbm>>)
      tpu.yield
    }) : () -> ()
    return
  }
}

module attributes {stable_mosaic.version = 14 : i64} {
  func.func @_mm_body(%arg0: i32, %arg1: memref<1280x128xf32, #tpu.memory_space<vmem>>, %arg2: memref<128x128xf32, #tpu.memory_space<vmem>>, %arg3: memref<1280x128xf32, #tpu.memory_space<vmem>>) attributes {dimension_semantics = [#tpu.dimension_semantics<arbitrary>], iteration_bounds = array<i64: 8>, scalar_prefetch = 0 : i64, scratch_operands = 0 : i64, tpu.core_type = #tpu.core_type<tc>, window_params = [{transform_indices = @transform_0, window_bounds = array<i64: 1280, 128>}, {pipeline_mode = #tpu.pipeline_mode<synchronous>, transform_indices = @transform_1, window_bounds = array<i64: 128, 128>}, {transform_indices = @transform_2, window_bounds = array<i64: 1280, 128>}]} {
    %get3A = arith.constant 0 : index
    %get3A_0 = arith.constant 0 : index
    %get3A_1 = vector.load %arg1[%get3A, %get3A_0] : memref<1280x128xf32, #tpu.memory_space<vmem>>, vector<1280x128xf32>
    %get3A_2 = arith.constant 0 : index
    %get3A_3 = arith.constant 0 : index
    %get3A_4 = vector.load %arg2[%get3A_2, %get3A_3] : memref<128x128xf32, #tpu.memory_space<vmem>>, vector<128x128xf32>
    %dot_general3A = arith.constant dense<0.000000e+00> : vector<1280x128xf32>
    %dot_general3A_5 = tpu.matmul %get3A_1, %get3A_4, %dot_general3A {dimension_numbers = #tpu.dot_dimension_numbers<[1], [0], [0], [1], [0, 0, 1, 1], [], []>, transpose_lhs_hint = false} : vector<1280x128xf32>, vector<128x128xf32>, vector<1280x128xf32> -> vector<1280x128xf32>
    %swap3A = arith.constant 0 : index
    %swap3A_6 = arith.constant 0 : index
    %swap3A_7 = vector.load %arg3[%swap3A, %swap3A_6] : memref<1280x128xf32, #tpu.memory_space<vmem>>, vector<1280x128xf32>
    tpu.vector_store %arg3[%swap3A, %swap3A_6], %dot_general3A_5 {strides = array<i32>} : memref<1280x128xf32, #tpu.memory_space<vmem>>, vector<1280x128xf32>,
    return
  }
  func.func @transform_0(%arg0: i32) -> (i32, i32) {
    %c0_i32 = arith.constant 0 : i32
    %c0_i32_0 = arith.constant 0 : i32
    return %arg0, %c0_i32 : i32, i32
  }
  func.func @transform_1(%arg0: i32) -> (i32, i32) {
    %c0_i32 = arith.constant 0 : i32
    %c0_i32_0 = arith.constant 0 : i32
    %c0_i32_1 = arith.constant 0 : i32
    return %c0_i32, %c0_i32_0 : i32, i32
  }
  func.func @transform_2(%arg0: i32) -> (i32, i32) {
    %c0_i32 = arith.constant 0 : i32
    %c0_i32_0 = arith.constant 0 : i32
    return %arg0, %c0_i32 : i32, i32
  }
}

module attributes {stable_mosaic.version = 14 : i64} {
  func.func @_gru_m_body(%arg0: i32, %arg1: memref<2x1280x128xf32, #tpu.memory_space<vmem>>, %arg2: memref<1280x128xf32, #tpu.memory_space<vmem>>, %arg3: memref<128x384xf32, #tpu.memory_space<vmem>>, %arg4: memref<128x384xf32, #tpu.memory_space<vmem>>, %arg5: memref<1x384xf32, #tpu.memory_space<vmem>>, %arg6: memref<1x384xf32, #tpu.memory_space<vmem>>, %arg7: memref<128x128xf32, #tpu.memory_space<vmem>>, %arg8: memref<1280x128xf32, #tpu.memory_space<vmem>>, %arg9: memref<1280x128xf32, #tpu.memory_space<vmem>>) attributes {dimension_semantics = [#tpu.dimension_semantics<arbitrary>], iteration_bounds = array<i64: 8>, scalar_prefetch = 0 : i64, scratch_operands = 0 : i64, tpu.core_type = #tpu.core_type<tc>, window_params = [{transform_indices = @transform_0, window_bounds = array<i64: 2, 1280, 128>}, {transform_indices = @transform_1, window_bounds = array<i64: 1280, 128>}, {pipeline_mode = #tpu.pipeline_mode<synchronous>, transform_indices = @transform_2, window_bounds = array<i64: 128, 384>}, {pipeline_mode = #tpu.pipeline_mode<synchronous>, transform_indices = @transform_3, window_bounds = array<i64: 128, 384>}, {pipeline_mode = #tpu.pipeline_mode<synchronous>, transform_indices = @transform_4, window_bounds = array<i64: 1, 384>}, {pipeline_mode = #tpu.pipeline_mode<synchronous>, transform_indices = @transform_5, window_bounds = array<i64: 1, 384>}, {pipeline_mode = #tpu.pipeline_mode<synchronous>, transform_indices = @transform_6, window_bounds = array<i64: 128, 128>}, {transform_indices = @transform_7, window_bounds = array<i64: 1280, 128>}, {transform_indices = @transform_8, window_bounds = array<i64: 1280, 128>}]} {
    %get3A = arith.constant 0 : index
    %get3A_0 = arith.constant 0 : index
    %get3A_1 = arith.constant 0 : index
    %get3A_2 = vector.load %arg1[%get3A, %get3A_0, %get3A_1] : memref<2x1280x128xf32, #tpu.memory_space<vmem>>, vector<1x1280x128xf32>
    %get3A_3 = vector.shape_cast %get3A_2 : vector<1x1280x128xf32> to vector<1280x128xf32>
    %get3A_4 = arith.constant 1 : index
    %get3A_5 = arith.constant 0 : index
    %get3A_6 = arith.constant 0 : index
    %get3A_7 = vector.load %arg1[%get3A_4, %get3A_5, %get3A_6] : memref<2x1280x128xf32, #tpu.memory_space<vmem>>, vector<1x1280x128xf32>
    %get3A_8 = vector.shape_cast %get3A_7 : vector<1x1280x128xf32> to vector<1280x128xf32>
    %add3A = arith.addf %get3A_3, %get3A_8 : vector<1280x128xf32>
    %get3A_9 = arith.constant 0 : index
    %get3A_10 = arith.constant 0 : index
    %get3A_11 = vector.load %arg2[%get3A_9, %get3A_10] : memref<1280x128xf32, #tpu.memory_space<vmem>>, vector<1280x128xf32>
    %get3A_12 = arith.constant 0 : index
    %get3A_13 = arith.constant 0 : index
    %get3A_14 = vector.load %arg3[%get3A_12, %get3A_13] : memref<128x384xf32, #tpu.memory_space<vmem>>, vector<128x384xf32>
    %dot_general3A = arith.constant dense<0.000000e+00> : vector<1280x384xf32>
    %dot_general3A_15 = tpu.matmul %add3A, %get3A_14, %dot_general3A {dimension_numbers = #tpu.dot_dimension_numbers<[1], [0], [0], [1], [0, 0, 1, 1], [], []>, transpose_lhs_hint = false} : vector<1280x128xf32>, vector<128x384xf32>, vector<1280x384xf32> -> vector<1280x384xf32>
    %get3A_16 = arith.constant 0 : index
    %get3A_17 = arith.constant 0 : index
    %get3A_18 = vector.load %arg5[%get3A_16, %get3A_17] : memref<1x384xf32, #tpu.memory_space<vmem>>, vector<1x384xf32>
    %add3A_19 = vector.broadcast %get3A_18 : vector<1x384xf32> to vector<1280x384xf32>
    %add3A_20 = arith.addf %dot_general3A_15, %add3A_19 : vector<1280x384xf32>
    %get3A_21 = arith.constant 0 : index
    %get3A_22 = arith.constant 0 : index
    %get3A_23 = vector.load %arg4[%get3A_21, %get3A_22] : memref<128x384xf32, #tpu.memory_space<vmem>>, vector<128x384xf32>
    %dot_general3A_24 = arith.constant dense<0.000000e+00> : vector<1280x384xf32>
    %dot_general3A_25 = tpu.matmul %get3A_11, %get3A_23, %dot_general3A_24 {dimension_numbers = #tpu.dot_dimension_numbers<[1], [0], [0], [1], [0, 0, 1, 1], [], []>, transpose_lhs_hint = false} : vector<1280x128xf32>, vector<128x384xf32>, vector<1280x384xf32> -> vector<1280x384xf32>
    %get3A_26 = arith.constant 0 : index
    %get3A_27 = arith.constant 0 : index
    %get3A_28 = vector.load %arg6[%get3A_26, %get3A_27] : memref<1x384xf32, #tpu.memory_space<vmem>>, vector<1x384xf32>
    %add3A_29 = vector.broadcast %get3A_28 : vector<1x384xf32> to vector<1280x384xf32>
    %add3A_30 = arith.addf %dot_general3A_25, %add3A_29 : vector<1280x384xf32>
    %slice3A = vector.extract_strided_slice %add3A_20 {offsets = [0, 0], sizes = [1280, 128], strides = [1, 1]} : vector<1280x384xf32> to vector<1280x128xf32>
    %slice3A_31 = vector.extract_strided_slice %add3A_30 {offsets = [0, 0], sizes = [1280, 128], strides = [1, 1]} : vector<1280x384xf32> to vector<1280x128xf32>
    %add3A_32 = arith.addf %slice3A, %slice3A_31 : vector<1280x128xf32>
    %logistic3A = arith.negf %add3A_32 : vector<1280x128xf32>
    %logistic3A_33 = math.exp %logistic3A : vector<1280x128xf32>
    %logistic3A_34 = arith.constant 1.000000e+00 : f32
    %logistic3A_35 = vector.broadcast %logistic3A_34 : f32 to vector<1280x128xf32>
    %logistic3A_36 = arith.addf %logistic3A_35, %logistic3A_33 : vector<1280x128xf32>
    %logistic3A_37 = arith.divf %logistic3A_35, %logistic3A_36 : vector<1280x128xf32>
    %slice3A_38 = vector.extract_strided_slice %add3A_20 {offsets = [0, 128], sizes = [1280, 128], strides = [1, 1]} : vector<1280x384xf32> to vector<1280x128xf32>
    %slice3A_39 = vector.extract_strided_slice %add3A_30 {offsets = [0, 128], sizes = [1280, 128], strides = [1, 1]} : vector<1280x384xf32> to vector<1280x128xf32>
    %add3A_40 = arith.addf %slice3A_38, %slice3A_39 : vector<1280x128xf32>
    %logistic3A_41 = arith.negf %add3A_40 : vector<1280x128xf32>
    %logistic3A_42 = math.exp %logistic3A_41 : vector<1280x128xf32>
    %logistic3A_43 = arith.constant 1.000000e+00 : f32
    %logistic3A_44 = vector.broadcast %logistic3A_43 : f32 to vector<1280x128xf32>
    %logistic3A_45 = arith.addf %logistic3A_44, %logistic3A_42 : vector<1280x128xf32>
    %logistic3A_46 = arith.divf %logistic3A_44, %logistic3A_45 : vector<1280x128xf32>
    %slice3A_47 = vector.extract_strided_slice %add3A_20 {offsets = [0, 256], sizes = [1280, 128], strides = [1, 1]} : vector<1280x384xf32> to vector<1280x128xf32>
    %slice3A_48 = vector.extract_strided_slice %add3A_30 {offsets = [0, 256], sizes = [1280, 128], strides = [1, 1]} : vector<1280x384xf32> to vector<1280x128xf32>
    %mul3A = arith.mulf %logistic3A_37, %slice3A_48 : vector<1280x128xf32>
    %add3A_49 = arith.addf %slice3A_47, %mul3A : vector<1280x128xf32>
    %tanh3A = math.tanh %add3A_49 : vector<1280x128xf32>
    %sub3A = arith.constant 1.000000e+00 : f32
    %sub3A_50 = vector.broadcast %sub3A : f32 to vector<1280x128xf32>
    %sub3A_51 = arith.subf %sub3A_50, %logistic3A_46 : vector<1280x128xf32>
    %mul3A_52 = arith.mulf %sub3A_51, %tanh3A : vector<1280x128xf32>
    %mul3A_53 = arith.mulf %logistic3A_46, %get3A_11 : vector<1280x128xf32>
    %add3A_54 = arith.addf %mul3A_52, %mul3A_53 : vector<1280x128xf32>
    %swap3A = arith.constant 0 : index
    %swap3A_55 = arith.constant 0 : index
    %swap3A_56 = vector.load %arg8[%swap3A, %swap3A_55] : memref<1280x128xf32, #tpu.memory_space<vmem>>, vector<1280x128xf32>
    tpu.vector_store %arg8[%swap3A, %swap3A_55], %add3A_54 {strides = array<i32>} : memref<1280x128xf32, #tpu.memory_space<vmem>>, vector<1280x128xf32>,
    %get3A_57 = arith.constant 0 : index
    %get3A_58 = arith.constant 0 : index
    %get3A_59 = vector.load %arg7[%get3A_57, %get3A_58] : memref<128x128xf32, #tpu.memory_space<vmem>>, vector<128x128xf32>
    %dot_general3A_60 = arith.constant dense<0.000000e+00> : vector<1280x128xf32>
    %dot_general3A_61 = tpu.matmul %add3A_54, %get3A_59, %dot_general3A_60 {dimension_numbers = #tpu.dot_dimension_numbers<[1], [0], [0], [1], [0, 0, 1, 1], [], []>, transpose_lhs_hint = false} : vector<1280x128xf32>, vector<128x128xf32>, vector<1280x128xf32> -> vector<1280x128xf32>
    %swap3A_62 = arith.constant 0 : index
    %swap3A_63 = arith.constant 0 : index
    %swap3A_64 = vector.load %arg9[%swap3A_62, %swap3A_63] : memref<1280x128xf32, #tpu.memory_space<vmem>>, vector<1280x128xf32>
    tpu.vector_store %arg9[%swap3A_62, %swap3A_63], %dot_general3A_61 {strides = array<i32>} : memref<1280x128xf32, #tpu.memory_space<vmem>>, vector<1280x128xf32>,
    return
  }
  func.func @transform_0(%arg0: i32) -> (i32, i32, i32) {
    %c0_i32 = arith.constant 0 : i32
    %c0_i32_0 = arith.constant 0 : i32
    %c0_i32_1 = arith.constant 0 : i32
    return %c0_i32, %arg0, %c0_i32_0 : i32, i32, i32
  }
  func.func @transform_1(%arg0: i32) -> (i32, i32) {
    %c0_i32 = arith.constant 0 : i32
    %c0_i32_0 = arith.constant 0 : i32
    return %arg0, %c0_i32 : i32, i32
  }
  func.func @transform_2(%arg0: i32) -> (i32, i32) {
    %c0_i32 = arith.constant 0 : i32
    %c0_i32_0 = arith.constant 0 : i32
    %c0_i32_1 = arith.constant 0 : i32
    return %c0_i32, %c0_i32_0 : i32, i32
  }
  func.func @transform_3(%arg0: i32) -> (i32, i32) {
    %c0_i32 = arith.constant 0 : i32
    %c0_i32_0 = arith.constant 0 : i32
    %c0_i32_1 = arith.constant 0 : i32
    return %c0_i32, %c0_i32_0 : i32, i32
  }
  func.func @transform_4(%arg0: i32) -> (i32, i32) {
    %c0_i32 = arith.constant 0 : i32
    %c0_i32_0 = arith.constant 0 : i32
    %c0_i32_1 = arith.constant 0 : i32
    return %c0_i32, %c0_i32_0 : i32, i32
  }
  func.func @transform_5(%arg0: i32) -> (i32, i32) {
    %c0_i32 = arith.constant 0 : i32
    %c0_i32_0 = arith.constant 0 : i32
    %c0_i32_1 = arith.constant 0 : i32
    return %c0_i32, %c0_i32_0 : i32, i32
  }
  func.func @transform_6(%arg0: i32) -> (i32, i32) {
    %c0_i32 = arith.constant 0 : i32
    %c0_i32_0 = arith.constant 0 : i32
    %c0_i32_1 = arith.constant 0 : i32
    return %c0_i32, %c0_i32_0 : i32, i32
  }
  func.func @transform_7(%arg0: i32) -> (i32, i32) {
    %c0_i32 = arith.constant 0 : i32
    %c0_i32_0 = arith.constant 0 : i32
    return %arg0, %c0_i32 : i32, i32
  }
  func.func @transform_8(%arg0: i32) -> (i32, i32) {
    %c0_i32 = arith.constant 0 : i32
    %c0_i32_0 = arith.constant 0 : i32
    return %arg0, %c0_i32 : i32, i32
  }
}

module attributes {stable_mosaic.version = 14 : i64} {
  func.func @_gru_body(%arg0: i32, %arg1: memref<2x1280x128xf32, #tpu.memory_space<vmem>>, %arg2: memref<1280x128xf32, #tpu.memory_space<vmem>>, %arg3: memref<128x384xf32, #tpu.memory_space<vmem>>, %arg4: memref<128x384xf32, #tpu.memory_space<vmem>>, %arg5: memref<1x384xf32, #tpu.memory_space<vmem>>, %arg6: memref<1x384xf32, #tpu.memory_space<vmem>>, %arg7: memref<1280x128xf32, #tpu.memory_space<vmem>>) attributes {dimension_semantics = [#tpu.dimension_semantics<arbitrary>], iteration_bounds = array<i64: 8>, scalar_prefetch = 0 : i64, scratch_operands = 0 : i64, tpu.core_type = #tpu.core_type<tc>, window_params = [{transform_indices = @transform_0, window_bounds = array<i64: 2, 1280, 128>}, {transform_indices = @transform_1, window_bounds = array<i64: 1280, 128>}, {pipeline_mode = #tpu.pipeline_mode<synchronous>, transform_indices = @transform_2, window_bounds = array<i64: 128, 384>}, {pipeline_mode = #tpu.pipeline_mode<synchronous>, transform_indices = @transform_3, window_bounds = array<i64: 128, 384>}, {pipeline_mode = #tpu.pipeline_mode<synchronous>, transform_indices = @transform_4, window_bounds = array<i64: 1, 384>}, {pipeline_mode = #tpu.pipeline_mode<synchronous>, transform_indices = @transform_5, window_bounds = array<i64: 1, 384>}, {transform_indices = @transform_6, window_bounds = array<i64: 1280, 128>}]} {
    %get3A = arith.constant 0 : index
    %get3A_0 = arith.constant 0 : index
    %get3A_1 = arith.constant 0 : index
    %get3A_2 = vector.load %arg1[%get3A, %get3A_0, %get3A_1] : memref<2x1280x128xf32, #tpu.memory_space<vmem>>, vector<1x1280x128xf32>
    %get3A_3 = vector.shape_cast %get3A_2 : vector<1x1280x128xf32> to vector<1280x128xf32>
    %get3A_4 = arith.constant 1 : index
    %get3A_5 = arith.constant 0 : index
    %get3A_6 = arith.constant 0 : index
    %get3A_7 = vector.load %arg1[%get3A_4, %get3A_5, %get3A_6] : memref<2x1280x128xf32, #tpu.memory_space<vmem>>, vector<1x1280x128xf32>
    %get3A_8 = vector.shape_cast %get3A_7 : vector<1x1280x128xf32> to vector<1280x128xf32>
    %add3A = arith.addf %get3A_3, %get3A_8 : vector<1280x128xf32>
    %get3A_9 = arith.constant 0 : index
    %get3A_10 = arith.constant 0 : index
    %get3A_11 = vector.load %arg2[%get3A_9, %get3A_10] : memref<1280x128xf32, #tpu.memory_space<vmem>>, vector<1280x128xf32>
    %get3A_12 = arith.constant 0 : index
    %get3A_13 = arith.constant 0 : index
    %get3A_14 = vector.load %arg3[%get3A_12, %get3A_13] : memref<128x384xf32, #tpu.memory_space<vmem>>, vector<128x384xf32>
    %dot_general3A = arith.constant dense<0.000000e+00> : vector<1280x384xf32>
    %dot_general3A_15 = tpu.matmul %add3A, %get3A_14, %dot_general3A {dimension_numbers = #tpu.dot_dimension_numbers<[1], [0], [0], [1], [0, 0, 1, 1], [], []>, transpose_lhs_hint = false} : vector<1280x128xf32>, vector<128x384xf32>, vector<1280x384xf32> -> vector<1280x384xf32>
    %get3A_16 = arith.constant 0 : index
    %get3A_17 = arith.constant 0 : index
    %get3A_18 = vector.load %arg5[%get3A_16, %get3A_17] : memref<1x384xf32, #tpu.memory_space<vmem>>, vector<1x384xf32>
    %add3A_19 = vector.broadcast %get3A_18 : vector<1x384xf32> to vector<1280x384xf32>
    %add3A_20 = arith.addf %dot_general3A_15, %add3A_19 : vector<1280x384xf32>
    %get3A_21 = arith.constant 0 : index
    %get3A_22 = arith.constant 0 : index
    %get3A_23 = vector.load %arg4[%get3A_21, %get3A_22] : memref<128x384xf32, #tpu.memory_space<vmem>>, vector<128x384xf32>
    %dot_general3A_24 = arith.constant dense<0.000000e+00> : vector<1280x384xf32>
    %dot_general3A_25 = tpu.matmul %get3A_11, %get3A_23, %dot_general3A_24 {dimension_numbers = #tpu.dot_dimension_numbers<[1], [0], [0], [1], [0, 0, 1, 1], [], []>, transpose_lhs_hint = false} : vector<1280x128xf32>, vector<128x384xf32>, vector<1280x384xf32> -> vector<1280x384xf32>
    %get3A_26 = arith.constant 0 : index
    %get3A_27 = arith.constant 0 : index
    %get3A_28 = vector.load %arg6[%get3A_26, %get3A_27] : memref<1x384xf32, #tpu.memory_space<vmem>>, vector<1x384xf32>
    %add3A_29 = vector.broadcast %get3A_28 : vector<1x384xf32> to vector<1280x384xf32>
    %add3A_30 = arith.addf %dot_general3A_25, %add3A_29 : vector<1280x384xf32>
    %slice3A = vector.extract_strided_slice %add3A_20 {offsets = [0, 0], sizes = [1280, 128], strides = [1, 1]} : vector<1280x384xf32> to vector<1280x128xf32>
    %slice3A_31 = vector.extract_strided_slice %add3A_30 {offsets = [0, 0], sizes = [1280, 128], strides = [1, 1]} : vector<1280x384xf32> to vector<1280x128xf32>
    %add3A_32 = arith.addf %slice3A, %slice3A_31 : vector<1280x128xf32>
    %logistic3A = arith.negf %add3A_32 : vector<1280x128xf32>
    %logistic3A_33 = math.exp %logistic3A : vector<1280x128xf32>
    %logistic3A_34 = arith.constant 1.000000e+00 : f32
    %logistic3A_35 = vector.broadcast %logistic3A_34 : f32 to vector<1280x128xf32>
    %logistic3A_36 = arith.addf %logistic3A_35, %logistic3A_33 : vector<1280x128xf32>
    %logistic3A_37 = arith.divf %logistic3A_35, %logistic3A_36 : vector<1280x128xf32>
    %slice3A_38 = vector.extract_strided_slice %add3A_20 {offsets = [0, 128], sizes = [1280, 128], strides = [1, 1]} : vector<1280x384xf32> to vector<1280x128xf32>
    %slice3A_39 = vector.extract_strided_slice %add3A_30 {offsets = [0, 128], sizes = [1280, 128], strides = [1, 1]} : vector<1280x384xf32> to vector<1280x128xf32>
    %add3A_40 = arith.addf %slice3A_38, %slice3A_39 : vector<1280x128xf32>
    %logistic3A_41 = arith.negf %add3A_40 : vector<1280x128xf32>
    %logistic3A_42 = math.exp %logistic3A_41 : vector<1280x128xf32>
    %logistic3A_43 = arith.constant 1.000000e+00 : f32
    %logistic3A_44 = vector.broadcast %logistic3A_43 : f32 to vector<1280x128xf32>
    %logistic3A_45 = arith.addf %logistic3A_44, %logistic3A_42 : vector<1280x128xf32>
    %logistic3A_46 = arith.divf %logistic3A_44, %logistic3A_45 : vector<1280x128xf32>
    %slice3A_47 = vector.extract_strided_slice %add3A_20 {offsets = [0, 256], sizes = [1280, 128], strides = [1, 1]} : vector<1280x384xf32> to vector<1280x128xf32>
    %slice3A_48 = vector.extract_strided_slice %add3A_30 {offsets = [0, 256], sizes = [1280, 128], strides = [1, 1]} : vector<1280x384xf32> to vector<1280x128xf32>
    %mul3A = arith.mulf %logistic3A_37, %slice3A_48 : vector<1280x128xf32>
    %add3A_49 = arith.addf %slice3A_47, %mul3A : vector<1280x128xf32>
    %tanh3A = math.tanh %add3A_49 : vector<1280x128xf32>
    %sub3A = arith.constant 1.000000e+00 : f32
    %sub3A_50 = vector.broadcast %sub3A : f32 to vector<1280x128xf32>
    %sub3A_51 = arith.subf %sub3A_50, %logistic3A_46 : vector<1280x128xf32>
    %mul3A_52 = arith.mulf %sub3A_51, %tanh3A : vector<1280x128xf32>
    %mul3A_53 = arith.mulf %logistic3A_46, %get3A_11 : vector<1280x128xf32>
    %add3A_54 = arith.addf %mul3A_52, %mul3A_53 : vector<1280x128xf32>
    %swap3A = arith.constant 0 : index
    %swap3A_55 = arith.constant 0 : index
    %swap3A_56 = vector.load %arg7[%swap3A, %swap3A_55] : memref<1280x128xf32, #tpu.memory_space<vmem>>, vector<1280x128xf32>
    tpu.vector_store %arg7[%swap3A, %swap3A_55], %add3A_54 {strides = array<i32>} : memref<1280x128xf32, #tpu.memory_space<vmem>>, vector<1280x128xf32>,
    return
  }
  func.func @transform_0(%arg0: i32) -> (i32, i32, i32) {
    %c0_i32 = arith.constant 0 : i32
    %c0_i32_0 = arith.constant 0 : i32
    %c0_i32_1 = arith.constant 0 : i32
    return %c0_i32, %arg0, %c0_i32_0 : i32, i32, i32
  }
  func.func @transform_1(%arg0: i32) -> (i32, i32) {
    %c0_i32 = arith.constant 0 : i32
    %c0_i32_0 = arith.constant 0 : i32
    return %arg0, %c0_i32 : i32, i32
  }
  func.func @transform_2(%arg0: i32) -> (i32, i32) {
    %c0_i32 = arith.constant 0 : i32
    %c0_i32_0 = arith.constant 0 : i32
    %c0_i32_1 = arith.constant 0 : i32
    return %c0_i32, %c0_i32_0 : i32, i32
  }
  func.func @transform_3(%arg0: i32) -> (i32, i32) {
    %c0_i32 = arith.constant 0 : i32
    %c0_i32_0 = arith.constant 0 : i32
    %c0_i32_1 = arith.constant 0 : i32
    return %c0_i32, %c0_i32_0 : i32, i32
  }
  func.func @transform_4(%arg0: i32) -> (i32, i32) {
    %c0_i32 = arith.constant 0 : i32
    %c0_i32_0 = arith.constant 0 : i32
    %c0_i32_1 = arith.constant 0 : i32
    return %c0_i32, %c0_i32_0 : i32, i32
  }
  func.func @transform_5(%arg0: i32) -> (i32, i32) {
    %c0_i32 = arith.constant 0 : i32
    %c0_i32_0 = arith.constant 0 : i32
    %c0_i32_1 = arith.constant 0 : i32
    return %c0_i32, %c0_i32_0 : i32, i32
  }
  func.func @transform_6(%arg0: i32) -> (i32, i32) {
    %c0_i32 = arith.constant 0 : i32
    %c0_i32_0 = arith.constant 0 : i32
    return %arg0, %c0_i32 : i32, i32
  }
}

</mosaic_0001>

<sc_bundles>
// kernel: kernel.11.cloned.1.call-start
scs
__scs_entry_jumppad:
0x0: {  	(pc) =	sbr.rel $0x88, $3  }
0x1: {  	(tag) =	ssettag $0x0;
	lr =	simm.s32 $0x1  }
0x2: {  	[smem:$0x3F99] =	sst lr;
	_ =	strace $0xD0000000  }
0x3: {  	_ = 	snop  }
0x4: {  	_ = 	snop  }
0x5: {  	_ = 	snop  }
0x6: {  	_ = 	snop  }
0x7: {  	_ = 	snop  }
__scs_overlays_trampoline_lowered:
0x8: {  	[smem:$0x3FA8] =	sst s0  }
0x9: {  	[smem:$0x3FA9] =	sst s1  }
0xa: {  	[smem:$0x3FAA] =	sst s2  }
0xb: {  	[smem:$0x3FAB] =	sst s3  }
0xc: {  	[smem:$0x3FAC] =	sst s4  }
0xd: {  	[smem:$0x3FAD] =	sst s5  }
0xe: {  	[smem:$0x3FAE] =	sst s6  }
0xf: {  	[smem:$0x3FAF] =	sst s7  }
0x10: {  	[smem:$0x3FB0] =	sst s8  }
0x11: {  	[smem:$0x3FB1] =	sst s9;
	s0 =	simm.s32 @!p0 $0x0  }
0x12: {  	s1 =	sld [smem:$0x3F97];
	s0 =	simm.s32 @p0 $0x1  }
0x13: {  	[smem:$0x3FB2] =	sst s0;
	s0 =	simm.s32 @!p1 $0x0  }
0x14: {  	s2 =	sld [smem:$0x3F96];
	s0 =	simm.s32 @p1 $0x1  }
0x15: {  	[smem:$0x3FB3] =	sst s0;
	s0 =	simm.s32 @!p2 $0x0  }
0x16: {  	s3 =	sld [smem:$0x3FDB];
	s0 =	simm.s32 @p2 $0x1  }
0x17: {  	s4 =	simm.s32 $0x1BF5;
	[smem:$0x3FB5] =	sst s0  }
0x18: {  	s0 =	sld [smem:$0x3F98];
	_ =	swait.ge [sflag:s4], $0x0  }
0x19: {  	s7 =	sld [smem:$0x3F99]  }
0x1a: {  	s8 =	sadd.s32 $0xFFFFE003, lr  }
0x1b: {  	s9 =	sadd.s32 $0xFFFFFEF7, lr;
	s5 =	simm.s32 $0xFFFFFFFF;
	p2 =	slt.u32 s8, $0xFFFFF086  }
0x1c: {  	p1 =	slt.u32 s9, $0xF7A;
	s5 =	simm.s32 @!p2 $0x0  }
0x1d: {  	s5 =	simm.s32 @p1 $0x1;
	p0 =	seq.s32 s7, s2  }
0x1e: {  	s7 =	smul.u32 @!p0 $0xF7A, s2;
	p2 =	seq.s32 @!p0 s5, $0x0  }
0x1f: {  	s9 =	smul.u32 $0xF7A, s1;
	s8 =	simm.s32 @!p0 $0x1BF5;
	p2 =	por !p2, p0  }
0x20: {  	[sflag:s8] =	ssyncset.s32 @!p0 $0xFFFFF086;
	s6 =	sadd.s32 @!p0 s3, s7;
	s7 =	simm.s32 @!p0 $0x108  }
0x21: {  	s3 =	sadd.s32 s3, s9;
	s6 =	sadd.s32 @!p0 $0x88, s6;
	s7 =	simm.s32 @p2 $0x1082  }
0x22: {  	[simem:s7], [sflag:s8] =	dma.local @!p0 [hbm:s6], $0xF7A  }
0x23: {  	s9 =	sor.u32 $0xD0000000, s2;
	s6 =	simm.s32 $0x108;
	_ =	swait.ge @!p0 [sflag:s8], $0x0  }
0x24: {  	s3 =	sadd.s32 $0x88, s3;
	s6 =	simm.s32 @!p1 $0x1082;
	[sflag:s4] =	ssyncset.s32 $0xFFFFF086  }
0x25: {  	[simem:s6], [sflag:s4] =	dma.local [hbm:s3], $0xF7A  }
0x26: {  	[smem:$0x3F99] =	sst s1;
	(tag) =	ssettag s2;
	_ =	strace s9  }
0x27: {  	s1 =	sld [smem:$0x3FA9]  }
0x28: {  	s2 =	sld [smem:$0x3FAA]  }
0x29: {  	s4 =	sld [smem:$0x3FAC]  }
0x2a: {  	p0 =	seq.s32 s5, $0x0;
	s5 =	sld [smem:$0x3FAD]  }
0x2b: {  	s6 =	sld [smem:$0x3FAE]  }
0x2c: {  	s7 =	sld [smem:$0x3FAF]  }
0x2d: {  	s3 =	simm.s32 $0x108;
	s8 =	sld [smem:$0x3FB0]  }
0x2e: {  	s3 =	simm.s32 @!p0 $0x1082;
	s9 =	sld [smem:$0x3FB1]  }
0x2f: {  	lr =	sadd.s32 s0, s3;
	s0 =	sld [smem:$0x3FA8]  }
0x30: {  	s3 =	sld [smem:$0x3FAB]  }
0x31: {  	[smem:$0x3FB4] =	sst s10  }
0x32: {  	s10 =	sld [smem:$0x3FB2];
	_ =	sdelay $0x3  }
0x33: {  	p0 =	seq.s32 s10, $0x1;
	s10 =	sld [smem:$0x3FB4];
	_ =	sdelay $0x3  }
0x34: {  	[smem:$0x3FB4] =	sst s10  }
0x35: {  	s10 =	sld [smem:$0x3FB3];
	_ =	sdelay $0x3  }
0x36: {  	p1 =	seq.s32 s10, $0x1;
	s10 =	sld [smem:$0x3FB4];
	_ =	sdelay $0x3  }
0x37: {  	[smem:$0x3FB4] =	sst s10  }
0x38: {  	s10 =	sld [smem:$0x3FB5]  }
0x39: {  	_ = 	snop;
	(pc) =	sbr.ind lr, $3  }
0x3a: {  	_ = 	snop  }
0x3b: {  	_ = 	snop  }
0x3c: {  	p2 =	seq.s32 s10, $0x1;
	s10 =	sld [smem:$0x3FB4]  }
0x3d: {  	_ =	shalt  }
0x3e: {  	_ =	shalt  }
0x3f: {  	_ =	shalt  }
0x40: {  	_ =	shalt  }
0x41: {  	_ =	shalt  }
0x42: {  	_ =	shalt  }
0x43: {  	_ =	shalt  }
0x44: {  	_ =	shalt  }
0x45: {  	_ =	shalt  }
0x46: {  	_ =	shalt  }
0x47: {  	_ =	shalt  }
0x48: {  	_ =	shalt  }
0x49: {  	_ =	shalt  }
0x4a: {  	_ =	shalt  }
0x4b: {  	_ =	shalt  }
0x4c: {  	_ =	shalt  }
0x4d: {  	_ =	shalt  }
0x4e: {  	_ =	shalt  }
0x4f: {  	_ =	shalt  }
0x50: {  	_ =	shalt  }
0x51: {  	_ =	shalt  }
0x52: {  	_ =	shalt  }
0x53: {  	_ =	shalt  }
0x54: {  	_ =	shalt  }
0x55: {  	_ =	shalt  }
0x56: {  	_ =	shalt  }
0x57: {  	_ =	shalt  }
0x58: {  	_ =	shalt  }
0x59: {  	_ =	shalt  }
0x5a: {  	_ =	shalt  }
0x5b: {  	_ =	shalt  }
0x5c: {  	_ =	shalt  }
0x5d: {  	_ =	shalt  }
0x5e: {  	_ =	shalt  }
0x5f: {  	_ =	shalt  }
0x60: {  	_ =	shalt  }
0x61: {  	_ =	shalt  }
0x62: {  	_ =	shalt  }
0x63: {  	_ =	shalt  }
0x64: {  	_ =	shalt  }
0x65: {  	_ =	shalt  }
0x66: {  	_ =	shalt  }
0x67: {  	_ =	shalt  }
0x68: {  	_ =	shalt  }
0x69: {  	_ =	shalt  }
0x6a: {  	_ =	shalt  }
0x6b: {  	_ =	shalt  }
0x6c: {  	_ =	shalt  }
0x6d: {  	_ =	shalt  }
0x6e: {  	_ =	shalt  }
0x6f: {  	_ =	shalt  }
0x70: {  	_ =	shalt  }
0x71: {  	_ =	shalt  }
0x72: {  	_ =	shalt  }
0x73: {  	_ =	shalt  }
0x74: {  	_ =	shalt  }
0x75: {  	_ =	shalt  }
0x76: {  	_ =	shalt  }
0x77: {  	_ =	shalt  }
0x78: {  	_ =	shalt  }
0x79: {  	_ =	shalt  }
0x7a: {  	_ =	shalt  }
0x7b: {  	_ =	shalt  }
0x7c: {  	_ =	shalt  }
0x7d: {  	_ =	shalt  }
0x7e: {  	_ =	shalt  }
0x7f: {  	_ =	shalt  }
0x80: {  	_ =	shalt  }
0x81: {  	_ =	shalt  }
0x82: {  	_ =	shalt  }
0x83: {  	_ =	shalt  }
0x84: {  	_ =	shalt  }
0x85: {  	_ =	shalt  }
0x86: {  	_ =	shalt  }
0x87: {  	_ =	shalt  }
.Lfunc_end0:
.L_simem_size_0:
called_computation.1_lowered:
.L_overlay_start_0:
0x88: {  	s2 =	sld [smem:$0x3FD9]  }
0x89: {  	s3 =	sld [smem:$0x3FFE];
	_ =	sdelay $0x1  }
0x8a: {  	s1 =	srdreg.scid  }
0x8b: {  	s0 =	sand.u32 $0x1, s1  }
0x8c: {  	s17 =	sshll.u32 s0, $0xA;
	s2 =	sadd.s32 s3, s2  }
0x8d: {  	s2 =	sadd.s32 s2, s17  }
0x8e: {  	[smem:$0x3FC0] =	sst s2  }
0x8f: {  	_ = 	snop  }
0x90: {  	s2 =	sld [smem:$0x3FD0];
	(tm) =	ssettm $0x1  }
0x91: {  	s18 =	sld [smem:$0x3FFB];
	_ =	sdelay $0x3  }
0x92: {  	_ =	strace s18  }
0x93: {  	s3 =	sld [smem:$0x3FFC];
	_ =	sdelay $0x3  }
0x94: {  	_ =	strace s3  }
0x95: {  	s3 =	sld [smem:$0x3FFD];
	_ =	sdelay $0x3  }
0x96: {  	_ =	strace s3  }
0x97: {  	_ =	strace $0x8FFFFFFF  }
0x98: {  	s19 =	sld [smem:$0x3FDB];
	_ =	sdelay $0x1  }
0x99: {  	s4 =	simm.s32 $_scs_section_size  }
0x9a: {  	s5 =	simm.s32 $_size__tile_overlayer_lowered;
	s6 =	simm.s32 $_tile_overlayer_lowered  }
0x9b: {  	s22 =	simm.s32 $0x1BFF;
	s21 =	sshll.u32 s6, $0x1;
	s3 =	sadd.s32 s4, s19  }
0x9c: {  	s7 =	simm.s32 $0x0;
	s20 =	sshll.u32 s5, $0x1;
	s5 =	sadd.s32 s21, s3  }
0x9d: {  	[timem:s7], [sflag:s22] =	dma.local [hbm:s5], s20  }
0x9e: {  	_ =	swait.ge [sflag:s22], s20  }
0x9f: {  	s4 =	ssub.s32 $0x0, s20;
	[sflag:s22] =	ssyncset.done $0x0  }
0xa0: {  	[sflag:s22] =	ssyncadd.s32 s4;
	_ =	sdelay $0x1  }
0xa1: {  	s23 =	simm.s32 $0x1B8B  }
0xa2: {  	_ =	swait.ge [sflag:s23], $0x1  }
0xa3: {  	[sflag:s23] =	ssyncset.done $0x0  }
0xa4: {  	s25 =	simm.s32 $0x1B8E;
	s24 =	sld [smem:$0x3FFE];
	[sflag:s23] =	ssyncadd.s32 $0xFFFFFFFF  }
0xa5: {  	s26 =	simm.s32 $execute0_lowered;
	[smem:$0x3FD2] =	sst s25  }
0xa6: {  	s5 =	sshll.u32 s26, $0x1;
	_ =	strace $0x80000049;
	[dreg:$0x1] =	wrdreg $0xFFFFFFFF  }
0xa7: {  	s28 =	simm.s32 $_size_execute0_lowered;
	s3 =	sadd.s32 s3, s5;
	[dreg:$0x0] =	wrdreg $0x0  }
0xa8: {  	s5 =	sshll.u32 s28, $0x1;
	[dreg:$0x2] =	wrdreg s3  }
0xa9: {  	[dreg:$0x3] =	wrdreg s5  }
0xaa: {  	[dreg:$0x4] =	wrdreg $0xC0  }
0xab: {  	_ =	task [dreg:s7], $0x5FFFF  }
0xac: {  	[dreg:$0x1] =	wrdreg $0xFFFFFFFF  }
0xad: {  	[dreg:$0x0] =	wrdreg $0x60  }
0xae: {  	[dreg:$0x2] =	wrdreg s24  }
0xaf: {  	[dreg:$0x3] =	wrdreg s2  }
0xb0: {  	[dreg:$0x4] =	wrdreg $0x84000  }
0xb1: {  	[dreg:$0x5] =	wrdreg $0x9  }
0xb2: {  	_ =	task.clear_ibuf [dreg:s7], $0x6FFFF;
	_ =	strace $0x90000049  }
0xb3: {  	s29 =	simm.s32 $0x9;
	_ =	strace $0x8000004B  }
0xb4: {  	_ =	swait.ge [sflag:s29], $0x1  }
0xb5: {  	[sflag:s29] =	ssyncadd.s32 $0xFFFFFFFF  }
0xb6: {  	_ =	strace $0x9000004B  }
0xb7: {  	_ =	sfence  }
0xb8: {  	s30 =	sld [smem:$0x0];
	_ =	sdelay $0x2  }
0xb9: {  	s31 =	sshll.u32 s1, $0xD;
	s1 =	sshrl.u32 s1, $0x2  }
0xba: {  	s3 =	sand.u32 $0x4000, s31;
	s1 =	sadd.s32 s1, s30  }
0xbb: {  	s0 =	sor.u32 s3, s0;
	s1 =	sshll.u32 s1, $0x11  }
0xbc: {  	s0 =	sor.u32 s1, s0  }
0xbd: {  	s0 =	sadd.s32 $0x8F2B, s0  }
0xbe: {  	[sflag:s0] =	ssyncadd.remote.s32 $0x1  }
0xbf: {  	_ =	sfence.sel $0xFFFF  }
0xc0: {  	[dreg:$0x0] =	wrdreg $0xFFFFFFFF;
	(pc) =	sbr.abs _section_cstart, $3  }
0xc1: {  	[dreg:$0x1] =	wrdreg $0xFFFFFFFF  }
0xc2: {  	_ =	task.clear_ibuf [dreg:s7], $0x2FFFF;
	_ =	strace $0x9FFFFFFF  }
0xc3: {  	(tm) =	ssettm $0x7FFFFFFF  }
tec
execute0_lowered:
.L_overlay_start_1:
0x0: {  	(tag) =	ssettag $0x1  }
0x1: {  	s0 =	rddreg [dreg:$0x0];
	s1 =	srdreg.scid  }
0x2: {  	s2 =	rddreg [dreg:$0x1];
	s10 =	stileid.u32  }
0x3: {  	s3 =	rddreg [dreg:$0x2];
	s4 =	simm.s32 $0x0;
	s28 =	simm.s32 $0x300  }
0x4: {  	s29 =	simm.s32 $0x6;
	s30 =	simm.s32 $0x4400;
	s6 =	smul.u32 $0x14000, s10  }
0x5: {  	s31 =	simm.s32 $0x1;
	s1 =	sand.u32 $0x1, s1;
	s7 =	smul.u32 $0x50000, s10  }
0x6: {  	[smem:$0x7FF] =	sst s4;
	s9 =	sshll.u32 s10, $0x1;
	s13 =	smul.u32 $0xE800, s10  }
0x7: {  	s10 =	simm.s32 $0x0;
	s5 =	smul.u32 $0x140000, s1;
	_ =	strace $0x8000004A  }
0x8: {  	s24 =	ssub.s32 $0x2, s1;
	s25 =	sor.u32 s1, s9;
	p0 =	seq.s32 s1, $0x0  }
0x9: {  	s1 =	smul.u32 $0x7400, s1;
	s8 =	sshrl.u32 s24, $0x1;
	s7 =	sshrl.u32 s7, $0x2  }
0xa: {  	s9 =	smul.u32 $0x7400, s25;
	s25 =	simm.s32 $0x280;
	s5 =	sadd.s32 s6, s5  }
0xb: {  	s16 =	sadd.s32 s7, s3;
	s17 =	sadd.s32 s1, s13;
	[dreg:$0x6] =	wrdreg s25  }
0xc: {  	s6 =	sshrl.u32 s5, $0x3;
	s5 =	sadd.s32 $0x2400, s0;
	s7 =	sadd.s32 $0x4000, s16  }
0xd: {  	s26 =	sadd.s32 $0x8000, s16;
	s11 =	sadd.s32 $0xC000, s16;
	[dreg:$0x8] =	wrdreg s7  }
0xe: {  	s12 =	sadd.s32 $0x10000, s16;
	s19 =	sadd.s32 $0x600, s17;
	[dreg:$0x9] =	wrdreg s26  }
0xf: {  	s20 =	sadd.s32 $0x500, s17;
	s21 =	sor.u32 $0x300, s17;
	[dreg:$0xa] =	wrdreg s11  }
0x10: {  	s0 =	sadd.s32 s6, s0;
	s6 =	ssub.s32 s24, s8;
	[dreg:$0xb] =	wrdreg s12  }
0x11: {  	s11 =	simm.s32 $0x1D;
	s7 =	sshrl.u32 s9, $0x3;
	s24 =	simm.s32 $0x180  }
0x12: {  	s1 =	sshrl.u32 s19, $0x3;
	s26 =	simm.s32 $0x380;
	[dreg:$0x5] =	wrdreg s24  }
0x13: {  	s23 =	sshrl.u32 s21, $0x3;
	s7 =	sadd.s32 s2, s7;
	[dreg:$0x7] =	wrdreg s26  }
0x14: {  	s21 =	simm.s32 $0x400;
	s0 =	sadd.s32 $0x2A400, s0;
	[dreg:$0xc] =	wrdreg s7  }
0x15: {  	s8 =	simm.s32 $0x4;
	s18 =	smax.u32 s6, $0x1;
	[dreg:$0xf] =	wrdreg s0  }
0x16: {  	s9 =	simm.s32 $0x8;
	s1 =	sadd.s32 s1, s2;
	[dreg:$0x10] =	wrdreg s18  }
0x17: {  	s11 =	simm.s32 @!p0 $0xB;
	s14 =	sadd.s32 $0x20, s7;
	[dreg:$0x11] =	wrdreg s1  }
0x18: {  	s6 =	sshrl.u32 s20, $0x3;
	s7 =	sadd.s32 $0x40, s7;
	[dreg:$0xd] =	wrdreg s14  }
0x19: {  	s12 =	sadd.s32 s23, s2;
	s15 =	sadd.s32 $0xFFFFFFFF, s11;
	[dreg:$0xe] =	wrdreg s7  }
0x1a: {  	s23 =	simm.s32 $0x100;
	s22 =	sadd.s32 s6, s2;
	[dreg:$0x4] =	wrdreg s15  }
0x1b: {  	s24 =	simm.s32 $0x200;
	s0 =	sadd.s32 $0x400, s17;
	[dreg:$0x12] =	wrdreg s22  }
0x1c: {  	s26 =	simm.s32 $0x80;
	s1 =	simm.s32 $0x3;
	[dreg:$0x13] =	wrdreg s0  }
0x1d: {  	v0 =	vimm.f32 $0.0e+00;
	s22 =	simm.s32 $0x9;
	s0 =	simm.s32 $0x7;
	s7 =	simm.s32 $0x2  }
.LBB2_1:
0x1e: {  	s6 =	simm.s32 $0x0;
	s13 =	simm.s32 $0x200  }
.LBB2_2:
0x1f: {  	p0 =	sne.s32 s13, $0xFE00;
	[tilespmem:s6+$0x470] =	vst v0  }
0x20: {  	[tilespmem:s6+$0x400] =	vst v0  }
0x21: {  	[tilespmem:s6+$0x410] =	vst v0  }
.Ltmp0:
0x22: {  	[tilespmem:s6+$0x420] =	vst v0;
	(pc) =	sbr.rel @p0 .LBB2_2-.Ltmp0, $4  }
0x23: {  	[tilespmem:s6+$0x430] =	vst v0  }
0x24: {  	[tilespmem:s6+$0x440] =	vst v0  }
0x25: {  	[tilespmem:s6+$0x450] =	vst v0  }
0x26: {  	[tilespmem:s6+$0x460] =	vst v0;
	s6 =	sshra.s32 s13, $0x2;
	s13 =	sadd.s32 $0x200, s13  }
0x27: {  	[tilespmem:s6+$0x470] =	vst v0  }
0x28: {  	[tilespmem:s6+$0x400] =	vst v0  }
0x29: {  	[tilespmem:s6+$0x410] =	vst v0  }
0x2a: {  	[tilespmem:s6+$0x420] =	vst v0  }
0x2b: {  	[tilespmem:s6+$0x430] =	vst v0  }
0x2c: {  	[tilespmem:s6+$0x440] =	vst v0  }
0x2d: {  	[tilespmem:s6+$0x450] =	vst v0  }
0x2e: {  	[tilespmem:s6+$0x460] =	vst v0  }
0x2f: {  	[spmem:s16] =	stream.linear.scatter [tilespmem:s21], [sflag:$0x9], $0x4000, $0x38;
	[tilespmem:$0x1C400] =	vst v63  }
0x30: {  	_ =	swait.ge [sflag:s22], $0x4000  }
0x31: {  	[sflag:s22] =	ssyncset.done $0x0  }
0x32: {  	s14 =	rddreg [dreg:$0x8];
	[sflag:s22] =	ssyncadd.s32 $0xFFFFC000  }
0x33: {  	[spmem:s14] =	stream.linear.scatter [tilespmem:s21], [sflag:$0x9], $0x4000, $0x38;
	[tilespmem:$0x1C400] =	vst v63  }
0x34: {  	_ =	swait.ge [sflag:s22], $0x4000  }
0x35: {  	[sflag:s22] =	ssyncset.done $0x0  }
0x36: {  	s15 =	rddreg [dreg:$0x9];
	[sflag:s22] =	ssyncadd.s32 $0xFFFFC000  }
0x37: {  	[spmem:s15] =	stream.linear.scatter [tilespmem:s21], [sflag:$0x9], $0x4000, $0x38;
	[tilespmem:$0x1C400] =	vst v63  }
0x38: {  	_ =	swait.ge [sflag:s22], $0x4000  }
0x39: {  	[sflag:s22] =	ssyncset.done $0x0  }
0x3a: {  	s17 =	rddreg [dreg:$0xa];
	[sflag:s22] =	ssyncadd.s32 $0xFFFFC000  }
0x3b: {  	[spmem:s17] =	stream.linear.scatter [tilespmem:s21], [sflag:$0x9], $0x4000, $0x38;
	[tilespmem:$0x1C400] =	vst v63  }
0x3c: {  	_ =	swait.ge [sflag:s22], $0x4000  }
0x3d: {  	[sflag:s22] =	ssyncset.done $0x0  }
0x3e: {  	s18 =	rddreg [dreg:$0xb];
	[sflag:s22] =	ssyncadd.s32 $0xFFFFC000  }
0x3f: {  	[spmem:s18] =	stream.linear.scatter [tilespmem:s21], [sflag:$0x9], $0x4000, $0x38;
	[tilespmem:$0x1C400] =	vst v63  }
0x40: {  	_ =	swait.ge [sflag:s22], $0x4000  }
0x41: {  	[sflag:s22] =	ssyncset.done $0x0  }
0x42: {  	[sflag:s22] =	ssyncadd.s32 $0xFFFFC000  }
0x43: {  	[bflag:$0x0] =	sbarrier.arrive $0xFFFF  }
0x44: {  	s6 =	simm.s32 $0x0;
	s13 =	rddreg [dreg:$0xc]  }
0x45: {  	[tilespmem:s6], [sflag:$0x5] =	stream.linear.gather [hbm4b:s13+s6], $0x100, $0x38;
	[tilespmem:$0x1C400] =	vst v63  }
0x46: {  	s19 =	rddreg [dreg:$0xd]  }
0x47: {  	[tilespmem:s23], [sflag:$0x6] =	stream.linear.gather [hbm4b:s19+s6], $0x100, $0x38;
	[tilespmem:$0x1C400] =	vst v63  }
0x48: {  	p2 =	sne.s32 s11, $0x1;
	s20 =	rddreg [dreg:$0xe]  }
0x49: {  	[tilespmem:s24], [sflag:$0x7] =	stream.linear.gather [hbm4b:s20+s6], $0x100, $0x38;
	[tilespmem:$0x1C400] =	vst v63  }
.Ltmp1:
0x4a: {  	s25 =	simm.s32 $0x5;
	(pc) =	sbr.rel @!p2 .LBB2_4-.Ltmp1, $4  }
0x4b: {  	_ =	swait.ge [sflag:s25], $0x100  }
0x4c: {  	p0 =	por $0x1, $0x1;
	p1 =	por $0x0, $0x0;
	[sflag:s25] =	ssyncset.done $0x0  }
0x4d: {  	p0 =	por p0, p0;
	s13 =	simm.s32 $0x1;
	[sflag:s25] =	ssyncadd.s32 $0xFFFFFF00  }
0x4e: {  	[tilespmem:s21], [sflag:$0x1] =	stream.indirect.gather [hbm4b:s5+s26], $0x80, s6, s26, $0xb8;
	[tilespmem:$0x1C400] =	vst v63  }
0x4f: {  	s6 =	simm.s32 @!p0 $0x4  }
0x50: {  	_ =	swait.ge @!p0 [sflag:s6], $0x4000  }
0x51: {  	[sflag:s6] =	ssyncset.done @!p0 $0x0  }
0x52: {  	[sflag:s6] =	ssyncadd.s32 @!p0 $0xFFFFC000  }
0x53: {  	[tilespmem:s28], [sflag:$0x8] =	stream.linear.gather [hbm4b:s12+s4], $0x100, $0x38;
	[tilespmem:$0x1C400] =	vst v63  }
0x54: {  	_ =	swait.ge [sflag:s29], $0x100  }
0x55: {  	[sflag:s29] =	ssyncset.done $0x0  }
0x56: {  	[sflag:s29] =	ssyncadd.s32 $0xFFFFFF00  }
0x57: {  	[tilespmem:s30], [sflag:$0x2] =	stream.indirect.gather [hbm4b:s5+s26], $0x80, s23, s26, $0xb8;
	[tilespmem:$0x1C400] =	vst v63  }
0x58: {  	_ =	swait.ge [sflag:s31], $0x4000  }
0x59: {  	[sflag:s31] =	ssyncset.done $0x0  }
0x5a: {  	[sflag:s31] =	ssyncadd.s32 $0xFFFFC000  }
0x5b: {  	[spmem:s3] =	stream.indirect.scatter.add.f32 [tilespmem:s21], [sflag:$0x3], $0x80, s26, s26, $0xb8;
	[tilespmem:$0x1C400] =	vst v63  }
0x5c: {  	_ =	swait.ge [sflag:s1], $0x4000  }
0x5d: {  	s19 =	rddreg [dreg:$0x4]  }
0x5e: {  	p0 =	sle.u32 s19, $0x0;
	s19 =	rddreg [dreg:$0x13]  }
0x5f: {  	[sflag:s1] =	ssyncset.done $0x0;
	s6 =	sshrl.u32 @!p0 s19, $0x3  }
0x60: {  	[sflag:s1] =	ssyncadd.s32 $0xFFFFC000;
	s14 =	simm.s32 @!p0 $0x0;
	s6 =	sadd.s32 @!p0 s2, s6  }
0x61: {  	[tilespmem:s14], [sflag:$0x5] =	stream.linear.gather @!p0 [hbm4b:s6+s14], $0x100, $0x38;
	[tilespmem:$0x1C400] =	vst v63  }
0x62: {  	_ =	swait.ge [sflag:s0], $0x100  }
0x63: {  	[sflag:s0] =	ssyncset.done $0x0  }
0x64: {  	[sflag:s0] =	ssyncadd.s32 $0xFFFFFF00  }
0x65: {  	[tilespmem:s21], [sflag:$0x1] =	stream.indirect.gather [hbm4b:s5+s26], $0x80, s24, s26, $0xb8;
	[tilespmem:$0x1C400] =	vst v63  }
0x66: {  	_ =	swait.ge [sflag:s7], $0x4000  }
0x67: {  	[sflag:s7] =	ssyncset.done $0x0  }
0x68: {  	s20 =	rddreg [dreg:$0x5];
	[sflag:s7] =	ssyncadd.s32 $0xFFFFC000  }
0x69: {  	[spmem:s3] =	stream.indirect.scatter.add.f32 [tilespmem:s30], [sflag:$0x4], $0x80, s20, s26, $0xb8;
	[tilespmem:$0x1C400] =	vst v63  }
0x6a: {  	_ =	swait.ge [sflag:s8], $0x4000  }
0x6b: {  	[sflag:s8] =	ssyncset.done $0x0  }
0x6c: {  	s6 =	simm.s32 @!p0 $0x100;
	s18 =	rddreg [dreg:$0x12];
	[sflag:s8] =	ssyncadd.s32 $0xFFFFC000  }
0x6d: {  	[tilespmem:s6], [sflag:$0x6] =	stream.linear.gather @!p0 [hbm4b:s18+s14], $0x100, $0x38;
	[tilespmem:$0x1C400] =	vst v63  }
0x6e: {  	_ =	swait.ge [sflag:s9], $0x100  }
0x6f: {  	[sflag:s9] =	ssyncset.done $0x0  }
0x70: {  	[sflag:s9] =	ssyncadd.s32 $0xFFFFFF00  }
0x71: {  	[tilespmem:s30], [sflag:$0x2] =	stream.indirect.gather [hbm4b:s5+s26], $0x80, s28, s26, $0xb8;
	[tilespmem:$0x1C400] =	vst v63  }
0x72: {  	_ =	swait.ge [sflag:s31], $0x4000  }
0x73: {  	[sflag:s31] =	ssyncset.done $0x0  }
0x74: {  	s25 =	rddreg [dreg:$0x6];
	[sflag:s31] =	ssyncadd.s32 $0xFFFFC000  }
0x75: {  	[spmem:s3] =	stream.indirect.scatter.add.f32 [tilespmem:s21], [sflag:$0x3], $0x80, s25, s26, $0xb8;
	[tilespmem:$0x1C400] =	vst v63  }
0x76: {  	_ =	swait.ge [sflag:s1], $0x4000  }
0x77: {  	p1 =	por $0x0, $0x0;
	s17 =	simm.s32 @!p0 $0x5;
	[sflag:s1] =	ssyncset.done $0x0  }
0x78: {  	s6 =	simm.s32 @!p0 $0x200;
	s15 =	rddreg [dreg:$0x11];
	[sflag:s1] =	ssyncadd.s32 $0xFFFFC000  }
0x79: {  	[tilespmem:s6], [sflag:$0x7] =	stream.linear.gather @!p0 [hbm4b:s15+s14], $0x100, $0x38;
	[tilespmem:$0x1C400] =	vst v63  }
0x7a: {  	p2 =	sne.s32 s11, $0x2;
	s19 =	sadd.s32 $0x400, s19;
	_ =	swait.ge @!p0 [sflag:s17], $0x100  }
0x7b: {  	s20 =	sadd.s32 $0x80, s12;
	s6 =	simm.s32 @!p0 $0x80;
	[sflag:s17] =	ssyncset.done @!p0 $0x0  }
.Ltmp2:
0x7c: {  	[sflag:s17] =	ssyncadd.s32 @!p0 $0xFFFFFF00;
	s17 =	simm.s32 @!p0 $0x400;
	(pc) =	sbr.rel @!p2 .LBB2_6-.Ltmp2, $4  }
0x7d: {  	[tilespmem:s17], [sflag:$0x1] =	stream.indirect.gather @!p0 [hbm4b:s5+s6], $0x80, s14, s6, $0xb8;
	[tilespmem:$0x1C400] =	vst v63  }
0x7e: {  	s18 =	sadd.s32 $0x80, s18;
	s25 =	simm.s32 $0x2;
	_ =	swait.ge [sflag:s7], $0x4000  }
0x7f: {  	p0 =	por p1, p1;
	s17 =	sadd.s32 $0x80, s15;
	[sflag:s7] =	ssyncset.done $0x0  }
0x80: {  	p1 =	por $0x1, $0x1;
	s14 =	rddreg [dreg:$0x7];
	[sflag:s7] =	ssyncadd.s32 $0xFFFFC000  }
.LBB2_7:
0x81: {  	[spmem:s3] =	stream.indirect.scatter.add.f32 [tilespmem:s30], [sflag:$0x4], $0x80, s14, s26, $0xb8;
	[tilespmem:$0x1C400] =	vst v63  }
0x82: {  	s14 =	simm.s32 @!p0 $0x4  }
0x83: {  	_ =	swait.ge @!p0 [sflag:s14], $0x4000  }
0x84: {  	[sflag:s14] =	ssyncset.done @!p0 $0x0  }
0x85: {  	[sflag:s14] =	ssyncadd.s32 @!p0 $0xFFFFC000  }
0x86: {  	[tilespmem:s28], [sflag:$0x8] =	stream.linear.gather [hbm4b:s20+s4], $0x100, $0x38;
	[tilespmem:$0x1C400] =	vst v63  }
0x87: {  	_ =	swait.ge [sflag:s29], $0x100  }
0x88: {  	[sflag:s29] =	ssyncset.done $0x0  }
0x89: {  	[sflag:s29] =	ssyncadd.s32 $0xFFFFFF00  }
0x8a: {  	[tilespmem:s30], [sflag:$0x2] =	stream.indirect.gather [hbm4b:s5+s26], $0x80, s23, s26, $0xb8;
	[tilespmem:$0x1C400] =	vst v63  }
0x8b: {  	_ =	swait.ge [sflag:s31], $0x4000  }
0x8c: {  	[sflag:s31] =	ssyncset.done $0x0  }
0x8d: {  	[sflag:s31] =	ssyncadd.s32 $0xFFFFC000  }
0x8e: {  	[spmem:s3] =	stream.indirect.scatter.add.f32 [tilespmem:s21], [sflag:$0x3], $0x80, s26, s26, $0xb8;
	[tilespmem:$0x1C400] =	vst v63  }
0x8f: {  	s6 =	smov.u32 s25;
	_ =	swait.ge [sflag:s1], $0x4000  }
0x90: {  	p3 =	seq.s32 s6, $0x0;
	s15 =	rddreg [dreg:$0x4]  }
0x91: {  	p0 =	por p3, p3;
	p3 =	sge.u32 s13, s15  }
0x92: {  	[sflag:s1] =	ssyncset.done $0x0;
	s13 =	smov.u32 s6;
	s6 =	sshrl.u32 @!p3 s19, $0x3  }
0x93: {  	[sflag:s1] =	ssyncadd.s32 $0xFFFFC000;
	s14 =	sadd.s32 @!p3 s2, s6;
	s6 =	simm.s32 @!p3 $0x0  }
0x94: {  	[tilespmem:s6], [sflag:$0x5] =	stream.linear.gather @!p3 [hbm4b:s14+s6], $0x100, $0x38;
	[tilespmem:$0x1C400] =	vst v63  }
0x95: {  	_ =	swait.ge [sflag:s0], $0x100  }
0x96: {  	[sflag:s0] =	ssyncset.done $0x0  }
0x97: {  	[sflag:s0] =	ssyncadd.s32 $0xFFFFFF00  }
0x98: {  	[tilespmem:s21], [sflag:$0x1] =	stream.indirect.gather [hbm4b:s5+s26], $0x80, s24, s26, $0xb8;
	[tilespmem:$0x1C400] =	vst v63  }
0x99: {  	_ =	swait.ge [sflag:s7], $0x4000  }
0x9a: {  	[sflag:s7] =	ssyncset.done $0x0  }
0x9b: {  	s15 =	rddreg [dreg:$0x5];
	[sflag:s7] =	ssyncadd.s32 $0xFFFFC000  }
0x9c: {  	[spmem:s3] =	stream.indirect.scatter.add.f32 [tilespmem:s30], [sflag:$0x4], $0x80, s15, s26, $0xb8;
	[tilespmem:$0x1C400] =	vst v63  }
0x9d: {  	_ =	swait.ge [sflag:s8], $0x4000  }
0x9e: {  	[sflag:s8] =	ssyncset.done $0x0  }
0x9f: {  	s14 =	simm.s32 @!p3 $0x100;
	[sflag:s8] =	ssyncadd.s32 $0xFFFFC000  }
0xa0: {  	[tilespmem:s14], [sflag:$0x6] =	stream.linear.gather @!p3 [hbm4b:s18+s6], $0x100, $0x38;
	[tilespmem:$0x1C400] =	vst v63  }
0xa1: {  	_ =	swait.ge [sflag:s9], $0x100  }
0xa2: {  	[sflag:s9] =	ssyncset.done $0x0  }
0xa3: {  	[sflag:s9] =	ssyncadd.s32 $0xFFFFFF00  }
0xa4: {  	[tilespmem:s30], [sflag:$0x2] =	stream.indirect.gather [hbm4b:s5+s26], $0x80, s28, s26, $0xb8;
	[tilespmem:$0x1C400] =	vst v63  }
0xa5: {  	_ =	swait.ge [sflag:s31], $0x4000  }
0xa6: {  	[sflag:s31] =	ssyncset.done $0x0  }
0xa7: {  	s15 =	rddreg [dreg:$0x6];
	[sflag:s31] =	ssyncadd.s32 $0xFFFFC000  }
0xa8: {  	[spmem:s3] =	stream.indirect.scatter.add.f32 [tilespmem:s21], [sflag:$0x3], $0x80, s15, s26, $0xb8;
	[tilespmem:$0x1C400] =	vst v63  }
0xa9: {  	_ =	swait.ge [sflag:s1], $0x4000  }
0xaa: {  	[sflag:s1] =	ssyncset.done $0x0  }
0xab: {  	s14 =	simm.s32 @!p3 $0x200;
	s15 =	simm.s32 @!p3 $0x5;
	[sflag:s1] =	ssyncadd.s32 $0xFFFFC000  }
0xac: {  	[tilespmem:s14], [sflag:$0x7] =	stream.linear.gather @!p3 [hbm4b:s17+s6], $0x100, $0x38;
	[tilespmem:$0x1C400] =	vst v63  }
0xad: {  	s25 =	sadd.s32 $0x1, s25;
	_ =	swait.ge @!p3 [sflag:s15], $0x100  }
0xae: {  	p2 =	sne.s32 s11, s25;
	s14 =	simm.s32 @!p3 $0x80;
	[sflag:s15] =	ssyncset.done @!p3 $0x0  }
.Ltmp3:
0xaf: {  	[sflag:s15] =	ssyncadd.s32 @!p3 $0xFFFFFF00;
	s15 =	simm.s32 @!p3 $0x400;
	(pc) =	sbr.rel @p2 .LBB2_7-.Ltmp3, $4  }
0xb0: {  	[tilespmem:s15], [sflag:$0x1] =	stream.indirect.gather @!p3 [hbm4b:s5+s14], $0x80, s6, s14, $0xb8;
	[tilespmem:$0x1C400] =	vst v63  }
0xb1: {  	s20 =	sadd.s32 $0x80, s20;
	_ =	swait.ge [sflag:s7], $0x4000  }
0xb2: {  	s19 =	sadd.s32 $0x400, s19;
	s18 =	sadd.s32 $0x80, s18;
	[sflag:s7] =	ssyncset.done $0x0  }
0xb3: {  	s17 =	sadd.s32 $0x80, s17;
	s14 =	rddreg [dreg:$0x7];
	[sflag:s7] =	ssyncadd.s32 $0xFFFFC000  }
0xb4: {  	s6 =	smov.u32 s13  }
.LBB2_9:
0xb5: {  	[spmem:s3] =	stream.indirect.scatter.add.f32 @p1 [tilespmem:s30], [sflag:$0x4], $0x80, s14, s26, $0xb8;
	[tilespmem:$0x1C400] =	vst v63  }
0xb6: {  	s13 =	simm.s32 @!p0 $0x4  }
0xb7: {  	_ =	swait.ge @!p0 [sflag:s13], $0x4000  }
0xb8: {  	[sflag:s13] =	ssyncset.done @!p0 $0x0  }
0xb9: {  	[sflag:s13] =	ssyncadd.s32 @!p0 $0xFFFFC000  }
0xba: {  	[tilespmem:s28], [sflag:$0x8] =	stream.linear.gather [hbm4b:s20+s4], $0x100, $0x38;
	[tilespmem:$0x1C400] =	vst v63  }
0xbb: {  	_ =	swait.ge [sflag:s29], $0x100  }
0xbc: {  	[sflag:s29] =	ssyncset.done $0x0  }
0xbd: {  	[sflag:s29] =	ssyncadd.s32 $0xFFFFFF00  }
0xbe: {  	[tilespmem:s30], [sflag:$0x2] =	stream.indirect.gather [hbm4b:s5+s26], $0x80, s23, s26, $0xb8;
	[tilespmem:$0x1C400] =	vst v63  }
0xbf: {  	_ =	swait.ge [sflag:s31], $0x4000  }
0xc0: {  	[sflag:s31] =	ssyncset.done $0x0  }
0xc1: {  	[sflag:s31] =	ssyncadd.s32 $0xFFFFC000  }
0xc2: {  	[spmem:s3] =	stream.indirect.scatter.add.f32 [tilespmem:s21], [sflag:$0x3], $0x80, s26, s26, $0xb8;
	[tilespmem:$0x1C400] =	vst v63  }
0xc3: {  	_ =	swait.ge [sflag:s1], $0x4000  }
0xc4: {  	s25 =	rddreg [dreg:$0x4]  }
0xc5: {  	p0 =	sge.u32 s6, s25  }
0xc6: {  	[sflag:s1] =	ssyncset.done $0x0;
	s6 =	sshrl.u32 @!p0 s19, $0x3  }
0xc7: {  	[sflag:s1] =	ssyncadd.s32 $0xFFFFC000;
	s13 =	simm.s32 @!p0 $0x0;
	s6 =	sadd.s32 @!p0 s2, s6  }
0xc8: {  	[tilespmem:s13], [sflag:$0x5] =	stream.linear.gather @!p0 [hbm4b:s6+s13], $0x100, $0x38;
	[tilespmem:$0x1C400] =	vst v63  }
0xc9: {  	_ =	swait.ge [sflag:s0], $0x100  }
0xca: {  	[sflag:s0] =	ssyncset.done $0x0  }
0xcb: {  	[sflag:s0] =	ssyncadd.s32 $0xFFFFFF00  }
0xcc: {  	[tilespmem:s21], [sflag:$0x1] =	stream.indirect.gather [hbm4b:s5+s26], $0x80, s24, s26, $0xb8;
	[tilespmem:$0x1C400] =	vst v63  }
0xcd: {  	_ =	swait.ge [sflag:s7], $0x4000  }
0xce: {  	[sflag:s7] =	ssyncset.done $0x0  }
0xcf: {  	s14 =	rddreg [dreg:$0x5];
	[sflag:s7] =	ssyncadd.s32 $0xFFFFC000  }
0xd0: {  	[spmem:s3] =	stream.indirect.scatter.add.f32 [tilespmem:s30], [sflag:$0x4], $0x80, s14, s26, $0xb8;
	[tilespmem:$0x1C400] =	vst v63  }
0xd1: {  	_ =	swait.ge [sflag:s8], $0x4000  }
0xd2: {  	[sflag:s8] =	ssyncset.done $0x0  }
0xd3: {  	s6 =	simm.s32 @!p0 $0x100;
	[sflag:s8] =	ssyncadd.s32 $0xFFFFC000  }
0xd4: {  	[tilespmem:s6], [sflag:$0x6] =	stream.linear.gather @!p0 [hbm4b:s18+s13], $0x100, $0x38;
	[tilespmem:$0x1C400] =	vst v63  }
0xd5: {  	_ =	swait.ge [sflag:s9], $0x100  }
0xd6: {  	[sflag:s9] =	ssyncset.done $0x0  }
0xd7: {  	[sflag:s9] =	ssyncadd.s32 $0xFFFFFF00  }
0xd8: {  	[tilespmem:s30], [sflag:$0x2] =	stream.indirect.gather [hbm4b:s5+s26], $0x80, s28, s26, $0xb8;
	[tilespmem:$0x1C400] =	vst v63  }
0xd9: {  	_ =	swait.ge [sflag:s31], $0x4000  }
0xda: {  	[sflag:s31] =	ssyncset.done $0x0  }
0xdb: {  	s15 =	rddreg [dreg:$0x6];
	[sflag:s31] =	ssyncadd.s32 $0xFFFFC000  }
0xdc: {  	[spmem:s3] =	stream.indirect.scatter.add.f32 [tilespmem:s21], [sflag:$0x3], $0x80, s15, s26, $0xb8;
	[tilespmem:$0x1C400] =	vst v63  }
0xdd: {  	_ =	swait.ge [sflag:s1], $0x4000  }
0xde: {  	[sflag:s1] =	ssyncset.done $0x0  }
0xdf: {  	s6 =	simm.s32 @!p0 $0x200;
	[sflag:s1] =	ssyncadd.s32 $0xFFFFC000  }
0xe0: {  	[tilespmem:s6], [sflag:$0x7] =	stream.linear.gather @!p0 [hbm4b:s17+s13], $0x100, $0x38;
	[tilespmem:$0x1C400] =	vst v63  }
0xe1: {  	s6 =	simm.s32 @!p0 $0x5  }
0xe2: {  	_ =	swait.ge @!p0 [sflag:s6], $0x100  }
0xe3: {  	[sflag:s6] =	ssyncset.done @!p0 $0x0  }
0xe4: {  	s14 =	simm.s32 @!p0 $0x400;
	[sflag:s6] =	ssyncadd.s32 @!p0 $0xFFFFFF00;
	s6 =	simm.s32 @!p0 $0x80  }
0xe5: {  	[tilespmem:s14], [sflag:$0x1] =	stream.indirect.gather @!p0 [hbm4b:s5+s6], $0x80, s13, s6, $0xb8;
	[tilespmem:$0x1C400] =	vst v63  }
0xe6: {  	_ =	swait.ge [sflag:s7], $0x4000  }
0xe7: {  	[sflag:s7] =	ssyncset.done $0x0  }
0xe8: {  	s17 =	rddreg [dreg:$0x7];
	[sflag:s7] =	ssyncadd.s32 $0xFFFFC000  }
0xe9: {  	[spmem:s3] =	stream.indirect.scatter.add.f32 [tilespmem:s30], [sflag:$0x4], $0x80, s17, s26, $0xb8;
	[tilespmem:$0x1C400] =	vst v63  }
0xea: {  	_ =	swait.ge [sflag:s8], $0x4000  }
0xeb: {  	[sflag:s8] =	ssyncset.done $0x0  }
0xec: {  	s18 =	stileid.u32;
	[sflag:s8] =	ssyncadd.s32 $0xFFFFC000  }
0xed: {  	s6 =	sshll.u32 s18, $0x6;
	[bflag:$0x0] =	sbarrier.arrive $0xFFFF  }
0xee: {  	s19 =	sshrl.u32 s16, $0x3;
	s6 =	sor.u32 $0x1C09, s6;
	s20 =	rddreg [dreg:$0xf]  }
0xef: {  	[hbm:s20], [sflag:s6] =	dma.local [spmem:s19], $0x2800  }
0xf0: {  	_ =	swait.ge [sflag:s22], $0x2800  }
0xf1: {  	s10 =	sadd.s32 $0x1, s10;
	s25 =	rddreg [dreg:$0x10]  }
0xf2: {  	p0 =	sne.s32 s10, s25  }
.Ltmp4:
0xf3: {  	_ = 	snop;
	(pc) =	sbr.rel @p0 .LBB2_1-.Ltmp4, $4  }
.Ltmp5:
0xf4: {  	_ = 	snop;
	(pc) =	sbr.rel @!p0 .LBB2_10-.Ltmp5, $4  }
0xf5: {  	_ = 	snop  }
0xf6: {  	[sflag:s22] =	ssyncset.done $0x0  }
0xf7: {  	[sflag:s22] =	ssyncadd.s32 $0xFFFFD800  }
0xf8: {  	_ = 	snop  }
.LBB2_4:
.Ltmp6:
0xf9: {  	(pc) =	sbr.rel .LBB2_9-.Ltmp6, $4  }
0xfa: {  	_ = 	snop  }
0xfb: {  	s19 =	rddreg [dreg:$0x13]  }
0xfc: {  	s18 =	rddreg [dreg:$0x12]  }
0xfd: {  	s20 =	smov.u32 s12;
	s17 =	rddreg [dreg:$0x11]  }
.LBB2_6:
.Ltmp7:
0xfe: {  	(pc) =	sbr.rel .LBB2_9-.Ltmp7, $2  }
0xff: {  	_ =	sdelay $0x2  }
0x100: {  	s6 =	simm.s32 $0x1  }
.LBB2_10:
0x101: {  	_ =	sfence.sel $0x180000  }
0x102: {  	[bflag:$0x0] =	sbarrier.arrive $0xFFFF  }
0x103: {  	_ =	strace $0x9000004A  }
0x104: {  	s0 =	stileid.u32;
	[bflag:$0x2] =	sbarrier.arrive $0xFFFF  }
0x105: {  	p0 =	sne.s32 s0, $0x0;
	s0 =	rddreg [dreg:$0x3]  }
0x106: {  	s0 =	sadd.s32 @!p0 $0x100000, s0  }
0x107: {  	[sflag:s0] =	ssyncadd.tile.s32 @!p0 $0x1;
	_ =	shalt  }
.Lfunc_end2:
_tile_overlayer_lowered:
.L_overlay_start_2:
0x108: {  	(tag) =	ssettag $0x2  }
0x109: {  	s0 =	rddreg [dreg:$0x0];
	s2 =	stileid.u32  }
0x10a: {  	s1 =	rddreg [dreg:$0x1];
	p0 =	sne.s32 s2, $0x0  }
0x10b: {  	s3 =	rddreg [dreg:$0x2];
	[bflag:$0x3] =	sbarrier.arrive $0xFFFF;
	s2 =	simm.s32 @!p0 $0x1C09  }
0x10c: {  	[timem:s3], [sflag:s2] =	dma.local @!p0 [hbm:s0], s1  }
0x10d: {  	s0 =	simm.s32 @!p0 $0x9  }
0x10e: {  	_ =	swait.ge @!p0 [sflag:s0], s1  }
0x10f: {  	s1 =	ssub.s32 @!p0 $0x0, s1;
	[sflag:s0] =	ssyncset.done @!p0 $0x0  }
0x110: {  	[sflag:s0] =	ssyncadd.s32 @!p0 s1  }
0x111: {  	[bflag:$0x3] =	sbarrier.arrive $0xFFFF  }
0x112: {  	_ =	shalt  }

// kernel: kernel.14.cloned.1.call-start
scs
__scs_entry_jumppad:
0x0: {  	(pc) =	sbr.rel $0x88, $3  }
0x1: {  	(tag) =	ssettag $0x0;
	lr =	simm.s32 $0x1  }
0x2: {  	[smem:$0x3F99] =	sst lr;
	_ =	strace $0xD0000000  }
0x3: {  	_ = 	snop  }
0x4: {  	_ = 	snop  }
0x5: {  	_ = 	snop  }
0x6: {  	_ = 	snop  }
0x7: {  	_ = 	snop  }
__scs_overlays_trampoline_lowered:
0x8: {  	[smem:$0x3FA8] =	sst s0  }
0x9: {  	[smem:$0x3FA9] =	sst s1  }
0xa: {  	[smem:$0x3FAA] =	sst s2  }
0xb: {  	[smem:$0x3FAB] =	sst s3  }
0xc: {  	[smem:$0x3FAC] =	sst s4  }
0xd: {  	[smem:$0x3FAD] =	sst s5  }
0xe: {  	[smem:$0x3FAE] =	sst s6  }
0xf: {  	[smem:$0x3FAF] =	sst s7  }
0x10: {  	[smem:$0x3FB0] =	sst s8  }
0x11: {  	[smem:$0x3FB1] =	sst s9;
	s0 =	simm.s32 @!p0 $0x0  }
0x12: {  	s1 =	sld [smem:$0x3F97];
	s0 =	simm.s32 @p0 $0x1  }
0x13: {  	[smem:$0x3FB2] =	sst s0;
	s0 =	simm.s32 @!p1 $0x0  }
0x14: {  	s2 =	sld [smem:$0x3F96];
	s0 =	simm.s32 @p1 $0x1  }
0x15: {  	[smem:$0x3FB3] =	sst s0;
	s0 =	simm.s32 @!p2 $0x0  }
0x16: {  	s3 =	sld [smem:$0x3FDB];
	s0 =	simm.s32 @p2 $0x1  }
0x17: {  	s4 =	simm.s32 $0x1BF5;
	[smem:$0x3FB5] =	sst s0  }
0x18: {  	s0 =	sld [smem:$0x3F98];
	_ =	swait.ge [sflag:s4], $0x0  }
0x19: {  	s7 =	sld [smem:$0x3F99]  }
0x1a: {  	s8 =	sadd.s32 $0xFFFFE003, lr  }
0x1b: {  	s9 =	sadd.s32 $0xFFFFFEF7, lr;
	s5 =	simm.s32 $0xFFFFFFFF;
	p2 =	slt.u32 s8, $0xFFFFF086  }
0x1c: {  	p1 =	slt.u32 s9, $0xF7A;
	s5 =	simm.s32 @!p2 $0x0  }
0x1d: {  	s5 =	simm.s32 @p1 $0x1;
	p0 =	seq.s32 s7, s2  }
0x1e: {  	s7 =	smul.u32 @!p0 $0xF7A, s2;
	p2 =	seq.s32 @!p0 s5, $0x0  }
0x1f: {  	s9 =	smul.u32 $0xF7A, s1;
	s8 =	simm.s32 @!p0 $0x1BF5;
	p2 =	por !p2, p0  }
0x20: {  	[sflag:s8] =	ssyncset.s32 @!p0 $0xFFFFF086;
	s6 =	sadd.s32 @!p0 s3, s7;
	s7 =	simm.s32 @!p0 $0x108  }
0x21: {  	s3 =	sadd.s32 s3, s9;
	s6 =	sadd.s32 @!p0 $0x88, s6;
	s7 =	simm.s32 @p2 $0x1082  }
0x22: {  	[simem:s7], [sflag:s8] =	dma.local @!p0 [hbm:s6], $0xF7A  }
0x23: {  	s9 =	sor.u32 $0xD0000000, s2;
	s6 =	simm.s32 $0x108;
	_ =	swait.ge @!p0 [sflag:s8], $0x0  }
0x24: {  	s3 =	sadd.s32 $0x88, s3;
	s6 =	simm.s32 @!p1 $0x1082;
	[sflag:s4] =	ssyncset.s32 $0xFFFFF086  }
0x25: {  	[simem:s6], [sflag:s4] =	dma.local [hbm:s3], $0xF7A  }
0x26: {  	[smem:$0x3F99] =	sst s1;
	(tag) =	ssettag s2;
	_ =	strace s9  }
0x27: {  	s1 =	sld [smem:$0x3FA9]  }
0x28: {  	s2 =	sld [smem:$0x3FAA]  }
0x29: {  	s4 =	sld [smem:$0x3FAC]  }
0x2a: {  	p0 =	seq.s32 s5, $0x0;
	s5 =	sld [smem:$0x3FAD]  }
0x2b: {  	s6 =	sld [smem:$0x3FAE]  }
0x2c: {  	s7 =	sld [smem:$0x3FAF]  }
0x2d: {  	s3 =	simm.s32 $0x108;
	s8 =	sld [smem:$0x3FB0]  }
0x2e: {  	s3 =	simm.s32 @!p0 $0x1082;
	s9 =	sld [smem:$0x3FB1]  }
0x2f: {  	lr =	sadd.s32 s0, s3;
	s0 =	sld [smem:$0x3FA8]  }
0x30: {  	s3 =	sld [smem:$0x3FAB]  }
0x31: {  	[smem:$0x3FB4] =	sst s10  }
0x32: {  	s10 =	sld [smem:$0x3FB2];
	_ =	sdelay $0x3  }
0x33: {  	p0 =	seq.s32 s10, $0x1;
	s10 =	sld [smem:$0x3FB4];
	_ =	sdelay $0x3  }
0x34: {  	[smem:$0x3FB4] =	sst s10  }
0x35: {  	s10 =	sld [smem:$0x3FB3];
	_ =	sdelay $0x3  }
0x36: {  	p1 =	seq.s32 s10, $0x1;
	s10 =	sld [smem:$0x3FB4];
	_ =	sdelay $0x3  }
0x37: {  	[smem:$0x3FB4] =	sst s10  }
0x38: {  	s10 =	sld [smem:$0x3FB5]  }
0x39: {  	_ = 	snop;
	(pc) =	sbr.ind lr, $3  }
0x3a: {  	_ = 	snop  }
0x3b: {  	_ = 	snop  }
0x3c: {  	p2 =	seq.s32 s10, $0x1;
	s10 =	sld [smem:$0x3FB4]  }
0x3d: {  	_ =	shalt  }
0x3e: {  	_ =	shalt  }
0x3f: {  	_ =	shalt  }
0x40: {  	_ =	shalt  }
0x41: {  	_ =	shalt  }
0x42: {  	_ =	shalt  }
0x43: {  	_ =	shalt  }
0x44: {  	_ =	shalt  }
0x45: {  	_ =	shalt  }
0x46: {  	_ =	shalt  }
0x47: {  	_ =	shalt  }
0x48: {  	_ =	shalt  }
0x49: {  	_ =	shalt  }
0x4a: {  	_ =	shalt  }
0x4b: {  	_ =	shalt  }
0x4c: {  	_ =	shalt  }
0x4d: {  	_ =	shalt  }
0x4e: {  	_ =	shalt  }
0x4f: {  	_ =	shalt  }
0x50: {  	_ =	shalt  }
0x51: {  	_ =	shalt  }
0x52: {  	_ =	shalt  }
0x53: {  	_ =	shalt  }
0x54: {  	_ =	shalt  }
0x55: {  	_ =	shalt  }
0x56: {  	_ =	shalt  }
0x57: {  	_ =	shalt  }
0x58: {  	_ =	shalt  }
0x59: {  	_ =	shalt  }
0x5a: {  	_ =	shalt  }
0x5b: {  	_ =	shalt  }
0x5c: {  	_ =	shalt  }
0x5d: {  	_ =	shalt  }
0x5e: {  	_ =	shalt  }
0x5f: {  	_ =	shalt  }
0x60: {  	_ =	shalt  }
0x61: {  	_ =	shalt  }
0x62: {  	_ =	shalt  }
0x63: {  	_ =	shalt  }
0x64: {  	_ =	shalt  }
0x65: {  	_ =	shalt  }
0x66: {  	_ =	shalt  }
0x67: {  	_ =	shalt  }
0x68: {  	_ =	shalt  }
0x69: {  	_ =	shalt  }
0x6a: {  	_ =	shalt  }
0x6b: {  	_ =	shalt  }
0x6c: {  	_ =	shalt  }
0x6d: {  	_ =	shalt  }
0x6e: {  	_ =	shalt  }
0x6f: {  	_ =	shalt  }
0x70: {  	_ =	shalt  }
0x71: {  	_ =	shalt  }
0x72: {  	_ =	shalt  }
0x73: {  	_ =	shalt  }
0x74: {  	_ =	shalt  }
0x75: {  	_ =	shalt  }
0x76: {  	_ =	shalt  }
0x77: {  	_ =	shalt  }
0x78: {  	_ =	shalt  }
0x79: {  	_ =	shalt  }
0x7a: {  	_ =	shalt  }
0x7b: {  	_ =	shalt  }
0x7c: {  	_ =	shalt  }
0x7d: {  	_ =	shalt  }
0x7e: {  	_ =	shalt  }
0x7f: {  	_ =	shalt  }
0x80: {  	_ =	shalt  }
0x81: {  	_ =	shalt  }
0x82: {  	_ =	shalt  }
0x83: {  	_ =	shalt  }
0x84: {  	_ =	shalt  }
0x85: {  	_ =	shalt  }
0x86: {  	_ =	shalt  }
0x87: {  	_ =	shalt  }
.Lfunc_end0:
.L_simem_size_0:
called_computation.2_lowered:
.L_overlay_start_0:
0x88: {  	s2 =	sld [smem:$0x3FD9]  }
0x89: {  	s3 =	sld [smem:$0x3FFE];
	_ =	sdelay $0x1  }
0x8a: {  	s1 =	srdreg.scid  }
0x8b: {  	s0 =	sand.u32 $0x1, s1  }
0x8c: {  	s17 =	sshll.u32 s0, $0xA;
	s2 =	sadd.s32 s3, s2  }
0x8d: {  	s2 =	sadd.s32 s2, s17  }
0x8e: {  	[smem:$0x3FC0] =	sst s2  }
0x8f: {  	_ = 	snop  }
0x90: {  	s2 =	sld [smem:$0x3FD0];
	(tm) =	ssettm $0x1  }
0x91: {  	s18 =	sld [smem:$0x3FFB];
	_ =	sdelay $0x3  }
0x92: {  	_ =	strace s18  }
0x93: {  	s3 =	sld [smem:$0x3FFC];
	_ =	sdelay $0x3  }
0x94: {  	_ =	strace s3  }
0x95: {  	s3 =	sld [smem:$0x3FFD];
	_ =	sdelay $0x3  }
0x96: {  	_ =	strace s3  }
0x97: {  	_ =	strace $0x8FFFFFFF  }
0x98: {  	s19 =	sld [smem:$0x3FDB];
	_ =	sdelay $0x1  }
0x99: {  	s4 =	simm.s32 $_scs_section_size  }
0x9a: {  	s5 =	simm.s32 $_size__tile_overlayer_lowered;
	s6 =	simm.s32 $_tile_overlayer_lowered  }
0x9b: {  	s22 =	simm.s32 $0x1BFF;
	s21 =	sshll.u32 s6, $0x1;
	s3 =	sadd.s32 s4, s19  }
0x9c: {  	s7 =	simm.s32 $0x0;
	s20 =	sshll.u32 s5, $0x1;
	s5 =	sadd.s32 s21, s3  }
0x9d: {  	[timem:s7], [sflag:s22] =	dma.local [hbm:s5], s20  }
0x9e: {  	_ =	swait.ge [sflag:s22], s20  }
0x9f: {  	s4 =	ssub.s32 $0x0, s20;
	[sflag:s22] =	ssyncset.done $0x0  }
0xa0: {  	[sflag:s22] =	ssyncadd.s32 s4;
	_ =	sdelay $0x1  }
0xa1: {  	s23 =	simm.s32 $0x1B8B  }
0xa2: {  	_ =	swait.ge [sflag:s23], $0x1  }
0xa3: {  	[sflag:s23] =	ssyncset.done $0x0  }
0xa4: {  	s25 =	simm.s32 $0x1B8E;
	s24 =	sld [smem:$0x3FFE];
	[sflag:s23] =	ssyncadd.s32 $0xFFFFFFFF  }
0xa5: {  	s26 =	simm.s32 $execute0_lowered;
	[smem:$0x3FD2] =	sst s25  }
0xa6: {  	s5 =	sshll.u32 s26, $0x1;
	_ =	strace $0x8000004C;
	[dreg:$0x1] =	wrdreg $0xFFFFFFFF  }
0xa7: {  	s28 =	simm.s32 $_size_execute0_lowered;
	s3 =	sadd.s32 s3, s5;
	[dreg:$0x0] =	wrdreg $0x0  }
0xa8: {  	s5 =	sshll.u32 s28, $0x1;
	[dreg:$0x2] =	wrdreg s3  }
0xa9: {  	[dreg:$0x3] =	wrdreg s5  }
0xaa: {  	[dreg:$0x4] =	wrdreg $0xC0  }
0xab: {  	_ =	task [dreg:s7], $0x5FFFF  }
0xac: {  	[dreg:$0x1] =	wrdreg $0xFFFFFFFF  }
0xad: {  	[dreg:$0x0] =	wrdreg $0x60  }
0xae: {  	[dreg:$0x2] =	wrdreg s24  }
0xaf: {  	[dreg:$0x3] =	wrdreg s2  }
0xb0: {  	[dreg:$0x4] =	wrdreg $0x84000  }
0xb1: {  	[dreg:$0x5] =	wrdreg $0x9  }
0xb2: {  	_ =	task.clear_ibuf [dreg:s7], $0x6FFFF;
	_ =	strace $0x9000004C  }
0xb3: {  	s29 =	simm.s32 $0x9;
	_ =	strace $0x8000004E  }
0xb4: {  	_ =	swait.ge [sflag:s29], $0x1  }
0xb5: {  	[sflag:s29] =	ssyncadd.s32 $0xFFFFFFFF  }
0xb6: {  	_ =	strace $0x9000004E  }
0xb7: {  	_ =	sfence  }
0xb8: {  	s30 =	sld [smem:$0x0];
	_ =	sdelay $0x2  }
0xb9: {  	s31 =	sshll.u32 s1, $0xD;
	s1 =	sshrl.u32 s1, $0x2  }
0xba: {  	s3 =	sand.u32 $0x4000, s31;
	s1 =	sadd.s32 s1, s30  }
0xbb: {  	s0 =	sor.u32 s3, s0;
	s1 =	sshll.u32 s1, $0x11  }
0xbc: {  	s0 =	sor.u32 s1, s0  }
0xbd: {  	s0 =	sadd.s32 $0x8F2B, s0  }
0xbe: {  	[sflag:s0] =	ssyncadd.remote.s32 $0x1  }
0xbf: {  	_ =	sfence.sel $0xFFFF  }
0xc0: {  	[dreg:$0x0] =	wrdreg $0xFFFFFFFF;
	(pc) =	sbr.abs _section_cstart, $3  }
0xc1: {  	[dreg:$0x1] =	wrdreg $0xFFFFFFFF  }
0xc2: {  	_ =	task.clear_ibuf [dreg:s7], $0x2FFFF;
	_ =	strace $0x9FFFFFFF  }
0xc3: {  	(tm) =	ssettm $0x7FFFFFFF  }
tec
execute0_lowered:
.L_overlay_start_1:
0x0: {  	(tag) =	ssettag $0x1  }
0x1: {  	s0 =	rddreg [dreg:$0x0];
	s1 =	srdreg.scid  }
0x2: {  	s2 =	rddreg [dreg:$0x1];
	s10 =	stileid.u32  }
0x3: {  	s3 =	rddreg [dreg:$0x2];
	s4 =	simm.s32 $0x0;
	s28 =	simm.s32 $0x300  }
0x4: {  	s29 =	simm.s32 $0x6;
	s30 =	simm.s32 $0x4400;
	s6 =	smul.u32 $0x14000, s10  }
0x5: {  	s31 =	simm.s32 $0x1;
	s1 =	sand.u32 $0x1, s1;
	s7 =	smul.u32 $0x50000, s10  }
0x6: {  	[smem:$0x7FF] =	sst s4;
	s9 =	sshll.u32 s10, $0x1;
	s13 =	smul.u32 $0xE800, s10  }
0x7: {  	s10 =	simm.s32 $0x0;
	s5 =	smul.u32 $0x140000, s1;
	_ =	strace $0x8000004D  }
0x8: {  	s24 =	ssub.s32 $0x2, s1;
	s25 =	sor.u32 s1, s9;
	p0 =	seq.s32 s1, $0x0  }
0x9: {  	s1 =	smul.u32 $0x7400, s1;
	s8 =	sshrl.u32 s24, $0x1;
	s7 =	sshrl.u32 s7, $0x2  }
0xa: {  	s9 =	smul.u32 $0x7400, s25;
	s25 =	simm.s32 $0x280;
	s5 =	sadd.s32 s6, s5  }
0xb: {  	s16 =	sadd.s32 s7, s3;
	s17 =	sadd.s32 s1, s13;
	[dreg:$0x6] =	wrdreg s25  }
0xc: {  	s6 =	sshrl.u32 s5, $0x3;
	s5 =	sadd.s32 $0x2400, s0;
	s7 =	sadd.s32 $0x4000, s16  }
0xd: {  	s26 =	sadd.s32 $0x8000, s16;
	s11 =	sadd.s32 $0xC000, s16;
	[dreg:$0x8] =	wrdreg s7  }
0xe: {  	s12 =	sadd.s32 $0x10000, s16;
	s19 =	sadd.s32 $0x600, s17;
	[dreg:$0x9] =	wrdreg s26  }
0xf: {  	s20 =	sadd.s32 $0x500, s17;
	s21 =	sor.u32 $0x300, s17;
	[dreg:$0xa] =	wrdreg s11  }
0x10: {  	s0 =	sadd.s32 s6, s0;
	s6 =	ssub.s32 s24, s8;
	[dreg:$0xb] =	wrdreg s12  }
0x11: {  	s11 =	simm.s32 $0x1D;
	s7 =	sshrl.u32 s9, $0x3;
	s24 =	simm.s32 $0x180  }
0x12: {  	s1 =	sshrl.u32 s19, $0x3;
	s26 =	simm.s32 $0x380;
	[dreg:$0x5] =	wrdreg s24  }
0x13: {  	s23 =	sshrl.u32 s21, $0x3;
	s7 =	sadd.s32 s2, s7;
	[dreg:$0x7] =	wrdreg s26  }
0x14: {  	s21 =	simm.s32 $0x400;
	s0 =	sadd.s32 $0x2A400, s0;
	[dreg:$0xc] =	wrdreg s7  }
0x15: {  	s8 =	simm.s32 $0x4;
	s18 =	smax.u32 s6, $0x1;
	[dreg:$0xf] =	wrdreg s0  }
0x16: {  	s9 =	simm.s32 $0x8;
	s1 =	sadd.s32 s1, s2;
	[dreg:$0x10] =	wrdreg s18  }
0x17: {  	s11 =	simm.s32 @!p0 $0xB;
	s14 =	sadd.s32 $0x20, s7;
	[dreg:$0x11] =	wrdreg s1  }
0x18: {  	s6 =	sshrl.u32 s20, $0x3;
	s7 =	sadd.s32 $0x40, s7;
	[dreg:$0xd] =	wrdreg s14  }
0x19: {  	s12 =	sadd.s32 s23, s2;
	s15 =	sadd.s32 $0xFFFFFFFF, s11;
	[dreg:$0xe] =	wrdreg s7  }
0x1a: {  	s23 =	simm.s32 $0x100;
	s22 =	sadd.s32 s6, s2;
	[dreg:$0x4] =	wrdreg s15  }
0x1b: {  	s24 =	simm.s32 $0x200;
	s0 =	sadd.s32 $0x400, s17;
	[dreg:$0x12] =	wrdreg s22  }
0x1c: {  	s26 =	simm.s32 $0x80;
	s1 =	simm.s32 $0x3;
	[dreg:$0x13] =	wrdreg s0  }
0x1d: {  	v0 =	vimm.f32 $0.0e+00;
	s22 =	simm.s32 $0x9;
	s0 =	simm.s32 $0x7;
	s7 =	simm.s32 $0x2  }
.LBB2_1:
0x1e: {  	s6 =	simm.s32 $0x0;
	s13 =	simm.s32 $0x200  }
.LBB2_2:
0x1f: {  	p0 =	sne.s32 s13, $0xFE00;
	[tilespmem:s6+$0x470] =	vst v0  }
0x20: {  	[tilespmem:s6+$0x400] =	vst v0  }
0x21: {  	[tilespmem:s6+$0x410] =	vst v0  }
.Ltmp0:
0x22: {  	[tilespmem:s6+$0x420] =	vst v0;
	(pc) =	sbr.rel @p0 .LBB2_2-.Ltmp0, $4  }
0x23: {  	[tilespmem:s6+$0x430] =	vst v0  }
0x24: {  	[tilespmem:s6+$0x440] =	vst v0  }
0x25: {  	[tilespmem:s6+$0x450] =	vst v0  }
0x26: {  	[tilespmem:s6+$0x460] =	vst v0;
	s6 =	sshra.s32 s13, $0x2;
	s13 =	sadd.s32 $0x200, s13  }
0x27: {  	[tilespmem:s6+$0x470] =	vst v0  }
0x28: {  	[tilespmem:s6+$0x400] =	vst v0  }
0x29: {  	[tilespmem:s6+$0x410] =	vst v0  }
0x2a: {  	[tilespmem:s6+$0x420] =	vst v0  }
0x2b: {  	[tilespmem:s6+$0x430] =	vst v0  }
0x2c: {  	[tilespmem:s6+$0x440] =	vst v0  }
0x2d: {  	[tilespmem:s6+$0x450] =	vst v0  }
0x2e: {  	[tilespmem:s6+$0x460] =	vst v0  }
0x2f: {  	[spmem:s16] =	stream.linear.scatter [tilespmem:s21], [sflag:$0x9], $0x4000, $0x38;
	[tilespmem:$0x1C400] =	vst v63  }
0x30: {  	_ =	swait.ge [sflag:s22], $0x4000  }
0x31: {  	[sflag:s22] =	ssyncset.done $0x0  }
0x32: {  	s14 =	rddreg [dreg:$0x8];
	[sflag:s22] =	ssyncadd.s32 $0xFFFFC000  }
0x33: {  	[spmem:s14] =	stream.linear.scatter [tilespmem:s21], [sflag:$0x9], $0x4000, $0x38;
	[tilespmem:$0x1C400] =	vst v63  }
0x34: {  	_ =	swait.ge [sflag:s22], $0x4000  }
0x35: {  	[sflag:s22] =	ssyncset.done $0x0  }
0x36: {  	s15 =	rddreg [dreg:$0x9];
	[sflag:s22] =	ssyncadd.s32 $0xFFFFC000  }
0x37: {  	[spmem:s15] =	stream.linear.scatter [tilespmem:s21], [sflag:$0x9], $0x4000, $0x38;
	[tilespmem:$0x1C400] =	vst v63  }
0x38: {  	_ =	swait.ge [sflag:s22], $0x4000  }
0x39: {  	[sflag:s22] =	ssyncset.done $0x0  }
0x3a: {  	s17 =	rddreg [dreg:$0xa];
	[sflag:s22] =	ssyncadd.s32 $0xFFFFC000  }
0x3b: {  	[spmem:s17] =	stream.linear.scatter [tilespmem:s21], [sflag:$0x9], $0x4000, $0x38;
	[tilespmem:$0x1C400] =	vst v63  }
0x3c: {  	_ =	swait.ge [sflag:s22], $0x4000  }
0x3d: {  	[sflag:s22] =	ssyncset.done $0x0  }
0x3e: {  	s18 =	rddreg [dreg:$0xb];
	[sflag:s22] =	ssyncadd.s32 $0xFFFFC000  }
0x3f: {  	[spmem:s18] =	stream.linear.scatter [tilespmem:s21], [sflag:$0x9], $0x4000, $0x38;
	[tilespmem:$0x1C400] =	vst v63  }
0x40: {  	_ =	swait.ge [sflag:s22], $0x4000  }
0x41: {  	[sflag:s22] =	ssyncset.done $0x0  }
0x42: {  	[sflag:s22] =	ssyncadd.s32 $0xFFFFC000  }
0x43: {  	[bflag:$0x0] =	sbarrier.arrive $0xFFFF  }
0x44: {  	s6 =	simm.s32 $0x0;
	s13 =	rddreg [dreg:$0xc]  }
0x45: {  	[tilespmem:s6], [sflag:$0x5] =	stream.linear.gather [hbm4b:s13+s6], $0x100, $0x38;
	[tilespmem:$0x1C400] =	vst v63  }
0x46: {  	s19 =	rddreg [dreg:$0xd]  }
0x47: {  	[tilespmem:s23], [sflag:$0x6] =	stream.linear.gather [hbm4b:s19+s6], $0x100, $0x38;
	[tilespmem:$0x1C400] =	vst v63  }
0x48: {  	p2 =	sne.s32 s11, $0x1;
	s20 =	rddreg [dreg:$0xe]  }
0x49: {  	[tilespmem:s24], [sflag:$0x7] =	stream.linear.gather [hbm4b:s20+s6], $0x100, $0x38;
	[tilespmem:$0x1C400] =	vst v63  }
.Ltmp1:
0x4a: {  	s25 =	simm.s32 $0x5;
	(pc) =	sbr.rel @!p2 .LBB2_4-.Ltmp1, $4  }
0x4b: {  	_ =	swait.ge [sflag:s25], $0x100  }
0x4c: {  	p0 =	por $0x1, $0x1;
	p1 =	por $0x0, $0x0;
	[sflag:s25] =	ssyncset.done $0x0  }
0x4d: {  	p0 =	por p0, p0;
	s13 =	simm.s32 $0x1;
	[sflag:s25] =	ssyncadd.s32 $0xFFFFFF00  }
0x4e: {  	[tilespmem:s21], [sflag:$0x1] =	stream.indirect.gather [hbm4b:s5+s26], $0x80, s6, s26, $0xb8;
	[tilespmem:$0x1C400] =	vst v63  }
0x4f: {  	s6 =	simm.s32 @!p0 $0x4  }
0x50: {  	_ =	swait.ge @!p0 [sflag:s6], $0x4000  }
0x51: {  	[sflag:s6] =	ssyncset.done @!p0 $0x0  }
0x52: {  	[sflag:s6] =	ssyncadd.s32 @!p0 $0xFFFFC000  }
0x53: {  	[tilespmem:s28], [sflag:$0x8] =	stream.linear.gather [hbm4b:s12+s4], $0x100, $0x38;
	[tilespmem:$0x1C400] =	vst v63  }
0x54: {  	_ =	swait.ge [sflag:s29], $0x100  }
0x55: {  	[sflag:s29] =	ssyncset.done $0x0  }
0x56: {  	[sflag:s29] =	ssyncadd.s32 $0xFFFFFF00  }
0x57: {  	[tilespmem:s30], [sflag:$0x2] =	stream.indirect.gather [hbm4b:s5+s26], $0x80, s23, s26, $0xb8;
	[tilespmem:$0x1C400] =	vst v63  }
0x58: {  	_ =	swait.ge [sflag:s31], $0x4000  }
0x59: {  	[sflag:s31] =	ssyncset.done $0x0  }
0x5a: {  	[sflag:s31] =	ssyncadd.s32 $0xFFFFC000  }
0x5b: {  	[spmem:s3] =	stream.indirect.scatter.add.f32 [tilespmem:s21], [sflag:$0x3], $0x80, s26, s26, $0xb8;
	[tilespmem:$0x1C400] =	vst v63  }
0x5c: {  	_ =	swait.ge [sflag:s1], $0x4000  }
0x5d: {  	s19 =	rddreg [dreg:$0x4]  }
0x5e: {  	p0 =	sle.u32 s19, $0x0;
	s19 =	rddreg [dreg:$0x13]  }
0x5f: {  	[sflag:s1] =	ssyncset.done $0x0;
	s6 =	sshrl.u32 @!p0 s19, $0x3  }
0x60: {  	[sflag:s1] =	ssyncadd.s32 $0xFFFFC000;
	s14 =	simm.s32 @!p0 $0x0;
	s6 =	sadd.s32 @!p0 s2, s6  }
0x61: {  	[tilespmem:s14], [sflag:$0x5] =	stream.linear.gather @!p0 [hbm4b:s6+s14], $0x100, $0x38;
	[tilespmem:$0x1C400] =	vst v63  }
0x62: {  	_ =	swait.ge [sflag:s0], $0x100  }
0x63: {  	[sflag:s0] =	ssyncset.done $0x0  }
0x64: {  	[sflag:s0] =	ssyncadd.s32 $0xFFFFFF00  }
0x65: {  	[tilespmem:s21], [sflag:$0x1] =	stream.indirect.gather [hbm4b:s5+s26], $0x80, s24, s26, $0xb8;
	[tilespmem:$0x1C400] =	vst v63  }
0x66: {  	_ =	swait.ge [sflag:s7], $0x4000  }
0x67: {  	[sflag:s7] =	ssyncset.done $0x0  }
0x68: {  	s20 =	rddreg [dreg:$0x5];
	[sflag:s7] =	ssyncadd.s32 $0xFFFFC000  }
0x69: {  	[spmem:s3] =	stream.indirect.scatter.add.f32 [tilespmem:s30], [sflag:$0x4], $0x80, s20, s26, $0xb8;
	[tilespmem:$0x1C400] =	vst v63  }
0x6a: {  	_ =	swait.ge [sflag:s8], $0x4000  }
0x6b: {  	[sflag:s8] =	ssyncset.done $0x0  }
0x6c: {  	s6 =	simm.s32 @!p0 $0x100;
	s18 =	rddreg [dreg:$0x12];
	[sflag:s8] =	ssyncadd.s32 $0xFFFFC000  }
0x6d: {  	[tilespmem:s6], [sflag:$0x6] =	stream.linear.gather @!p0 [hbm4b:s18+s14], $0x100, $0x38;
	[tilespmem:$0x1C400] =	vst v63  }
0x6e: {  	_ =	swait.ge [sflag:s9], $0x100  }
0x6f: {  	[sflag:s9] =	ssyncset.done $0x0  }
0x70: {  	[sflag:s9] =	ssyncadd.s32 $0xFFFFFF00  }
0x71: {  	[tilespmem:s30], [sflag:$0x2] =	stream.indirect.gather [hbm4b:s5+s26], $0x80, s28, s26, $0xb8;
	[tilespmem:$0x1C400] =	vst v63  }
0x72: {  	_ =	swait.ge [sflag:s31], $0x4000  }
0x73: {  	[sflag:s31] =	ssyncset.done $0x0  }
0x74: {  	s25 =	rddreg [dreg:$0x6];
	[sflag:s31] =	ssyncadd.s32 $0xFFFFC000  }
0x75: {  	[spmem:s3] =	stream.indirect.scatter.add.f32 [tilespmem:s21], [sflag:$0x3], $0x80, s25, s26, $0xb8;
	[tilespmem:$0x1C400] =	vst v63  }
0x76: {  	_ =	swait.ge [sflag:s1], $0x4000  }
0x77: {  	p1 =	por $0x0, $0x0;
	s17 =	simm.s32 @!p0 $0x5;
	[sflag:s1] =	ssyncset.done $0x0  }
0x78: {  	s6 =	simm.s32 @!p0 $0x200;
	s15 =	rddreg [dreg:$0x11];
	[sflag:s1] =	ssyncadd.s32 $0xFFFFC000  }
0x79: {  	[tilespmem:s6], [sflag:$0x7] =	stream.linear.gather @!p0 [hbm4b:s15+s14], $0x100, $0x38;
	[tilespmem:$0x1C400] =	vst v63  }
0x7a: {  	p2 =	sne.s32 s11, $0x2;
	s19 =	sadd.s32 $0x400, s19;
	_ =	swait.ge @!p0 [sflag:s17], $0x100  }
0x7b: {  	s20 =	sadd.s32 $0x80, s12;
	s6 =	simm.s32 @!p0 $0x80;
	[sflag:s17] =	ssyncset.done @!p0 $0x0  }
.Ltmp2:
0x7c: {  	[sflag:s17] =	ssyncadd.s32 @!p0 $0xFFFFFF00;
	s17 =	simm.s32 @!p0 $0x400;
	(pc) =	sbr.rel @!p2 .LBB2_6-.Ltmp2, $4  }
0x7d: {  	[tilespmem:s17], [sflag:$0x1] =	stream.indirect.gather @!p0 [hbm4b:s5+s6], $0x80, s14, s6, $0xb8;
	[tilespmem:$0x1C400] =	vst v63  }
0x7e: {  	s18 =	sadd.s32 $0x80, s18;
	s25 =	simm.s32 $0x2;
	_ =	swait.ge [sflag:s7], $0x4000  }
0x7f: {  	p0 =	por p1, p1;
	s17 =	sadd.s32 $0x80, s15;
	[sflag:s7] =	ssyncset.done $0x0  }
0x80: {  	p1 =	por $0x1, $0x1;
	s14 =	rddreg [dreg:$0x7];
	[sflag:s7] =	ssyncadd.s32 $0xFFFFC000  }
.LBB2_7:
0x81: {  	[spmem:s3] =	stream.indirect.scatter.add.f32 [tilespmem:s30], [sflag:$0x4], $0x80, s14, s26, $0xb8;
	[tilespmem:$0x1C400] =	vst v63  }
0x82: {  	s14 =	simm.s32 @!p0 $0x4  }
0x83: {  	_ =	swait.ge @!p0 [sflag:s14], $0x4000  }
0x84: {  	[sflag:s14] =	ssyncset.done @!p0 $0x0  }
0x85: {  	[sflag:s14] =	ssyncadd.s32 @!p0 $0xFFFFC000  }
0x86: {  	[tilespmem:s28], [sflag:$0x8] =	stream.linear.gather [hbm4b:s20+s4], $0x100, $0x38;
	[tilespmem:$0x1C400] =	vst v63  }
0x87: {  	_ =	swait.ge [sflag:s29], $0x100  }
0x88: {  	[sflag:s29] =	ssyncset.done $0x0  }
0x89: {  	[sflag:s29] =	ssyncadd.s32 $0xFFFFFF00  }
0x8a: {  	[tilespmem:s30], [sflag:$0x2] =	stream.indirect.gather [hbm4b:s5+s26], $0x80, s23, s26, $0xb8;
	[tilespmem:$0x1C400] =	vst v63  }
0x8b: {  	_ =	swait.ge [sflag:s31], $0x4000  }
0x8c: {  	[sflag:s31] =	ssyncset.done $0x0  }
0x8d: {  	[sflag:s31] =	ssyncadd.s32 $0xFFFFC000  }
0x8e: {  	[spmem:s3] =	stream.indirect.scatter.add.f32 [tilespmem:s21], [sflag:$0x3], $0x80, s26, s26, $0xb8;
	[tilespmem:$0x1C400] =	vst v63  }
0x8f: {  	s6 =	smov.u32 s25;
	_ =	swait.ge [sflag:s1], $0x4000  }
0x90: {  	p3 =	seq.s32 s6, $0x0;
	s15 =	rddreg [dreg:$0x4]  }
0x91: {  	p0 =	por p3, p3;
	p3 =	sge.u32 s13, s15  }
0x92: {  	[sflag:s1] =	ssyncset.done $0x0;
	s13 =	smov.u32 s6;
	s6 =	sshrl.u32 @!p3 s19, $0x3  }
0x93: {  	[sflag:s1] =	ssyncadd.s32 $0xFFFFC000;
	s14 =	sadd.s32 @!p3 s2, s6;
	s6 =	simm.s32 @!p3 $0x0  }
0x94: {  	[tilespmem:s6], [sflag:$0x5] =	stream.linear.gather @!p3 [hbm4b:s14+s6], $0x100, $0x38;
	[tilespmem:$0x1C400] =	vst v63  }
0x95: {  	_ =	swait.ge [sflag:s0], $0x100  }
0x96: {  	[sflag:s0] =	ssyncset.done $0x0  }
0x97: {  	[sflag:s0] =	ssyncadd.s32 $0xFFFFFF00  }
0x98: {  	[tilespmem:s21], [sflag:$0x1] =	stream.indirect.gather [hbm4b:s5+s26], $0x80, s24, s26, $0xb8;
	[tilespmem:$0x1C400] =	vst v63  }
0x99: {  	_ =	swait.ge [sflag:s7], $0x4000  }
0x9a: {  	[sflag:s7] =	ssyncset.done $0x0  }
0x9b: {  	s15 =	rddreg [dreg:$0x5];
	[sflag:s7] =	ssyncadd.s32 $0xFFFFC000  }
0x9c: {  	[spmem:s3] =	stream.indirect.scatter.add.f32 [tilespmem:s30], [sflag:$0x4], $0x80, s15, s26, $0xb8;
	[tilespmem:$0x1C400] =	vst v63  }
0x9d: {  	_ =	swait.ge [sflag:s8], $0x4000  }
0x9e: {  	[sflag:s8] =	ssyncset.done $0x0  }
0x9f: {  	s14 =	simm.s32 @!p3 $0x100;
	[sflag:s8] =	ssyncadd.s32 $0xFFFFC000  }
0xa0: {  	[tilespmem:s14], [sflag:$0x6] =	stream.linear.gather @!p3 [hbm4b:s18+s6], $0x100, $0x38;
	[tilespmem:$0x1C400] =	vst v63  }
0xa1: {  	_ =	swait.ge [sflag:s9], $0x100  }
0xa2: {  	[sflag:s9] =	ssyncset.done $0x0  }
0xa3: {  	[sflag:s9] =	ssyncadd.s32 $0xFFFFFF00  }
0xa4: {  	[tilespmem:s30], [sflag:$0x2] =	stream.indirect.gather [hbm4b:s5+s26], $0x80, s28, s26, $0xb8;
	[tilespmem:$0x1C400] =	vst v63  }
0xa5: {  	_ =	swait.ge [sflag:s31], $0x4000  }
0xa6: {  	[sflag:s31] =	ssyncset.done $0x0  }
0xa7: {  	s15 =	rddreg [dreg:$0x6];
	[sflag:s31] =	ssyncadd.s32 $0xFFFFC000  }
0xa8: {  	[spmem:s3] =	stream.indirect.scatter.add.f32 [tilespmem:s21], [sflag:$0x3], $0x80, s15, s26, $0xb8;
	[tilespmem:$0x1C400] =	vst v63  }
0xa9: {  	_ =	swait.ge [sflag:s1], $0x4000  }
0xaa: {  	[sflag:s1] =	ssyncset.done $0x0  }
0xab: {  	s14 =	simm.s32 @!p3 $0x200;
	s15 =	simm.s32 @!p3 $0x5;
	[sflag:s1] =	ssyncadd.s32 $0xFFFFC000  }
0xac: {  	[tilespmem:s14], [sflag:$0x7] =	stream.linear.gather @!p3 [hbm4b:s17+s6], $0x100, $0x38;
	[tilespmem:$0x1C400] =	vst v63  }
0xad: {  	s25 =	sadd.s32 $0x1, s25;
	_ =	swait.ge @!p3 [sflag:s15], $0x100  }
0xae: {  	p2 =	sne.s32 s11, s25;
	s14 =	simm.s32 @!p3 $0x80;
	[sflag:s15] =	ssyncset.done @!p3 $0x0  }
.Ltmp3:
0xaf: {  	[sflag:s15] =	ssyncadd.s32 @!p3 $0xFFFFFF00;
	s15 =	simm.s32 @!p3 $0x400;
	(pc) =	sbr.rel @p2 .LBB2_7-.Ltmp3, $4  }
0xb0: {  	[tilespmem:s15], [sflag:$0x1] =	stream.indirect.gather @!p3 [hbm4b:s5+s14], $0x80, s6, s14, $0xb8;
	[tilespmem:$0x1C400] =	vst v63  }
0xb1: {  	s20 =	sadd.s32 $0x80, s20;
	_ =	swait.ge [sflag:s7], $0x4000  }
0xb2: {  	s19 =	sadd.s32 $0x400, s19;
	s18 =	sadd.s32 $0x80, s18;
	[sflag:s7] =	ssyncset.done $0x0  }
0xb3: {  	s17 =	sadd.s32 $0x80, s17;
	s14 =	rddreg [dreg:$0x7];
	[sflag:s7] =	ssyncadd.s32 $0xFFFFC000  }
0xb4: {  	s6 =	smov.u32 s13  }
.LBB2_9:
0xb5: {  	[spmem:s3] =	stream.indirect.scatter.add.f32 @p1 [tilespmem:s30], [sflag:$0x4], $0x80, s14, s26, $0xb8;
	[tilespmem:$0x1C400] =	vst v63  }
0xb6: {  	s13 =	simm.s32 @!p0 $0x4  }
0xb7: {  	_ =	swait.ge @!p0 [sflag:s13], $0x4000  }
0xb8: {  	[sflag:s13] =	ssyncset.done @!p0 $0x0  }
0xb9: {  	[sflag:s13] =	ssyncadd.s32 @!p0 $0xFFFFC000  }
0xba: {  	[tilespmem:s28], [sflag:$0x8] =	stream.linear.gather [hbm4b:s20+s4], $0x100, $0x38;
	[tilespmem:$0x1C400] =	vst v63  }
0xbb: {  	_ =	swait.ge [sflag:s29], $0x100  }
0xbc: {  	[sflag:s29] =	ssyncset.done $0x0  }
0xbd: {  	[sflag:s29] =	ssyncadd.s32 $0xFFFFFF00  }
0xbe: {  	[tilespmem:s30], [sflag:$0x2] =	stream.indirect.gather [hbm4b:s5+s26], $0x80, s23, s26, $0xb8;
	[tilespmem:$0x1C400] =	vst v63  }
0xbf: {  	_ =	swait.ge [sflag:s31], $0x4000  }
0xc0: {  	[sflag:s31] =	ssyncset.done $0x0  }
0xc1: {  	[sflag:s31] =	ssyncadd.s32 $0xFFFFC000  }
0xc2: {  	[spmem:s3] =	stream.indirect.scatter.add.f32 [tilespmem:s21], [sflag:$0x3], $0x80, s26, s26, $0xb8;
	[tilespmem:$0x1C400] =	vst v63  }
0xc3: {  	_ =	swait.ge [sflag:s1], $0x4000  }
0xc4: {  	s25 =	rddreg [dreg:$0x4]  }
0xc5: {  	p0 =	sge.u32 s6, s25  }
0xc6: {  	[sflag:s1] =	ssyncset.done $0x0;
	s6 =	sshrl.u32 @!p0 s19, $0x3  }
0xc7: {  	[sflag:s1] =	ssyncadd.s32 $0xFFFFC000;
	s13 =	simm.s32 @!p0 $0x0;
	s6 =	sadd.s32 @!p0 s2, s6  }
0xc8: {  	[tilespmem:s13], [sflag:$0x5] =	stream.linear.gather @!p0 [hbm4b:s6+s13], $0x100, $0x38;
	[tilespmem:$0x1C400] =	vst v63  }
0xc9: {  	_ =	swait.ge [sflag:s0], $0x100  }
0xca: {  	[sflag:s0] =	ssyncset.done $0x0  }
0xcb: {  	[sflag:s0] =	ssyncadd.s32 $0xFFFFFF00  }
0xcc: {  	[tilespmem:s21], [sflag:$0x1] =	stream.indirect.gather [hbm4b:s5+s26], $0x80, s24, s26, $0xb8;
	[tilespmem:$0x1C400] =	vst v63  }
0xcd: {  	_ =	swait.ge [sflag:s7], $0x4000  }
0xce: {  	[sflag:s7] =	ssyncset.done $0x0  }
0xcf: {  	s14 =	rddreg [dreg:$0x5];
	[sflag:s7] =	ssyncadd.s32 $0xFFFFC000  }
0xd0: {  	[spmem:s3] =	stream.indirect.scatter.add.f32 [tilespmem:s30], [sflag:$0x4], $0x80, s14, s26, $0xb8;
	[tilespmem:$0x1C400] =	vst v63  }
0xd1: {  	_ =	swait.ge [sflag:s8], $0x4000  }
0xd2: {  	[sflag:s8] =	ssyncset.done $0x0  }
0xd3: {  	s6 =	simm.s32 @!p0 $0x100;
	[sflag:s8] =	ssyncadd.s32 $0xFFFFC000  }
0xd4: {  	[tilespmem:s6], [sflag:$0x6] =	stream.linear.gather @!p0 [hbm4b:s18+s13], $0x100, $0x38;
	[tilespmem:$0x1C400] =	vst v63  }
0xd5: {  	_ =	swait.ge [sflag:s9], $0x100  }
0xd6: {  	[sflag:s9] =	ssyncset.done $0x0  }
0xd7: {  	[sflag:s9] =	ssyncadd.s32 $0xFFFFFF00  }
0xd8: {  	[tilespmem:s30], [sflag:$0x2] =	stream.indirect.gather [hbm4b:s5+s26], $0x80, s28, s26, $0xb8;
	[tilespmem:$0x1C400] =	vst v63  }
0xd9: {  	_ =	swait.ge [sflag:s31], $0x4000  }
0xda: {  	[sflag:s31] =	ssyncset.done $0x0  }
0xdb: {  	s15 =	rddreg [dreg:$0x6];
	[sflag:s31] =	ssyncadd.s32 $0xFFFFC000  }
0xdc: {  	[spmem:s3] =	stream.indirect.scatter.add.f32 [tilespmem:s21], [sflag:$0x3], $0x80, s15, s26, $0xb8;
	[tilespmem:$0x1C400] =	vst v63  }
0xdd: {  	_ =	swait.ge [sflag:s1], $0x4000  }
0xde: {  	[sflag:s1] =	ssyncset.done $0x0  }
0xdf: {  	s6 =	simm.s32 @!p0 $0x200;
	[sflag:s1] =	ssyncadd.s32 $0xFFFFC000  }
0xe0: {  	[tilespmem:s6], [sflag:$0x7] =	stream.linear.gather @!p0 [hbm4b:s17+s13], $0x100, $0x38;
	[tilespmem:$0x1C400] =	vst v63  }
0xe1: {  	s6 =	simm.s32 @!p0 $0x5  }
0xe2: {  	_ =	swait.ge @!p0 [sflag:s6], $0x100  }
0xe3: {  	[sflag:s6] =	ssyncset.done @!p0 $0x0  }
0xe4: {  	s14 =	simm.s32 @!p0 $0x400;
	[sflag:s6] =	ssyncadd.s32 @!p0 $0xFFFFFF00;
	s6 =	simm.s32 @!p0 $0x80  }
0xe5: {  	[tilespmem:s14], [sflag:$0x1] =	stream.indirect.gather @!p0 [hbm4b:s5+s6], $0x80, s13, s6, $0xb8;
	[tilespmem:$0x1C400] =	vst v63  }
0xe6: {  	_ =	swait.ge [sflag:s7], $0x4000  }
0xe7: {  	[sflag:s7] =	ssyncset.done $0x0  }
0xe8: {  	s17 =	rddreg [dreg:$0x7];
	[sflag:s7] =	ssyncadd.s32 $0xFFFFC000  }
0xe9: {  	[spmem:s3] =	stream.indirect.scatter.add.f32 [tilespmem:s30], [sflag:$0x4], $0x80, s17, s26, $0xb8;
	[tilespmem:$0x1C400] =	vst v63  }
0xea: {  	_ =	swait.ge [sflag:s8], $0x4000  }
0xeb: {  	[sflag:s8] =	ssyncset.done $0x0  }
0xec: {  	s18 =	stileid.u32;
	[sflag:s8] =	ssyncadd.s32 $0xFFFFC000  }
0xed: {  	s6 =	sshll.u32 s18, $0x6;
	[bflag:$0x0] =	sbarrier.arrive $0xFFFF  }
0xee: {  	s19 =	sshrl.u32 s16, $0x3;
	s6 =	sor.u32 $0x1C09, s6;
	s20 =	rddreg [dreg:$0xf]  }
0xef: {  	[hbm:s20], [sflag:s6] =	dma.local [spmem:s19], $0x2800  }
0xf0: {  	_ =	swait.ge [sflag:s22], $0x2800  }
0xf1: {  	s10 =	sadd.s32 $0x1, s10;
	s25 =	rddreg [dreg:$0x10]  }
0xf2: {  	p0 =	sne.s32 s10, s25  }
.Ltmp4:
0xf3: {  	_ = 	snop;
	(pc) =	sbr.rel @p0 .LBB2_1-.Ltmp4, $4  }
.Ltmp5:
0xf4: {  	_ = 	snop;
	(pc) =	sbr.rel @!p0 .LBB2_10-.Ltmp5, $4  }
0xf5: {  	_ = 	snop  }
0xf6: {  	[sflag:s22] =	ssyncset.done $0x0  }
0xf7: {  	[sflag:s22] =	ssyncadd.s32 $0xFFFFD800  }
0xf8: {  	_ = 	snop  }
.LBB2_4:
.Ltmp6:
0xf9: {  	(pc) =	sbr.rel .LBB2_9-.Ltmp6, $4  }
0xfa: {  	_ = 	snop  }
0xfb: {  	s19 =	rddreg [dreg:$0x13]  }
0xfc: {  	s18 =	rddreg [dreg:$0x12]  }
0xfd: {  	s20 =	smov.u32 s12;
	s17 =	rddreg [dreg:$0x11]  }
.LBB2_6:
.Ltmp7:
0xfe: {  	(pc) =	sbr.rel .LBB2_9-.Ltmp7, $2  }
0xff: {  	_ =	sdelay $0x2  }
0x100: {  	s6 =	simm.s32 $0x1  }
.LBB2_10:
0x101: {  	_ =	sfence.sel $0x180000  }
0x102: {  	[bflag:$0x0] =	sbarrier.arrive $0xFFFF  }
0x103: {  	_ =	strace $0x9000004D  }
0x104: {  	s0 =	stileid.u32;
	[bflag:$0x2] =	sbarrier.arrive $0xFFFF  }
0x105: {  	p0 =	sne.s32 s0, $0x0;
	s0 =	rddreg [dreg:$0x3]  }
0x106: {  	s0 =	sadd.s32 @!p0 $0x100000, s0  }
0x107: {  	[sflag:s0] =	ssyncadd.tile.s32 @!p0 $0x1;
	_ =	shalt  }
.Lfunc_end2:
_tile_overlayer_lowered:
.L_overlay_start_2:
0x108: {  	(tag) =	ssettag $0x2  }
0x109: {  	s0 =	rddreg [dreg:$0x0];
	s2 =	stileid.u32  }
0x10a: {  	s1 =	rddreg [dreg:$0x1];
	p0 =	sne.s32 s2, $0x0  }
0x10b: {  	s3 =	rddreg [dreg:$0x2];
	[bflag:$0x3] =	sbarrier.arrive $0xFFFF;
	s2 =	simm.s32 @!p0 $0x1C09  }
0x10c: {  	[timem:s3], [sflag:s2] =	dma.local @!p0 [hbm:s0], s1  }
0x10d: {  	s0 =	simm.s32 @!p0 $0x9  }
0x10e: {  	_ =	swait.ge @!p0 [sflag:s0], s1  }
0x10f: {  	s1 =	ssub.s32 @!p0 $0x0, s1;
	[sflag:s0] =	ssyncset.done @!p0 $0x0  }
0x110: {  	[sflag:s0] =	ssyncadd.s32 @!p0 s1  }
0x111: {  	[bflag:$0x3] =	sbarrier.arrive $0xFFFF  }
0x112: {  	_ =	shalt  }

// kernel: kernel.8.cloned.1.call-start
scs
__scs_entry_jumppad:
0x0: {  	(pc) =	sbr.rel $0x88, $3  }
0x1: {  	(tag) =	ssettag $0x0;
	lr =	simm.s32 $0x1  }
0x2: {  	[smem:$0x3F99] =	sst lr;
	_ =	strace $0xD0000000  }
0x3: {  	_ = 	snop  }
0x4: {  	_ = 	snop  }
0x5: {  	_ = 	snop  }
0x6: {  	_ = 	snop  }
0x7: {  	_ = 	snop  }
__scs_overlays_trampoline_lowered:
0x8: {  	[smem:$0x3FA8] =	sst s0  }
0x9: {  	[smem:$0x3FA9] =	sst s1  }
0xa: {  	[smem:$0x3FAA] =	sst s2  }
0xb: {  	[smem:$0x3FAB] =	sst s3  }
0xc: {  	[smem:$0x3FAC] =	sst s4  }
0xd: {  	[smem:$0x3FAD] =	sst s5  }
0xe: {  	[smem:$0x3FAE] =	sst s6  }
0xf: {  	[smem:$0x3FAF] =	sst s7  }
0x10: {  	[smem:$0x3FB0] =	sst s8  }
0x11: {  	[smem:$0x3FB1] =	sst s9;
	s0 =	simm.s32 @!p0 $0x0  }
0x12: {  	s1 =	sld [smem:$0x3F97];
	s0 =	simm.s32 @p0 $0x1  }
0x13: {  	[smem:$0x3FB2] =	sst s0;
	s0 =	simm.s32 @!p1 $0x0  }
0x14: {  	s2 =	sld [smem:$0x3F96];
	s0 =	simm.s32 @p1 $0x1  }
0x15: {  	[smem:$0x3FB3] =	sst s0;
	s0 =	simm.s32 @!p2 $0x0  }
0x16: {  	s3 =	sld [smem:$0x3FDB];
	s0 =	simm.s32 @p2 $0x1  }
0x17: {  	s4 =	simm.s32 $0x1BF5;
	[smem:$0x3FB5] =	sst s0  }
0x18: {  	s0 =	sld [smem:$0x3F98];
	_ =	swait.ge [sflag:s4], $0x0  }
0x19: {  	s7 =	sld [smem:$0x3F99]  }
0x1a: {  	s8 =	sadd.s32 $0xFFFFE003, lr  }
0x1b: {  	s9 =	sadd.s32 $0xFFFFFEF7, lr;
	s5 =	simm.s32 $0xFFFFFFFF;
	p2 =	slt.u32 s8, $0xFFFFF086  }
0x1c: {  	p1 =	slt.u32 s9, $0xF7A;
	s5 =	simm.s32 @!p2 $0x0  }
0x1d: {  	s5 =	simm.s32 @p1 $0x1;
	p0 =	seq.s32 s7, s2  }
0x1e: {  	s7 =	smul.u32 @!p0 $0xF7A, s2;
	p2 =	seq.s32 @!p0 s5, $0x0  }
0x1f: {  	s9 =	smul.u32 $0xF7A, s1;
	s8 =	simm.s32 @!p0 $0x1BF5;
	p2 =	por !p2, p0  }
0x20: {  	[sflag:s8] =	ssyncset.s32 @!p0 $0xFFFFF086;
	s6 =	sadd.s32 @!p0 s3, s7;
	s7 =	simm.s32 @!p0 $0x108  }
0x21: {  	s3 =	sadd.s32 s3, s9;
	s6 =	sadd.s32 @!p0 $0x88, s6;
	s7 =	simm.s32 @p2 $0x1082  }
0x22: {  	[simem:s7], [sflag:s8] =	dma.local @!p0 [hbm:s6], $0xF7A  }
0x23: {  	s9 =	sor.u32 $0xD0000000, s2;
	s6 =	simm.s32 $0x108;
	_ =	swait.ge @!p0 [sflag:s8], $0x0  }
0x24: {  	s3 =	sadd.s32 $0x88, s3;
	s6 =	simm.s32 @!p1 $0x1082;
	[sflag:s4] =	ssyncset.s32 $0xFFFFF086  }
0x25: {  	[simem:s6], [sflag:s4] =	dma.local [hbm:s3], $0xF7A  }
0x26: {  	[smem:$0x3F99] =	sst s1;
	(tag) =	ssettag s2;
	_ =	strace s9  }
0x27: {  	s1 =	sld [smem:$0x3FA9]  }
0x28: {  	s2 =	sld [smem:$0x3FAA]  }
0x29: {  	s4 =	sld [smem:$0x3FAC]  }
0x2a: {  	p0 =	seq.s32 s5, $0x0;
	s5 =	sld [smem:$0x3FAD]  }
0x2b: {  	s6 =	sld [smem:$0x3FAE]  }
0x2c: {  	s7 =	sld [smem:$0x3FAF]  }
0x2d: {  	s3 =	simm.s32 $0x108;
	s8 =	sld [smem:$0x3FB0]  }
0x2e: {  	s3 =	simm.s32 @!p0 $0x1082;
	s9 =	sld [smem:$0x3FB1]  }
0x2f: {  	lr =	sadd.s32 s0, s3;
	s0 =	sld [smem:$0x3FA8]  }
0x30: {  	s3 =	sld [smem:$0x3FAB]  }
0x31: {  	[smem:$0x3FB4] =	sst s10  }
0x32: {  	s10 =	sld [smem:$0x3FB2];
	_ =	sdelay $0x3  }
0x33: {  	p0 =	seq.s32 s10, $0x1;
	s10 =	sld [smem:$0x3FB4];
	_ =	sdelay $0x3  }
0x34: {  	[smem:$0x3FB4] =	sst s10  }
0x35: {  	s10 =	sld [smem:$0x3FB3];
	_ =	sdelay $0x3  }
0x36: {  	p1 =	seq.s32 s10, $0x1;
	s10 =	sld [smem:$0x3FB4];
	_ =	sdelay $0x3  }
0x37: {  	[smem:$0x3FB4] =	sst s10  }
0x38: {  	s10 =	sld [smem:$0x3FB5]  }
0x39: {  	_ = 	snop;
	(pc) =	sbr.ind lr, $3  }
0x3a: {  	_ = 	snop  }
0x3b: {  	_ = 	snop  }
0x3c: {  	p2 =	seq.s32 s10, $0x1;
	s10 =	sld [smem:$0x3FB4]  }
0x3d: {  	_ =	shalt  }
0x3e: {  	_ =	shalt  }
0x3f: {  	_ =	shalt  }
0x40: {  	_ =	shalt  }
0x41: {  	_ =	shalt  }
0x42: {  	_ =	shalt  }
0x43: {  	_ =	shalt  }
0x44: {  	_ =	shalt  }
0x45: {  	_ =	shalt  }
0x46: {  	_ =	shalt  }
0x47: {  	_ =	shalt  }
0x48: {  	_ =	shalt  }
0x49: {  	_ =	shalt  }
0x4a: {  	_ =	shalt  }
0x4b: {  	_ =	shalt  }
0x4c: {  	_ =	shalt  }
0x4d: {  	_ =	shalt  }
0x4e: {  	_ =	shalt  }
0x4f: {  	_ =	shalt  }
0x50: {  	_ =	shalt  }
0x51: {  	_ =	shalt  }
0x52: {  	_ =	shalt  }
0x53: {  	_ =	shalt  }
0x54: {  	_ =	shalt  }
0x55: {  	_ =	shalt  }
0x56: {  	_ =	shalt  }
0x57: {  	_ =	shalt  }
0x58: {  	_ =	shalt  }
0x59: {  	_ =	shalt  }
0x5a: {  	_ =	shalt  }
0x5b: {  	_ =	shalt  }
0x5c: {  	_ =	shalt  }
0x5d: {  	_ =	shalt  }
0x5e: {  	_ =	shalt  }
0x5f: {  	_ =	shalt  }
0x60: {  	_ =	shalt  }
0x61: {  	_ =	shalt  }
0x62: {  	_ =	shalt  }
0x63: {  	_ =	shalt  }
0x64: {  	_ =	shalt  }
0x65: {  	_ =	shalt  }
0x66: {  	_ =	shalt  }
0x67: {  	_ =	shalt  }
0x68: {  	_ =	shalt  }
0x69: {  	_ =	shalt  }
0x6a: {  	_ =	shalt  }
0x6b: {  	_ =	shalt  }
0x6c: {  	_ =	shalt  }
0x6d: {  	_ =	shalt  }
0x6e: {  	_ =	shalt  }
0x6f: {  	_ =	shalt  }
0x70: {  	_ =	shalt  }
0x71: {  	_ =	shalt  }
0x72: {  	_ =	shalt  }
0x73: {  	_ =	shalt  }
0x74: {  	_ =	shalt  }
0x75: {  	_ =	shalt  }
0x76: {  	_ =	shalt  }
0x77: {  	_ =	shalt  }
0x78: {  	_ =	shalt  }
0x79: {  	_ =	shalt  }
0x7a: {  	_ =	shalt  }
0x7b: {  	_ =	shalt  }
0x7c: {  	_ =	shalt  }
0x7d: {  	_ =	shalt  }
0x7e: {  	_ =	shalt  }
0x7f: {  	_ =	shalt  }
0x80: {  	_ =	shalt  }
0x81: {  	_ =	shalt  }
0x82: {  	_ =	shalt  }
0x83: {  	_ =	shalt  }
0x84: {  	_ =	shalt  }
0x85: {  	_ =	shalt  }
0x86: {  	_ =	shalt  }
0x87: {  	_ =	shalt  }
.Lfunc_end0:
.L_simem_size_0:
called_computation_lowered:
.L_overlay_start_0:
0x88: {  	s2 =	sld [smem:$0x3FD9]  }
0x89: {  	s3 =	sld [smem:$0x3FFE];
	_ =	sdelay $0x1  }
0x8a: {  	s1 =	srdreg.scid  }
0x8b: {  	s0 =	sand.u32 $0x1, s1  }
0x8c: {  	s17 =	sshll.u32 s0, $0xA;
	s2 =	sadd.s32 s3, s2  }
0x8d: {  	s2 =	sadd.s32 s2, s17  }
0x8e: {  	[smem:$0x3FC0] =	sst s2  }
0x8f: {  	_ = 	snop  }
0x90: {  	s2 =	sld [smem:$0x3FC7];
	(tm) =	ssettm $0x1  }
0x91: {  	s18 =	sld [smem:$0x3FFB];
	_ =	sdelay $0x3  }
0x92: {  	_ =	strace s18  }
0x93: {  	s3 =	sld [smem:$0x3FFC];
	_ =	sdelay $0x3  }
0x94: {  	_ =	strace s3  }
0x95: {  	s3 =	sld [smem:$0x3FFD];
	_ =	sdelay $0x3  }
0x96: {  	_ =	strace s3  }
0x97: {  	_ =	strace $0x8FFFFFFF  }
0x98: {  	s19 =	sld [smem:$0x3FDB];
	_ =	sdelay $0x1  }
0x99: {  	s4 =	simm.s32 $_scs_section_size  }
0x9a: {  	s5 =	simm.s32 $_size__tile_overlayer_lowered;
	s6 =	simm.s32 $_tile_overlayer_lowered  }
0x9b: {  	s22 =	simm.s32 $0x1BFF;
	s21 =	sshll.u32 s6, $0x1;
	s3 =	sadd.s32 s4, s19  }
0x9c: {  	s7 =	simm.s32 $0x0;
	s20 =	sshll.u32 s5, $0x1;
	s5 =	sadd.s32 s21, s3  }
0x9d: {  	[timem:s7], [sflag:s22] =	dma.local [hbm:s5], s20  }
0x9e: {  	_ =	swait.ge [sflag:s22], s20  }
0x9f: {  	s4 =	ssub.s32 $0x0, s20;
	[sflag:s22] =	ssyncset.done $0x0  }
0xa0: {  	[sflag:s22] =	ssyncadd.s32 s4;
	_ =	sdelay $0x1  }
0xa1: {  	s23 =	simm.s32 $0x1B8B  }
0xa2: {  	_ =	swait.ge [sflag:s23], $0x1  }
0xa3: {  	[sflag:s23] =	ssyncset.done $0x0  }
0xa4: {  	s25 =	simm.s32 $0x1B8E;
	s24 =	sld [smem:$0x3FFE];
	[sflag:s23] =	ssyncadd.s32 $0xFFFFFFFF  }
0xa5: {  	s26 =	simm.s32 $execute0_lowered;
	[smem:$0x3FD2] =	sst s25  }
0xa6: {  	s5 =	sshll.u32 s26, $0x1;
	_ =	strace $0x80000046;
	[dreg:$0x1] =	wrdreg $0xFFFFFFFF  }
0xa7: {  	s28 =	simm.s32 $_size_execute0_lowered;
	s3 =	sadd.s32 s3, s5;
	[dreg:$0x0] =	wrdreg $0x0  }
0xa8: {  	s5 =	sshll.u32 s28, $0x1;
	[dreg:$0x2] =	wrdreg s3  }
0xa9: {  	[dreg:$0x3] =	wrdreg s5  }
0xaa: {  	[dreg:$0x4] =	wrdreg $0xC0  }
0xab: {  	_ =	task [dreg:s7], $0x5FFFF  }
0xac: {  	[dreg:$0x1] =	wrdreg $0xFFFFFFFF  }
0xad: {  	[dreg:$0x0] =	wrdreg $0x60  }
0xae: {  	[dreg:$0x2] =	wrdreg s2  }
0xaf: {  	[dreg:$0x3] =	wrdreg s24  }
0xb0: {  	[dreg:$0x4] =	wrdreg $0x9  }
0xb1: {  	_ =	task.clear_ibuf [dreg:s7], $0x5FFFF;
	_ =	strace $0x90000046  }
0xb2: {  	s29 =	simm.s32 $0x9;
	_ =	strace $0x80000048  }
0xb3: {  	_ =	swait.ge [sflag:s29], $0x1  }
0xb4: {  	[sflag:s29] =	ssyncadd.s32 $0xFFFFFFFF  }
0xb5: {  	_ =	strace $0x90000048  }
0xb6: {  	_ =	sfence  }
0xb7: {  	s30 =	sld [smem:$0x0];
	_ =	sdelay $0x2  }
0xb8: {  	s31 =	sshll.u32 s1, $0xD;
	s1 =	sshrl.u32 s1, $0x2  }
0xb9: {  	s3 =	sand.u32 $0x4000, s31;
	s1 =	sadd.s32 s1, s30  }
0xba: {  	s0 =	sor.u32 s3, s0;
	s1 =	sshll.u32 s1, $0x11  }
0xbb: {  	s0 =	sor.u32 s1, s0  }
0xbc: {  	s0 =	sadd.s32 $0x8F2B, s0  }
0xbd: {  	[sflag:s0] =	ssyncadd.remote.s32 $0x1  }
0xbe: {  	_ =	sfence.sel $0xFFFF  }
0xbf: {  	[dreg:$0x0] =	wrdreg $0xFFFFFFFF;
	(pc) =	sbr.abs _section_cstart, $3  }
0xc0: {  	[dreg:$0x1] =	wrdreg $0xFFFFFFFF  }
0xc1: {  	_ =	task.clear_ibuf [dreg:s7], $0x2FFFF;
	_ =	strace $0x9FFFFFFF  }
0xc2: {  	(tm) =	ssettm $0x7FFFFFFF  }
0xc3: {  	_ =	shalt  }
tec
execute0_lowered:
.L_overlay_start_1:
0x0: {  	(tag) =	ssettag $0x1  }
0x1: {  	s1 =	srdreg.scid;
	s0 =	stileid.u32  }
0x2: {  	s2 =	rddreg [dreg:$0x0];
	s17 =	sand.u32 $0x1, s1;
	s25 =	sshll.u32 s0, $0x1  }
0x3: {  	s9 =	rddreg [dreg:$0x1];
	s10 =	sor.u32 s17, s25  }
0x4: {  	s3 =	simm.s32 $0x0;
	s1 =	rddreg [dreg:$0x2];
	s4 =	smul.u32 $0x50, s10  }
0x5: {  	[smem:$0x7FF] =	sst s3;
	s16 =	sadd.s32 $0x2400, s9  }
0x6: {  	_ =	strace $0x80000047;
	s5 =	sadd.s32 s16, s4;
	s4 =	simm.s32 $0x2  }
0x7: {  	[tilespmem:s3], [sflag:$0x2] =	stream.linear.gather [hbm4b:s5+s3], $0x80, $0x38;
	[tilespmem:$0x2080] =	vst v63  }
0x8: {  	_ =	swait.ge [sflag:s4], $0x80  }
0x9: {  	s6 =	simm.s32 $0x40;
	[sflag:s4] =	ssyncset.done $0x0  }
0xa: {  	s7 =	simm.s32 $0x80;
	s8 =	simm.s32 $0x1;
	[sflag:s4] =	ssyncadd.s32 $0xFFFFFF80  }
0xb: {  	[tilespmem:s7], [sflag:$0x1] =	stream.indirect.gather [hbm4b:s2+s6], $0x80, s3, s6, $0xb8;
	[tilespmem:$0x2080] =	vst v63  }
0xc: {  	s11 =	smul.u32 $0x1400, s10;
	_ =	swait.ge [sflag:s8], $0x2000  }
0xd: {  	s18 =	sadd.s32 $0x2E00, s9;
	[sflag:s8] =	ssyncset.done $0x0  }
0xe: {  	s19 =	smul.u32 $0x5, s10;
	s9 =	sadd.s32 s18, s11;
	[sflag:s8] =	ssyncadd.s32 $0xFFFFE000  }
0xf: {  	[hbm4b:s9+s3] =	stream.linear.scatter [tilespmem:s7], [sflag:$0x2], $0x2000, $0x38;
	[tilespmem:$0x2080] =	vst v63  }
0x10: {  	s26 =	sadd.s32 $0x1, s19;
	_ =	swait.ge [sflag:s4], $0x2000  }
0x11: {  	s28 =	sshll.u32 s26, $0x4;
	[sflag:s4] =	ssyncset.done $0x0  }
0x12: {  	s10 =	sadd.s32 s16, s28;
	[sflag:s4] =	ssyncadd.s32 $0xFFFFE000  }
0x13: {  	[tilespmem:s3], [sflag:$0x2] =	stream.linear.gather [hbm4b:s10+s3], $0x80, $0x38;
	[tilespmem:$0x2080] =	vst v63  }
0x14: {  	_ =	swait.ge [sflag:s4], $0x80  }
0x15: {  	[sflag:s4] =	ssyncset.done $0x0  }
0x16: {  	[sflag:s4] =	ssyncadd.s32 $0xFFFFFF80  }
0x17: {  	[tilespmem:s7], [sflag:$0x1] =	stream.indirect.gather [hbm4b:s2+s6], $0x80, s3, s6, $0xb8;
	[tilespmem:$0x2080] =	vst v63  }
0x18: {  	_ =	swait.ge [sflag:s8], $0x2000  }
0x19: {  	s11 =	sshll.u32 s26, $0xA;
	[sflag:s8] =	ssyncset.done $0x0  }
0x1a: {  	s11 =	sadd.s32 s18, s11;
	[sflag:s8] =	ssyncadd.s32 $0xFFFFE000  }
0x1b: {  	[hbm4b:s11+s3] =	stream.linear.scatter [tilespmem:s7], [sflag:$0x2], $0x2000, $0x38;
	[tilespmem:$0x2080] =	vst v63  }
0x1c: {  	s13 =	sadd.s32 $0x2, s19;
	_ =	swait.ge [sflag:s4], $0x2000  }
0x1d: {  	s12 =	sshll.u32 s13, $0x4;
	[sflag:s4] =	ssyncset.done $0x0  }
0x1e: {  	s12 =	sadd.s32 s16, s12;
	[sflag:s4] =	ssyncadd.s32 $0xFFFFE000  }
0x1f: {  	[tilespmem:s3], [sflag:$0x2] =	stream.linear.gather [hbm4b:s12+s3], $0x80, $0x38;
	[tilespmem:$0x2080] =	vst v63  }
0x20: {  	_ =	swait.ge [sflag:s4], $0x80  }
0x21: {  	[sflag:s4] =	ssyncset.done $0x0  }
0x22: {  	[sflag:s4] =	ssyncadd.s32 $0xFFFFFF80  }
0x23: {  	[tilespmem:s7], [sflag:$0x1] =	stream.indirect.gather [hbm4b:s2+s6], $0x80, s3, s6, $0xb8;
	[tilespmem:$0x2080] =	vst v63  }
0x24: {  	_ =	swait.ge [sflag:s8], $0x2000  }
0x25: {  	s13 =	sshll.u32 s13, $0xA;
	[sflag:s8] =	ssyncset.done $0x0  }
0x26: {  	s13 =	sadd.s32 s18, s13;
	[sflag:s8] =	ssyncadd.s32 $0xFFFFE000  }
0x27: {  	[hbm4b:s13+s3] =	stream.linear.scatter [tilespmem:s7], [sflag:$0x2], $0x2000, $0x38;
	[tilespmem:$0x2080] =	vst v63  }
0x28: {  	s15 =	sadd.s32 $0x3, s19;
	_ =	swait.ge [sflag:s4], $0x2000  }
0x29: {  	s14 =	sshll.u32 s15, $0x4;
	[sflag:s4] =	ssyncset.done $0x0  }
0x2a: {  	s14 =	sadd.s32 s16, s14;
	[sflag:s4] =	ssyncadd.s32 $0xFFFFE000  }
0x2b: {  	[tilespmem:s3], [sflag:$0x2] =	stream.linear.gather [hbm4b:s14+s3], $0x80, $0x38;
	[tilespmem:$0x2080] =	vst v63  }
0x2c: {  	_ =	swait.ge [sflag:s4], $0x80  }
0x2d: {  	[sflag:s4] =	ssyncset.done $0x0  }
0x2e: {  	[sflag:s4] =	ssyncadd.s32 $0xFFFFFF80  }
0x2f: {  	[tilespmem:s7], [sflag:$0x1] =	stream.indirect.gather [hbm4b:s2+s6], $0x80, s3, s6, $0xb8;
	[tilespmem:$0x2080] =	vst v63  }
0x30: {  	_ =	swait.ge [sflag:s8], $0x2000  }
0x31: {  	s15 =	sshll.u32 s15, $0xA;
	[sflag:s8] =	ssyncset.done $0x0  }
0x32: {  	s15 =	sadd.s32 s18, s15;
	[sflag:s8] =	ssyncadd.s32 $0xFFFFE000  }
0x33: {  	[hbm4b:s15+s3] =	stream.linear.scatter [tilespmem:s7], [sflag:$0x2], $0x2000, $0x38;
	[tilespmem:$0x2080] =	vst v63  }
0x34: {  	s19 =	sadd.s32 $0x4, s19;
	_ =	swait.ge [sflag:s4], $0x2000  }
0x35: {  	s20 =	sshll.u32 s19, $0x4;
	[sflag:s4] =	ssyncset.done $0x0  }
0x36: {  	s17 =	ssub.s32 $0x2, s17;
	s16 =	sadd.s32 s16, s20;
	[sflag:s4] =	ssyncadd.s32 $0xFFFFE000  }
0x37: {  	[tilespmem:s3], [sflag:$0x2] =	stream.linear.gather [hbm4b:s16+s3], $0x80, $0x38;
	[tilespmem:$0x2080] =	vst v63  }
0x38: {  	s29 =	sshrl.u32 s17, $0x1;
	_ =	swait.ge [sflag:s4], $0x80  }
0x39: {  	s20 =	ssub.s32 s17, s29;
	[sflag:s4] =	ssyncset.done $0x0  }
0x3a: {  	s31 =	smax.u32 s20, $0x1;
	[sflag:s4] =	ssyncadd.s32 $0xFFFFFF80  }
0x3b: {  	[tilespmem:s7], [sflag:$0x1] =	stream.indirect.gather [hbm4b:s2+s6], $0x80, s3, s6, $0xb8;
	[tilespmem:$0x2080] =	vst v63  }
0x3c: {  	p0 =	sne.s32 s31, $0x1;
	_ =	swait.ge [sflag:s8], $0x2000  }
.Ltmp0:
0x3d: {  	s30 =	sshll.u32 s19, $0xA;
	[sflag:s8] =	ssyncset.done $0x0;
	(pc) =	sbr.rel @!p0 .LBB2_2-.Ltmp0, $4  }
0x3e: {  	s17 =	sadd.s32 s18, s30;
	[sflag:s8] =	ssyncadd.s32 $0xFFFFE000  }
0x3f: {  	[hbm4b:s17+s3] =	stream.linear.scatter [tilespmem:s7], [sflag:$0x2], $0x2000, $0x38;
	[tilespmem:$0x2080] =	vst v63  }
0x40: {  	_ =	swait.ge [sflag:s4], $0x2000  }
0x41: {  	s18 =	sadd.s32 $0xFFFFFFFF, s31;
	[sflag:s4] =	ssyncset.done $0x0  }
.LBB2_1:
0x42: {  	p0 =	sne.s32 s18, $0x1;
	s18 =	sadd.s32 $0xFFFFFFFF, s18;
	[sflag:s4] =	ssyncadd.s32 $0xFFFFE000  }
0x43: {  	[tilespmem:s3], [sflag:$0x2] =	stream.linear.gather [hbm4b:s5+s3], $0x80, $0x38;
	[tilespmem:$0x2080] =	vst v63  }
0x44: {  	_ =	swait.ge [sflag:s4], $0x80  }
0x45: {  	[sflag:s4] =	ssyncset.done $0x0  }
0x46: {  	[sflag:s4] =	ssyncadd.s32 $0xFFFFFF80  }
0x47: {  	[tilespmem:s7], [sflag:$0x1] =	stream.indirect.gather [hbm4b:s2+s6], $0x80, s3, s6, $0xb8;
	[tilespmem:$0x2080] =	vst v63  }
0x48: {  	_ =	swait.ge [sflag:s8], $0x2000  }
0x49: {  	[sflag:s8] =	ssyncset.done $0x0  }
0x4a: {  	[sflag:s8] =	ssyncadd.s32 $0xFFFFE000  }
0x4b: {  	[hbm4b:s9+s3] =	stream.linear.scatter [tilespmem:s7], [sflag:$0x2], $0x2000, $0x38;
	[tilespmem:$0x2080] =	vst v63  }
0x4c: {  	_ =	swait.ge [sflag:s4], $0x2000  }
0x4d: {  	[sflag:s4] =	ssyncset.done $0x0  }
0x4e: {  	[sflag:s4] =	ssyncadd.s32 $0xFFFFE000  }
0x4f: {  	[tilespmem:s3], [sflag:$0x2] =	stream.linear.gather [hbm4b:s10+s3], $0x80, $0x38;
	[tilespmem:$0x2080] =	vst v63  }
0x50: {  	_ =	swait.ge [sflag:s4], $0x80  }
0x51: {  	[sflag:s4] =	ssyncset.done $0x0  }
0x52: {  	[sflag:s4] =	ssyncadd.s32 $0xFFFFFF80  }
0x53: {  	[tilespmem:s7], [sflag:$0x1] =	stream.indirect.gather [hbm4b:s2+s6], $0x80, s3, s6, $0xb8;
	[tilespmem:$0x2080] =	vst v63  }
0x54: {  	_ =	swait.ge [sflag:s8], $0x2000  }
0x55: {  	[sflag:s8] =	ssyncset.done $0x0  }
0x56: {  	[sflag:s8] =	ssyncadd.s32 $0xFFFFE000  }
0x57: {  	[hbm4b:s11+s3] =	stream.linear.scatter [tilespmem:s7], [sflag:$0x2], $0x2000, $0x38;
	[tilespmem:$0x2080] =	vst v63  }
0x58: {  	_ =	swait.ge [sflag:s4], $0x2000  }
0x59: {  	[sflag:s4] =	ssyncset.done $0x0  }
0x5a: {  	[sflag:s4] =	ssyncadd.s32 $0xFFFFE000  }
0x5b: {  	[tilespmem:s3], [sflag:$0x2] =	stream.linear.gather [hbm4b:s12+s3], $0x80, $0x38;
	[tilespmem:$0x2080] =	vst v63  }
0x5c: {  	_ =	swait.ge [sflag:s4], $0x80  }
0x5d: {  	[sflag:s4] =	ssyncset.done $0x0  }
0x5e: {  	[sflag:s4] =	ssyncadd.s32 $0xFFFFFF80  }
0x5f: {  	[tilespmem:s7], [sflag:$0x1] =	stream.indirect.gather [hbm4b:s2+s6], $0x80, s3, s6, $0xb8;
	[tilespmem:$0x2080] =	vst v63  }
0x60: {  	_ =	swait.ge [sflag:s8], $0x2000  }
0x61: {  	[sflag:s8] =	ssyncset.done $0x0  }
0x62: {  	[sflag:s8] =	ssyncadd.s32 $0xFFFFE000  }
0x63: {  	[hbm4b:s13+s3] =	stream.linear.scatter [tilespmem:s7], [sflag:$0x2], $0x2000, $0x38;
	[tilespmem:$0x2080] =	vst v63  }
0x64: {  	_ =	swait.ge [sflag:s4], $0x2000  }
0x65: {  	[sflag:s4] =	ssyncset.done $0x0  }
0x66: {  	[sflag:s4] =	ssyncadd.s32 $0xFFFFE000  }
0x67: {  	[tilespmem:s3], [sflag:$0x2] =	stream.linear.gather [hbm4b:s14+s3], $0x80, $0x38;
	[tilespmem:$0x2080] =	vst v63  }
0x68: {  	_ =	swait.ge [sflag:s4], $0x80  }
0x69: {  	[sflag:s4] =	ssyncset.done $0x0  }
0x6a: {  	[sflag:s4] =	ssyncadd.s32 $0xFFFFFF80  }
0x6b: {  	[tilespmem:s7], [sflag:$0x1] =	stream.indirect.gather [hbm4b:s2+s6], $0x80, s3, s6, $0xb8;
	[tilespmem:$0x2080] =	vst v63  }
0x6c: {  	_ =	swait.ge [sflag:s8], $0x2000  }
0x6d: {  	[sflag:s8] =	ssyncset.done $0x0  }
0x6e: {  	[sflag:s8] =	ssyncadd.s32 $0xFFFFE000  }
0x6f: {  	[hbm4b:s15+s3] =	stream.linear.scatter [tilespmem:s7], [sflag:$0x2], $0x2000, $0x38;
	[tilespmem:$0x2080] =	vst v63  }
0x70: {  	_ =	swait.ge [sflag:s4], $0x2000  }
0x71: {  	[sflag:s4] =	ssyncset.done $0x0  }
0x72: {  	[sflag:s4] =	ssyncadd.s32 $0xFFFFE000  }
0x73: {  	[tilespmem:s3], [sflag:$0x2] =	stream.linear.gather [hbm4b:s16+s3], $0x80, $0x38;
	[tilespmem:$0x2080] =	vst v63  }
0x74: {  	_ =	swait.ge [sflag:s4], $0x80  }
0x75: {  	[sflag:s4] =	ssyncset.done $0x0  }
0x76: {  	[sflag:s4] =	ssyncadd.s32 $0xFFFFFF80  }
0x77: {  	[tilespmem:s7], [sflag:$0x1] =	stream.indirect.gather [hbm4b:s2+s6], $0x80, s3, s6, $0xb8;
	[tilespmem:$0x2080] =	vst v63  }
0x78: {  	_ =	swait.ge [sflag:s8], $0x2000  }
.Ltmp1:
0x79: {  	[sflag:s8] =	ssyncset.done $0x0;
	(pc) =	sbr.rel @p0 .LBB2_1-.Ltmp1, $4  }
0x7a: {  	[sflag:s8] =	ssyncadd.s32 $0xFFFFE000  }
0x7b: {  	[hbm4b:s17+s3] =	stream.linear.scatter [tilespmem:s7], [sflag:$0x2], $0x2000, $0x38;
	[tilespmem:$0x2080] =	vst v63  }
0x7c: {  	_ =	swait.ge [sflag:s4], $0x2000  }
0x7d: {  	[sflag:s4] =	ssyncset.done $0x0  }
.LBB2_2:
0x7e: {  	[sflag:s4] =	ssyncadd.s32 $0xFFFFE000  }
0x7f: {  	_ =	sfence.sel $0x180000  }
0x80: {  	[bflag:$0x0] =	sbarrier.arrive $0xFFFF  }
0x81: {  	p0 =	sne.s32 s0, $0x0;
	_ =	strace $0x90000047  }
0x82: {  	s0 =	sadd.s32 @!p0 $0x100000, s1;
	[bflag:$0x2] =	sbarrier.arrive $0xFFFF  }
0x83: {  	[sflag:s0] =	ssyncadd.tile.s32 @!p0 $0x1;
	_ =	shalt  }
.Lfunc_end2:
_tile_overlayer_lowered:
.L_overlay_start_2:
0x84: {  	(tag) =	ssettag $0x2  }
0x85: {  	s0 =	rddreg [dreg:$0x0];
	s2 =	stileid.u32  }
0x86: {  	s1 =	rddreg [dreg:$0x1];
	p0 =	sne.s32 s2, $0x0  }
0x87: {  	s3 =	rddreg [dreg:$0x2];
	[bflag:$0x3] =	sbarrier.arrive $0xFFFF;
	s2 =	simm.s32 @!p0 $0x1C02  }
0x88: {  	[timem:s3], [sflag:s2] =	dma.local @!p0 [hbm:s0], s1  }
0x89: {  	s0 =	simm.s32 @!p0 $0x2  }
0x8a: {  	_ =	swait.ge @!p0 [sflag:s0], s1  }
0x8b: {  	s1 =	ssub.s32 @!p0 $0x0, s1;
	[sflag:s0] =	ssyncset.done @!p0 $0x0  }
0x8c: {  	[sflag:s0] =	ssyncadd.s32 @!p0 s1  }
0x8d: {  	[bflag:$0x3] =	sbarrier.arrive $0xFFFF  }
0x8e: {  	_ =	shalt  }

</sc_bundles>
